<compile_context>
chip_gen: v7x
topology: tpu7x:2x2x1
jax: 0.10.2.dev20260603
libtpu: 0.0.44.dev20260713+nightly
codegen_flags: <defaults>
</compile_context>

<pallas_src>
import jax
import jax.numpy as jnp
from jax import lax
from jax.experimental import pallas as pl
from jax.experimental.pallas import tpu as pltpu
from jax.experimental.pallas import tpu_sc as plsc

_B = 128
_L = 2048
_C = 32
_CB = 128
_NCB = _L // _CB
_NW = 32
_PPW = _B * _B // _NW
_NCHUNK = 4
_CPAIRS = _PPW // _NCHUNK
_TCB = 256
_NTC = _L // _TCB


def _prod_kernel(tcol_ref, trow_ref, lat_ref, y_ref, bins_ref):
    tom = jnp.abs(tcol_ref[...] - trow_ref[...]) + 1.0
    b = jnp.ceil(jnp.log2(tom) * 128.0)
    bins_ref[...] = jnp.clip(b, 0.0, float(_L)).astype(jnp.int32)

    k = jax.lax.broadcasted_iota(jnp.int32, (1, _L), 1).astype(jnp.float32)
    norm = jnp.exp2((k + 1.0) / 128.0) - jnp.exp2(k / 128.0)
    norm_last = jnp.exp2(jnp.float32(_L) / 128.0) - jnp.exp2(
        (jnp.float32(_L) - 1.0) / 128.0)
    y_ref[...] = lat_ref[...] * jnp.sqrt(norm_last / norm)


def _prod_call(latents, time_steps):
    t_f = time_steps.astype(jnp.float32)
    return pl.pallas_call(
        _prod_kernel,
        out_shape=(
            jax.ShapeDtypeStruct((_B, _L), jnp.float32),
            jax.ShapeDtypeStruct((_B, _B), jnp.int32),
        ),
    )(t_f.reshape(_B, 1), t_f.reshape(1, _B), latents)


def _coarse_kernel(y_ref, bins_ref, coarse_ref, sacc_ref):
    m = pl.program_id(0)

    @pl.when(m == 0)
    def _init():
        sacc_ref[...] = jnp.zeros((_B, _B), jnp.float32)

    yb = y_ref[...]
    ones_row = jnp.ones((1, _C), jnp.float32)
    parts = []
    for s in range(_TCB // _C):
        ys = yb[:, s * _C:(s + 1) * _C]
        ysb = ys.astype(jnp.bfloat16)
        g = lax.dot_general(ysb, ysb, (((1,), (1,)), ((), ())),
                            preferred_element_type=jnp.float32)
        ys2 = ys * ys
        n_col = lax.dot_general(ys2, ones_row, (((1,), (1,)), ((), ())),
                                preferred_element_type=jnp.float32)
        n_row = lax.dot_general(ones_row, ys2, (((1,), (1,)), ((), ())),
                                preferred_element_type=jnp.float32)
        d = n_col + n_row - 2.0 * g
        mask = bins_ref[...] < (m * _TCB + s * _C)
        parts.append(jnp.where(mask, d, 0.0))
    psum = parts[0]
    for pp in parts[1:]:
        psum = psum + pp
    sacc_ref[...] = sacc_ref[...] + psum

    @pl.when(m == _NTC - 1)
    def _fin():
        coarse_ref[0, 0] = jnp.sum(sacc_ref[...])


def _coarse_call(y, bins):
    return pl.pallas_call(
        _coarse_kernel,
        grid=(_NTC,),
        in_specs=[
            pl.BlockSpec((_B, _TCB), lambda m: (0, m)),
            pl.BlockSpec((_B, _B), lambda m: (0, 0)),
        ],
        out_specs=pl.BlockSpec(memory_space=pltpu.SMEM),
        out_shape=jax.ShapeDtypeStruct((1, 1), jnp.float32),
        scratch_shapes=[pltpu.VMEM((_B, _B), jnp.float32)],
    )(y, bins)


def _sc_body(ytab_hbm, bins_hbm, out_hbm,
             bins_v, idx2_v, yrow_v, buf_b0, buf_b1,
             acc_v, acc4_v, sb0, sb1):
    cid = lax.axis_index("c")
    sid = lax.axis_index("s")
    wid = cid * 16 + sid
    base = wid * _PPW
    pltpu.sync_copy(bins_hbm.at[pl.ds(base, _PPW)], bins_v)
    pltpu.sync_copy(ytab_hbm.at[pl.ds(wid * 64, 64)], yrow_v)

    lane = lax.iota(jnp.int32, 16)
    jmask = jnp.int32(_B - 1)

    def idx_step(g, carry):
        sl = pl.ds(g * 16, 16)
        p16 = g * 16 + lane
        b16 = bins_v[sl]
        mcb16 = lax.shift_right_logical(b16, 7)
        j16 = p16 & jmask
        idx2_v[sl] = j16 * _NCB + mcb16
        return carry

    lax.fori_loop(0, _PPW // 16, idx_step, 0)

    bufs = ((buf_b0, sb0), (buf_b1, sb1))

    def fire(c):
        bb, sb = bufs[c % 2]
        csl = pl.ds(c * _CPAIRS, _CPAIRS)
        return pltpu.async_copy(ytab_hbm.at[idx2_v.at[csl]], bb, sb)

    def process(c):
        bb, _ = bufs[c % 2]

        def group_step(g, carry):
            gp = c * (_CPAIRS // 16) + g
            i_here = wid * 4 + lax.shift_right_logical(gp, 3)
            j0 = (gp & 7) * 16

            @pl.when(j0 + 15 > i_here)
            def _do_group():
                a0 = acc4_v[0, :]
                a1 = acc4_v[1, :]
                a2 = acc4_v[2, :]
                a3 = acc4_v[3, :]
                sl = pl.ds(c * _CPAIRS + g * 16, 16)
                b16 = bins_v[sl]
                irow = lax.shift_right_logical(c * _CPAIRS + g * 16, 7) * 16
                for u in range(16):
                    p = g * 16 + u
                    b = b16[u]
                    mcb = lax.shift_right_logical(b, 7)
                    q = (lax.shift_right_logical(b, 5) & 3) * _C
                    r = jnp.where(j0 + u > i_here, b & (_C - 1), 64)
                    yi0 = yrow_v[irow + mcb, pl.ds(q, 16)]
                    yj0 = bb[p, pl.ds(q, 16)]
                    yi1 = yrow_v[irow + mcb, pl.ds(q + 16, 16)]
                    yj1 = bb[p, pl.ds(q + 16, 16)]
                    d0 = yi0 - yj0
                    d1 = yi1 - yj1
                    v0 = jnp.where(lane >= r, d0 * d0, 0.0)
                    v1 = jnp.where(lane + 16 >= r, d1 * d1, 0.0)
                    if u % 2 == 0:
                        a0 = a0 + v0
                        a1 = a1 + v1
                    else:
                        a2 = a2 + v0
                        a3 = a3 + v1
                acc4_v[0, :] = a0
                acc4_v[1, :] = a1
                acc4_v[2, :] = a2
                acc4_v[3, :] = a3

            return carry

        lax.fori_loop(0, _CPAIRS // 16, group_step, 0)

    zero = jnp.zeros((16,), jnp.float32)
    for z in range(4):
        acc4_v[z, :] = zero
    pend = [fire(0), fire(1)]
    for c in range(_NCHUNK):
        pend[c % 2].wait()
        process(c)
        if c + 2 < _NCHUNK:
            pend[c % 2] = fire(c + 2)

    acc_v[...] = (acc4_v[0, :] + acc4_v[1, :]
                  + acc4_v[2, :] + acc4_v[3, :])
    pltpu.sync_copy(acc_v, out_hbm.at[wid])


def _sc_call(ytable, bins_flat):
    mesh = plsc.VectorSubcoreMesh(core_axis_name="c", subcore_axis_name="s")
    f = pl.kernel(
        _sc_body,
        mesh=mesh,
        out_type=jax.ShapeDtypeStruct((_NW, 16), jnp.float32),
        scratch_types=[
            pltpu.VMEM((_PPW,), jnp.int32),
            pltpu.VMEM((_PPW,), jnp.int32),
            pltpu.VMEM((64, _CB), jnp.float32),
            pltpu.VMEM((_CPAIRS, _CB), jnp.float32),
            pltpu.VMEM((_CPAIRS, _CB), jnp.float32),
            pltpu.VMEM((16,), jnp.float32),
            pltpu.VMEM((4, 16), jnp.float32),
            pltpu.SemaphoreType.DMA,
            pltpu.SemaphoreType.DMA,
        ],
    )
    return f(ytable, bins_flat)


def kernel(latents, time_steps):
    y, bins = _prod_call(latents, time_steps)
    ytable = y.reshape(_B * _NCB, _CB)
    sc_out = _sc_call(ytable, bins.reshape(_B * _B))
    coarse = _coarse_call(y, bins)
    total = coarse[0, 0] + 2.0 * jnp.sum(sc_out)
    return total / jnp.float32(_B * _B)

# --- scband reference (transcript-rebuilt; emitter-appended) ---
"""Pipeline reference for scband-timescale-loss-52364241273576 (READ-ONLY COPY).

The authoritative reference and input builder live on the scoring server;
editing this copy changes nothing except your own understanding.
"""

import jax, jax.numpy as jnp
import numpy as np

B = 128
LATENT_SIZE = 2048
BIN_SIZE = 128
OFFSET = 1


def _normalization(L):
    i = jnp.arange(L, dtype=jnp.float32)
    norm = jnp.exp2((i + 1.0) / BIN_SIZE) - jnp.exp2(i / BIN_SIZE)
    norm = norm / jnp.mean(norm)
    return norm


def setup_inputs(seed: int = 0) -> dict:
    key = jax.random.key(seed)
    k1, k2 = jax.random.split(key)
    latents = jax.random.normal(k1, (B, LATENT_SIZE), dtype=jnp.float32)
    time_steps = jax.random.randint(k2, (B,), 0, 4096)
    return {"latents": latents, "time_steps": time_steps}


def reference(latents, time_steps):
    Bsz, L = latents.shape
    norm = _normalization(L)
    t = time_steps.astype(jnp.float32)
    # time_offset_matrix[i, j] = |t[j] - t[i]| + offset
    tom = jnp.abs(t[None, :] - t[:, None]) + float(OFFSET)
    bin_start = jnp.ceil(jnp.log2(tom) * BIN_SIZE).astype(jnp.int32)
    bin_start = jnp.clip(bin_start, 0, L)
    # mask[i, j, k] = 1 if k >= bin_start[i, j] else 0 (also zero when bin_start == L)
    k_idx = jnp.arange(L, dtype=jnp.int32)
    mask = (k_idx[None, None, :] >= bin_start[:, :, None]).astype(jnp.float32)
    # diff[i, j, k] = latents[j, k] - latents[i, k]  (squared -> order irrelevant)
    diff = latents[None, :, :] - latents[:, None, :]
    sq = diff * diff
    # torch: distance /= norm[k] / norm[L-1]  ->  multiply by norm[L-1] / norm[k]
    w = norm[L - 1] / norm
    distances = jnp.sum(sq * w[None, None, :] * mask, axis=2)
    loss = jnp.mean(distances)
    return loss

if __name__ == "__main__":
    import jax
    _d = setup_inputs()
    print(jax.jit(kernel)(*tuple(_d.values())))

</pallas_src>

<mosaic_0001>
#map = affine_map<(d0, d1) -> (0, 0)>
#map1 = affine_map<(d0, d1) -> (0)>
module attributes {stable_mosaic.version = 14 : i64} {
  func.func @_sc_body(%arg0: i32, %arg1: i32, %arg2: memref<2048x128xf32, #tpu.memory_space<hbm>>, %arg3: memref<16384xi32, #tpu.memory_space<hbm>>, %arg4: memref<32x16xf32, #tpu.memory_space<hbm>>, %arg5: memref<512xi32, #tpu.memory_space<vmem>>, %arg6: memref<512xi32, #tpu.memory_space<vmem>>, %arg7: memref<64x128xf32, #tpu.memory_space<vmem>>, %arg8: memref<128x128xf32, #tpu.memory_space<vmem>>, %arg9: memref<128x128xf32, #tpu.memory_space<vmem>>, %arg10: memref<16xf32, #tpu.memory_space<vmem>>, %arg11: memref<4x16xf32, #tpu.memory_space<vmem>>, %arg12: memref<!tpu.dma_semaphore, #tpu.memory_space<semaphore_mem>>, %arg13: memref<!tpu.dma_semaphore, #tpu.memory_space<semaphore_mem>>) attributes {dimension_semantics = [#tpu.dimension_semantics<core_parallel>, #tpu.dimension_semantics<subcore_parallel>], iteration_bounds = array<i64: 2, 16>, scalar_prefetch = 0 : i64, scratch_operands = 9 : i64, tpu.core_type = #tpu.core_type<sc_vector_subcore>, window_params = [{transform_indices = #map}, {transform_indices = #map1}, {transform_indices = #map}]} {
    %mul3A = arith.constant 16 : i32
    %mul3A_0 = arith.muli %arg0, %mul3A : i32
    %add3A = arith.addi %mul3A_0, %arg1 : i32
    %mul3A_1 = arith.constant 512 : i32
    %mul3A_2 = arith.muli %add3A, %mul3A_1 : i32
    "tpu.region"() ({
      %run_scoped3A = tpu.sem_alloc : memref<!tpu.dma_semaphore, #tpu.memory_space<semaphore_mem>>
      %dma_start3A_123 = tpu.memref_slice %arg3[%mul3A_2] : memref<16384xi32, #tpu.memory_space<hbm>> -> memref<512xi32, #tpu.memory_space<hbm>>
      %dma_start3A_124 = tpu.memref_slice %arg3[%mul3A_2] : memref<16384xi32, #tpu.memory_space<hbm>> -> memref<512xi32, #tpu.memory_space<hbm>>
      tpu.enqueue_dma source(%dma_start3A_124 : memref<512xi32, #tpu.memory_space<hbm>>) target(%arg5 : memref<512xi32, #tpu.memory_space<vmem>>) target_semaphore(%run_scoped3A : memref<!tpu.dma_semaphore, #tpu.memory_space<semaphore_mem>>)
      %dma_wait3A_125 = tpu.memref_slice %arg3[%mul3A_2] : memref<16384xi32, #tpu.memory_space<hbm>> -> memref<512xi32, #tpu.memory_space<hbm>>
      %dma_wait3A_126 = tpu.memref_slice %arg3[%mul3A_2] : memref<16384xi32, #tpu.memory_space<hbm>> -> memref<512xi32, #tpu.memory_space<hbm>>
      tpu.wait_dma2 semaphore(%run_scoped3A : memref<!tpu.dma_semaphore, #tpu.memory_space<semaphore_mem>>) src(%dma_wait3A_126 : memref<512xi32, #tpu.memory_space<hbm>>) dst(%arg5 : memref<512xi32, #tpu.memory_space<vmem>>)
      tpu.yield
    }) : () -> ()
    %mul3A_3 = arith.constant 64 : i32
    %mul3A_4 = arith.muli %add3A, %mul3A_3 : i32
    "tpu.region"() ({
      %run_scoped3A = tpu.sem_alloc : memref<!tpu.dma_semaphore, #tpu.memory_space<semaphore_mem>>
      %dma_start3A_123 = arith.constant 0 : i32
      %dma_start3A_124 = tpu.memref_slice %arg2[%mul3A_4, %dma_start3A_123] : memref<2048x128xf32, #tpu.memory_space<hbm>> -> memref<64x128xf32, #tpu.memory_space<hbm>>
      %dma_start3A_125 = arith.constant 0 : i32
      %dma_start3A_126 = tpu.memref_slice %arg2[%mul3A_4, %dma_start3A_125] : memref<2048x128xf32, #tpu.memory_space<hbm>> -> memref<64x128xf32, #tpu.memory_space<hbm>>
      tpu.enqueue_dma source(%dma_start3A_126 : memref<64x128xf32, #tpu.memory_space<hbm>>) target(%arg7 : memref<64x128xf32, #tpu.memory_space<vmem>>) target_semaphore(%run_scoped3A : memref<!tpu.dma_semaphore, #tpu.memory_space<semaphore_mem>>)
      %dma_wait3A_127 = arith.constant 0 : i32
      %dma_wait3A_128 = tpu.memref_slice %arg2[%mul3A_4, %dma_wait3A_127] : memref<2048x128xf32, #tpu.memory_space<hbm>> -> memref<64x128xf32, #tpu.memory_space<hbm>>
      %dma_wait3A_129 = arith.constant 0 : i32
      %dma_wait3A_130 = tpu.memref_slice %arg2[%mul3A_4, %dma_wait3A_129] : memref<2048x128xf32, #tpu.memory_space<hbm>> -> memref<64x128xf32, #tpu.memory_space<hbm>>
      tpu.wait_dma2 semaphore(%run_scoped3A : memref<!tpu.dma_semaphore, #tpu.memory_space<semaphore_mem>>) src(%dma_wait3A_130 : memref<64x128xf32, #tpu.memory_space<hbm>>) dst(%arg7 : memref<64x128xf32, #tpu.memory_space<vmem>>)
      tpu.yield
    }) : () -> ()
    %iota3A = tpu.iota {dimensions = array<i32: 0>} : vector<16xi32>
    %scan3A = arith.constant 0 : i32
    %scan3A_5 = arith.constant 127 : i32
    %scan3A_6 = arith.constant 0 : i32
    %scan3A_7 = arith.constant 32 : i32
    %scan3A_8 = arith.addi %scan3A_6, %scan3A_7 : i32
    %scan3A_9 = arith.constant 1 : i32
    scf.for %scan3A_123 = %scan3A_6 to %scan3A_8 step %scan3A_9  : i32 {
      %mul3A_124 = arith.constant 16 : i32
      %mul3A_125 = arith.muli %scan3A_123, %mul3A_124 : i32
      %mul3A_126 = arith.constant 16 : i32
      %mul3A_127 = arith.muli %scan3A_123, %mul3A_126 : i32
      %add3A_128 = vector.broadcast %mul3A_127 : i32 to vector<16xi32>
      %add3A_129 = arith.addi %add3A_128, %iota3A : vector<16xi32>
      %get3A_130 = arith.index_cast %mul3A_125 : i32 to index
      %get3A_131 = tpu.vector_load %arg5[%get3A_130] {strides = array<i32>} : memref<512xi32, #tpu.memory_space<vmem>>, vector<16xi32>,
      %get3A_132 = vector.shape_cast %get3A_131 : vector<16xi32> to vector<16xi32>
      %shift_right_logical3A = arith.constant 7 : i32
      %shift_right_logical3A_133 = vector.broadcast %shift_right_logical3A : i32 to vector<16xi32>
      %shift_right_logical3A_134 = arith.shrui %get3A_132, %shift_right_logical3A_133 : vector<16xi32>
      %and3A = vector.broadcast %scan3A_5 : i32 to vector<16xi32>
      %and3A_135 = arith.andi %add3A_129, %and3A : vector<16xi32>
      %mul3A_136 = arith.constant 16 : i32
      %mul3A_137 = vector.broadcast %mul3A_136 : i32 to vector<16xi32>
      %mul3A_138 = arith.muli %and3A_135, %mul3A_137 : vector<16xi32>
      %add3A_139 = arith.addi %mul3A_138, %shift_right_logical3A_134 : vector<16xi32>
      %swap3A_140 = arith.index_cast %mul3A_125 : i32 to index
      %swap3A_141 = tpu.vector_load %arg6[%swap3A_140] {strides = array<i32>} : memref<512xi32, #tpu.memory_space<vmem>>, vector<16xi32>,
      %swap3A_142 = vector.shape_cast %swap3A_141 : vector<16xi32> to vector<16xi32>
      %swap3A_143 = vector.shape_cast %add3A_139 : vector<16xi32> to vector<16xi32>
      tpu.vector_store %arg6[%swap3A_140], %swap3A_143 {strides = array<i32>} : memref<512xi32, #tpu.memory_space<vmem>>, vector<16xi32>,
    }
    %scan3A_10 = arith.constant 32 : i32
    %broadcast_in_dim3A = arith.constant 0.000000e+00 : f32
    %broadcast_in_dim3A_11 = vector.broadcast %broadcast_in_dim3A : f32 to vector<16xf32>
    %swap3A = arith.constant 0 : i32
    %swap3A_12 = arith.index_cast %swap3A : i32 to index
    %swap3A_13 = arith.constant 0 : index
    %swap3A_14 = tpu.vector_load %arg11[%swap3A_12, %swap3A_13] {strides = array<i32>} : memref<4x16xf32, #tpu.memory_space<vmem>>, vector<1x16xf32>,
    %swap3A_15 = vector.shape_cast %swap3A_14 : vector<1x16xf32> to vector<16xf32>
    %swap3A_16 = vector.shape_cast %broadcast_in_dim3A_11 : vector<16xf32> to vector<1x16xf32>
    tpu.vector_store %arg11[%swap3A_12, %swap3A_13], %swap3A_16 {strides = array<i32>} : memref<4x16xf32, #tpu.memory_space<vmem>>, vector<1x16xf32>,
    %swap3A_17 = arith.constant 1 : i32
    %swap3A_18 = arith.index_cast %swap3A_17 : i32 to index
    %swap3A_19 = arith.constant 0 : index
    %swap3A_20 = tpu.vector_load %arg11[%swap3A_18, %swap3A_19] {strides = array<i32>} : memref<4x16xf32, #tpu.memory_space<vmem>>, vector<1x16xf32>,
    %swap3A_21 = vector.shape_cast %swap3A_20 : vector<1x16xf32> to vector<16xf32>
    %swap3A_22 = vector.shape_cast %broadcast_in_dim3A_11 : vector<16xf32> to vector<1x16xf32>
    tpu.vector_store %arg11[%swap3A_18, %swap3A_19], %swap3A_22 {strides = array<i32>} : memref<4x16xf32, #tpu.memory_space<vmem>>, vector<1x16xf32>,
    %swap3A_23 = arith.constant 2 : i32
    %swap3A_24 = arith.index_cast %swap3A_23 : i32 to index
    %swap3A_25 = arith.constant 0 : index
    %swap3A_26 = tpu.vector_load %arg11[%swap3A_24, %swap3A_25] {strides = array<i32>} : memref<4x16xf32, #tpu.memory_space<vmem>>, vector<1x16xf32>,
    %swap3A_27 = vector.shape_cast %swap3A_26 : vector<1x16xf32> to vector<16xf32>
    %swap3A_28 = vector.shape_cast %broadcast_in_dim3A_11 : vector<16xf32> to vector<1x16xf32>
    tpu.vector_store %arg11[%swap3A_24, %swap3A_25], %swap3A_28 {strides = array<i32>} : memref<4x16xf32, #tpu.memory_space<vmem>>, vector<1x16xf32>,
    %swap3A_29 = arith.constant 3 : i32
    %swap3A_30 = arith.index_cast %swap3A_29 : i32 to index
    %swap3A_31 = arith.constant 0 : index
    %swap3A_32 = tpu.vector_load %arg11[%swap3A_30, %swap3A_31] {strides = array<i32>} : memref<4x16xf32, #tpu.memory_space<vmem>>, vector<1x16xf32>,
    %swap3A_33 = vector.shape_cast %swap3A_32 : vector<1x16xf32> to vector<16xf32>
    %swap3A_34 = vector.shape_cast %broadcast_in_dim3A_11 : vector<16xf32> to vector<1x16xf32>
    tpu.vector_store %arg11[%swap3A_30, %swap3A_31], %swap3A_34 {strides = array<i32>} : memref<4x16xf32, #tpu.memory_space<vmem>>, vector<1x16xf32>,
    %dma_start3A = arith.constant 0 : i32
    %dma_start3A_35 = tpu.memref_slice %arg6[%dma_start3A] : memref<512xi32, #tpu.memory_space<vmem>> -> memref<128xi32, #tpu.memory_space<vmem>>
    %dma_start3A_36 = arith.constant 0 : i32
    %dma_start3A_37 = arith.constant 0 : i32
    %dma_start3A_38 = tpu.memref_slice %arg2[%dma_start3A_36, %dma_start3A_37] : memref<2048x128xf32, #tpu.memory_space<hbm>> -> memref<2048x128xf32, #tpu.memory_space<hbm>>
    tpu.enqueue_indirect_dma source(%dma_start3A_38 : memref<2048x128xf32, #tpu.memory_space<hbm>>) target(%arg8 : memref<128x128xf32, #tpu.memory_space<vmem>>) offsets(%dma_start3A_35 : memref<128xi32, #tpu.memory_space<vmem>>) semaphore(%arg12 : memref<!tpu.dma_semaphore, #tpu.memory_space<semaphore_mem>>)
    %dma_start3A_39 = arith.constant 128 : i32
    %dma_start3A_40 = tpu.memref_slice %arg6[%dma_start3A_39] : memref<512xi32, #tpu.memory_space<vmem>> -> memref<128xi32, #tpu.memory_space<vmem>>
    %dma_start3A_41 = arith.constant 0 : i32
    %dma_start3A_42 = arith.constant 0 : i32
    %dma_start3A_43 = tpu.memref_slice %arg2[%dma_start3A_41, %dma_start3A_42] : memref<2048x128xf32, #tpu.memory_space<hbm>> -> memref<2048x128xf32, #tpu.memory_space<hbm>>
    tpu.enqueue_indirect_dma source(%dma_start3A_43 : memref<2048x128xf32, #tpu.memory_space<hbm>>) target(%arg9 : memref<128x128xf32, #tpu.memory_space<vmem>>) offsets(%dma_start3A_40 : memref<128xi32, #tpu.memory_space<vmem>>) semaphore(%arg13 : memref<!tpu.dma_semaphore, #tpu.memory_space<semaphore_mem>>)
    %dma_wait3A = arith.constant 0 : i32
    %dma_wait3A_44 = tpu.memref_slice %arg6[%dma_wait3A] : memref<512xi32, #tpu.memory_space<vmem>> -> memref<128xi32, #tpu.memory_space<vmem>>
    %dma_wait3A_45 = arith.constant 0 : i32
    %dma_wait3A_46 = arith.constant 0 : i32
    %dma_wait3A_47 = tpu.memref_slice %arg2[%dma_wait3A_45, %dma_wait3A_46] : memref<2048x128xf32, #tpu.memory_space<hbm>> -> memref<2048x128xf32, #tpu.memory_space<hbm>>
    tpu.wait_indirect_dma semaphore(%arg12 : memref<!tpu.dma_semaphore, #tpu.memory_space<semaphore_mem>>) src(%dma_wait3A_47 : memref<2048x128xf32, #tpu.memory_space<hbm>>) dst(%arg8 : memref<128x128xf32, #tpu.memory_space<vmem>>)
    %scan3A_48 = arith.constant 0 : i32
    %scan3A_49 = arith.constant 0 : i32
    %scan3A_50 = arith.constant 8 : i32
    %scan3A_51 = arith.addi %scan3A_49, %scan3A_50 : i32
    %scan3A_52 = arith.constant 1 : i32
    scf.for %scan3A_123 = %scan3A_49 to %scan3A_51 step %scan3A_52  : i32 {
      %add3A_124 = arith.constant 0 : i32
      %add3A_125 = arith.addi %add3A_124, %scan3A_123 : i32
      %mul3A_126 = arith.constant 4 : i32
      %mul3A_127 = arith.muli %add3A, %mul3A_126 : i32
      %shift_right_logical3A = arith.constant 3 : i32
      %shift_right_logical3A_128 = arith.shrui %add3A_125, %shift_right_logical3A : i32
      %add3A_129 = arith.addi %mul3A_127, %shift_right_logical3A_128 : i32
      %and3A = arith.constant 7 : i32
      %and3A_130 = arith.andi %add3A_125, %and3A : i32
      %mul3A_131 = arith.constant 16 : i32
      %mul3A_132 = arith.muli %and3A_130, %mul3A_131 : i32
      %add3A_133 = arith.constant 15 : i32
      %add3A_134 = arith.addi %mul3A_132, %add3A_133 : i32
      %gt3A = arith.cmpi sgt, %add3A_134, %add3A_129 : i32
      %convert_element_type3A = arith.extui %gt3A : i1 to i32
      %cond3A = arith.constant 0 : i32
      %cond3A_135 = arith.cmpi ne, %convert_element_type3A, %cond3A : i32
      scf.if %cond3A_135 {
        %get3A_136 = arith.constant 0 : i32
        %get3A_137 = arith.index_cast %get3A_136 : i32 to index
        %get3A_138 = arith.constant 0 : index
        %get3A_139 = tpu.vector_load %arg11[%get3A_137, %get3A_138] {strides = array<i32>} : memref<4x16xf32, #tpu.memory_space<vmem>>, vector<1x16xf32>,
        %get3A_140 = vector.shape_cast %get3A_139 : vector<1x16xf32> to vector<16xf32>
        %get3A_141 = arith.constant 1 : i32
        %get3A_142 = arith.index_cast %get3A_141 : i32 to index
        %get3A_143 = arith.constant 0 : index
        %get3A_144 = tpu.vector_load %arg11[%get3A_142, %get3A_143] {strides = array<i32>} : memref<4x16xf32, #tpu.memory_space<vmem>>, vector<1x16xf32>,
        %get3A_145 = vector.shape_cast %get3A_144 : vector<1x16xf32> to vector<16xf32>
        %get3A_146 = arith.constant 2 : i32
        %get3A_147 = arith.index_cast %get3A_146 : i32 to index
        %get3A_148 = arith.constant 0 : index
        %get3A_149 = tpu.vector_load %arg11[%get3A_147, %get3A_148] {strides = array<i32>} : memref<4x16xf32, #tpu.memory_space<vmem>>, vector<1x16xf32>,
        %get3A_150 = vector.shape_cast %get3A_149 : vector<1x16xf32> to vector<16xf32>
        %get3A_151 = arith.constant 3 : i32
        %get3A_152 = arith.index_cast %get3A_151 : i32 to index
        %get3A_153 = arith.constant 0 : index
        %get3A_154 = tpu.vector_load %arg11[%get3A_152, %get3A_153] {strides = array<i32>} : memref<4x16xf32, #tpu.memory_space<vmem>>, vector<1x16xf32>,
        %get3A_155 = vector.shape_cast %get3A_154 : vector<1x16xf32> to vector<16xf32>
        %mul3A_156 = arith.constant 16 : i32
        %mul3A_157 = arith.muli %scan3A_123, %mul3A_156 : i32
        %add3A_158 = arith.constant 0 : i32
        %add3A_159 = arith.addi %add3A_158, %mul3A_157 : i32
        %get3A_160 = arith.index_cast %add3A_159 : i32 to index
        %get3A_161 = tpu.vector_load %arg5[%get3A_160] {strides = array<i32>} : memref<512xi32, #tpu.memory_space<vmem>>, vector<16xi32>,
        %get3A_162 = vector.shape_cast %get3A_161 : vector<16xi32> to vector<16xi32>
        %mul3A_163 = arith.constant 16 : i32
        %mul3A_164 = arith.muli %scan3A_123, %mul3A_163 : i32
        %add3A_165 = arith.constant 0 : i32
        %add3A_166 = arith.addi %add3A_165, %mul3A_164 : i32
        %shift_right_logical3A_167 = arith.constant 7 : i32
        %shift_right_logical3A_168 = arith.shrui %add3A_166, %shift_right_logical3A_167 : i32
        %mul3A_169 = arith.constant 16 : i32
        %mul3A_170 = arith.muli %shift_right_logical3A_168, %mul3A_169 : i32
        %mul3A_171 = arith.constant 16 : i32
        %mul3A_172 = arith.muli %scan3A_123, %mul3A_171 : i32
        %add3A_173 = arith.constant 0 : i32
        %add3A_174 = arith.addi %mul3A_172, %add3A_173 : i32
        %slice3A = vector.extract_strided_slice %get3A_162 {offsets = [0], sizes = [1], strides = [1]} : vector<16xi32> to vector<1xi32>
        %squeeze3A = vector.extract %slice3A[0] : i32 from vector<1xi32>
        %shift_right_logical3A_175 = arith.constant 7 : i32
        %shift_right_logical3A_176 = arith.shrui %squeeze3A, %shift_right_logical3A_175 : i32
        %shift_right_logical3A_177 = arith.constant 5 : i32
        %shift_right_logical3A_178 = arith.shrui %squeeze3A, %shift_right_logical3A_177 : i32
        %and3A_179 = arith.constant 3 : i32
        %and3A_180 = arith.andi %shift_right_logical3A_178, %and3A_179 : i32
        %mul3A_181 = arith.constant 32 : i32
        %mul3A_182 = arith.muli %and3A_180, %mul3A_181 : i32
        %add3A_183 = arith.constant 0 : i32
        %add3A_184 = arith.addi %mul3A_132, %add3A_183 : i32
        %gt3A_185 = arith.cmpi sgt, %add3A_184, %add3A_129 : i32
        %and3A_186 = arith.constant 31 : i32
        %and3A_187 = arith.andi %squeeze3A, %and3A_186 : i32
        %jit3A = arith.constant 64 : i32
        %select_n3A = arith.select %gt3A_185, %and3A_187, %jit3A : i32
        %add3A_188 = arith.addi %mul3A_170, %shift_right_logical3A_176 : i32
        %get3A_189 = arith.index_cast %add3A_188 : i32 to index
        %get3A_190 = arith.index_cast %mul3A_182 : i32 to index
        %get3A_191 = tpu.vector_load %arg7[%get3A_189, %get3A_190] {strides = array<i32>} : memref<64x128xf32, #tpu.memory_space<vmem>>, vector<1x16xf32>,
        %get3A_192 = vector.shape_cast %get3A_191 : vector<1x16xf32> to vector<16xf32>
        %get3A_193 = arith.index_cast %add3A_174 : i32 to index
        %get3A_194 = arith.index_cast %mul3A_182 : i32 to index
        %get3A_195 = tpu.vector_load %arg8[%get3A_193, %get3A_194] {strides = array<i32>} : memref<128x128xf32, #tpu.memory_space<vmem>>, vector<1x16xf32>,
        %get3A_196 = vector.shape_cast %get3A_195 : vector<1x16xf32> to vector<16xf32>
        %add3A_197 = arith.addi %mul3A_170, %shift_right_logical3A_176 : i32
        %add3A_198 = arith.constant 16 : i32
        %add3A_199 = arith.addi %mul3A_182, %add3A_198 : i32
        %get3A_200 = arith.index_cast %add3A_197 : i32 to index
        %get3A_201 = arith.index_cast %add3A_199 : i32 to index
        %get3A_202 = tpu.vector_load %arg7[%get3A_200, %get3A_201] {strides = array<i32>} : memref<64x128xf32, #tpu.memory_space<vmem>>, vector<1x16xf32>,
        %get3A_203 = vector.shape_cast %get3A_202 : vector<1x16xf32> to vector<16xf32>
        %add3A_204 = arith.constant 16 : i32
        %add3A_205 = arith.addi %mul3A_182, %add3A_204 : i32
        %get3A_206 = arith.index_cast %add3A_174 : i32 to index
        %get3A_207 = arith.index_cast %add3A_205 : i32 to index
        %get3A_208 = tpu.vector_load %arg8[%get3A_206, %get3A_207] {strides = array<i32>} : memref<128x128xf32, #tpu.memory_space<vmem>>, vector<1x16xf32>,
        %get3A_209 = vector.shape_cast %get3A_208 : vector<1x16xf32> to vector<16xf32>
        %sub3A = arith.subf %get3A_192, %get3A_196 : vector<16xf32>
        %sub3A_210 = arith.subf %get3A_203, %get3A_209 : vector<16xf32>
        %ge3A = vector.broadcast %select_n3A : i32 to vector<16xi32>
        %ge3A_211 = arith.cmpi sge, %iota3A, %ge3A : vector<16xi32>
        %mul3A_212 = arith.mulf %sub3A, %sub3A : vector<16xf32>
        %jit3A_213 = arith.constant 0.000000e+00 : f32
        %broadcast_in_dim3A_214 = vector.broadcast %jit3A_213 : f32 to vector<16xf32>
        %select_n3A_215 = arith.select %ge3A_211, %mul3A_212, %broadcast_in_dim3A_214 : vector<16xi1>, vector<16xf32>
        %add3A_216 = arith.constant 16 : i32
        %add3A_217 = vector.broadcast %add3A_216 : i32 to vector<16xi32>
        %add3A_218 = arith.addi %iota3A, %add3A_217 : vector<16xi32>
        %ge3A_219 = vector.broadcast %select_n3A : i32 to vector<16xi32>
        %ge3A_220 = arith.cmpi sge, %add3A_218, %ge3A_219 : vector<16xi32>
        %mul3A_221 = arith.mulf %sub3A_210, %sub3A_210 : vector<16xf32>
        %jit3A_222 = arith.constant 0.000000e+00 : f32
        %broadcast_in_dim3A_223 = vector.broadcast %jit3A_222 : f32 to vector<16xf32>
        %select_n3A_224 = arith.select %ge3A_220, %mul3A_221, %broadcast_in_dim3A_223 : vector<16xi1>, vector<16xf32>
        %add3A_225 = arith.addf %get3A_140, %select_n3A_215 : vector<16xf32>
        %add3A_226 = arith.addf %get3A_145, %select_n3A_224 : vector<16xf32>
        %mul3A_227 = arith.constant 16 : i32
        %mul3A_228 = arith.muli %scan3A_123, %mul3A_227 : i32
        %add3A_229 = arith.constant 1 : i32
        %add3A_230 = arith.addi %mul3A_228, %add3A_229 : i32
        %slice3A_231 = vector.extract_strided_slice %get3A_162 {offsets = [1], sizes = [1], strides = [1]} : vector<16xi32> to vector<1xi32>
        %squeeze3A_232 = vector.extract %slice3A_231[0] : i32 from vector<1xi32>
        %shift_right_logical3A_233 = arith.constant 7 : i32
        %shift_right_logical3A_234 = arith.shrui %squeeze3A_232, %shift_right_logical3A_233 : i32
        %shift_right_logical3A_235 = arith.constant 5 : i32
        %shift_right_logical3A_236 = arith.shrui %squeeze3A_232, %shift_right_logical3A_235 : i32
        %and3A_237 = arith.constant 3 : i32
        %and3A_238 = arith.andi %shift_right_logical3A_236, %and3A_237 : i32
        %mul3A_239 = arith.constant 32 : i32
        %mul3A_240 = arith.muli %and3A_238, %mul3A_239 : i32
        %add3A_241 = arith.constant 1 : i32
        %add3A_242 = arith.addi %mul3A_132, %add3A_241 : i32
        %gt3A_243 = arith.cmpi sgt, %add3A_242, %add3A_129 : i32
        %and3A_244 = arith.constant 31 : i32
        %and3A_245 = arith.andi %squeeze3A_232, %and3A_244 : i32
        %jit3A_246 = arith.constant 64 : i32
        %select_n3A_247 = arith.select %gt3A_243, %and3A_245, %jit3A_246 : i32
        %add3A_248 = arith.addi %mul3A_170, %shift_right_logical3A_234 : i32
        %get3A_249 = arith.index_cast %add3A_248 : i32 to index
        %get3A_250 = arith.index_cast %mul3A_240 : i32 to index
        %get3A_251 = tpu.vector_load %arg7[%get3A_249, %get3A_250] {strides = array<i32>} : memref<64x128xf32, #tpu.memory_space<vmem>>, vector<1x16xf32>,
        %get3A_252 = vector.shape_cast %get3A_251 : vector<1x16xf32> to vector<16xf32>
        %get3A_253 = arith.index_cast %add3A_230 : i32 to index
        %get3A_254 = arith.index_cast %mul3A_240 : i32 to index
        %get3A_255 = tpu.vector_load %arg8[%get3A_253, %get3A_254] {strides = array<i32>} : memref<128x128xf32, #tpu.memory_space<vmem>>, vector<1x16xf32>,
        %get3A_256 = vector.shape_cast %get3A_255 : vector<1x16xf32> to vector<16xf32>
        %add3A_257 = arith.addi %mul3A_170, %shift_right_logical3A_234 : i32
        %add3A_258 = arith.constant 16 : i32
        %add3A_259 = arith.addi %mul3A_240, %add3A_258 : i32
        %get3A_260 = arith.index_cast %add3A_257 : i32 to index
        %get3A_261 = arith.index_cast %add3A_259 : i32 to index
        %get3A_262 = tpu.vector_load %arg7[%get3A_260, %get3A_261] {strides = array<i32>} : memref<64x128xf32, #tpu.memory_space<vmem>>, vector<1x16xf32>,
        %get3A_263 = vector.shape_cast %get3A_262 : vector<1x16xf32> to vector<16xf32>
        %add3A_264 = arith.constant 16 : i32
        %add3A_265 = arith.addi %mul3A_240, %add3A_264 : i32
        %get3A_266 = arith.index_cast %add3A_230 : i32 to index
        %get3A_267 = arith.index_cast %add3A_265 : i32 to index
        %get3A_268 = tpu.vector_load %arg8[%get3A_266, %get3A_267] {strides = array<i32>} : memref<128x128xf32, #tpu.memory_space<vmem>>, vector<1x16xf32>,
        %get3A_269 = vector.shape_cast %get3A_268 : vector<1x16xf32> to vector<16xf32>
        %sub3A_270 = arith.subf %get3A_252, %get3A_256 : vector<16xf32>
        %sub3A_271 = arith.subf %get3A_263, %get3A_269 : vector<16xf32>
        %ge3A_272 = vector.broadcast %select_n3A_247 : i32 to vector<16xi32>
        %ge3A_273 = arith.cmpi sge, %iota3A, %ge3A_272 : vector<16xi32>
        %mul3A_274 = arith.mulf %sub3A_270, %sub3A_270 : vector<16xf32>
        %jit3A_275 = arith.constant 0.000000e+00 : f32
        %broadcast_in_dim3A_276 = vector.broadcast %jit3A_275 : f32 to vector<16xf32>
        %select_n3A_277 = arith.select %ge3A_273, %mul3A_274, %broadcast_in_dim3A_276 : vector<16xi1>, vector<16xf32>
        %add3A_278 = arith.constant 16 : i32
        %add3A_279 = vector.broadcast %add3A_278 : i32 to vector<16xi32>
        %add3A_280 = arith.addi %iota3A, %add3A_279 : vector<16xi32>
        %ge3A_281 = vector.broadcast %select_n3A_247 : i32 to vector<16xi32>
        %ge3A_282 = arith.cmpi sge, %add3A_280, %ge3A_281 : vector<16xi32>
        %mul3A_283 = arith.mulf %sub3A_271, %sub3A_271 : vector<16xf32>
        %jit3A_284 = arith.constant 0.000000e+00 : f32
        %broadcast_in_dim3A_285 = vector.broadcast %jit3A_284 : f32 to vector<16xf32>
        %select_n3A_286 = arith.select %ge3A_282, %mul3A_283, %broadcast_in_dim3A_285 : vector<16xi1>, vector<16xf32>
        %add3A_287 = arith.addf %get3A_150, %select_n3A_277 : vector<16xf32>
        %add3A_288 = arith.addf %get3A_155, %select_n3A_286 : vector<16xf32>
        %mul3A_289 = arith.constant 16 : i32
        %mul3A_290 = arith.muli %scan3A_123, %mul3A_289 : i32
        %add3A_291 = arith.constant 2 : i32
        %add3A_292 = arith.addi %mul3A_290, %add3A_291 : i32
        %slice3A_293 = vector.extract_strided_slice %get3A_162 {offsets = [2], sizes = [1], strides = [1]} : vector<16xi32> to vector<1xi32>
        %squeeze3A_294 = vector.extract %slice3A_293[0] : i32 from vector<1xi32>
        %shift_right_logical3A_295 = arith.constant 7 : i32
        %shift_right_logical3A_296 = arith.shrui %squeeze3A_294, %shift_right_logical3A_295 : i32
        %shift_right_logical3A_297 = arith.constant 5 : i32
        %shift_right_logical3A_298 = arith.shrui %squeeze3A_294, %shift_right_logical3A_297 : i32
        %and3A_299 = arith.constant 3 : i32
        %and3A_300 = arith.andi %shift_right_logical3A_298, %and3A_299 : i32
        %mul3A_301 = arith.constant 32 : i32
        %mul3A_302 = arith.muli %and3A_300, %mul3A_301 : i32
        %add3A_303 = arith.constant 2 : i32
        %add3A_304 = arith.addi %mul3A_132, %add3A_303 : i32
        %gt3A_305 = arith.cmpi sgt, %add3A_304, %add3A_129 : i32
        %and3A_306 = arith.constant 31 : i32
        %and3A_307 = arith.andi %squeeze3A_294, %and3A_306 : i32
        %jit3A_308 = arith.constant 64 : i32
        %select_n3A_309 = arith.select %gt3A_305, %and3A_307, %jit3A_308 : i32
        %add3A_310 = arith.addi %mul3A_170, %shift_right_logical3A_296 : i32
        %get3A_311 = arith.index_cast %add3A_310 : i32 to index
        %get3A_312 = arith.index_cast %mul3A_302 : i32 to index
        %get3A_313 = tpu.vector_load %arg7[%get3A_311, %get3A_312] {strides = array<i32>} : memref<64x128xf32, #tpu.memory_space<vmem>>, vector<1x16xf32>,
        %get3A_314 = vector.shape_cast %get3A_313 : vector<1x16xf32> to vector<16xf32>
        %get3A_315 = arith.index_cast %add3A_292 : i32 to index
        %get3A_316 = arith.index_cast %mul3A_302 : i32 to index
        %get3A_317 = tpu.vector_load %arg8[%get3A_315, %get3A_316] {strides = array<i32>} : memref<128x128xf32, #tpu.memory_space<vmem>>, vector<1x16xf32>,
        %get3A_318 = vector.shape_cast %get3A_317 : vector<1x16xf32> to vector<16xf32>
        %add3A_319 = arith.addi %mul3A_170, %shift_right_logical3A_296 : i32
        %add3A_320 = arith.constant 16 : i32
        %add3A_321 = arith.addi %mul3A_302, %add3A_320 : i32
        %get3A_322 = arith.index_cast %add3A_319 : i32 to index
        %get3A_323 = arith.index_cast %add3A_321 : i32 to index
        %get3A_324 = tpu.vector_load %arg7[%get3A_322, %get3A_323] {strides = array<i32>} : memref<64x128xf32, #tpu.memory_space<vmem>>, vector<1x16xf32>,
        %get3A_325 = vector.shape_cast %get3A_324 : vector<1x16xf32> to vector<16xf32>
        %add3A_326 = arith.constant 16 : i32
        %add3A_327 = arith.addi %mul3A_302, %add3A_326 : i32
        %get3A_328 = arith.index_cast %add3A_292 : i32 to index
        %get3A_329 = arith.index_cast %add3A_327 : i32 to index
        %get3A_330 = tpu.vector_load %arg8[%get3A_328, %get3A_329] {strides = array<i32>} : memref<128x128xf32, #tpu.memory_space<vmem>>, vector<1x16xf32>,
        %get3A_331 = vector.shape_cast %get3A_330 : vector<1x16xf32> to vector<16xf32>
        %sub3A_332 = arith.subf %get3A_314, %get3A_318 : vector<16xf32>
        %sub3A_333 = arith.subf %get3A_325, %get3A_331 : vector<16xf32>
        %ge3A_334 = vector.broadcast %select_n3A_309 : i32 to vector<16xi32>
        %ge3A_335 = arith.cmpi sge, %iota3A, %ge3A_334 : vector<16xi32>
        %mul3A_336 = arith.mulf %sub3A_332, %sub3A_332 : vector<16xf32>
        %jit3A_337 = arith.constant 0.000000e+00 : f32
        %broadcast_in_dim3A_338 = vector.broadcast %jit3A_337 : f32 to vector<16xf32>
        %select_n3A_339 = arith.select %ge3A_335, %mul3A_336, %broadcast_in_dim3A_338 : vector<16xi1>, vector<16xf32>
        %add3A_340 = arith.constant 16 : i32
        %add3A_341 = vector.broadcast %add3A_340 : i32 to vector<16xi32>
        %add3A_342 = arith.addi %iota3A, %add3A_341 : vector<16xi32>
        %ge3A_343 = vector.broadcast %select_n3A_309 : i32 to vector<16xi32>
        %ge3A_344 = arith.cmpi sge, %add3A_342, %ge3A_343 : vector<16xi32>
        %mul3A_345 = arith.mulf %sub3A_333, %sub3A_333 : vector<16xf32>
        %jit3A_346 = arith.constant 0.000000e+00 : f32
        %broadcast_in_dim3A_347 = vector.broadcast %jit3A_346 : f32 to vector<16xf32>
        %select_n3A_348 = arith.select %ge3A_344, %mul3A_345, %broadcast_in_dim3A_347 : vector<16xi1>, vector<16xf32>
        %add3A_349 = arith.addf %add3A_225, %select_n3A_339 : vector<16xf32>
        %add3A_350 = arith.addf %add3A_226, %select_n3A_348 : vector<16xf32>
        %mul3A_351 = arith.constant 16 : i32
        %mul3A_352 = arith.muli %scan3A_123, %mul3A_351 : i32
        %add3A_353 = arith.constant 3 : i32
        %add3A_354 = arith.addi %mul3A_352, %add3A_353 : i32
        %slice3A_355 = vector.extract_strided_slice %get3A_162 {offsets = [3], sizes = [1], strides = [1]} : vector<16xi32> to vector<1xi32>
        %squeeze3A_356 = vector.extract %slice3A_355[0] : i32 from vector<1xi32>
        %shift_right_logical3A_357 = arith.constant 7 : i32
        %shift_right_logical3A_358 = arith.shrui %squeeze3A_356, %shift_right_logical3A_357 : i32
        %shift_right_logical3A_359 = arith.constant 5 : i32
        %shift_right_logical3A_360 = arith.shrui %squeeze3A_356, %shift_right_logical3A_359 : i32
        %and3A_361 = arith.constant 3 : i32
        %and3A_362 = arith.andi %shift_right_logical3A_360, %and3A_361 : i32
        %mul3A_363 = arith.constant 32 : i32
        %mul3A_364 = arith.muli %and3A_362, %mul3A_363 : i32
        %add3A_365 = arith.constant 3 : i32
        %add3A_366 = arith.addi %mul3A_132, %add3A_365 : i32
        %gt3A_367 = arith.cmpi sgt, %add3A_366, %add3A_129 : i32
        %and3A_368 = arith.constant 31 : i32
        %and3A_369 = arith.andi %squeeze3A_356, %and3A_368 : i32
        %jit3A_370 = arith.constant 64 : i32
        %select_n3A_371 = arith.select %gt3A_367, %and3A_369, %jit3A_370 : i32
        %add3A_372 = arith.addi %mul3A_170, %shift_right_logical3A_358 : i32
        %get3A_373 = arith.index_cast %add3A_372 : i32 to index
        %get3A_374 = arith.index_cast %mul3A_364 : i32 to index
        %get3A_375 = tpu.vector_load %arg7[%get3A_373, %get3A_374] {strides = array<i32>} : memref<64x128xf32, #tpu.memory_space<vmem>>, vector<1x16xf32>,
        %get3A_376 = vector.shape_cast %get3A_375 : vector<1x16xf32> to vector<16xf32>
        %get3A_377 = arith.index_cast %add3A_354 : i32 to index
        %get3A_378 = arith.index_cast %mul3A_364 : i32 to index
        %get3A_379 = tpu.vector_load %arg8[%get3A_377, %get3A_378] {strides = array<i32>} : memref<128x128xf32, #tpu.memory_space<vmem>>, vector<1x16xf32>,
        %get3A_380 = vector.shape_cast %get3A_379 : vector<1x16xf32> to vector<16xf32>
        %add3A_381 = arith.addi %mul3A_170, %shift_right_logical3A_358 : i32
        %add3A_382 = arith.constant 16 : i32
        %add3A_383 = arith.addi %mul3A_364, %add3A_382 : i32
        %get3A_384 = arith.index_cast %add3A_381 : i32 to index
        %get3A_385 = arith.index_cast %add3A_383 : i32 to index
        %get3A_386 = tpu.vector_load %arg7[%get3A_384, %get3A_385] {strides = array<i32>} : memref<64x128xf32, #tpu.memory_space<vmem>>, vector<1x16xf32>,
        %get3A_387 = vector.shape_cast %get3A_386 : vector<1x16xf32> to vector<16xf32>
        %add3A_388 = arith.constant 16 : i32
        %add3A_389 = arith.addi %mul3A_364, %add3A_388 : i32
        %get3A_390 = arith.index_cast %add3A_354 : i32 to index
        %get3A_391 = arith.index_cast %add3A_389 : i32 to index
        %get3A_392 = tpu.vector_load %arg8[%get3A_390, %get3A_391] {strides = array<i32>} : memref<128x128xf32, #tpu.memory_space<vmem>>, vector<1x16xf32>,
        %get3A_393 = vector.shape_cast %get3A_392 : vector<1x16xf32> to vector<16xf32>
        %sub3A_394 = arith.subf %get3A_376, %get3A_380 : vector<16xf32>
        %sub3A_395 = arith.subf %get3A_387, %get3A_393 : vector<16xf32>
        %ge3A_396 = vector.broadcast %select_n3A_371 : i32 to vector<16xi32>
        %ge3A_397 = arith.cmpi sge, %iota3A, %ge3A_396 : vector<16xi32>
        %mul3A_398 = arith.mulf %sub3A_394, %sub3A_394 : vector<16xf32>
        %jit3A_399 = arith.constant 0.000000e+00 : f32
        %broadcast_in_dim3A_400 = vector.broadcast %jit3A_399 : f32 to vector<16xf32>
        %select_n3A_401 = arith.select %ge3A_397, %mul3A_398, %broadcast_in_dim3A_400 : vector<16xi1>, vector<16xf32>
        %add3A_402 = arith.constant 16 : i32
        %add3A_403 = vector.broadcast %add3A_402 : i32 to vector<16xi32>
        %add3A_404 = arith.addi %iota3A, %add3A_403 : vector<16xi32>
        %ge3A_405 = vector.broadcast %select_n3A_371 : i32 to vector<16xi32>
        %ge3A_406 = arith.cmpi sge, %add3A_404, %ge3A_405 : vector<16xi32>
        %mul3A_407 = arith.mulf %sub3A_395, %sub3A_395 : vector<16xf32>
        %jit3A_408 = arith.constant 0.000000e+00 : f32
        %broadcast_in_dim3A_409 = vector.broadcast %jit3A_408 : f32 to vector<16xf32>
        %select_n3A_410 = arith.select %ge3A_406, %mul3A_407, %broadcast_in_dim3A_409 : vector<16xi1>, vector<16xf32>
        %add3A_411 = arith.addf %add3A_287, %select_n3A_401 : vector<16xf32>
        %add3A_412 = arith.addf %add3A_288, %select_n3A_410 : vector<16xf32>
        %mul3A_413 = arith.constant 16 : i32
        %mul3A_414 = arith.muli %scan3A_123, %mul3A_413 : i32
        %add3A_415 = arith.constant 4 : i32
        %add3A_416 = arith.addi %mul3A_414, %add3A_415 : i32
        %slice3A_417 = vector.extract_strided_slice %get3A_162 {offsets = [4], sizes = [1], strides = [1]} : vector<16xi32> to vector<1xi32>
        %squeeze3A_418 = vector.extract %slice3A_417[0] : i32 from vector<1xi32>
        %shift_right_logical3A_419 = arith.constant 7 : i32
        %shift_right_logical3A_420 = arith.shrui %squeeze3A_418, %shift_right_logical3A_419 : i32
        %shift_right_logical3A_421 = arith.constant 5 : i32
        %shift_right_logical3A_422 = arith.shrui %squeeze3A_418, %shift_right_logical3A_421 : i32
        %and3A_423 = arith.constant 3 : i32
        %and3A_424 = arith.andi %shift_right_logical3A_422, %and3A_423 : i32
        %mul3A_425 = arith.constant 32 : i32
        %mul3A_426 = arith.muli %and3A_424, %mul3A_425 : i32
        %add3A_427 = arith.constant 4 : i32
        %add3A_428 = arith.addi %mul3A_132, %add3A_427 : i32
        %gt3A_429 = arith.cmpi sgt, %add3A_428, %add3A_129 : i32
        %and3A_430 = arith.constant 31 : i32
        %and3A_431 = arith.andi %squeeze3A_418, %and3A_430 : i32
        %jit3A_432 = arith.constant 64 : i32
        %select_n3A_433 = arith.select %gt3A_429, %and3A_431, %jit3A_432 : i32
        %add3A_434 = arith.addi %mul3A_170, %shift_right_logical3A_420 : i32
        %get3A_435 = arith.index_cast %add3A_434 : i32 to index
        %get3A_436 = arith.index_cast %mul3A_426 : i32 to index
        %get3A_437 = tpu.vector_load %arg7[%get3A_435, %get3A_436] {strides = array<i32>} : memref<64x128xf32, #tpu.memory_space<vmem>>, vector<1x16xf32>,
        %get3A_438 = vector.shape_cast %get3A_437 : vector<1x16xf32> to vector<16xf32>
        %get3A_439 = arith.index_cast %add3A_416 : i32 to index
        %get3A_440 = arith.index_cast %mul3A_426 : i32 to index
        %get3A_441 = tpu.vector_load %arg8[%get3A_439, %get3A_440] {strides = array<i32>} : memref<128x128xf32, #tpu.memory_space<vmem>>, vector<1x16xf32>,
        %get3A_442 = vector.shape_cast %get3A_441 : vector<1x16xf32> to vector<16xf32>
        %add3A_443 = arith.addi %mul3A_170, %shift_right_logical3A_420 : i32
        %add3A_444 = arith.constant 16 : i32
        %add3A_445 = arith.addi %mul3A_426, %add3A_444 : i32
        %get3A_446 = arith.index_cast %add3A_443 : i32 to index
        %get3A_447 = arith.index_cast %add3A_445 : i32 to index
        %get3A_448 = tpu.vector_load %arg7[%get3A_446, %get3A_447] {strides = array<i32>} : memref<64x128xf32, #tpu.memory_space<vmem>>, vector<1x16xf32>,
        %get3A_449 = vector.shape_cast %get3A_448 : vector<1x16xf32> to vector<16xf32>
        %add3A_450 = arith.constant 16 : i32
        %add3A_451 = arith.addi %mul3A_426, %add3A_450 : i32
        %get3A_452 = arith.index_cast %add3A_416 : i32 to index
        %get3A_453 = arith.index_cast %add3A_451 : i32 to index
        %get3A_454 = tpu.vector_load %arg8[%get3A_452, %get3A_453] {strides = array<i32>} : memref<128x128xf32, #tpu.memory_space<vmem>>, vector<1x16xf32>,
        %get3A_455 = vector.shape_cast %get3A_454 : vector<1x16xf32> to vector<16xf32>
        %sub3A_456 = arith.subf %get3A_438, %get3A_442 : vector<16xf32>
        %sub3A_457 = arith.subf %get3A_449, %get3A_455 : vector<16xf32>
        %ge3A_458 = vector.broadcast %select_n3A_433 : i32 to vector<16xi32>
        %ge3A_459 = arith.cmpi sge, %iota3A, %ge3A_458 : vector<16xi32>
        %mul3A_460 = arith.mulf %sub3A_456, %sub3A_456 : vector<16xf32>
        %jit3A_461 = arith.constant 0.000000e+00 : f32
        %broadcast_in_dim3A_462 = vector.broadcast %jit3A_461 : f32 to vector<16xf32>
        %select_n3A_463 = arith.select %ge3A_459, %mul3A_460, %broadcast_in_dim3A_462 : vector<16xi1>, vector<16xf32>
        %add3A_464 = arith.constant 16 : i32
        %add3A_465 = vector.broadcast %add3A_464 : i32 to vector<16xi32>
        %add3A_466 = arith.addi %iota3A, %add3A_465 : vector<16xi32>
        %ge3A_467 = vector.broadcast %select_n3A_433 : i32 to vector<16xi32>
        %ge3A_468 = arith.cmpi sge, %add3A_466, %ge3A_467 : vector<16xi32>
        %mul3A_469 = arith.mulf %sub3A_457, %sub3A_457 : vector<16xf32>
        %jit3A_470 = arith.constant 0.000000e+00 : f32
        %broadcast_in_dim3A_471 = vector.broadcast %jit3A_470 : f32 to vector<16xf32>
        %select_n3A_472 = arith.select %ge3A_468, %mul3A_469, %broadcast_in_dim3A_471 : vector<16xi1>, vector<16xf32>
        %add3A_473 = arith.addf %add3A_349, %select_n3A_463 : vector<16xf32>
        %add3A_474 = arith.addf %add3A_350, %select_n3A_472 : vector<16xf32>
        %mul3A_475 = arith.constant 16 : i32
        %mul3A_476 = arith.muli %scan3A_123, %mul3A_475 : i32
        %add3A_477 = arith.constant 5 : i32
        %add3A_478 = arith.addi %mul3A_476, %add3A_477 : i32
        %slice3A_479 = vector.extract_strided_slice %get3A_162 {offsets = [5], sizes = [1], strides = [1]} : vector<16xi32> to vector<1xi32>
        %squeeze3A_480 = vector.extract %slice3A_479[0] : i32 from vector<1xi32>
        %shift_right_logical3A_481 = arith.constant 7 : i32
        %shift_right_logical3A_482 = arith.shrui %squeeze3A_480, %shift_right_logical3A_481 : i32
        %shift_right_logical3A_483 = arith.constant 5 : i32
        %shift_right_logical3A_484 = arith.shrui %squeeze3A_480, %shift_right_logical3A_483 : i32
        %and3A_485 = arith.constant 3 : i32
        %and3A_486 = arith.andi %shift_right_logical3A_484, %and3A_485 : i32
        %mul3A_487 = arith.constant 32 : i32
        %mul3A_488 = arith.muli %and3A_486, %mul3A_487 : i32
        %add3A_489 = arith.constant 5 : i32
        %add3A_490 = arith.addi %mul3A_132, %add3A_489 : i32
        %gt3A_491 = arith.cmpi sgt, %add3A_490, %add3A_129 : i32
        %and3A_492 = arith.constant 31 : i32
        %and3A_493 = arith.andi %squeeze3A_480, %and3A_492 : i32
        %jit3A_494 = arith.constant 64 : i32
        %select_n3A_495 = arith.select %gt3A_491, %and3A_493, %jit3A_494 : i32
        %add3A_496 = arith.addi %mul3A_170, %shift_right_logical3A_482 : i32
        %get3A_497 = arith.index_cast %add3A_496 : i32 to index
        %get3A_498 = arith.index_cast %mul3A_488 : i32 to index
        %get3A_499 = tpu.vector_load %arg7[%get3A_497, %get3A_498] {strides = array<i32>} : memref<64x128xf32, #tpu.memory_space<vmem>>, vector<1x16xf32>,
        %get3A_500 = vector.shape_cast %get3A_499 : vector<1x16xf32> to vector<16xf32>
        %get3A_501 = arith.index_cast %add3A_478 : i32 to index
        %get3A_502 = arith.index_cast %mul3A_488 : i32 to index
        %get3A_503 = tpu.vector_load %arg8[%get3A_501, %get3A_502] {strides = array<i32>} : memref<128x128xf32, #tpu.memory_space<vmem>>, vector<1x16xf32>,
        %get3A_504 = vector.shape_cast %get3A_503 : vector<1x16xf32> to vector<16xf32>
        %add3A_505 = arith.addi %mul3A_170, %shift_right_logical3A_482 : i32
        %add3A_506 = arith.constant 16 : i32
        %add3A_507 = arith.addi %mul3A_488, %add3A_506 : i32
        %get3A_508 = arith.index_cast %add3A_505 : i32 to index
        %get3A_509 = arith.index_cast %add3A_507 : i32 to index
        %get3A_510 = tpu.vector_load %arg7[%get3A_508, %get3A_509] {strides = array<i32>} : memref<64x128xf32, #tpu.memory_space<vmem>>, vector<1x16xf32>,
        %get3A_511 = vector.shape_cast %get3A_510 : vector<1x16xf32> to vector<16xf32>
        %add3A_512 = arith.constant 16 : i32
        %add3A_513 = arith.addi %mul3A_488, %add3A_512 : i32
        %get3A_514 = arith.index_cast %add3A_478 : i32 to index
        %get3A_515 = arith.index_cast %add3A_513 : i32 to index
        %get3A_516 = tpu.vector_load %arg8[%get3A_514, %get3A_515] {strides = array<i32>} : memref<128x128xf32, #tpu.memory_space<vmem>>, vector<1x16xf32>,
        %get3A_517 = vector.shape_cast %get3A_516 : vector<1x16xf32> to vector<16xf32>
        %sub3A_518 = arith.subf %get3A_500, %get3A_504 : vector<16xf32>
        %sub3A_519 = arith.subf %get3A_511, %get3A_517 : vector<16xf32>
        %ge3A_520 = vector.broadcast %select_n3A_495 : i32 to vector<16xi32>
        %ge3A_521 = arith.cmpi sge, %iota3A, %ge3A_520 : vector<16xi32>
        %mul3A_522 = arith.mulf %sub3A_518, %sub3A_518 : vector<16xf32>
        %jit3A_523 = arith.constant 0.000000e+00 : f32
        %broadcast_in_dim3A_524 = vector.broadcast %jit3A_523 : f32 to vector<16xf32>
        %select_n3A_525 = arith.select %ge3A_521, %mul3A_522, %broadcast_in_dim3A_524 : vector<16xi1>, vector<16xf32>
        %add3A_526 = arith.constant 16 : i32
        %add3A_527 = vector.broadcast %add3A_526 : i32 to vector<16xi32>
        %add3A_528 = arith.addi %iota3A, %add3A_527 : vector<16xi32>
        %ge3A_529 = vector.broadcast %select_n3A_495 : i32 to vector<16xi32>
        %ge3A_530 = arith.cmpi sge, %add3A_528, %ge3A_529 : vector<16xi32>
        %mul3A_531 = arith.mulf %sub3A_519, %sub3A_519 : vector<16xf32>
        %jit3A_532 = arith.constant 0.000000e+00 : f32
        %broadcast_in_dim3A_533 = vector.broadcast %jit3A_532 : f32 to vector<16xf32>
        %select_n3A_534 = arith.select %ge3A_530, %mul3A_531, %broadcast_in_dim3A_533 : vector<16xi1>, vector<16xf32>
        %add3A_535 = arith.addf %add3A_411, %select_n3A_525 : vector<16xf32>
        %add3A_536 = arith.addf %add3A_412, %select_n3A_534 : vector<16xf32>
        %mul3A_537 = arith.constant 16 : i32
        %mul3A_538 = arith.muli %scan3A_123, %mul3A_537 : i32
        %add3A_539 = arith.constant 6 : i32
        %add3A_540 = arith.addi %mul3A_538, %add3A_539 : i32
        %slice3A_541 = vector.extract_strided_slice %get3A_162 {offsets = [6], sizes = [1], strides = [1]} : vector<16xi32> to vector<1xi32>
        %squeeze3A_542 = vector.extract %slice3A_541[0] : i32 from vector<1xi32>
        %shift_right_logical3A_543 = arith.constant 7 : i32
        %shift_right_logical3A_544 = arith.shrui %squeeze3A_542, %shift_right_logical3A_543 : i32
        %shift_right_logical3A_545 = arith.constant 5 : i32
        %shift_right_logical3A_546 = arith.shrui %squeeze3A_542, %shift_right_logical3A_545 : i32
        %and3A_547 = arith.constant 3 : i32
        %and3A_548 = arith.andi %shift_right_logical3A_546, %and3A_547 : i32
        %mul3A_549 = arith.constant 32 : i32
        %mul3A_550 = arith.muli %and3A_548, %mul3A_549 : i32
        %add3A_551 = arith.constant 6 : i32
        %add3A_552 = arith.addi %mul3A_132, %add3A_551 : i32
        %gt3A_553 = arith.cmpi sgt, %add3A_552, %add3A_129 : i32
        %and3A_554 = arith.constant 31 : i32
        %and3A_555 = arith.andi %squeeze3A_542, %and3A_554 : i32
        %jit3A_556 = arith.constant 64 : i32
        %select_n3A_557 = arith.select %gt3A_553, %and3A_555, %jit3A_556 : i32
        %add3A_558 = arith.addi %mul3A_170, %shift_right_logical3A_544 : i32
        %get3A_559 = arith.index_cast %add3A_558 : i32 to index
        %get3A_560 = arith.index_cast %mul3A_550 : i32 to index
        %get3A_561 = tpu.vector_load %arg7[%get3A_559, %get3A_560] {strides = array<i32>} : memref<64x128xf32, #tpu.memory_space<vmem>>, vector<1x16xf32>,
        %get3A_562 = vector.shape_cast %get3A_561 : vector<1x16xf32> to vector<16xf32>
        %get3A_563 = arith.index_cast %add3A_540 : i32 to index
        %get3A_564 = arith.index_cast %mul3A_550 : i32 to index
        %get3A_565 = tpu.vector_load %arg8[%get3A_563, %get3A_564] {strides = array<i32>} : memref<128x128xf32, #tpu.memory_space<vmem>>, vector<1x16xf32>,
        %get3A_566 = vector.shape_cast %get3A_565 : vector<1x16xf32> to vector<16xf32>
        %add3A_567 = arith.addi %mul3A_170, %shift_right_logical3A_544 : i32
        %add3A_568 = arith.constant 16 : i32
        %add3A_569 = arith.addi %mul3A_550, %add3A_568 : i32
        %get3A_570 = arith.index_cast %add3A_567 : i32 to index
        %get3A_571 = arith.index_cast %add3A_569 : i32 to index
        %get3A_572 = tpu.vector_load %arg7[%get3A_570, %get3A_571] {strides = array<i32>} : memref<64x128xf32, #tpu.memory_space<vmem>>, vector<1x16xf32>,
        %get3A_573 = vector.shape_cast %get3A_572 : vector<1x16xf32> to vector<16xf32>
        %add3A_574 = arith.constant 16 : i32
        %add3A_575 = arith.addi %mul3A_550, %add3A_574 : i32
        %get3A_576 = arith.index_cast %add3A_540 : i32 to index
        %get3A_577 = arith.index_cast %add3A_575 : i32 to index
        %get3A_578 = tpu.vector_load %arg8[%get3A_576, %get3A_577] {strides = array<i32>} : memref<128x128xf32, #tpu.memory_space<vmem>>, vector<1x16xf32>,
        %get3A_579 = vector.shape_cast %get3A_578 : vector<1x16xf32> to vector<16xf32>
        %sub3A_580 = arith.subf %get3A_562, %get3A_566 : vector<16xf32>
        %sub3A_581 = arith.subf %get3A_573, %get3A_579 : vector<16xf32>
        %ge3A_582 = vector.broadcast %select_n3A_557 : i32 to vector<16xi32>
        %ge3A_583 = arith.cmpi sge, %iota3A, %ge3A_582 : vector<16xi32>
        %mul3A_584 = arith.mulf %sub3A_580, %sub3A_580 : vector<16xf32>
        %jit3A_585 = arith.constant 0.000000e+00 : f32
        %broadcast_in_dim3A_586 = vector.broadcast %jit3A_585 : f32 to vector<16xf32>
        %select_n3A_587 = arith.select %ge3A_583, %mul3A_584, %broadcast_in_dim3A_586 : vector<16xi1>, vector<16xf32>
        %add3A_588 = arith.constant 16 : i32
        %add3A_589 = vector.broadcast %add3A_588 : i32 to vector<16xi32>
        %add3A_590 = arith.addi %iota3A, %add3A_589 : vector<16xi32>
        %ge3A_591 = vector.broadcast %select_n3A_557 : i32 to vector<16xi32>
        %ge3A_592 = arith.cmpi sge, %add3A_590, %ge3A_591 : vector<16xi32>
        %mul3A_593 = arith.mulf %sub3A_581, %sub3A_581 : vector<16xf32>
        %jit3A_594 = arith.constant 0.000000e+00 : f32
        %broadcast_in_dim3A_595 = vector.broadcast %jit3A_594 : f32 to vector<16xf32>
        %select_n3A_596 = arith.select %ge3A_592, %mul3A_593, %broadcast_in_dim3A_595 : vector<16xi1>, vector<16xf32>
        %add3A_597 = arith.addf %add3A_473, %select_n3A_587 : vector<16xf32>
        %add3A_598 = arith.addf %add3A_474, %select_n3A_596 : vector<16xf32>
        %mul3A_599 = arith.constant 16 : i32
        %mul3A_600 = arith.muli %scan3A_123, %mul3A_599 : i32
        %add3A_601 = arith.constant 7 : i32
        %add3A_602 = arith.addi %mul3A_600, %add3A_601 : i32
        %slice3A_603 = vector.extract_strided_slice %get3A_162 {offsets = [7], sizes = [1], strides = [1]} : vector<16xi32> to vector<1xi32>
        %squeeze3A_604 = vector.extract %slice3A_603[0] : i32 from vector<1xi32>
        %shift_right_logical3A_605 = arith.constant 7 : i32
        %shift_right_logical3A_606 = arith.shrui %squeeze3A_604, %shift_right_logical3A_605 : i32
        %shift_right_logical3A_607 = arith.constant 5 : i32
        %shift_right_logical3A_608 = arith.shrui %squeeze3A_604, %shift_right_logical3A_607 : i32
        %and3A_609 = arith.constant 3 : i32
        %and3A_610 = arith.andi %shift_right_logical3A_608, %and3A_609 : i32
        %mul3A_611 = arith.constant 32 : i32
        %mul3A_612 = arith.muli %and3A_610, %mul3A_611 : i32
        %add3A_613 = arith.constant 7 : i32
        %add3A_614 = arith.addi %mul3A_132, %add3A_613 : i32
        %gt3A_615 = arith.cmpi sgt, %add3A_614, %add3A_129 : i32
        %and3A_616 = arith.constant 31 : i32
        %and3A_617 = arith.andi %squeeze3A_604, %and3A_616 : i32
        %jit3A_618 = arith.constant 64 : i32
        %select_n3A_619 = arith.select %gt3A_615, %and3A_617, %jit3A_618 : i32
        %add3A_620 = arith.addi %mul3A_170, %shift_right_logical3A_606 : i32
        %get3A_621 = arith.index_cast %add3A_620 : i32 to index
        %get3A_622 = arith.index_cast %mul3A_612 : i32 to index
        %get3A_623 = tpu.vector_load %arg7[%get3A_621, %get3A_622] {strides = array<i32>} : memref<64x128xf32, #tpu.memory_space<vmem>>, vector<1x16xf32>,
        %get3A_624 = vector.shape_cast %get3A_623 : vector<1x16xf32> to vector<16xf32>
        %get3A_625 = arith.index_cast %add3A_602 : i32 to index
        %get3A_626 = arith.index_cast %mul3A_612 : i32 to index
        %get3A_627 = tpu.vector_load %arg8[%get3A_625, %get3A_626] {strides = array<i32>} : memref<128x128xf32, #tpu.memory_space<vmem>>, vector<1x16xf32>,
        %get3A_628 = vector.shape_cast %get3A_627 : vector<1x16xf32> to vector<16xf32>
        %add3A_629 = arith.addi %mul3A_170, %shift_right_logical3A_606 : i32
        %add3A_630 = arith.constant 16 : i32
        %add3A_631 = arith.addi %mul3A_612, %add3A_630 : i32
        %get3A_632 = arith.index_cast %add3A_629 : i32 to index
        %get3A_633 = arith.index_cast %add3A_631 : i32 to index
        %get3A_634 = tpu.vector_load %arg7[%get3A_632, %get3A_633] {strides = array<i32>} : memref<64x128xf32, #tpu.memory_space<vmem>>, vector<1x16xf32>,
        %get3A_635 = vector.shape_cast %get3A_634 : vector<1x16xf32> to vector<16xf32>
        %add3A_636 = arith.constant 16 : i32
        %add3A_637 = arith.addi %mul3A_612, %add3A_636 : i32
        %get3A_638 = arith.index_cast %add3A_602 : i32 to index
        %get3A_639 = arith.index_cast %add3A_637 : i32 to index
        %get3A_640 = tpu.vector_load %arg8[%get3A_638, %get3A_639] {strides = array<i32>} : memref<128x128xf32, #tpu.memory_space<vmem>>, vector<1x16xf32>,
        %get3A_641 = vector.shape_cast %get3A_640 : vector<1x16xf32> to vector<16xf32>
        %sub3A_642 = arith.subf %get3A_624, %get3A_628 : vector<16xf32>
        %sub3A_643 = arith.subf %get3A_635, %get3A_641 : vector<16xf32>
        %ge3A_644 = vector.broadcast %select_n3A_619 : i32 to vector<16xi32>
        %ge3A_645 = arith.cmpi sge, %iota3A, %ge3A_644 : vector<16xi32>
        %mul3A_646 = arith.mulf %sub3A_642, %sub3A_642 : vector<16xf32>
        %jit3A_647 = arith.constant 0.000000e+00 : f32
        %broadcast_in_dim3A_648 = vector.broadcast %jit3A_647 : f32 to vector<16xf32>
        %select_n3A_649 = arith.select %ge3A_645, %mul3A_646, %broadcast_in_dim3A_648 : vector<16xi1>, vector<16xf32>
        %add3A_650 = arith.constant 16 : i32
        %add3A_651 = vector.broadcast %add3A_650 : i32 to vector<16xi32>
        %add3A_652 = arith.addi %iota3A, %add3A_651 : vector<16xi32>
        %ge3A_653 = vector.broadcast %select_n3A_619 : i32 to vector<16xi32>
        %ge3A_654 = arith.cmpi sge, %add3A_652, %ge3A_653 : vector<16xi32>
        %mul3A_655 = arith.mulf %sub3A_643, %sub3A_643 : vector<16xf32>
        %jit3A_656 = arith.constant 0.000000e+00 : f32
        %broadcast_in_dim3A_657 = vector.broadcast %jit3A_656 : f32 to vector<16xf32>
        %select_n3A_658 = arith.select %ge3A_654, %mul3A_655, %broadcast_in_dim3A_657 : vector<16xi1>, vector<16xf32>
        %add3A_659 = arith.addf %add3A_535, %select_n3A_649 : vector<16xf32>
        %add3A_660 = arith.addf %add3A_536, %select_n3A_658 : vector<16xf32>
        %mul3A_661 = arith.constant 16 : i32
        %mul3A_662 = arith.muli %scan3A_123, %mul3A_661 : i32
        %add3A_663 = arith.constant 8 : i32
        %add3A_664 = arith.addi %mul3A_662, %add3A_663 : i32
        %slice3A_665 = vector.extract_strided_slice %get3A_162 {offsets = [8], sizes = [1], strides = [1]} : vector<16xi32> to vector<1xi32>
        %squeeze3A_666 = vector.extract %slice3A_665[0] : i32 from vector<1xi32>
        %shift_right_logical3A_667 = arith.constant 7 : i32
        %shift_right_logical3A_668 = arith.shrui %squeeze3A_666, %shift_right_logical3A_667 : i32
        %shift_right_logical3A_669 = arith.constant 5 : i32
        %shift_right_logical3A_670 = arith.shrui %squeeze3A_666, %shift_right_logical3A_669 : i32
        %and3A_671 = arith.constant 3 : i32
        %and3A_672 = arith.andi %shift_right_logical3A_670, %and3A_671 : i32
        %mul3A_673 = arith.constant 32 : i32
        %mul3A_674 = arith.muli %and3A_672, %mul3A_673 : i32
        %add3A_675 = arith.constant 8 : i32
        %add3A_676 = arith.addi %mul3A_132, %add3A_675 : i32
        %gt3A_677 = arith.cmpi sgt, %add3A_676, %add3A_129 : i32
        %and3A_678 = arith.constant 31 : i32
        %and3A_679 = arith.andi %squeeze3A_666, %and3A_678 : i32
        %jit3A_680 = arith.constant 64 : i32
        %select_n3A_681 = arith.select %gt3A_677, %and3A_679, %jit3A_680 : i32
        %add3A_682 = arith.addi %mul3A_170, %shift_right_logical3A_668 : i32
        %get3A_683 = arith.index_cast %add3A_682 : i32 to index
        %get3A_684 = arith.index_cast %mul3A_674 : i32 to index
        %get3A_685 = tpu.vector_load %arg7[%get3A_683, %get3A_684] {strides = array<i32>} : memref<64x128xf32, #tpu.memory_space<vmem>>, vector<1x16xf32>,
        %get3A_686 = vector.shape_cast %get3A_685 : vector<1x16xf32> to vector<16xf32>
        %get3A_687 = arith.index_cast %add3A_664 : i32 to index
        %get3A_688 = arith.index_cast %mul3A_674 : i32 to index
        %get3A_689 = tpu.vector_load %arg8[%get3A_687, %get3A_688] {strides = array<i32>} : memref<128x128xf32, #tpu.memory_space<vmem>>, vector<1x16xf32>,
        %get3A_690 = vector.shape_cast %get3A_689 : vector<1x16xf32> to vector<16xf32>
        %add3A_691 = arith.addi %mul3A_170, %shift_right_logical3A_668 : i32
        %add3A_692 = arith.constant 16 : i32
        %add3A_693 = arith.addi %mul3A_674, %add3A_692 : i32
        %get3A_694 = arith.index_cast %add3A_691 : i32 to index
        %get3A_695 = arith.index_cast %add3A_693 : i32 to index
        %get3A_696 = tpu.vector_load %arg7[%get3A_694, %get3A_695] {strides = array<i32>} : memref<64x128xf32, #tpu.memory_space<vmem>>, vector<1x16xf32>,
        %get3A_697 = vector.shape_cast %get3A_696 : vector<1x16xf32> to vector<16xf32>
        %add3A_698 = arith.constant 16 : i32
        %add3A_699 = arith.addi %mul3A_674, %add3A_698 : i32
        %get3A_700 = arith.index_cast %add3A_664 : i32 to index
        %get3A_701 = arith.index_cast %add3A_699 : i32 to index
        %get3A_702 = tpu.vector_load %arg8[%get3A_700, %get3A_701] {strides = array<i32>} : memref<128x128xf32, #tpu.memory_space<vmem>>, vector<1x16xf32>,
        %get3A_703 = vector.shape_cast %get3A_702 : vector<1x16xf32> to vector<16xf32>
        %sub3A_704 = arith.subf %get3A_686, %get3A_690 : vector<16xf32>
        %sub3A_705 = arith.subf %get3A_697, %get3A_703 : vector<16xf32>
        %ge3A_706 = vector.broadcast %select_n3A_681 : i32 to vector<16xi32>
        %ge3A_707 = arith.cmpi sge, %iota3A, %ge3A_706 : vector<16xi32>
        %mul3A_708 = arith.mulf %sub3A_704, %sub3A_704 : vector<16xf32>
        %jit3A_709 = arith.constant 0.000000e+00 : f32
        %broadcast_in_dim3A_710 = vector.broadcast %jit3A_709 : f32 to vector<16xf32>
        %select_n3A_711 = arith.select %ge3A_707, %mul3A_708, %broadcast_in_dim3A_710 : vector<16xi1>, vector<16xf32>
        %add3A_712 = arith.constant 16 : i32
        %add3A_713 = vector.broadcast %add3A_712 : i32 to vector<16xi32>
        %add3A_714 = arith.addi %iota3A, %add3A_713 : vector<16xi32>
        %ge3A_715 = vector.broadcast %select_n3A_681 : i32 to vector<16xi32>
        %ge3A_716 = arith.cmpi sge, %add3A_714, %ge3A_715 : vector<16xi32>
        %mul3A_717 = arith.mulf %sub3A_705, %sub3A_705 : vector<16xf32>
        %jit3A_718 = arith.constant 0.000000e+00 : f32
        %broadcast_in_dim3A_719 = vector.broadcast %jit3A_718 : f32 to vector<16xf32>
        %select_n3A_720 = arith.select %ge3A_716, %mul3A_717, %broadcast_in_dim3A_719 : vector<16xi1>, vector<16xf32>
        %add3A_721 = arith.addf %add3A_597, %select_n3A_711 : vector<16xf32>
        %add3A_722 = arith.addf %add3A_598, %select_n3A_720 : vector<16xf32>
        %mul3A_723 = arith.constant 16 : i32
        %mul3A_724 = arith.muli %scan3A_123, %mul3A_723 : i32
        %add3A_725 = arith.constant 9 : i32
        %add3A_726 = arith.addi %mul3A_724, %add3A_725 : i32
        %slice3A_727 = vector.extract_strided_slice %get3A_162 {offsets = [9], sizes = [1], strides = [1]} : vector<16xi32> to vector<1xi32>
        %squeeze3A_728 = vector.extract %slice3A_727[0] : i32 from vector<1xi32>
        %shift_right_logical3A_729 = arith.constant 7 : i32
        %shift_right_logical3A_730 = arith.shrui %squeeze3A_728, %shift_right_logical3A_729 : i32
        %shift_right_logical3A_731 = arith.constant 5 : i32
        %shift_right_logical3A_732 = arith.shrui %squeeze3A_728, %shift_right_logical3A_731 : i32
        %and3A_733 = arith.constant 3 : i32
        %and3A_734 = arith.andi %shift_right_logical3A_732, %and3A_733 : i32
        %mul3A_735 = arith.constant 32 : i32
        %mul3A_736 = arith.muli %and3A_734, %mul3A_735 : i32
        %add3A_737 = arith.constant 9 : i32
        %add3A_738 = arith.addi %mul3A_132, %add3A_737 : i32
        %gt3A_739 = arith.cmpi sgt, %add3A_738, %add3A_129 : i32
        %and3A_740 = arith.constant 31 : i32
        %and3A_741 = arith.andi %squeeze3A_728, %and3A_740 : i32
        %jit3A_742 = arith.constant 64 : i32
        %select_n3A_743 = arith.select %gt3A_739, %and3A_741, %jit3A_742 : i32
        %add3A_744 = arith.addi %mul3A_170, %shift_right_logical3A_730 : i32
        %get3A_745 = arith.index_cast %add3A_744 : i32 to index
        %get3A_746 = arith.index_cast %mul3A_736 : i32 to index
        %get3A_747 = tpu.vector_load %arg7[%get3A_745, %get3A_746] {strides = array<i32>} : memref<64x128xf32, #tpu.memory_space<vmem>>, vector<1x16xf32>,
        %get3A_748 = vector.shape_cast %get3A_747 : vector<1x16xf32> to vector<16xf32>
        %get3A_749 = arith.index_cast %add3A_726 : i32 to index
        %get3A_750 = arith.index_cast %mul3A_736 : i32 to index
        %get3A_751 = tpu.vector_load %arg8[%get3A_749, %get3A_750] {strides = array<i32>} : memref<128x128xf32, #tpu.memory_space<vmem>>, vector<1x16xf32>,
        %get3A_752 = vector.shape_cast %get3A_751 : vector<1x16xf32> to vector<16xf32>
        %add3A_753 = arith.addi %mul3A_170, %shift_right_logical3A_730 : i32
        %add3A_754 = arith.constant 16 : i32
        %add3A_755 = arith.addi %mul3A_736, %add3A_754 : i32
        %get3A_756 = arith.index_cast %add3A_753 : i32 to index
        %get3A_757 = arith.index_cast %add3A_755 : i32 to index
        %get3A_758 = tpu.vector_load %arg7[%get3A_756, %get3A_757] {strides = array<i32>} : memref<64x128xf32, #tpu.memory_space<vmem>>, vector<1x16xf32>,
        %get3A_759 = vector.shape_cast %get3A_758 : vector<1x16xf32> to vector<16xf32>
        %add3A_760 = arith.constant 16 : i32
        %add3A_761 = arith.addi %mul3A_736, %add3A_760 : i32
        %get3A_762 = arith.index_cast %add3A_726 : i32 to index
        %get3A_763 = arith.index_cast %add3A_761 : i32 to index
        %get3A_764 = tpu.vector_load %arg8[%get3A_762, %get3A_763] {strides = array<i32>} : memref<128x128xf32, #tpu.memory_space<vmem>>, vector<1x16xf32>,
        %get3A_765 = vector.shape_cast %get3A_764 : vector<1x16xf32> to vector<16xf32>
        %sub3A_766 = arith.subf %get3A_748, %get3A_752 : vector<16xf32>
        %sub3A_767 = arith.subf %get3A_759, %get3A_765 : vector<16xf32>
        %ge3A_768 = vector.broadcast %select_n3A_743 : i32 to vector<16xi32>
        %ge3A_769 = arith.cmpi sge, %iota3A, %ge3A_768 : vector<16xi32>
        %mul3A_770 = arith.mulf %sub3A_766, %sub3A_766 : vector<16xf32>
        %jit3A_771 = arith.constant 0.000000e+00 : f32
        %broadcast_in_dim3A_772 = vector.broadcast %jit3A_771 : f32 to vector<16xf32>
        %select_n3A_773 = arith.select %ge3A_769, %mul3A_770, %broadcast_in_dim3A_772 : vector<16xi1>, vector<16xf32>
        %add3A_774 = arith.constant 16 : i32
        %add3A_775 = vector.broadcast %add3A_774 : i32 to vector<16xi32>
        %add3A_776 = arith.addi %iota3A, %add3A_775 : vector<16xi32>
        %ge3A_777 = vector.broadcast %select_n3A_743 : i32 to vector<16xi32>
        %ge3A_778 = arith.cmpi sge, %add3A_776, %ge3A_777 : vector<16xi32>
        %mul3A_779 = arith.mulf %sub3A_767, %sub3A_767 : vector<16xf32>
        %jit3A_780 = arith.constant 0.000000e+00 : f32
        %broadcast_in_dim3A_781 = vector.broadcast %jit3A_780 : f32 to vector<16xf32>
        %select_n3A_782 = arith.select %ge3A_778, %mul3A_779, %broadcast_in_dim3A_781 : vector<16xi1>, vector<16xf32>
        %add3A_783 = arith.addf %add3A_659, %select_n3A_773 : vector<16xf32>
        %add3A_784 = arith.addf %add3A_660, %select_n3A_782 : vector<16xf32>
        %mul3A_785 = arith.constant 16 : i32
        %mul3A_786 = arith.muli %scan3A_123, %mul3A_785 : i32
        %add3A_787 = arith.constant 10 : i32
        %add3A_788 = arith.addi %mul3A_786, %add3A_787 : i32
        %slice3A_789 = vector.extract_strided_slice %get3A_162 {offsets = [10], sizes = [1], strides = [1]} : vector<16xi32> to vector<1xi32>
        %squeeze3A_790 = vector.extract %slice3A_789[0] : i32 from vector<1xi32>
        %shift_right_logical3A_791 = arith.constant 7 : i32
        %shift_right_logical3A_792 = arith.shrui %squeeze3A_790, %shift_right_logical3A_791 : i32
        %shift_right_logical3A_793 = arith.constant 5 : i32
        %shift_right_logical3A_794 = arith.shrui %squeeze3A_790, %shift_right_logical3A_793 : i32
        %and3A_795 = arith.constant 3 : i32
        %and3A_796 = arith.andi %shift_right_logical3A_794, %and3A_795 : i32
        %mul3A_797 = arith.constant 32 : i32
        %mul3A_798 = arith.muli %and3A_796, %mul3A_797 : i32
        %add3A_799 = arith.constant 10 : i32
        %add3A_800 = arith.addi %mul3A_132, %add3A_799 : i32
        %gt3A_801 = arith.cmpi sgt, %add3A_800, %add3A_129 : i32
        %and3A_802 = arith.constant 31 : i32
        %and3A_803 = arith.andi %squeeze3A_790, %and3A_802 : i32
        %jit3A_804 = arith.constant 64 : i32
        %select_n3A_805 = arith.select %gt3A_801, %and3A_803, %jit3A_804 : i32
        %add3A_806 = arith.addi %mul3A_170, %shift_right_logical3A_792 : i32
        %get3A_807 = arith.index_cast %add3A_806 : i32 to index
        %get3A_808 = arith.index_cast %mul3A_798 : i32 to index
        %get3A_809 = tpu.vector_load %arg7[%get3A_807, %get3A_808] {strides = array<i32>} : memref<64x128xf32, #tpu.memory_space<vmem>>, vector<1x16xf32>,
        %get3A_810 = vector.shape_cast %get3A_809 : vector<1x16xf32> to vector<16xf32>
        %get3A_811 = arith.index_cast %add3A_788 : i32 to index
        %get3A_812 = arith.index_cast %mul3A_798 : i32 to index
        %get3A_813 = tpu.vector_load %arg8[%get3A_811, %get3A_812] {strides = array<i32>} : memref<128x128xf32, #tpu.memory_space<vmem>>, vector<1x16xf32>,
        %get3A_814 = vector.shape_cast %get3A_813 : vector<1x16xf32> to vector<16xf32>
        %add3A_815 = arith.addi %mul3A_170, %shift_right_logical3A_792 : i32
        %add3A_816 = arith.constant 16 : i32
        %add3A_817 = arith.addi %mul3A_798, %add3A_816 : i32
        %get3A_818 = arith.index_cast %add3A_815 : i32 to index
        %get3A_819 = arith.index_cast %add3A_817 : i32 to index
        %get3A_820 = tpu.vector_load %arg7[%get3A_818, %get3A_819] {strides = array<i32>} : memref<64x128xf32, #tpu.memory_space<vmem>>, vector<1x16xf32>,
        %get3A_821 = vector.shape_cast %get3A_820 : vector<1x16xf32> to vector<16xf32>
        %add3A_822 = arith.constant 16 : i32
        %add3A_823 = arith.addi %mul3A_798, %add3A_822 : i32
        %get3A_824 = arith.index_cast %add3A_788 : i32 to index
        %get3A_825 = arith.index_cast %add3A_823 : i32 to index
        %get3A_826 = tpu.vector_load %arg8[%get3A_824, %get3A_825] {strides = array<i32>} : memref<128x128xf32, #tpu.memory_space<vmem>>, vector<1x16xf32>,
        %get3A_827 = vector.shape_cast %get3A_826 : vector<1x16xf32> to vector<16xf32>
        %sub3A_828 = arith.subf %get3A_810, %get3A_814 : vector<16xf32>
        %sub3A_829 = arith.subf %get3A_821, %get3A_827 : vector<16xf32>
        %ge3A_830 = vector.broadcast %select_n3A_805 : i32 to vector<16xi32>
        %ge3A_831 = arith.cmpi sge, %iota3A, %ge3A_830 : vector<16xi32>
        %mul3A_832 = arith.mulf %sub3A_828, %sub3A_828 : vector<16xf32>
        %jit3A_833 = arith.constant 0.000000e+00 : f32
        %broadcast_in_dim3A_834 = vector.broadcast %jit3A_833 : f32 to vector<16xf32>
        %select_n3A_835 = arith.select %ge3A_831, %mul3A_832, %broadcast_in_dim3A_834 : vector<16xi1>, vector<16xf32>
        %add3A_836 = arith.constant 16 : i32
        %add3A_837 = vector.broadcast %add3A_836 : i32 to vector<16xi32>
        %add3A_838 = arith.addi %iota3A, %add3A_837 : vector<16xi32>
        %ge3A_839 = vector.broadcast %select_n3A_805 : i32 to vector<16xi32>
        %ge3A_840 = arith.cmpi sge, %add3A_838, %ge3A_839 : vector<16xi32>
        %mul3A_841 = arith.mulf %sub3A_829, %sub3A_829 : vector<16xf32>
        %jit3A_842 = arith.constant 0.000000e+00 : f32
        %broadcast_in_dim3A_843 = vector.broadcast %jit3A_842 : f32 to vector<16xf32>
        %select_n3A_844 = arith.select %ge3A_840, %mul3A_841, %broadcast_in_dim3A_843 : vector<16xi1>, vector<16xf32>
        %add3A_845 = arith.addf %add3A_721, %select_n3A_835 : vector<16xf32>
        %add3A_846 = arith.addf %add3A_722, %select_n3A_844 : vector<16xf32>
        %mul3A_847 = arith.constant 16 : i32
        %mul3A_848 = arith.muli %scan3A_123, %mul3A_847 : i32
        %add3A_849 = arith.constant 11 : i32
        %add3A_850 = arith.addi %mul3A_848, %add3A_849 : i32
        %slice3A_851 = vector.extract_strided_slice %get3A_162 {offsets = [11], sizes = [1], strides = [1]} : vector<16xi32> to vector<1xi32>
        %squeeze3A_852 = vector.extract %slice3A_851[0] : i32 from vector<1xi32>
        %shift_right_logical3A_853 = arith.constant 7 : i32
        %shift_right_logical3A_854 = arith.shrui %squeeze3A_852, %shift_right_logical3A_853 : i32
        %shift_right_logical3A_855 = arith.constant 5 : i32
        %shift_right_logical3A_856 = arith.shrui %squeeze3A_852, %shift_right_logical3A_855 : i32
        %and3A_857 = arith.constant 3 : i32
        %and3A_858 = arith.andi %shift_right_logical3A_856, %and3A_857 : i32
        %mul3A_859 = arith.constant 32 : i32
        %mul3A_860 = arith.muli %and3A_858, %mul3A_859 : i32
        %add3A_861 = arith.constant 11 : i32
        %add3A_862 = arith.addi %mul3A_132, %add3A_861 : i32
        %gt3A_863 = arith.cmpi sgt, %add3A_862, %add3A_129 : i32
        %and3A_864 = arith.constant 31 : i32
        %and3A_865 = arith.andi %squeeze3A_852, %and3A_864 : i32
        %jit3A_866 = arith.constant 64 : i32
        %select_n3A_867 = arith.select %gt3A_863, %and3A_865, %jit3A_866 : i32
        %add3A_868 = arith.addi %mul3A_170, %shift_right_logical3A_854 : i32
        %get3A_869 = arith.index_cast %add3A_868 : i32 to index
        %get3A_870 = arith.index_cast %mul3A_860 : i32 to index
        %get3A_871 = tpu.vector_load %arg7[%get3A_869, %get3A_870] {strides = array<i32>} : memref<64x128xf32, #tpu.memory_space<vmem>>, vector<1x16xf32>,
        %get3A_872 = vector.shape_cast %get3A_871 : vector<1x16xf32> to vector<16xf32>
        %get3A_873 = arith.index_cast %add3A_850 : i32 to index
        %get3A_874 = arith.index_cast %mul3A_860 : i32 to index
        %get3A_875 = tpu.vector_load %arg8[%get3A_873, %get3A_874] {strides = array<i32>} : memref<128x128xf32, #tpu.memory_space<vmem>>, vector<1x16xf32>,
        %get3A_876 = vector.shape_cast %get3A_875 : vector<1x16xf32> to vector<16xf32>
        %add3A_877 = arith.addi %mul3A_170, %shift_right_logical3A_854 : i32
        %add3A_878 = arith.constant 16 : i32
        %add3A_879 = arith.addi %mul3A_860, %add3A_878 : i32
        %get3A_880 = arith.index_cast %add3A_877 : i32 to index
        %get3A_881 = arith.index_cast %add3A_879 : i32 to index
        %get3A_882 = tpu.vector_load %arg7[%get3A_880, %get3A_881] {strides = array<i32>} : memref<64x128xf32, #tpu.memory_space<vmem>>, vector<1x16xf32>,
        %get3A_883 = vector.shape_cast %get3A_882 : vector<1x16xf32> to vector<16xf32>
        %add3A_884 = arith.constant 16 : i32
        %add3A_885 = arith.addi %mul3A_860, %add3A_884 : i32
        %get3A_886 = arith.index_cast %add3A_850 : i32 to index
        %get3A_887 = arith.index_cast %add3A_885 : i32 to index
        %get3A_888 = tpu.vector_load %arg8[%get3A_886, %get3A_887] {strides = array<i32>} : memref<128x128xf32, #tpu.memory_space<vmem>>, vector<1x16xf32>,
        %get3A_889 = vector.shape_cast %get3A_888 : vector<1x16xf32> to vector<16xf32>
        %sub3A_890 = arith.subf %get3A_872, %get3A_876 : vector<16xf32>
        %sub3A_891 = arith.subf %get3A_883, %get3A_889 : vector<16xf32>
        %ge3A_892 = vector.broadcast %select_n3A_867 : i32 to vector<16xi32>
        %ge3A_893 = arith.cmpi sge, %iota3A, %ge3A_892 : vector<16xi32>
        %mul3A_894 = arith.mulf %sub3A_890, %sub3A_890 : vector<16xf32>
        %jit3A_895 = arith.constant 0.000000e+00 : f32
        %broadcast_in_dim3A_896 = vector.broadcast %jit3A_895 : f32 to vector<16xf32>
        %select_n3A_897 = arith.select %ge3A_893, %mul3A_894, %broadcast_in_dim3A_896 : vector<16xi1>, vector<16xf32>
        %add3A_898 = arith.constant 16 : i32
        %add3A_899 = vector.broadcast %add3A_898 : i32 to vector<16xi32>
        %add3A_900 = arith.addi %iota3A, %add3A_899 : vector<16xi32>
        %ge3A_901 = vector.broadcast %select_n3A_867 : i32 to vector<16xi32>
        %ge3A_902 = arith.cmpi sge, %add3A_900, %ge3A_901 : vector<16xi32>
        %mul3A_903 = arith.mulf %sub3A_891, %sub3A_891 : vector<16xf32>
        %jit3A_904 = arith.constant 0.000000e+00 : f32
        %broadcast_in_dim3A_905 = vector.broadcast %jit3A_904 : f32 to vector<16xf32>
        %select_n3A_906 = arith.select %ge3A_902, %mul3A_903, %broadcast_in_dim3A_905 : vector<16xi1>, vector<16xf32>
        %add3A_907 = arith.addf %add3A_783, %select_n3A_897 : vector<16xf32>
        %add3A_908 = arith.addf %add3A_784, %select_n3A_906 : vector<16xf32>
        %mul3A_909 = arith.constant 16 : i32
        %mul3A_910 = arith.muli %scan3A_123, %mul3A_909 : i32
        %add3A_911 = arith.constant 12 : i32
        %add3A_912 = arith.addi %mul3A_910, %add3A_911 : i32
        %slice3A_913 = vector.extract_strided_slice %get3A_162 {offsets = [12], sizes = [1], strides = [1]} : vector<16xi32> to vector<1xi32>
        %squeeze3A_914 = vector.extract %slice3A_913[0] : i32 from vector<1xi32>
        %shift_right_logical3A_915 = arith.constant 7 : i32
        %shift_right_logical3A_916 = arith.shrui %squeeze3A_914, %shift_right_logical3A_915 : i32
        %shift_right_logical3A_917 = arith.constant 5 : i32
        %shift_right_logical3A_918 = arith.shrui %squeeze3A_914, %shift_right_logical3A_917 : i32
        %and3A_919 = arith.constant 3 : i32
        %and3A_920 = arith.andi %shift_right_logical3A_918, %and3A_919 : i32
        %mul3A_921 = arith.constant 32 : i32
        %mul3A_922 = arith.muli %and3A_920, %mul3A_921 : i32
        %add3A_923 = arith.constant 12 : i32
        %add3A_924 = arith.addi %mul3A_132, %add3A_923 : i32
        %gt3A_925 = arith.cmpi sgt, %add3A_924, %add3A_129 : i32
        %and3A_926 = arith.constant 31 : i32
        %and3A_927 = arith.andi %squeeze3A_914, %and3A_926 : i32
        %jit3A_928 = arith.constant 64 : i32
        %select_n3A_929 = arith.select %gt3A_925, %and3A_927, %jit3A_928 : i32
        %add3A_930 = arith.addi %mul3A_170, %shift_right_logical3A_916 : i32
        %get3A_931 = arith.index_cast %add3A_930 : i32 to index
        %get3A_932 = arith.index_cast %mul3A_922 : i32 to index
        %get3A_933 = tpu.vector_load %arg7[%get3A_931, %get3A_932] {strides = array<i32>} : memref<64x128xf32, #tpu.memory_space<vmem>>, vector<1x16xf32>,
        %get3A_934 = vector.shape_cast %get3A_933 : vector<1x16xf32> to vector<16xf32>
        %get3A_935 = arith.index_cast %add3A_912 : i32 to index
        %get3A_936 = arith.index_cast %mul3A_922 : i32 to index
        %get3A_937 = tpu.vector_load %arg8[%get3A_935, %get3A_936] {strides = array<i32>} : memref<128x128xf32, #tpu.memory_space<vmem>>, vector<1x16xf32>,
        %get3A_938 = vector.shape_cast %get3A_937 : vector<1x16xf32> to vector<16xf32>
        %add3A_939 = arith.addi %mul3A_170, %shift_right_logical3A_916 : i32
        %add3A_940 = arith.constant 16 : i32
        %add3A_941 = arith.addi %mul3A_922, %add3A_940 : i32
        %get3A_942 = arith.index_cast %add3A_939 : i32 to index
        %get3A_943 = arith.index_cast %add3A_941 : i32 to index
        %get3A_944 = tpu.vector_load %arg7[%get3A_942, %get3A_943] {strides = array<i32>} : memref<64x128xf32, #tpu.memory_space<vmem>>, vector<1x16xf32>,
        %get3A_945 = vector.shape_cast %get3A_944 : vector<1x16xf32> to vector<16xf32>
        %add3A_946 = arith.constant 16 : i32
        %add3A_947 = arith.addi %mul3A_922, %add3A_946 : i32
        %get3A_948 = arith.index_cast %add3A_912 : i32 to index
        %get3A_949 = arith.index_cast %add3A_947 : i32 to index
        %get3A_950 = tpu.vector_load %arg8[%get3A_948, %get3A_949] {strides = array<i32>} : memref<128x128xf32, #tpu.memory_space<vmem>>, vector<1x16xf32>,
        %get3A_951 = vector.shape_cast %get3A_950 : vector<1x16xf32> to vector<16xf32>
        %sub3A_952 = arith.subf %get3A_934, %get3A_938 : vector<16xf32>
        %sub3A_953 = arith.subf %get3A_945, %get3A_951 : vector<16xf32>
        %ge3A_954 = vector.broadcast %select_n3A_929 : i32 to vector<16xi32>
        %ge3A_955 = arith.cmpi sge, %iota3A, %ge3A_954 : vector<16xi32>
        %mul3A_956 = arith.mulf %sub3A_952, %sub3A_952 : vector<16xf32>
        %jit3A_957 = arith.constant 0.000000e+00 : f32
        %broadcast_in_dim3A_958 = vector.broadcast %jit3A_957 : f32 to vector<16xf32>
        %select_n3A_959 = arith.select %ge3A_955, %mul3A_956, %broadcast_in_dim3A_958 : vector<16xi1>, vector<16xf32>
        %add3A_960 = arith.constant 16 : i32
        %add3A_961 = vector.broadcast %add3A_960 : i32 to vector<16xi32>
        %add3A_962 = arith.addi %iota3A, %add3A_961 : vector<16xi32>
        %ge3A_963 = vector.broadcast %select_n3A_929 : i32 to vector<16xi32>
        %ge3A_964 = arith.cmpi sge, %add3A_962, %ge3A_963 : vector<16xi32>
        %mul3A_965 = arith.mulf %sub3A_953, %sub3A_953 : vector<16xf32>
        %jit3A_966 = arith.constant 0.000000e+00 : f32
        %broadcast_in_dim3A_967 = vector.broadcast %jit3A_966 : f32 to vector<16xf32>
        %select_n3A_968 = arith.select %ge3A_964, %mul3A_965, %broadcast_in_dim3A_967 : vector<16xi1>, vector<16xf32>
        %add3A_969 = arith.addf %add3A_845, %select_n3A_959 : vector<16xf32>
        %add3A_970 = arith.addf %add3A_846, %select_n3A_968 : vector<16xf32>
        %mul3A_971 = arith.constant 16 : i32
        %mul3A_972 = arith.muli %scan3A_123, %mul3A_971 : i32
        %add3A_973 = arith.constant 13 : i32
        %add3A_974 = arith.addi %mul3A_972, %add3A_973 : i32
        %slice3A_975 = vector.extract_strided_slice %get3A_162 {offsets = [13], sizes = [1], strides = [1]} : vector<16xi32> to vector<1xi32>
        %squeeze3A_976 = vector.extract %slice3A_975[0] : i32 from vector<1xi32>
        %shift_right_logical3A_977 = arith.constant 7 : i32
        %shift_right_logical3A_978 = arith.shrui %squeeze3A_976, %shift_right_logical3A_977 : i32
        %shift_right_logical3A_979 = arith.constant 5 : i32
        %shift_right_logical3A_980 = arith.shrui %squeeze3A_976, %shift_right_logical3A_979 : i32
        %and3A_981 = arith.constant 3 : i32
        %and3A_982 = arith.andi %shift_right_logical3A_980, %and3A_981 : i32
        %mul3A_983 = arith.constant 32 : i32
        %mul3A_984 = arith.muli %and3A_982, %mul3A_983 : i32
        %add3A_985 = arith.constant 13 : i32
        %add3A_986 = arith.addi %mul3A_132, %add3A_985 : i32
        %gt3A_987 = arith.cmpi sgt, %add3A_986, %add3A_129 : i32
        %and3A_988 = arith.constant 31 : i32
        %and3A_989 = arith.andi %squeeze3A_976, %and3A_988 : i32
        %jit3A_990 = arith.constant 64 : i32
        %select_n3A_991 = arith.select %gt3A_987, %and3A_989, %jit3A_990 : i32
        %add3A_992 = arith.addi %mul3A_170, %shift_right_logical3A_978 : i32
        %get3A_993 = arith.index_cast %add3A_992 : i32 to index
        %get3A_994 = arith.index_cast %mul3A_984 : i32 to index
        %get3A_995 = tpu.vector_load %arg7[%get3A_993, %get3A_994] {strides = array<i32>} : memref<64x128xf32, #tpu.memory_space<vmem>>, vector<1x16xf32>,
        %get3A_996 = vector.shape_cast %get3A_995 : vector<1x16xf32> to vector<16xf32>
        %get3A_997 = arith.index_cast %add3A_974 : i32 to index
        %get3A_998 = arith.index_cast %mul3A_984 : i32 to index
        %get3A_999 = tpu.vector_load %arg8[%get3A_997, %get3A_998] {strides = array<i32>} : memref<128x128xf32, #tpu.memory_space<vmem>>, vector<1x16xf32>,
        %get3A_1000 = vector.shape_cast %get3A_999 : vector<1x16xf32> to vector<16xf32>
        %add3A_1001 = arith.addi %mul3A_170, %shift_right_logical3A_978 : i32
        %add3A_1002 = arith.constant 16 : i32
        %add3A_1003 = arith.addi %mul3A_984, %add3A_1002 : i32
        %get3A_1004 = arith.index_cast %add3A_1001 : i32 to index
        %get3A_1005 = arith.index_cast %add3A_1003 : i32 to index
        %get3A_1006 = tpu.vector_load %arg7[%get3A_1004, %get3A_1005] {strides = array<i32>} : memref<64x128xf32, #tpu.memory_space<vmem>>, vector<1x16xf32>,
        %get3A_1007 = vector.shape_cast %get3A_1006 : vector<1x16xf32> to vector<16xf32>
        %add3A_1008 = arith.constant 16 : i32
        %add3A_1009 = arith.addi %mul3A_984, %add3A_1008 : i32
        %get3A_1010 = arith.index_cast %add3A_974 : i32 to index
        %get3A_1011 = arith.index_cast %add3A_1009 : i32 to index
        %get3A_1012 = tpu.vector_load %arg8[%get3A_1010, %get3A_1011] {strides = array<i32>} : memref<128x128xf32, #tpu.memory_space<vmem>>, vector<1x16xf32>,
        %get3A_1013 = vector.shape_cast %get3A_1012 : vector<1x16xf32> to vector<16xf32>
        %sub3A_1014 = arith.subf %get3A_996, %get3A_1000 : vector<16xf32>
        %sub3A_1015 = arith.subf %get3A_1007, %get3A_1013 : vector<16xf32>
        %ge3A_1016 = vector.broadcast %select_n3A_991 : i32 to vector<16xi32>
        %ge3A_1017 = arith.cmpi sge, %iota3A, %ge3A_1016 : vector<16xi32>
        %mul3A_1018 = arith.mulf %sub3A_1014, %sub3A_1014 : vector<16xf32>
        %jit3A_1019 = arith.constant 0.000000e+00 : f32
        %broadcast_in_dim3A_1020 = vector.broadcast %jit3A_1019 : f32 to vector<16xf32>
        %select_n3A_1021 = arith.select %ge3A_1017, %mul3A_1018, %broadcast_in_dim3A_1020 : vector<16xi1>, vector<16xf32>
        %add3A_1022 = arith.constant 16 : i32
        %add3A_1023 = vector.broadcast %add3A_1022 : i32 to vector<16xi32>
        %add3A_1024 = arith.addi %iota3A, %add3A_1023 : vector<16xi32>
        %ge3A_1025 = vector.broadcast %select_n3A_991 : i32 to vector<16xi32>
        %ge3A_1026 = arith.cmpi sge, %add3A_1024, %ge3A_1025 : vector<16xi32>
        %mul3A_1027 = arith.mulf %sub3A_1015, %sub3A_1015 : vector<16xf32>
        %jit3A_1028 = arith.constant 0.000000e+00 : f32
        %broadcast_in_dim3A_1029 = vector.broadcast %jit3A_1028 : f32 to vector<16xf32>
        %select_n3A_1030 = arith.select %ge3A_1026, %mul3A_1027, %broadcast_in_dim3A_1029 : vector<16xi1>, vector<16xf32>
        %add3A_1031 = arith.addf %add3A_907, %select_n3A_1021 : vector<16xf32>
        %add3A_1032 = arith.addf %add3A_908, %select_n3A_1030 : vector<16xf32>
        %mul3A_1033 = arith.constant 16 : i32
        %mul3A_1034 = arith.muli %scan3A_123, %mul3A_1033 : i32
        %add3A_1035 = arith.constant 14 : i32
        %add3A_1036 = arith.addi %mul3A_1034, %add3A_1035 : i32
        %slice3A_1037 = vector.extract_strided_slice %get3A_162 {offsets = [14], sizes = [1], strides = [1]} : vector<16xi32> to vector<1xi32>
        %squeeze3A_1038 = vector.extract %slice3A_1037[0] : i32 from vector<1xi32>
        %shift_right_logical3A_1039 = arith.constant 7 : i32
        %shift_right_logical3A_1040 = arith.shrui %squeeze3A_1038, %shift_right_logical3A_1039 : i32
        %shift_right_logical3A_1041 = arith.constant 5 : i32
        %shift_right_logical3A_1042 = arith.shrui %squeeze3A_1038, %shift_right_logical3A_1041 : i32
        %and3A_1043 = arith.constant 3 : i32
        %and3A_1044 = arith.andi %shift_right_logical3A_1042, %and3A_1043 : i32
        %mul3A_1045 = arith.constant 32 : i32
        %mul3A_1046 = arith.muli %and3A_1044, %mul3A_1045 : i32
        %add3A_1047 = arith.constant 14 : i32
        %add3A_1048 = arith.addi %mul3A_132, %add3A_1047 : i32
        %gt3A_1049 = arith.cmpi sgt, %add3A_1048, %add3A_129 : i32
        %and3A_1050 = arith.constant 31 : i32
        %and3A_1051 = arith.andi %squeeze3A_1038, %and3A_1050 : i32
        %jit3A_1052 = arith.constant 64 : i32
        %select_n3A_1053 = arith.select %gt3A_1049, %and3A_1051, %jit3A_1052 : i32
        %add3A_1054 = arith.addi %mul3A_170, %shift_right_logical3A_1040 : i32
        %get3A_1055 = arith.index_cast %add3A_1054 : i32 to index
        %get3A_1056 = arith.index_cast %mul3A_1046 : i32 to index
        %get3A_1057 = tpu.vector_load %arg7[%get3A_1055, %get3A_1056] {strides = array<i32>} : memref<64x128xf32, #tpu.memory_space<vmem>>, vector<1x16xf32>,
        %get3A_1058 = vector.shape_cast %get3A_1057 : vector<1x16xf32> to vector<16xf32>
        %get3A_1059 = arith.index_cast %add3A_1036 : i32 to index
        %get3A_1060 = arith.index_cast %mul3A_1046 : i32 to index
        %get3A_1061 = tpu.vector_load %arg8[%get3A_1059, %get3A_1060] {strides = array<i32>} : memref<128x128xf32, #tpu.memory_space<vmem>>, vector<1x16xf32>,
        %get3A_1062 = vector.shape_cast %get3A_1061 : vector<1x16xf32> to vector<16xf32>
        %add3A_1063 = arith.addi %mul3A_170, %shift_right_logical3A_1040 : i32
        %add3A_1064 = arith.constant 16 : i32
        %add3A_1065 = arith.addi %mul3A_1046, %add3A_1064 : i32
        %get3A_1066 = arith.index_cast %add3A_1063 : i32 to index
        %get3A_1067 = arith.index_cast %add3A_1065 : i32 to index
        %get3A_1068 = tpu.vector_load %arg7[%get3A_1066, %get3A_1067] {strides = array<i32>} : memref<64x128xf32, #tpu.memory_space<vmem>>, vector<1x16xf32>,
        %get3A_1069 = vector.shape_cast %get3A_1068 : vector<1x16xf32> to vector<16xf32>
        %add3A_1070 = arith.constant 16 : i32
        %add3A_1071 = arith.addi %mul3A_1046, %add3A_1070 : i32
        %get3A_1072 = arith.index_cast %add3A_1036 : i32 to index
        %get3A_1073 = arith.index_cast %add3A_1071 : i32 to index
        %get3A_1074 = tpu.vector_load %arg8[%get3A_1072, %get3A_1073] {strides = array<i32>} : memref<128x128xf32, #tpu.memory_space<vmem>>, vector<1x16xf32>,
        %get3A_1075 = vector.shape_cast %get3A_1074 : vector<1x16xf32> to vector<16xf32>
        %sub3A_1076 = arith.subf %get3A_1058, %get3A_1062 : vector<16xf32>
        %sub3A_1077 = arith.subf %get3A_1069, %get3A_1075 : vector<16xf32>
        %ge3A_1078 = vector.broadcast %select_n3A_1053 : i32 to vector<16xi32>
        %ge3A_1079 = arith.cmpi sge, %iota3A, %ge3A_1078 : vector<16xi32>
        %mul3A_1080 = arith.mulf %sub3A_1076, %sub3A_1076 : vector<16xf32>
        %jit3A_1081 = arith.constant 0.000000e+00 : f32
        %broadcast_in_dim3A_1082 = vector.broadcast %jit3A_1081 : f32 to vector<16xf32>
        %select_n3A_1083 = arith.select %ge3A_1079, %mul3A_1080, %broadcast_in_dim3A_1082 : vector<16xi1>, vector<16xf32>
        %add3A_1084 = arith.constant 16 : i32
        %add3A_1085 = vector.broadcast %add3A_1084 : i32 to vector<16xi32>
        %add3A_1086 = arith.addi %iota3A, %add3A_1085 : vector<16xi32>
        %ge3A_1087 = vector.broadcast %select_n3A_1053 : i32 to vector<16xi32>
        %ge3A_1088 = arith.cmpi sge, %add3A_1086, %ge3A_1087 : vector<16xi32>
        %mul3A_1089 = arith.mulf %sub3A_1077, %sub3A_1077 : vector<16xf32>
        %jit3A_1090 = arith.constant 0.000000e+00 : f32
        %broadcast_in_dim3A_1091 = vector.broadcast %jit3A_1090 : f32 to vector<16xf32>
        %select_n3A_1092 = arith.select %ge3A_1088, %mul3A_1089, %broadcast_in_dim3A_1091 : vector<16xi1>, vector<16xf32>
        %add3A_1093 = arith.addf %add3A_969, %select_n3A_1083 : vector<16xf32>
        %add3A_1094 = arith.addf %add3A_970, %select_n3A_1092 : vector<16xf32>
        %mul3A_1095 = arith.constant 16 : i32
        %mul3A_1096 = arith.muli %scan3A_123, %mul3A_1095 : i32
        %add3A_1097 = arith.constant 15 : i32
        %add3A_1098 = arith.addi %mul3A_1096, %add3A_1097 : i32
        %slice3A_1099 = vector.extract_strided_slice %get3A_162 {offsets = [15], sizes = [1], strides = [1]} : vector<16xi32> to vector<1xi32>
        %squeeze3A_1100 = vector.extract %slice3A_1099[0] : i32 from vector<1xi32>
        %shift_right_logical3A_1101 = arith.constant 7 : i32
        %shift_right_logical3A_1102 = arith.shrui %squeeze3A_1100, %shift_right_logical3A_1101 : i32
        %shift_right_logical3A_1103 = arith.constant 5 : i32
        %shift_right_logical3A_1104 = arith.shrui %squeeze3A_1100, %shift_right_logical3A_1103 : i32
        %and3A_1105 = arith.constant 3 : i32
        %and3A_1106 = arith.andi %shift_right_logical3A_1104, %and3A_1105 : i32
        %mul3A_1107 = arith.constant 32 : i32
        %mul3A_1108 = arith.muli %and3A_1106, %mul3A_1107 : i32
        %add3A_1109 = arith.constant 15 : i32
        %add3A_1110 = arith.addi %mul3A_132, %add3A_1109 : i32
        %gt3A_1111 = arith.cmpi sgt, %add3A_1110, %add3A_129 : i32
        %and3A_1112 = arith.constant 31 : i32
        %and3A_1113 = arith.andi %squeeze3A_1100, %and3A_1112 : i32
        %jit3A_1114 = arith.constant 64 : i32
        %select_n3A_1115 = arith.select %gt3A_1111, %and3A_1113, %jit3A_1114 : i32
        %add3A_1116 = arith.addi %mul3A_170, %shift_right_logical3A_1102 : i32
        %get3A_1117 = arith.index_cast %add3A_1116 : i32 to index
        %get3A_1118 = arith.index_cast %mul3A_1108 : i32 to index
        %get3A_1119 = tpu.vector_load %arg7[%get3A_1117, %get3A_1118] {strides = array<i32>} : memref<64x128xf32, #tpu.memory_space<vmem>>, vector<1x16xf32>,
        %get3A_1120 = vector.shape_cast %get3A_1119 : vector<1x16xf32> to vector<16xf32>
        %get3A_1121 = arith.index_cast %add3A_1098 : i32 to index
        %get3A_1122 = arith.index_cast %mul3A_1108 : i32 to index
        %get3A_1123 = tpu.vector_load %arg8[%get3A_1121, %get3A_1122] {strides = array<i32>} : memref<128x128xf32, #tpu.memory_space<vmem>>, vector<1x16xf32>,
        %get3A_1124 = vector.shape_cast %get3A_1123 : vector<1x16xf32> to vector<16xf32>
        %add3A_1125 = arith.addi %mul3A_170, %shift_right_logical3A_1102 : i32
        %add3A_1126 = arith.constant 16 : i32
        %add3A_1127 = arith.addi %mul3A_1108, %add3A_1126 : i32
        %get3A_1128 = arith.index_cast %add3A_1125 : i32 to index
        %get3A_1129 = arith.index_cast %add3A_1127 : i32 to index
        %get3A_1130 = tpu.vector_load %arg7[%get3A_1128, %get3A_1129] {strides = array<i32>} : memref<64x128xf32, #tpu.memory_space<vmem>>, vector<1x16xf32>,
        %get3A_1131 = vector.shape_cast %get3A_1130 : vector<1x16xf32> to vector<16xf32>
        %add3A_1132 = arith.constant 16 : i32
        %add3A_1133 = arith.addi %mul3A_1108, %add3A_1132 : i32
        %get3A_1134 = arith.index_cast %add3A_1098 : i32 to index
        %get3A_1135 = arith.index_cast %add3A_1133 : i32 to index
        %get3A_1136 = tpu.vector_load %arg8[%get3A_1134, %get3A_1135] {strides = array<i32>} : memref<128x128xf32, #tpu.memory_space<vmem>>, vector<1x16xf32>,
        %get3A_1137 = vector.shape_cast %get3A_1136 : vector<1x16xf32> to vector<16xf32>
        %sub3A_1138 = arith.subf %get3A_1120, %get3A_1124 : vector<16xf32>
        %sub3A_1139 = arith.subf %get3A_1131, %get3A_1137 : vector<16xf32>
        %ge3A_1140 = vector.broadcast %select_n3A_1115 : i32 to vector<16xi32>
        %ge3A_1141 = arith.cmpi sge, %iota3A, %ge3A_1140 : vector<16xi32>
        %mul3A_1142 = arith.mulf %sub3A_1138, %sub3A_1138 : vector<16xf32>
        %jit3A_1143 = arith.constant 0.000000e+00 : f32
        %broadcast_in_dim3A_1144 = vector.broadcast %jit3A_1143 : f32 to vector<16xf32>
        %select_n3A_1145 = arith.select %ge3A_1141, %mul3A_1142, %broadcast_in_dim3A_1144 : vector<16xi1>, vector<16xf32>
        %add3A_1146 = arith.constant 16 : i32
        %add3A_1147 = vector.broadcast %add3A_1146 : i32 to vector<16xi32>
        %add3A_1148 = arith.addi %iota3A, %add3A_1147 : vector<16xi32>
        %ge3A_1149 = vector.broadcast %select_n3A_1115 : i32 to vector<16xi32>
        %ge3A_1150 = arith.cmpi sge, %add3A_1148, %ge3A_1149 : vector<16xi32>
        %mul3A_1151 = arith.mulf %sub3A_1139, %sub3A_1139 : vector<16xf32>
        %jit3A_1152 = arith.constant 0.000000e+00 : f32
        %broadcast_in_dim3A_1153 = vector.broadcast %jit3A_1152 : f32 to vector<16xf32>
        %select_n3A_1154 = arith.select %ge3A_1150, %mul3A_1151, %broadcast_in_dim3A_1153 : vector<16xi1>, vector<16xf32>
        %add3A_1155 = arith.addf %add3A_1031, %select_n3A_1145 : vector<16xf32>
        %add3A_1156 = arith.addf %add3A_1032, %select_n3A_1154 : vector<16xf32>
        %swap3A_1157 = arith.constant 0 : i32
        %swap3A_1158 = arith.index_cast %swap3A_1157 : i32 to index
        %swap3A_1159 = arith.constant 0 : index
        %swap3A_1160 = tpu.vector_load %arg11[%swap3A_1158, %swap3A_1159] {strides = array<i32>} : memref<4x16xf32, #tpu.memory_space<vmem>>, vector<1x16xf32>,
        %swap3A_1161 = vector.shape_cast %swap3A_1160 : vector<1x16xf32> to vector<16xf32>
        %swap3A_1162 = vector.shape_cast %add3A_1093 : vector<16xf32> to vector<1x16xf32>
        tpu.vector_store %arg11[%swap3A_1158, %swap3A_1159], %swap3A_1162 {strides = array<i32>} : memref<4x16xf32, #tpu.memory_space<vmem>>, vector<1x16xf32>,
        %swap3A_1163 = arith.constant 1 : i32
        %swap3A_1164 = arith.index_cast %swap3A_1163 : i32 to index
        %swap3A_1165 = arith.constant 0 : index
        %swap3A_1166 = tpu.vector_load %arg11[%swap3A_1164, %swap3A_1165] {strides = array<i32>} : memref<4x16xf32, #tpu.memory_space<vmem>>, vector<1x16xf32>,
        %swap3A_1167 = vector.shape_cast %swap3A_1166 : vector<1x16xf32> to vector<16xf32>
        %swap3A_1168 = vector.shape_cast %add3A_1094 : vector<16xf32> to vector<1x16xf32>
        tpu.vector_store %arg11[%swap3A_1164, %swap3A_1165], %swap3A_1168 {strides = array<i32>} : memref<4x16xf32, #tpu.memory_space<vmem>>, vector<1x16xf32>,
        %swap3A_1169 = arith.constant 2 : i32
        %swap3A_1170 = arith.index_cast %swap3A_1169 : i32 to index
        %swap3A_1171 = arith.constant 0 : index
        %swap3A_1172 = tpu.vector_load %arg11[%swap3A_1170, %swap3A_1171] {strides = array<i32>} : memref<4x16xf32, #tpu.memory_space<vmem>>, vector<1x16xf32>,
        %swap3A_1173 = vector.shape_cast %swap3A_1172 : vector<1x16xf32> to vector<16xf32>
        %swap3A_1174 = vector.shape_cast %add3A_1155 : vector<16xf32> to vector<1x16xf32>
        tpu.vector_store %arg11[%swap3A_1170, %swap3A_1171], %swap3A_1174 {strides = array<i32>} : memref<4x16xf32, #tpu.memory_space<vmem>>, vector<1x16xf32>,
        %swap3A_1175 = arith.constant 3 : i32
        %swap3A_1176 = arith.index_cast %swap3A_1175 : i32 to index
        %swap3A_1177 = arith.constant 0 : index
        %swap3A_1178 = tpu.vector_load %arg11[%swap3A_1176, %swap3A_1177] {strides = array<i32>} : memref<4x16xf32, #tpu.memory_space<vmem>>, vector<1x16xf32>,
        %swap3A_1179 = vector.shape_cast %swap3A_1178 : vector<1x16xf32> to vector<16xf32>
        %swap3A_1180 = vector.shape_cast %add3A_1156 : vector<16xf32> to vector<1x16xf32>
        tpu.vector_store %arg11[%swap3A_1176, %swap3A_1177], %swap3A_1180 {strides = array<i32>} : memref<4x16xf32, #tpu.memory_space<vmem>>, vector<1x16xf32>,
      } else {
      }
    }
    %scan3A_53 = arith.constant 8 : i32
    %dma_start3A_54 = arith.constant 256 : i32
    %dma_start3A_55 = tpu.memref_slice %arg6[%dma_start3A_54] : memref<512xi32, #tpu.memory_space<vmem>> -> memref<128xi32, #tpu.memory_space<vmem>>
    %dma_start3A_56 = arith.constant 0 : i32
    %dma_start3A_57 = arith.constant 0 : i32
    %dma_start3A_58 = tpu.memref_slice %arg2[%dma_start3A_56, %dma_start3A_57] : memref<2048x128xf32, #tpu.memory_space<hbm>> -> memref<2048x128xf32, #tpu.memory_space<hbm>>
    tpu.enqueue_indirect_dma source(%dma_start3A_58 : memref<2048x128xf32, #tpu.memory_space<hbm>>) target(%arg8 : memref<128x128xf32, #tpu.memory_space<vmem>>) offsets(%dma_start3A_55 : memref<128xi32, #tpu.memory_space<vmem>>) semaphore(%arg12 : memref<!tpu.dma_semaphore, #tpu.memory_space<semaphore_mem>>)
    %dma_wait3A_59 = arith.constant 128 : i32
    %dma_wait3A_60 = tpu.memref_slice %arg6[%dma_wait3A_59] : memref<512xi32, #tpu.memory_space<vmem>> -> memref<128xi32, #tpu.memory_space<vmem>>
    %dma_wait3A_61 = arith.constant 0 : i32
    %dma_wait3A_62 = arith.constant 0 : i32
    %dma_wait3A_63 = tpu.memref_slice %arg2[%dma_wait3A_61, %dma_wait3A_62] : memref<2048x128xf32, #tpu.memory_space<hbm>> -> memref<2048x128xf32, #tpu.memory_space<hbm>>
    tpu.wait_indirect_dma semaphore(%arg13 : memref<!tpu.dma_semaphore, #tpu.memory_space<semaphore_mem>>) src(%dma_wait3A_63 : memref<2048x128xf32, #tpu.memory_space<hbm>>) dst(%arg9 : memref<128x128xf32, #tpu.memory_space<vmem>>)
    %scan3A_64 = arith.constant 0 : i32
    %scan3A_65 = arith.constant 0 : i32
    %scan3A_66 = arith.constant 8 : i32
    %scan3A_67 = arith.addi %scan3A_65, %scan3A_66 : i32
    %scan3A_68 = arith.constant 1 : i32
    scf.for %scan3A_123 = %scan3A_65 to %scan3A_67 step %scan3A_68  : i32 {
      %add3A_124 = arith.constant 8 : i32
      %add3A_125 = arith.addi %add3A_124, %scan3A_123 : i32
      %mul3A_126 = arith.constant 4 : i32
      %mul3A_127 = arith.muli %add3A, %mul3A_126 : i32
      %shift_right_logical3A = arith.constant 3 : i32
      %shift_right_logical3A_128 = arith.shrui %add3A_125, %shift_right_logical3A : i32
      %add3A_129 = arith.addi %mul3A_127, %shift_right_logical3A_128 : i32
      %and3A = arith.constant 7 : i32
      %and3A_130 = arith.andi %add3A_125, %and3A : i32
      %mul3A_131 = arith.constant 16 : i32
      %mul3A_132 = arith.muli %and3A_130, %mul3A_131 : i32
      %add3A_133 = arith.constant 15 : i32
      %add3A_134 = arith.addi %mul3A_132, %add3A_133 : i32
      %gt3A = arith.cmpi sgt, %add3A_134, %add3A_129 : i32
      %convert_element_type3A = arith.extui %gt3A : i1 to i32
      %cond3A = arith.constant 0 : i32
      %cond3A_135 = arith.cmpi ne, %convert_element_type3A, %cond3A : i32
      scf.if %cond3A_135 {
        %get3A_136 = arith.constant 0 : i32
        %get3A_137 = arith.index_cast %get3A_136 : i32 to index
        %get3A_138 = arith.constant 0 : index
        %get3A_139 = tpu.vector_load %arg11[%get3A_137, %get3A_138] {strides = array<i32>} : memref<4x16xf32, #tpu.memory_space<vmem>>, vector<1x16xf32>,
        %get3A_140 = vector.shape_cast %get3A_139 : vector<1x16xf32> to vector<16xf32>
        %get3A_141 = arith.constant 1 : i32
        %get3A_142 = arith.index_cast %get3A_141 : i32 to index
        %get3A_143 = arith.constant 0 : index
        %get3A_144 = tpu.vector_load %arg11[%get3A_142, %get3A_143] {strides = array<i32>} : memref<4x16xf32, #tpu.memory_space<vmem>>, vector<1x16xf32>,
        %get3A_145 = vector.shape_cast %get3A_144 : vector<1x16xf32> to vector<16xf32>
        %get3A_146 = arith.constant 2 : i32
        %get3A_147 = arith.index_cast %get3A_146 : i32 to index
        %get3A_148 = arith.constant 0 : index
        %get3A_149 = tpu.vector_load %arg11[%get3A_147, %get3A_148] {strides = array<i32>} : memref<4x16xf32, #tpu.memory_space<vmem>>, vector<1x16xf32>,
        %get3A_150 = vector.shape_cast %get3A_149 : vector<1x16xf32> to vector<16xf32>
        %get3A_151 = arith.constant 3 : i32
        %get3A_152 = arith.index_cast %get3A_151 : i32 to index
        %get3A_153 = arith.constant 0 : index
        %get3A_154 = tpu.vector_load %arg11[%get3A_152, %get3A_153] {strides = array<i32>} : memref<4x16xf32, #tpu.memory_space<vmem>>, vector<1x16xf32>,
        %get3A_155 = vector.shape_cast %get3A_154 : vector<1x16xf32> to vector<16xf32>
        %mul3A_156 = arith.constant 16 : i32
        %mul3A_157 = arith.muli %scan3A_123, %mul3A_156 : i32
        %add3A_158 = arith.constant 128 : i32
        %add3A_159 = arith.addi %add3A_158, %mul3A_157 : i32
        %get3A_160 = arith.index_cast %add3A_159 : i32 to index
        %get3A_161 = tpu.vector_load %arg5[%get3A_160] {strides = array<i32>} : memref<512xi32, #tpu.memory_space<vmem>>, vector<16xi32>,
        %get3A_162 = vector.shape_cast %get3A_161 : vector<16xi32> to vector<16xi32>
        %mul3A_163 = arith.constant 16 : i32
        %mul3A_164 = arith.muli %scan3A_123, %mul3A_163 : i32
        %add3A_165 = arith.constant 128 : i32
        %add3A_166 = arith.addi %add3A_165, %mul3A_164 : i32
        %shift_right_logical3A_167 = arith.constant 7 : i32
        %shift_right_logical3A_168 = arith.shrui %add3A_166, %shift_right_logical3A_167 : i32
        %mul3A_169 = arith.constant 16 : i32
        %mul3A_170 = arith.muli %shift_right_logical3A_168, %mul3A_169 : i32
        %mul3A_171 = arith.constant 16 : i32
        %mul3A_172 = arith.muli %scan3A_123, %mul3A_171 : i32
        %add3A_173 = arith.constant 0 : i32
        %add3A_174 = arith.addi %mul3A_172, %add3A_173 : i32
        %slice3A = vector.extract_strided_slice %get3A_162 {offsets = [0], sizes = [1], strides = [1]} : vector<16xi32> to vector<1xi32>
        %squeeze3A = vector.extract %slice3A[0] : i32 from vector<1xi32>
        %shift_right_logical3A_175 = arith.constant 7 : i32
        %shift_right_logical3A_176 = arith.shrui %squeeze3A, %shift_right_logical3A_175 : i32
        %shift_right_logical3A_177 = arith.constant 5 : i32
        %shift_right_logical3A_178 = arith.shrui %squeeze3A, %shift_right_logical3A_177 : i32
        %and3A_179 = arith.constant 3 : i32
        %and3A_180 = arith.andi %shift_right_logical3A_178, %and3A_179 : i32
        %mul3A_181 = arith.constant 32 : i32
        %mul3A_182 = arith.muli %and3A_180, %mul3A_181 : i32
        %add3A_183 = arith.constant 0 : i32
        %add3A_184 = arith.addi %mul3A_132, %add3A_183 : i32
        %gt3A_185 = arith.cmpi sgt, %add3A_184, %add3A_129 : i32
        %and3A_186 = arith.constant 31 : i32
        %and3A_187 = arith.andi %squeeze3A, %and3A_186 : i32
        %jit3A = arith.constant 64 : i32
        %select_n3A = arith.select %gt3A_185, %and3A_187, %jit3A : i32
        %add3A_188 = arith.addi %mul3A_170, %shift_right_logical3A_176 : i32
        %get3A_189 = arith.index_cast %add3A_188 : i32 to index
        %get3A_190 = arith.index_cast %mul3A_182 : i32 to index
        %get3A_191 = tpu.vector_load %arg7[%get3A_189, %get3A_190] {strides = array<i32>} : memref<64x128xf32, #tpu.memory_space<vmem>>, vector<1x16xf32>,
        %get3A_192 = vector.shape_cast %get3A_191 : vector<1x16xf32> to vector<16xf32>
        %get3A_193 = arith.index_cast %add3A_174 : i32 to index
        %get3A_194 = arith.index_cast %mul3A_182 : i32 to index
        %get3A_195 = tpu.vector_load %arg9[%get3A_193, %get3A_194] {strides = array<i32>} : memref<128x128xf32, #tpu.memory_space<vmem>>, vector<1x16xf32>,
        %get3A_196 = vector.shape_cast %get3A_195 : vector<1x16xf32> to vector<16xf32>
        %add3A_197 = arith.addi %mul3A_170, %shift_right_logical3A_176 : i32
        %add3A_198 = arith.constant 16 : i32
        %add3A_199 = arith.addi %mul3A_182, %add3A_198 : i32
        %get3A_200 = arith.index_cast %add3A_197 : i32 to index
        %get3A_201 = arith.index_cast %add3A_199 : i32 to index
        %get3A_202 = tpu.vector_load %arg7[%get3A_200, %get3A_201] {strides = array<i32>} : memref<64x128xf32, #tpu.memory_space<vmem>>, vector<1x16xf32>,
        %get3A_203 = vector.shape_cast %get3A_202 : vector<1x16xf32> to vector<16xf32>
        %add3A_204 = arith.constant 16 : i32
        %add3A_205 = arith.addi %mul3A_182, %add3A_204 : i32
        %get3A_206 = arith.index_cast %add3A_174 : i32 to index
        %get3A_207 = arith.index_cast %add3A_205 : i32 to index
        %get3A_208 = tpu.vector_load %arg9[%get3A_206, %get3A_207] {strides = array<i32>} : memref<128x128xf32, #tpu.memory_space<vmem>>, vector<1x16xf32>,
        %get3A_209 = vector.shape_cast %get3A_208 : vector<1x16xf32> to vector<16xf32>
        %sub3A = arith.subf %get3A_192, %get3A_196 : vector<16xf32>
        %sub3A_210 = arith.subf %get3A_203, %get3A_209 : vector<16xf32>
        %ge3A = vector.broadcast %select_n3A : i32 to vector<16xi32>
        %ge3A_211 = arith.cmpi sge, %iota3A, %ge3A : vector<16xi32>
        %mul3A_212 = arith.mulf %sub3A, %sub3A : vector<16xf32>
        %jit3A_213 = arith.constant 0.000000e+00 : f32
        %broadcast_in_dim3A_214 = vector.broadcast %jit3A_213 : f32 to vector<16xf32>
        %select_n3A_215 = arith.select %ge3A_211, %mul3A_212, %broadcast_in_dim3A_214 : vector<16xi1>, vector<16xf32>
        %add3A_216 = arith.constant 16 : i32
        %add3A_217 = vector.broadcast %add3A_216 : i32 to vector<16xi32>
        %add3A_218 = arith.addi %iota3A, %add3A_217 : vector<16xi32>
        %ge3A_219 = vector.broadcast %select_n3A : i32 to vector<16xi32>
        %ge3A_220 = arith.cmpi sge, %add3A_218, %ge3A_219 : vector<16xi32>
        %mul3A_221 = arith.mulf %sub3A_210, %sub3A_210 : vector<16xf32>
        %jit3A_222 = arith.constant 0.000000e+00 : f32
        %broadcast_in_dim3A_223 = vector.broadcast %jit3A_222 : f32 to vector<16xf32>
        %select_n3A_224 = arith.select %ge3A_220, %mul3A_221, %broadcast_in_dim3A_223 : vector<16xi1>, vector<16xf32>
        %add3A_225 = arith.addf %get3A_140, %select_n3A_215 : vector<16xf32>
        %add3A_226 = arith.addf %get3A_145, %select_n3A_224 : vector<16xf32>
        %mul3A_227 = arith.constant 16 : i32
        %mul3A_228 = arith.muli %scan3A_123, %mul3A_227 : i32
        %add3A_229 = arith.constant 1 : i32
        %add3A_230 = arith.addi %mul3A_228, %add3A_229 : i32
        %slice3A_231 = vector.extract_strided_slice %get3A_162 {offsets = [1], sizes = [1], strides = [1]} : vector<16xi32> to vector<1xi32>
        %squeeze3A_232 = vector.extract %slice3A_231[0] : i32 from vector<1xi32>
        %shift_right_logical3A_233 = arith.constant 7 : i32
        %shift_right_logical3A_234 = arith.shrui %squeeze3A_232, %shift_right_logical3A_233 : i32
        %shift_right_logical3A_235 = arith.constant 5 : i32
        %shift_right_logical3A_236 = arith.shrui %squeeze3A_232, %shift_right_logical3A_235 : i32
        %and3A_237 = arith.constant 3 : i32
        %and3A_238 = arith.andi %shift_right_logical3A_236, %and3A_237 : i32
        %mul3A_239 = arith.constant 32 : i32
        %mul3A_240 = arith.muli %and3A_238, %mul3A_239 : i32
        %add3A_241 = arith.constant 1 : i32
        %add3A_242 = arith.addi %mul3A_132, %add3A_241 : i32
        %gt3A_243 = arith.cmpi sgt, %add3A_242, %add3A_129 : i32
        %and3A_244 = arith.constant 31 : i32
        %and3A_245 = arith.andi %squeeze3A_232, %and3A_244 : i32
        %jit3A_246 = arith.constant 64 : i32
        %select_n3A_247 = arith.select %gt3A_243, %and3A_245, %jit3A_246 : i32
        %add3A_248 = arith.addi %mul3A_170, %shift_right_logical3A_234 : i32
        %get3A_249 = arith.index_cast %add3A_248 : i32 to index
        %get3A_250 = arith.index_cast %mul3A_240 : i32 to index
        %get3A_251 = tpu.vector_load %arg7[%get3A_249, %get3A_250] {strides = array<i32>} : memref<64x128xf32, #tpu.memory_space<vmem>>, vector<1x16xf32>,
        %get3A_252 = vector.shape_cast %get3A_251 : vector<1x16xf32> to vector<16xf32>
        %get3A_253 = arith.index_cast %add3A_230 : i32 to index
        %get3A_254 = arith.index_cast %mul3A_240 : i32 to index
        %get3A_255 = tpu.vector_load %arg9[%get3A_253, %get3A_254] {strides = array<i32>} : memref<128x128xf32, #tpu.memory_space<vmem>>, vector<1x16xf32>,
        %get3A_256 = vector.shape_cast %get3A_255 : vector<1x16xf32> to vector<16xf32>
        %add3A_257 = arith.addi %mul3A_170, %shift_right_logical3A_234 : i32
        %add3A_258 = arith.constant 16 : i32
        %add3A_259 = arith.addi %mul3A_240, %add3A_258 : i32
        %get3A_260 = arith.index_cast %add3A_257 : i32 to index
        %get3A_261 = arith.index_cast %add3A_259 : i32 to index
        %get3A_262 = tpu.vector_load %arg7[%get3A_260, %get3A_261] {strides = array<i32>} : memref<64x128xf32, #tpu.memory_space<vmem>>, vector<1x16xf32>,
        %get3A_263 = vector.shape_cast %get3A_262 : vector<1x16xf32> to vector<16xf32>
        %add3A_264 = arith.constant 16 : i32
        %add3A_265 = arith.addi %mul3A_240, %add3A_264 : i32
        %get3A_266 = arith.index_cast %add3A_230 : i32 to index
        %get3A_267 = arith.index_cast %add3A_265 : i32 to index
        %get3A_268 = tpu.vector_load %arg9[%get3A_266, %get3A_267] {strides = array<i32>} : memref<128x128xf32, #tpu.memory_space<vmem>>, vector<1x16xf32>,
        %get3A_269 = vector.shape_cast %get3A_268 : vector<1x16xf32> to vector<16xf32>
        %sub3A_270 = arith.subf %get3A_252, %get3A_256 : vector<16xf32>
        %sub3A_271 = arith.subf %get3A_263, %get3A_269 : vector<16xf32>
        %ge3A_272 = vector.broadcast %select_n3A_247 : i32 to vector<16xi32>
        %ge3A_273 = arith.cmpi sge, %iota3A, %ge3A_272 : vector<16xi32>
        %mul3A_274 = arith.mulf %sub3A_270, %sub3A_270 : vector<16xf32>
        %jit3A_275 = arith.constant 0.000000e+00 : f32
        %broadcast_in_dim3A_276 = vector.broadcast %jit3A_275 : f32 to vector<16xf32>
        %select_n3A_277 = arith.select %ge3A_273, %mul3A_274, %broadcast_in_dim3A_276 : vector<16xi1>, vector<16xf32>
        %add3A_278 = arith.constant 16 : i32
        %add3A_279 = vector.broadcast %add3A_278 : i32 to vector<16xi32>
        %add3A_280 = arith.addi %iota3A, %add3A_279 : vector<16xi32>
        %ge3A_281 = vector.broadcast %select_n3A_247 : i32 to vector<16xi32>
        %ge3A_282 = arith.cmpi sge, %add3A_280, %ge3A_281 : vector<16xi32>
        %mul3A_283 = arith.mulf %sub3A_271, %sub3A_271 : vector<16xf32>
        %jit3A_284 = arith.constant 0.000000e+00 : f32
        %broadcast_in_dim3A_285 = vector.broadcast %jit3A_284 : f32 to vector<16xf32>
        %select_n3A_286 = arith.select %ge3A_282, %mul3A_283, %broadcast_in_dim3A_285 : vector<16xi1>, vector<16xf32>
        %add3A_287 = arith.addf %get3A_150, %select_n3A_277 : vector<16xf32>
        %add3A_288 = arith.addf %get3A_155, %select_n3A_286 : vector<16xf32>
        %mul3A_289 = arith.constant 16 : i32
        %mul3A_290 = arith.muli %scan3A_123, %mul3A_289 : i32
        %add3A_291 = arith.constant 2 : i32
        %add3A_292 = arith.addi %mul3A_290, %add3A_291 : i32
        %slice3A_293 = vector.extract_strided_slice %get3A_162 {offsets = [2], sizes = [1], strides = [1]} : vector<16xi32> to vector<1xi32>
        %squeeze3A_294 = vector.extract %slice3A_293[0] : i32 from vector<1xi32>
        %shift_right_logical3A_295 = arith.constant 7 : i32
        %shift_right_logical3A_296 = arith.shrui %squeeze3A_294, %shift_right_logical3A_295 : i32
        %shift_right_logical3A_297 = arith.constant 5 : i32
        %shift_right_logical3A_298 = arith.shrui %squeeze3A_294, %shift_right_logical3A_297 : i32
        %and3A_299 = arith.constant 3 : i32
        %and3A_300 = arith.andi %shift_right_logical3A_298, %and3A_299 : i32
        %mul3A_301 = arith.constant 32 : i32
        %mul3A_302 = arith.muli %and3A_300, %mul3A_301 : i32
        %add3A_303 = arith.constant 2 : i32
        %add3A_304 = arith.addi %mul3A_132, %add3A_303 : i32
        %gt3A_305 = arith.cmpi sgt, %add3A_304, %add3A_129 : i32
        %and3A_306 = arith.constant 31 : i32
        %and3A_307 = arith.andi %squeeze3A_294, %and3A_306 : i32
        %jit3A_308 = arith.constant 64 : i32
        %select_n3A_309 = arith.select %gt3A_305, %and3A_307, %jit3A_308 : i32
        %add3A_310 = arith.addi %mul3A_170, %shift_right_logical3A_296 : i32
        %get3A_311 = arith.index_cast %add3A_310 : i32 to index
        %get3A_312 = arith.index_cast %mul3A_302 : i32 to index
        %get3A_313 = tpu.vector_load %arg7[%get3A_311, %get3A_312] {strides = array<i32>} : memref<64x128xf32, #tpu.memory_space<vmem>>, vector<1x16xf32>,
        %get3A_314 = vector.shape_cast %get3A_313 : vector<1x16xf32> to vector<16xf32>
        %get3A_315 = arith.index_cast %add3A_292 : i32 to index
        %get3A_316 = arith.index_cast %mul3A_302 : i32 to index
        %get3A_317 = tpu.vector_load %arg9[%get3A_315, %get3A_316] {strides = array<i32>} : memref<128x128xf32, #tpu.memory_space<vmem>>, vector<1x16xf32>,
        %get3A_318 = vector.shape_cast %get3A_317 : vector<1x16xf32> to vector<16xf32>
        %add3A_319 = arith.addi %mul3A_170, %shift_right_logical3A_296 : i32
        %add3A_320 = arith.constant 16 : i32
        %add3A_321 = arith.addi %mul3A_302, %add3A_320 : i32
        %get3A_322 = arith.index_cast %add3A_319 : i32 to index
        %get3A_323 = arith.index_cast %add3A_321 : i32 to index
        %get3A_324 = tpu.vector_load %arg7[%get3A_322, %get3A_323] {strides = array<i32>} : memref<64x128xf32, #tpu.memory_space<vmem>>, vector<1x16xf32>,
        %get3A_325 = vector.shape_cast %get3A_324 : vector<1x16xf32> to vector<16xf32>
        %add3A_326 = arith.constant 16 : i32
        %add3A_327 = arith.addi %mul3A_302, %add3A_326 : i32
        %get3A_328 = arith.index_cast %add3A_292 : i32 to index
        %get3A_329 = arith.index_cast %add3A_327 : i32 to index
        %get3A_330 = tpu.vector_load %arg9[%get3A_328, %get3A_329] {strides = array<i32>} : memref<128x128xf32, #tpu.memory_space<vmem>>, vector<1x16xf32>,
        %get3A_331 = vector.shape_cast %get3A_330 : vector<1x16xf32> to vector<16xf32>
        %sub3A_332 = arith.subf %get3A_314, %get3A_318 : vector<16xf32>
        %sub3A_333 = arith.subf %get3A_325, %get3A_331 : vector<16xf32>
        %ge3A_334 = vector.broadcast %select_n3A_309 : i32 to vector<16xi32>
        %ge3A_335 = arith.cmpi sge, %iota3A, %ge3A_334 : vector<16xi32>
        %mul3A_336 = arith.mulf %sub3A_332, %sub3A_332 : vector<16xf32>
        %jit3A_337 = arith.constant 0.000000e+00 : f32
        %broadcast_in_dim3A_338 = vector.broadcast %jit3A_337 : f32 to vector<16xf32>
        %select_n3A_339 = arith.select %ge3A_335, %mul3A_336, %broadcast_in_dim3A_338 : vector<16xi1>, vector<16xf32>
        %add3A_340 = arith.constant 16 : i32
        %add3A_341 = vector.broadcast %add3A_340 : i32 to vector<16xi32>
        %add3A_342 = arith.addi %iota3A, %add3A_341 : vector<16xi32>
        %ge3A_343 = vector.broadcast %select_n3A_309 : i32 to vector<16xi32>
        %ge3A_344 = arith.cmpi sge, %add3A_342, %ge3A_343 : vector<16xi32>
        %mul3A_345 = arith.mulf %sub3A_333, %sub3A_333 : vector<16xf32>
        %jit3A_346 = arith.constant 0.000000e+00 : f32
        %broadcast_in_dim3A_347 = vector.broadcast %jit3A_346 : f32 to vector<16xf32>
        %select_n3A_348 = arith.select %ge3A_344, %mul3A_345, %broadcast_in_dim3A_347 : vector<16xi1>, vector<16xf32>
        %add3A_349 = arith.addf %add3A_225, %select_n3A_339 : vector<16xf32>
        %add3A_350 = arith.addf %add3A_226, %select_n3A_348 : vector<16xf32>
        %mul3A_351 = arith.constant 16 : i32
        %mul3A_352 = arith.muli %scan3A_123, %mul3A_351 : i32
        %add3A_353 = arith.constant 3 : i32
        %add3A_354 = arith.addi %mul3A_352, %add3A_353 : i32
        %slice3A_355 = vector.extract_strided_slice %get3A_162 {offsets = [3], sizes = [1], strides = [1]} : vector<16xi32> to vector<1xi32>
        %squeeze3A_356 = vector.extract %slice3A_355[0] : i32 from vector<1xi32>
        %shift_right_logical3A_357 = arith.constant 7 : i32
        %shift_right_logical3A_358 = arith.shrui %squeeze3A_356, %shift_right_logical3A_357 : i32
        %shift_right_logical3A_359 = arith.constant 5 : i32
        %shift_right_logical3A_360 = arith.shrui %squeeze3A_356, %shift_right_logical3A_359 : i32
        %and3A_361 = arith.constant 3 : i32
        %and3A_362 = arith.andi %shift_right_logical3A_360, %and3A_361 : i32
        %mul3A_363 = arith.constant 32 : i32
        %mul3A_364 = arith.muli %and3A_362, %mul3A_363 : i32
        %add3A_365 = arith.constant 3 : i32
        %add3A_366 = arith.addi %mul3A_132, %add3A_365 : i32
        %gt3A_367 = arith.cmpi sgt, %add3A_366, %add3A_129 : i32
        %and3A_368 = arith.constant 31 : i32
        %and3A_369 = arith.andi %squeeze3A_356, %and3A_368 : i32
        %jit3A_370 = arith.constant 64 : i32
        %select_n3A_371 = arith.select %gt3A_367, %and3A_369, %jit3A_370 : i32
        %add3A_372 = arith.addi %mul3A_170, %shift_right_logical3A_358 : i32
        %get3A_373 = arith.index_cast %add3A_372 : i32 to index
        %get3A_374 = arith.index_cast %mul3A_364 : i32 to index
        %get3A_375 = tpu.vector_load %arg7[%get3A_373, %get3A_374] {strides = array<i32>} : memref<64x128xf32, #tpu.memory_space<vmem>>, vector<1x16xf32>,
        %get3A_376 = vector.shape_cast %get3A_375 : vector<1x16xf32> to vector<16xf32>
        %get3A_377 = arith.index_cast %add3A_354 : i32 to index
        %get3A_378 = arith.index_cast %mul3A_364 : i32 to index
        %get3A_379 = tpu.vector_load %arg9[%get3A_377, %get3A_378] {strides = array<i32>} : memref<128x128xf32, #tpu.memory_space<vmem>>, vector<1x16xf32>,
        %get3A_380 = vector.shape_cast %get3A_379 : vector<1x16xf32> to vector<16xf32>
        %add3A_381 = arith.addi %mul3A_170, %shift_right_logical3A_358 : i32
        %add3A_382 = arith.constant 16 : i32
        %add3A_383 = arith.addi %mul3A_364, %add3A_382 : i32
        %get3A_384 = arith.index_cast %add3A_381 : i32 to index
        %get3A_385 = arith.index_cast %add3A_383 : i32 to index
        %get3A_386 = tpu.vector_load %arg7[%get3A_384, %get3A_385] {strides = array<i32>} : memref<64x128xf32, #tpu.memory_space<vmem>>, vector<1x16xf32>,
        %get3A_387 = vector.shape_cast %get3A_386 : vector<1x16xf32> to vector<16xf32>
        %add3A_388 = arith.constant 16 : i32
        %add3A_389 = arith.addi %mul3A_364, %add3A_388 : i32
        %get3A_390 = arith.index_cast %add3A_354 : i32 to index
        %get3A_391 = arith.index_cast %add3A_389 : i32 to index
        %get3A_392 = tpu.vector_load %arg9[%get3A_390, %get3A_391] {strides = array<i32>} : memref<128x128xf32, #tpu.memory_space<vmem>>, vector<1x16xf32>,
        %get3A_393 = vector.shape_cast %get3A_392 : vector<1x16xf32> to vector<16xf32>
        %sub3A_394 = arith.subf %get3A_376, %get3A_380 : vector<16xf32>
        %sub3A_395 = arith.subf %get3A_387, %get3A_393 : vector<16xf32>
        %ge3A_396 = vector.broadcast %select_n3A_371 : i32 to vector<16xi32>
        %ge3A_397 = arith.cmpi sge, %iota3A, %ge3A_396 : vector<16xi32>
        %mul3A_398 = arith.mulf %sub3A_394, %sub3A_394 : vector<16xf32>
        %jit3A_399 = arith.constant 0.000000e+00 : f32
        %broadcast_in_dim3A_400 = vector.broadcast %jit3A_399 : f32 to vector<16xf32>
        %select_n3A_401 = arith.select %ge3A_397, %mul3A_398, %broadcast_in_dim3A_400 : vector<16xi1>, vector<16xf32>
        %add3A_402 = arith.constant 16 : i32
        %add3A_403 = vector.broadcast %add3A_402 : i32 to vector<16xi32>
        %add3A_404 = arith.addi %iota3A, %add3A_403 : vector<16xi32>
        %ge3A_405 = vector.broadcast %select_n3A_371 : i32 to vector<16xi32>
        %ge3A_406 = arith.cmpi sge, %add3A_404, %ge3A_405 : vector<16xi32>
        %mul3A_407 = arith.mulf %sub3A_395, %sub3A_395 : vector<16xf32>
        %jit3A_408 = arith.constant 0.000000e+00 : f32
        %broadcast_in_dim3A_409 = vector.broadcast %jit3A_408 : f32 to vector<16xf32>
        %select_n3A_410 = arith.select %ge3A_406, %mul3A_407, %broadcast_in_dim3A_409 : vector<16xi1>, vector<16xf32>
        %add3A_411 = arith.addf %add3A_287, %select_n3A_401 : vector<16xf32>
        %add3A_412 = arith.addf %add3A_288, %select_n3A_410 : vector<16xf32>
        %mul3A_413 = arith.constant 16 : i32
        %mul3A_414 = arith.muli %scan3A_123, %mul3A_413 : i32
        %add3A_415 = arith.constant 4 : i32
        %add3A_416 = arith.addi %mul3A_414, %add3A_415 : i32
        %slice3A_417 = vector.extract_strided_slice %get3A_162 {offsets = [4], sizes = [1], strides = [1]} : vector<16xi32> to vector<1xi32>
        %squeeze3A_418 = vector.extract %slice3A_417[0] : i32 from vector<1xi32>
        %shift_right_logical3A_419 = arith.constant 7 : i32
        %shift_right_logical3A_420 = arith.shrui %squeeze3A_418, %shift_right_logical3A_419 : i32
        %shift_right_logical3A_421 = arith.constant 5 : i32
        %shift_right_logical3A_422 = arith.shrui %squeeze3A_418, %shift_right_logical3A_421 : i32
        %and3A_423 = arith.constant 3 : i32
        %and3A_424 = arith.andi %shift_right_logical3A_422, %and3A_423 : i32
        %mul3A_425 = arith.constant 32 : i32
        %mul3A_426 = arith.muli %and3A_424, %mul3A_425 : i32
        %add3A_427 = arith.constant 4 : i32
        %add3A_428 = arith.addi %mul3A_132, %add3A_427 : i32
        %gt3A_429 = arith.cmpi sgt, %add3A_428, %add3A_129 : i32
        %and3A_430 = arith.constant 31 : i32
        %and3A_431 = arith.andi %squeeze3A_418, %and3A_430 : i32
        %jit3A_432 = arith.constant 64 : i32
        %select_n3A_433 = arith.select %gt3A_429, %and3A_431, %jit3A_432 : i32
        %add3A_434 = arith.addi %mul3A_170, %shift_right_logical3A_420 : i32
        %get3A_435 = arith.index_cast %add3A_434 : i32 to index
        %get3A_436 = arith.index_cast %mul3A_426 : i32 to index
        %get3A_437 = tpu.vector_load %arg7[%get3A_435, %get3A_436] {strides = array<i32>} : memref<64x128xf32, #tpu.memory_space<vmem>>, vector<1x16xf32>,
        %get3A_438 = vector.shape_cast %get3A_437 : vector<1x16xf32> to vector<16xf32>
        %get3A_439 = arith.index_cast %add3A_416 : i32 to index
        %get3A_440 = arith.index_cast %mul3A_426 : i32 to index
        %get3A_441 = tpu.vector_load %arg9[%get3A_439, %get3A_440] {strides = array<i32>} : memref<128x128xf32, #tpu.memory_space<vmem>>, vector<1x16xf32>,
        %get3A_442 = vector.shape_cast %get3A_441 : vector<1x16xf32> to vector<16xf32>
        %add3A_443 = arith.addi %mul3A_170, %shift_right_logical3A_420 : i32
        %add3A_444 = arith.constant 16 : i32
        %add3A_445 = arith.addi %mul3A_426, %add3A_444 : i32
        %get3A_446 = arith.index_cast %add3A_443 : i32 to index
        %get3A_447 = arith.index_cast %add3A_445 : i32 to index
        %get3A_448 = tpu.vector_load %arg7[%get3A_446, %get3A_447] {strides = array<i32>} : memref<64x128xf32, #tpu.memory_space<vmem>>, vector<1x16xf32>,
        %get3A_449 = vector.shape_cast %get3A_448 : vector<1x16xf32> to vector<16xf32>
        %add3A_450 = arith.constant 16 : i32
        %add3A_451 = arith.addi %mul3A_426, %add3A_450 : i32
        %get3A_452 = arith.index_cast %add3A_416 : i32 to index
        %get3A_453 = arith.index_cast %add3A_451 : i32 to index
        %get3A_454 = tpu.vector_load %arg9[%get3A_452, %get3A_453] {strides = array<i32>} : memref<128x128xf32, #tpu.memory_space<vmem>>, vector<1x16xf32>,
        %get3A_455 = vector.shape_cast %get3A_454 : vector<1x16xf32> to vector<16xf32>
        %sub3A_456 = arith.subf %get3A_438, %get3A_442 : vector<16xf32>
        %sub3A_457 = arith.subf %get3A_449, %get3A_455 : vector<16xf32>
        %ge3A_458 = vector.broadcast %select_n3A_433 : i32 to vector<16xi32>
        %ge3A_459 = arith.cmpi sge, %iota3A, %ge3A_458 : vector<16xi32>
        %mul3A_460 = arith.mulf %sub3A_456, %sub3A_456 : vector<16xf32>
        %jit3A_461 = arith.constant 0.000000e+00 : f32
        %broadcast_in_dim3A_462 = vector.broadcast %jit3A_461 : f32 to vector<16xf32>
        %select_n3A_463 = arith.select %ge3A_459, %mul3A_460, %broadcast_in_dim3A_462 : vector<16xi1>, vector<16xf32>
        %add3A_464 = arith.constant 16 : i32
        %add3A_465 = vector.broadcast %add3A_464 : i32 to vector<16xi32>
        %add3A_466 = arith.addi %iota3A, %add3A_465 : vector<16xi32>
        %ge3A_467 = vector.broadcast %select_n3A_433 : i32 to vector<16xi32>
        %ge3A_468 = arith.cmpi sge, %add3A_466, %ge3A_467 : vector<16xi32>
        %mul3A_469 = arith.mulf %sub3A_457, %sub3A_457 : vector<16xf32>
        %jit3A_470 = arith.constant 0.000000e+00 : f32
        %broadcast_in_dim3A_471 = vector.broadcast %jit3A_470 : f32 to vector<16xf32>
        %select_n3A_472 = arith.select %ge3A_468, %mul3A_469, %broadcast_in_dim3A_471 : vector<16xi1>, vector<16xf32>
        %add3A_473 = arith.addf %add3A_349, %select_n3A_463 : vector<16xf32>
        %add3A_474 = arith.addf %add3A_350, %select_n3A_472 : vector<16xf32>
        %mul3A_475 = arith.constant 16 : i32
        %mul3A_476 = arith.muli %scan3A_123, %mul3A_475 : i32
        %add3A_477 = arith.constant 5 : i32
        %add3A_478 = arith.addi %mul3A_476, %add3A_477 : i32
        %slice3A_479 = vector.extract_strided_slice %get3A_162 {offsets = [5], sizes = [1], strides = [1]} : vector<16xi32> to vector<1xi32>
        %squeeze3A_480 = vector.extract %slice3A_479[0] : i32 from vector<1xi32>
        %shift_right_logical3A_481 = arith.constant 7 : i32
        %shift_right_logical3A_482 = arith.shrui %squeeze3A_480, %shift_right_logical3A_481 : i32
        %shift_right_logical3A_483 = arith.constant 5 : i32
        %shift_right_logical3A_484 = arith.shrui %squeeze3A_480, %shift_right_logical3A_483 : i32
        %and3A_485 = arith.constant 3 : i32
        %and3A_486 = arith.andi %shift_right_logical3A_484, %and3A_485 : i32
        %mul3A_487 = arith.constant 32 : i32
        %mul3A_488 = arith.muli %and3A_486, %mul3A_487 : i32
        %add3A_489 = arith.constant 5 : i32
        %add3A_490 = arith.addi %mul3A_132, %add3A_489 : i32
        %gt3A_491 = arith.cmpi sgt, %add3A_490, %add3A_129 : i32
        %and3A_492 = arith.constant 31 : i32
        %and3A_493 = arith.andi %squeeze3A_480, %and3A_492 : i32
        %jit3A_494 = arith.constant 64 : i32
        %select_n3A_495 = arith.select %gt3A_491, %and3A_493, %jit3A_494 : i32
        %add3A_496 = arith.addi %mul3A_170, %shift_right_logical3A_482 : i32
        %get3A_497 = arith.index_cast %add3A_496 : i32 to index
        %get3A_498 = arith.index_cast %mul3A_488 : i32 to index
        %get3A_499 = tpu.vector_load %arg7[%get3A_497, %get3A_498] {strides = array<i32>} : memref<64x128xf32, #tpu.memory_space<vmem>>, vector<1x16xf32>,
        %get3A_500 = vector.shape_cast %get3A_499 : vector<1x16xf32> to vector<16xf32>
        %get3A_501 = arith.index_cast %add3A_478 : i32 to index
        %get3A_502 = arith.index_cast %mul3A_488 : i32 to index
        %get3A_503 = tpu.vector_load %arg9[%get3A_501, %get3A_502] {strides = array<i32>} : memref<128x128xf32, #tpu.memory_space<vmem>>, vector<1x16xf32>,
        %get3A_504 = vector.shape_cast %get3A_503 : vector<1x16xf32> to vector<16xf32>
        %add3A_505 = arith.addi %mul3A_170, %shift_right_logical3A_482 : i32
        %add3A_506 = arith.constant 16 : i32
        %add3A_507 = arith.addi %mul3A_488, %add3A_506 : i32
        %get3A_508 = arith.index_cast %add3A_505 : i32 to index
        %get3A_509 = arith.index_cast %add3A_507 : i32 to index
        %get3A_510 = tpu.vector_load %arg7[%get3A_508, %get3A_509] {strides = array<i32>} : memref<64x128xf32, #tpu.memory_space<vmem>>, vector<1x16xf32>,
        %get3A_511 = vector.shape_cast %get3A_510 : vector<1x16xf32> to vector<16xf32>
        %add3A_512 = arith.constant 16 : i32
        %add3A_513 = arith.addi %mul3A_488, %add3A_512 : i32
        %get3A_514 = arith.index_cast %add3A_478 : i32 to index
        %get3A_515 = arith.index_cast %add3A_513 : i32 to index
        %get3A_516 = tpu.vector_load %arg9[%get3A_514, %get3A_515] {strides = array<i32>} : memref<128x128xf32, #tpu.memory_space<vmem>>, vector<1x16xf32>,
        %get3A_517 = vector.shape_cast %get3A_516 : vector<1x16xf32> to vector<16xf32>
        %sub3A_518 = arith.subf %get3A_500, %get3A_504 : vector<16xf32>
        %sub3A_519 = arith.subf %get3A_511, %get3A_517 : vector<16xf32>
        %ge3A_520 = vector.broadcast %select_n3A_495 : i32 to vector<16xi32>
        %ge3A_521 = arith.cmpi sge, %iota3A, %ge3A_520 : vector<16xi32>
        %mul3A_522 = arith.mulf %sub3A_518, %sub3A_518 : vector<16xf32>
        %jit3A_523 = arith.constant 0.000000e+00 : f32
        %broadcast_in_dim3A_524 = vector.broadcast %jit3A_523 : f32 to vector<16xf32>
        %select_n3A_525 = arith.select %ge3A_521, %mul3A_522, %broadcast_in_dim3A_524 : vector<16xi1>, vector<16xf32>
        %add3A_526 = arith.constant 16 : i32
        %add3A_527 = vector.broadcast %add3A_526 : i32 to vector<16xi32>
        %add3A_528 = arith.addi %iota3A, %add3A_527 : vector<16xi32>
        %ge3A_529 = vector.broadcast %select_n3A_495 : i32 to vector<16xi32>
        %ge3A_530 = arith.cmpi sge, %add3A_528, %ge3A_529 : vector<16xi32>
        %mul3A_531 = arith.mulf %sub3A_519, %sub3A_519 : vector<16xf32>
        %jit3A_532 = arith.constant 0.000000e+00 : f32
        %broadcast_in_dim3A_533 = vector.broadcast %jit3A_532 : f32 to vector<16xf32>
        %select_n3A_534 = arith.select %ge3A_530, %mul3A_531, %broadcast_in_dim3A_533 : vector<16xi1>, vector<16xf32>
        %add3A_535 = arith.addf %add3A_411, %select_n3A_525 : vector<16xf32>
        %add3A_536 = arith.addf %add3A_412, %select_n3A_534 : vector<16xf32>
        %mul3A_537 = arith.constant 16 : i32
        %mul3A_538 = arith.muli %scan3A_123, %mul3A_537 : i32
        %add3A_539 = arith.constant 6 : i32
        %add3A_540 = arith.addi %mul3A_538, %add3A_539 : i32
        %slice3A_541 = vector.extract_strided_slice %get3A_162 {offsets = [6], sizes = [1], strides = [1]} : vector<16xi32> to vector<1xi32>
        %squeeze3A_542 = vector.extract %slice3A_541[0] : i32 from vector<1xi32>
        %shift_right_logical3A_543 = arith.constant 7 : i32
        %shift_right_logical3A_544 = arith.shrui %squeeze3A_542, %shift_right_logical3A_543 : i32
        %shift_right_logical3A_545 = arith.constant 5 : i32
        %shift_right_logical3A_546 = arith.shrui %squeeze3A_542, %shift_right_logical3A_545 : i32
        %and3A_547 = arith.constant 3 : i32
        %and3A_548 = arith.andi %shift_right_logical3A_546, %and3A_547 : i32
        %mul3A_549 = arith.constant 32 : i32
        %mul3A_550 = arith.muli %and3A_548, %mul3A_549 : i32
        %add3A_551 = arith.constant 6 : i32
        %add3A_552 = arith.addi %mul3A_132, %add3A_551 : i32
        %gt3A_553 = arith.cmpi sgt, %add3A_552, %add3A_129 : i32
        %and3A_554 = arith.constant 31 : i32
        %and3A_555 = arith.andi %squeeze3A_542, %and3A_554 : i32
        %jit3A_556 = arith.constant 64 : i32
        %select_n3A_557 = arith.select %gt3A_553, %and3A_555, %jit3A_556 : i32
        %add3A_558 = arith.addi %mul3A_170, %shift_right_logical3A_544 : i32
        %get3A_559 = arith.index_cast %add3A_558 : i32 to index
        %get3A_560 = arith.index_cast %mul3A_550 : i32 to index
        %get3A_561 = tpu.vector_load %arg7[%get3A_559, %get3A_560] {strides = array<i32>} : memref<64x128xf32, #tpu.memory_space<vmem>>, vector<1x16xf32>,
        %get3A_562 = vector.shape_cast %get3A_561 : vector<1x16xf32> to vector<16xf32>
        %get3A_563 = arith.index_cast %add3A_540 : i32 to index
        %get3A_564 = arith.index_cast %mul3A_550 : i32 to index
        %get3A_565 = tpu.vector_load %arg9[%get3A_563, %get3A_564] {strides = array<i32>} : memref<128x128xf32, #tpu.memory_space<vmem>>, vector<1x16xf32>,
        %get3A_566 = vector.shape_cast %get3A_565 : vector<1x16xf32> to vector<16xf32>
        %add3A_567 = arith.addi %mul3A_170, %shift_right_logical3A_544 : i32
        %add3A_568 = arith.constant 16 : i32
        %add3A_569 = arith.addi %mul3A_550, %add3A_568 : i32
        %get3A_570 = arith.index_cast %add3A_567 : i32 to index
        %get3A_571 = arith.index_cast %add3A_569 : i32 to index
        %get3A_572 = tpu.vector_load %arg7[%get3A_570, %get3A_571] {strides = array<i32>} : memref<64x128xf32, #tpu.memory_space<vmem>>, vector<1x16xf32>,
        %get3A_573 = vector.shape_cast %get3A_572 : vector<1x16xf32> to vector<16xf32>
        %add3A_574 = arith.constant 16 : i32
        %add3A_575 = arith.addi %mul3A_550, %add3A_574 : i32
        %get3A_576 = arith.index_cast %add3A_540 : i32 to index
        %get3A_577 = arith.index_cast %add3A_575 : i32 to index
        %get3A_578 = tpu.vector_load %arg9[%get3A_576, %get3A_577] {strides = array<i32>} : memref<128x128xf32, #tpu.memory_space<vmem>>, vector<1x16xf32>,
        %get3A_579 = vector.shape_cast %get3A_578 : vector<1x16xf32> to vector<16xf32>
        %sub3A_580 = arith.subf %get3A_562, %get3A_566 : vector<16xf32>
        %sub3A_581 = arith.subf %get3A_573, %get3A_579 : vector<16xf32>
        %ge3A_582 = vector.broadcast %select_n3A_557 : i32 to vector<16xi32>
        %ge3A_583 = arith.cmpi sge, %iota3A, %ge3A_582 : vector<16xi32>
        %mul3A_584 = arith.mulf %sub3A_580, %sub3A_580 : vector<16xf32>
        %jit3A_585 = arith.constant 0.000000e+00 : f32
        %broadcast_in_dim3A_586 = vector.broadcast %jit3A_585 : f32 to vector<16xf32>
        %select_n3A_587 = arith.select %ge3A_583, %mul3A_584, %broadcast_in_dim3A_586 : vector<16xi1>, vector<16xf32>
        %add3A_588 = arith.constant 16 : i32
        %add3A_589 = vector.broadcast %add3A_588 : i32 to vector<16xi32>
        %add3A_590 = arith.addi %iota3A, %add3A_589 : vector<16xi32>
        %ge3A_591 = vector.broadcast %select_n3A_557 : i32 to vector<16xi32>
        %ge3A_592 = arith.cmpi sge, %add3A_590, %ge3A_591 : vector<16xi32>
        %mul3A_593 = arith.mulf %sub3A_581, %sub3A_581 : vector<16xf32>
        %jit3A_594 = arith.constant 0.000000e+00 : f32
        %broadcast_in_dim3A_595 = vector.broadcast %jit3A_594 : f32 to vector<16xf32>
        %select_n3A_596 = arith.select %ge3A_592, %mul3A_593, %broadcast_in_dim3A_595 : vector<16xi1>, vector<16xf32>
        %add3A_597 = arith.addf %add3A_473, %select_n3A_587 : vector<16xf32>
        %add3A_598 = arith.addf %add3A_474, %select_n3A_596 : vector<16xf32>
        %mul3A_599 = arith.constant 16 : i32
        %mul3A_600 = arith.muli %scan3A_123, %mul3A_599 : i32
        %add3A_601 = arith.constant 7 : i32
        %add3A_602 = arith.addi %mul3A_600, %add3A_601 : i32
        %slice3A_603 = vector.extract_strided_slice %get3A_162 {offsets = [7], sizes = [1], strides = [1]} : vector<16xi32> to vector<1xi32>
        %squeeze3A_604 = vector.extract %slice3A_603[0] : i32 from vector<1xi32>
        %shift_right_logical3A_605 = arith.constant 7 : i32
        %shift_right_logical3A_606 = arith.shrui %squeeze3A_604, %shift_right_logical3A_605 : i32
        %shift_right_logical3A_607 = arith.constant 5 : i32
        %shift_right_logical3A_608 = arith.shrui %squeeze3A_604, %shift_right_logical3A_607 : i32
        %and3A_609 = arith.constant 3 : i32
        %and3A_610 = arith.andi %shift_right_logical3A_608, %and3A_609 : i32
        %mul3A_611 = arith.constant 32 : i32
        %mul3A_612 = arith.muli %and3A_610, %mul3A_611 : i32
        %add3A_613 = arith.constant 7 : i32
        %add3A_614 = arith.addi %mul3A_132, %add3A_613 : i32
        %gt3A_615 = arith.cmpi sgt, %add3A_614, %add3A_129 : i32
        %and3A_616 = arith.constant 31 : i32
        %and3A_617 = arith.andi %squeeze3A_604, %and3A_616 : i32
        %jit3A_618 = arith.constant 64 : i32
        %select_n3A_619 = arith.select %gt3A_615, %and3A_617, %jit3A_618 : i32
        %add3A_620 = arith.addi %mul3A_170, %shift_right_logical3A_606 : i32
        %get3A_621 = arith.index_cast %add3A_620 : i32 to index
        %get3A_622 = arith.index_cast %mul3A_612 : i32 to index
        %get3A_623 = tpu.vector_load %arg7[%get3A_621, %get3A_622] {strides = array<i32>} : memref<64x128xf32, #tpu.memory_space<vmem>>, vector<1x16xf32>,
        %get3A_624 = vector.shape_cast %get3A_623 : vector<1x16xf32> to vector<16xf32>
        %get3A_625 = arith.index_cast %add3A_602 : i32 to index
        %get3A_626 = arith.index_cast %mul3A_612 : i32 to index
        %get3A_627 = tpu.vector_load %arg9[%get3A_625, %get3A_626] {strides = array<i32>} : memref<128x128xf32, #tpu.memory_space<vmem>>, vector<1x16xf32>,
        %get3A_628 = vector.shape_cast %get3A_627 : vector<1x16xf32> to vector<16xf32>
        %add3A_629 = arith.addi %mul3A_170, %shift_right_logical3A_606 : i32
        %add3A_630 = arith.constant 16 : i32
        %add3A_631 = arith.addi %mul3A_612, %add3A_630 : i32
        %get3A_632 = arith.index_cast %add3A_629 : i32 to index
        %get3A_633 = arith.index_cast %add3A_631 : i32 to index
        %get3A_634 = tpu.vector_load %arg7[%get3A_632, %get3A_633] {strides = array<i32>} : memref<64x128xf32, #tpu.memory_space<vmem>>, vector<1x16xf32>,
        %get3A_635 = vector.shape_cast %get3A_634 : vector<1x16xf32> to vector<16xf32>
        %add3A_636 = arith.constant 16 : i32
        %add3A_637 = arith.addi %mul3A_612, %add3A_636 : i32
        %get3A_638 = arith.index_cast %add3A_602 : i32 to index
        %get3A_639 = arith.index_cast %add3A_637 : i32 to index
        %get3A_640 = tpu.vector_load %arg9[%get3A_638, %get3A_639] {strides = array<i32>} : memref<128x128xf32, #tpu.memory_space<vmem>>, vector<1x16xf32>,
        %get3A_641 = vector.shape_cast %get3A_640 : vector<1x16xf32> to vector<16xf32>
        %sub3A_642 = arith.subf %get3A_624, %get3A_628 : vector<16xf32>
        %sub3A_643 = arith.subf %get3A_635, %get3A_641 : vector<16xf32>
        %ge3A_644 = vector.broadcast %select_n3A_619 : i32 to vector<16xi32>
        %ge3A_645 = arith.cmpi sge, %iota3A, %ge3A_644 : vector<16xi32>
        %mul3A_646 = arith.mulf %sub3A_642, %sub3A_642 : vector<16xf32>
        %jit3A_647 = arith.constant 0.000000e+00 : f32
        %broadcast_in_dim3A_648 = vector.broadcast %jit3A_647 : f32 to vector<16xf32>
        %select_n3A_649 = arith.select %ge3A_645, %mul3A_646, %broadcast_in_dim3A_648 : vector<16xi1>, vector<16xf32>
        %add3A_650 = arith.constant 16 : i32
        %add3A_651 = vector.broadcast %add3A_650 : i32 to vector<16xi32>
        %add3A_652 = arith.addi %iota3A, %add3A_651 : vector<16xi32>
        %ge3A_653 = vector.broadcast %select_n3A_619 : i32 to vector<16xi32>
        %ge3A_654 = arith.cmpi sge, %add3A_652, %ge3A_653 : vector<16xi32>
        %mul3A_655 = arith.mulf %sub3A_643, %sub3A_643 : vector<16xf32>
        %jit3A_656 = arith.constant 0.000000e+00 : f32
        %broadcast_in_dim3A_657 = vector.broadcast %jit3A_656 : f32 to vector<16xf32>
        %select_n3A_658 = arith.select %ge3A_654, %mul3A_655, %broadcast_in_dim3A_657 : vector<16xi1>, vector<16xf32>
        %add3A_659 = arith.addf %add3A_535, %select_n3A_649 : vector<16xf32>
        %add3A_660 = arith.addf %add3A_536, %select_n3A_658 : vector<16xf32>
        %mul3A_661 = arith.constant 16 : i32
        %mul3A_662 = arith.muli %scan3A_123, %mul3A_661 : i32
        %add3A_663 = arith.constant 8 : i32
        %add3A_664 = arith.addi %mul3A_662, %add3A_663 : i32
        %slice3A_665 = vector.extract_strided_slice %get3A_162 {offsets = [8], sizes = [1], strides = [1]} : vector<16xi32> to vector<1xi32>
        %squeeze3A_666 = vector.extract %slice3A_665[0] : i32 from vector<1xi32>
        %shift_right_logical3A_667 = arith.constant 7 : i32
        %shift_right_logical3A_668 = arith.shrui %squeeze3A_666, %shift_right_logical3A_667 : i32
        %shift_right_logical3A_669 = arith.constant 5 : i32
        %shift_right_logical3A_670 = arith.shrui %squeeze3A_666, %shift_right_logical3A_669 : i32
        %and3A_671 = arith.constant 3 : i32
        %and3A_672 = arith.andi %shift_right_logical3A_670, %and3A_671 : i32
        %mul3A_673 = arith.constant 32 : i32
        %mul3A_674 = arith.muli %and3A_672, %mul3A_673 : i32
        %add3A_675 = arith.constant 8 : i32
        %add3A_676 = arith.addi %mul3A_132, %add3A_675 : i32
        %gt3A_677 = arith.cmpi sgt, %add3A_676, %add3A_129 : i32
        %and3A_678 = arith.constant 31 : i32
        %and3A_679 = arith.andi %squeeze3A_666, %and3A_678 : i32
        %jit3A_680 = arith.constant 64 : i32
        %select_n3A_681 = arith.select %gt3A_677, %and3A_679, %jit3A_680 : i32
        %add3A_682 = arith.addi %mul3A_170, %shift_right_logical3A_668 : i32
        %get3A_683 = arith.index_cast %add3A_682 : i32 to index
        %get3A_684 = arith.index_cast %mul3A_674 : i32 to index
        %get3A_685 = tpu.vector_load %arg7[%get3A_683, %get3A_684] {strides = array<i32>} : memref<64x128xf32, #tpu.memory_space<vmem>>, vector<1x16xf32>,
        %get3A_686 = vector.shape_cast %get3A_685 : vector<1x16xf32> to vector<16xf32>
        %get3A_687 = arith.index_cast %add3A_664 : i32 to index
        %get3A_688 = arith.index_cast %mul3A_674 : i32 to index
        %get3A_689 = tpu.vector_load %arg9[%get3A_687, %get3A_688] {strides = array<i32>} : memref<128x128xf32, #tpu.memory_space<vmem>>, vector<1x16xf32>,
        %get3A_690 = vector.shape_cast %get3A_689 : vector<1x16xf32> to vector<16xf32>
        %add3A_691 = arith.addi %mul3A_170, %shift_right_logical3A_668 : i32
        %add3A_692 = arith.constant 16 : i32
        %add3A_693 = arith.addi %mul3A_674, %add3A_692 : i32
        %get3A_694 = arith.index_cast %add3A_691 : i32 to index
        %get3A_695 = arith.index_cast %add3A_693 : i32 to index
        %get3A_696 = tpu.vector_load %arg7[%get3A_694, %get3A_695] {strides = array<i32>} : memref<64x128xf32, #tpu.memory_space<vmem>>, vector<1x16xf32>,
        %get3A_697 = vector.shape_cast %get3A_696 : vector<1x16xf32> to vector<16xf32>
        %add3A_698 = arith.constant 16 : i32
        %add3A_699 = arith.addi %mul3A_674, %add3A_698 : i32
        %get3A_700 = arith.index_cast %add3A_664 : i32 to index
        %get3A_701 = arith.index_cast %add3A_699 : i32 to index
        %get3A_702 = tpu.vector_load %arg9[%get3A_700, %get3A_701] {strides = array<i32>} : memref<128x128xf32, #tpu.memory_space<vmem>>, vector<1x16xf32>,
        %get3A_703 = vector.shape_cast %get3A_702 : vector<1x16xf32> to vector<16xf32>
        %sub3A_704 = arith.subf %get3A_686, %get3A_690 : vector<16xf32>
        %sub3A_705 = arith.subf %get3A_697, %get3A_703 : vector<16xf32>
        %ge3A_706 = vector.broadcast %select_n3A_681 : i32 to vector<16xi32>
        %ge3A_707 = arith.cmpi sge, %iota3A, %ge3A_706 : vector<16xi32>
        %mul3A_708 = arith.mulf %sub3A_704, %sub3A_704 : vector<16xf32>
        %jit3A_709 = arith.constant 0.000000e+00 : f32
        %broadcast_in_dim3A_710 = vector.broadcast %jit3A_709 : f32 to vector<16xf32>
        %select_n3A_711 = arith.select %ge3A_707, %mul3A_708, %broadcast_in_dim3A_710 : vector<16xi1>, vector<16xf32>
        %add3A_712 = arith.constant 16 : i32
        %add3A_713 = vector.broadcast %add3A_712 : i32 to vector<16xi32>
        %add3A_714 = arith.addi %iota3A, %add3A_713 : vector<16xi32>
        %ge3A_715 = vector.broadcast %select_n3A_681 : i32 to vector<16xi32>
        %ge3A_716 = arith.cmpi sge, %add3A_714, %ge3A_715 : vector<16xi32>
        %mul3A_717 = arith.mulf %sub3A_705, %sub3A_705 : vector<16xf32>
        %jit3A_718 = arith.constant 0.000000e+00 : f32
        %broadcast_in_dim3A_719 = vector.broadcast %jit3A_718 : f32 to vector<16xf32>
        %select_n3A_720 = arith.select %ge3A_716, %mul3A_717, %broadcast_in_dim3A_719 : vector<16xi1>, vector<16xf32>
        %add3A_721 = arith.addf %add3A_597, %select_n3A_711 : vector<16xf32>
        %add3A_722 = arith.addf %add3A_598, %select_n3A_720 : vector<16xf32>
        %mul3A_723 = arith.constant 16 : i32
        %mul3A_724 = arith.muli %scan3A_123, %mul3A_723 : i32
        %add3A_725 = arith.constant 9 : i32
        %add3A_726 = arith.addi %mul3A_724, %add3A_725 : i32
        %slice3A_727 = vector.extract_strided_slice %get3A_162 {offsets = [9], sizes = [1], strides = [1]} : vector<16xi32> to vector<1xi32>
        %squeeze3A_728 = vector.extract %slice3A_727[0] : i32 from vector<1xi32>
        %shift_right_logical3A_729 = arith.constant 7 : i32
        %shift_right_logical3A_730 = arith.shrui %squeeze3A_728, %shift_right_logical3A_729 : i32
        %shift_right_logical3A_731 = arith.constant 5 : i32
        %shift_right_logical3A_732 = arith.shrui %squeeze3A_728, %shift_right_logical3A_731 : i32
        %and3A_733 = arith.constant 3 : i32
        %and3A_734 = arith.andi %shift_right_logical3A_732, %and3A_733 : i32
        %mul3A_735 = arith.constant 32 : i32
        %mul3A_736 = arith.muli %and3A_734, %mul3A_735 : i32
        %add3A_737 = arith.constant 9 : i32
        %add3A_738 = arith.addi %mul3A_132, %add3A_737 : i32
        %gt3A_739 = arith.cmpi sgt, %add3A_738, %add3A_129 : i32
        %and3A_740 = arith.constant 31 : i32
        %and3A_741 = arith.andi %squeeze3A_728, %and3A_740 : i32
        %jit3A_742 = arith.constant 64 : i32
        %select_n3A_743 = arith.select %gt3A_739, %and3A_741, %jit3A_742 : i32
        %add3A_744 = arith.addi %mul3A_170, %shift_right_logical3A_730 : i32
        %get3A_745 = arith.index_cast %add3A_744 : i32 to index
        %get3A_746 = arith.index_cast %mul3A_736 : i32 to index
        %get3A_747 = tpu.vector_load %arg7[%get3A_745, %get3A_746] {strides = array<i32>} : memref<64x128xf32, #tpu.memory_space<vmem>>, vector<1x16xf32>,
        %get3A_748 = vector.shape_cast %get3A_747 : vector<1x16xf32> to vector<16xf32>
        %get3A_749 = arith.index_cast %add3A_726 : i32 to index
        %get3A_750 = arith.index_cast %mul3A_736 : i32 to index
        %get3A_751 = tpu.vector_load %arg9[%get3A_749, %get3A_750] {strides = array<i32>} : memref<128x128xf32, #tpu.memory_space<vmem>>, vector<1x16xf32>,
        %get3A_752 = vector.shape_cast %get3A_751 : vector<1x16xf32> to vector<16xf32>
        %add3A_753 = arith.addi %mul3A_170, %shift_right_logical3A_730 : i32
        %add3A_754 = arith.constant 16 : i32
        %add3A_755 = arith.addi %mul3A_736, %add3A_754 : i32
        %get3A_756 = arith.index_cast %add3A_753 : i32 to index
        %get3A_757 = arith.index_cast %add3A_755 : i32 to index
        %get3A_758 = tpu.vector_load %arg7[%get3A_756, %get3A_757] {strides = array<i32>} : memref<64x128xf32, #tpu.memory_space<vmem>>, vector<1x16xf32>,
        %get3A_759 = vector.shape_cast %get3A_758 : vector<1x16xf32> to vector<16xf32>
        %add3A_760 = arith.constant 16 : i32
        %add3A_761 = arith.addi %mul3A_736, %add3A_760 : i32
        %get3A_762 = arith.index_cast %add3A_726 : i32 to index
        %get3A_763 = arith.index_cast %add3A_761 : i32 to index
        %get3A_764 = tpu.vector_load %arg9[%get3A_762, %get3A_763] {strides = array<i32>} : memref<128x128xf32, #tpu.memory_space<vmem>>, vector<1x16xf32>,
        %get3A_765 = vector.shape_cast %get3A_764 : vector<1x16xf32> to vector<16xf32>
        %sub3A_766 = arith.subf %get3A_748, %get3A_752 : vector<16xf32>
        %sub3A_767 = arith.subf %get3A_759, %get3A_765 : vector<16xf32>
        %ge3A_768 = vector.broadcast %select_n3A_743 : i32 to vector<16xi32>
        %ge3A_769 = arith.cmpi sge, %iota3A, %ge3A_768 : vector<16xi32>
        %mul3A_770 = arith.mulf %sub3A_766, %sub3A_766 : vector<16xf32>
        %jit3A_771 = arith.constant 0.000000e+00 : f32
        %broadcast_in_dim3A_772 = vector.broadcast %jit3A_771 : f32 to vector<16xf32>
        %select_n3A_773 = arith.select %ge3A_769, %mul3A_770, %broadcast_in_dim3A_772 : vector<16xi1>, vector<16xf32>
        %add3A_774 = arith.constant 16 : i32
        %add3A_775 = vector.broadcast %add3A_774 : i32 to vector<16xi32>
        %add3A_776 = arith.addi %iota3A, %add3A_775 : vector<16xi32>
        %ge3A_777 = vector.broadcast %select_n3A_743 : i32 to vector<16xi32>
        %ge3A_778 = arith.cmpi sge, %add3A_776, %ge3A_777 : vector<16xi32>
        %mul3A_779 = arith.mulf %sub3A_767, %sub3A_767 : vector<16xf32>
        %jit3A_780 = arith.constant 0.000000e+00 : f32
        %broadcast_in_dim3A_781 = vector.broadcast %jit3A_780 : f32 to vector<16xf32>
        %select_n3A_782 = arith.select %ge3A_778, %mul3A_779, %broadcast_in_dim3A_781 : vector<16xi1>, vector<16xf32>
        %add3A_783 = arith.addf %add3A_659, %select_n3A_773 : vector<16xf32>
        %add3A_784 = arith.addf %add3A_660, %select_n3A_782 : vector<16xf32>
        %mul3A_785 = arith.constant 16 : i32
        %mul3A_786 = arith.muli %scan3A_123, %mul3A_785 : i32
        %add3A_787 = arith.constant 10 : i32
        %add3A_788 = arith.addi %mul3A_786, %add3A_787 : i32
        %slice3A_789 = vector.extract_strided_slice %get3A_162 {offsets = [10], sizes = [1], strides = [1]} : vector<16xi32> to vector<1xi32>
        %squeeze3A_790 = vector.extract %slice3A_789[0] : i32 from vector<1xi32>
        %shift_right_logical3A_791 = arith.constant 7 : i32
        %shift_right_logical3A_792 = arith.shrui %squeeze3A_790, %shift_right_logical3A_791 : i32
        %shift_right_logical3A_793 = arith.constant 5 : i32
        %shift_right_logical3A_794 = arith.shrui %squeeze3A_790, %shift_right_logical3A_793 : i32
        %and3A_795 = arith.constant 3 : i32
        %and3A_796 = arith.andi %shift_right_logical3A_794, %and3A_795 : i32
        %mul3A_797 = arith.constant 32 : i32
        %mul3A_798 = arith.muli %and3A_796, %mul3A_797 : i32
        %add3A_799 = arith.constant 10 : i32
        %add3A_800 = arith.addi %mul3A_132, %add3A_799 : i32
        %gt3A_801 = arith.cmpi sgt, %add3A_800, %add3A_129 : i32
        %and3A_802 = arith.constant 31 : i32
        %and3A_803 = arith.andi %squeeze3A_790, %and3A_802 : i32
        %jit3A_804 = arith.constant 64 : i32
        %select_n3A_805 = arith.select %gt3A_801, %and3A_803, %jit3A_804 : i32
        %add3A_806 = arith.addi %mul3A_170, %shift_right_logical3A_792 : i32
        %get3A_807 = arith.index_cast %add3A_806 : i32 to index
        %get3A_808 = arith.index_cast %mul3A_798 : i32 to index
        %get3A_809 = tpu.vector_load %arg7[%get3A_807, %get3A_808] {strides = array<i32>} : memref<64x128xf32, #tpu.memory_space<vmem>>, vector<1x16xf32>,
        %get3A_810 = vector.shape_cast %get3A_809 : vector<1x16xf32> to vector<16xf32>
        %get3A_811 = arith.index_cast %add3A_788 : i32 to index
        %get3A_812 = arith.index_cast %mul3A_798 : i32 to index
        %get3A_813 = tpu.vector_load %arg9[%get3A_811, %get3A_812] {strides = array<i32>} : memref<128x128xf32, #tpu.memory_space<vmem>>, vector<1x16xf32>,
        %get3A_814 = vector.shape_cast %get3A_813 : vector<1x16xf32> to vector<16xf32>
        %add3A_815 = arith.addi %mul3A_170, %shift_right_logical3A_792 : i32
        %add3A_816 = arith.constant 16 : i32
        %add3A_817 = arith.addi %mul3A_798, %add3A_816 : i32
        %get3A_818 = arith.index_cast %add3A_815 : i32 to index
        %get3A_819 = arith.index_cast %add3A_817 : i32 to index
        %get3A_820 = tpu.vector_load %arg7[%get3A_818, %get3A_819] {strides = array<i32>} : memref<64x128xf32, #tpu.memory_space<vmem>>, vector<1x16xf32>,
        %get3A_821 = vector.shape_cast %get3A_820 : vector<1x16xf32> to vector<16xf32>
        %add3A_822 = arith.constant 16 : i32
        %add3A_823 = arith.addi %mul3A_798, %add3A_822 : i32
        %get3A_824 = arith.index_cast %add3A_788 : i32 to index
        %get3A_825 = arith.index_cast %add3A_823 : i32 to index
        %get3A_826 = tpu.vector_load %arg9[%get3A_824, %get3A_825] {strides = array<i32>} : memref<128x128xf32, #tpu.memory_space<vmem>>, vector<1x16xf32>,
        %get3A_827 = vector.shape_cast %get3A_826 : vector<1x16xf32> to vector<16xf32>
        %sub3A_828 = arith.subf %get3A_810, %get3A_814 : vector<16xf32>
        %sub3A_829 = arith.subf %get3A_821, %get3A_827 : vector<16xf32>
        %ge3A_830 = vector.broadcast %select_n3A_805 : i32 to vector<16xi32>
        %ge3A_831 = arith.cmpi sge, %iota3A, %ge3A_830 : vector<16xi32>
        %mul3A_832 = arith.mulf %sub3A_828, %sub3A_828 : vector<16xf32>
        %jit3A_833 = arith.constant 0.000000e+00 : f32
        %broadcast_in_dim3A_834 = vector.broadcast %jit3A_833 : f32 to vector<16xf32>
        %select_n3A_835 = arith.select %ge3A_831, %mul3A_832, %broadcast_in_dim3A_834 : vector<16xi1>, vector<16xf32>
        %add3A_836 = arith.constant 16 : i32
        %add3A_837 = vector.broadcast %add3A_836 : i32 to vector<16xi32>
        %add3A_838 = arith.addi %iota3A, %add3A_837 : vector<16xi32>
        %ge3A_839 = vector.broadcast %select_n3A_805 : i32 to vector<16xi32>
        %ge3A_840 = arith.cmpi sge, %add3A_838, %ge3A_839 : vector<16xi32>
        %mul3A_841 = arith.mulf %sub3A_829, %sub3A_829 : vector<16xf32>
        %jit3A_842 = arith.constant 0.000000e+00 : f32
        %broadcast_in_dim3A_843 = vector.broadcast %jit3A_842 : f32 to vector<16xf32>
        %select_n3A_844 = arith.select %ge3A_840, %mul3A_841, %broadcast_in_dim3A_843 : vector<16xi1>, vector<16xf32>
        %add3A_845 = arith.addf %add3A_721, %select_n3A_835 : vector<16xf32>
        %add3A_846 = arith.addf %add3A_722, %select_n3A_844 : vector<16xf32>
        %mul3A_847 = arith.constant 16 : i32
        %mul3A_848 = arith.muli %scan3A_123, %mul3A_847 : i32
        %add3A_849 = arith.constant 11 : i32
        %add3A_850 = arith.addi %mul3A_848, %add3A_849 : i32
        %slice3A_851 = vector.extract_strided_slice %get3A_162 {offsets = [11], sizes = [1], strides = [1]} : vector<16xi32> to vector<1xi32>
        %squeeze3A_852 = vector.extract %slice3A_851[0] : i32 from vector<1xi32>
        %shift_right_logical3A_853 = arith.constant 7 : i32
        %shift_right_logical3A_854 = arith.shrui %squeeze3A_852, %shift_right_logical3A_853 : i32
        %shift_right_logical3A_855 = arith.constant 5 : i32
        %shift_right_logical3A_856 = arith.shrui %squeeze3A_852, %shift_right_logical3A_855 : i32
        %and3A_857 = arith.constant 3 : i32
        %and3A_858 = arith.andi %shift_right_logical3A_856, %and3A_857 : i32
        %mul3A_859 = arith.constant 32 : i32
        %mul3A_860 = arith.muli %and3A_858, %mul3A_859 : i32
        %add3A_861 = arith.constant 11 : i32
        %add3A_862 = arith.addi %mul3A_132, %add3A_861 : i32
        %gt3A_863 = arith.cmpi sgt, %add3A_862, %add3A_129 : i32
        %and3A_864 = arith.constant 31 : i32
        %and3A_865 = arith.andi %squeeze3A_852, %and3A_864 : i32
        %jit3A_866 = arith.constant 64 : i32
        %select_n3A_867 = arith.select %gt3A_863, %and3A_865, %jit3A_866 : i32
        %add3A_868 = arith.addi %mul3A_170, %shift_right_logical3A_854 : i32
        %get3A_869 = arith.index_cast %add3A_868 : i32 to index
        %get3A_870 = arith.index_cast %mul3A_860 : i32 to index
        %get3A_871 = tpu.vector_load %arg7[%get3A_869, %get3A_870] {strides = array<i32>} : memref<64x128xf32, #tpu.memory_space<vmem>>, vector<1x16xf32>,
        %get3A_872 = vector.shape_cast %get3A_871 : vector<1x16xf32> to vector<16xf32>
        %get3A_873 = arith.index_cast %add3A_850 : i32 to index
        %get3A_874 = arith.index_cast %mul3A_860 : i32 to index
        %get3A_875 = tpu.vector_load %arg9[%get3A_873, %get3A_874] {strides = array<i32>} : memref<128x128xf32, #tpu.memory_space<vmem>>, vector<1x16xf32>,
        %get3A_876 = vector.shape_cast %get3A_875 : vector<1x16xf32> to vector<16xf32>
        %add3A_877 = arith.addi %mul3A_170, %shift_right_logical3A_854 : i32
        %add3A_878 = arith.constant 16 : i32
        %add3A_879 = arith.addi %mul3A_860, %add3A_878 : i32
        %get3A_880 = arith.index_cast %add3A_877 : i32 to index
        %get3A_881 = arith.index_cast %add3A_879 : i32 to index
        %get3A_882 = tpu.vector_load %arg7[%get3A_880, %get3A_881] {strides = array<i32>} : memref<64x128xf32, #tpu.memory_space<vmem>>, vector<1x16xf32>,
        %get3A_883 = vector.shape_cast %get3A_882 : vector<1x16xf32> to vector<16xf32>
        %add3A_884 = arith.constant 16 : i32
        %add3A_885 = arith.addi %mul3A_860, %add3A_884 : i32
        %get3A_886 = arith.index_cast %add3A_850 : i32 to index
        %get3A_887 = arith.index_cast %add3A_885 : i32 to index
        %get3A_888 = tpu.vector_load %arg9[%get3A_886, %get3A_887] {strides = array<i32>} : memref<128x128xf32, #tpu.memory_space<vmem>>, vector<1x16xf32>,
        %get3A_889 = vector.shape_cast %get3A_888 : vector<1x16xf32> to vector<16xf32>
        %sub3A_890 = arith.subf %get3A_872, %get3A_876 : vector<16xf32>
        %sub3A_891 = arith.subf %get3A_883, %get3A_889 : vector<16xf32>
        %ge3A_892 = vector.broadcast %select_n3A_867 : i32 to vector<16xi32>
        %ge3A_893 = arith.cmpi sge, %iota3A, %ge3A_892 : vector<16xi32>
        %mul3A_894 = arith.mulf %sub3A_890, %sub3A_890 : vector<16xf32>
        %jit3A_895 = arith.constant 0.000000e+00 : f32
        %broadcast_in_dim3A_896 = vector.broadcast %jit3A_895 : f32 to vector<16xf32>
        %select_n3A_897 = arith.select %ge3A_893, %mul3A_894, %broadcast_in_dim3A_896 : vector<16xi1>, vector<16xf32>
        %add3A_898 = arith.constant 16 : i32
        %add3A_899 = vector.broadcast %add3A_898 : i32 to vector<16xi32>
        %add3A_900 = arith.addi %iota3A, %add3A_899 : vector<16xi32>
        %ge3A_901 = vector.broadcast %select_n3A_867 : i32 to vector<16xi32>
        %ge3A_902 = arith.cmpi sge, %add3A_900, %ge3A_901 : vector<16xi32>
        %mul3A_903 = arith.mulf %sub3A_891, %sub3A_891 : vector<16xf32>
        %jit3A_904 = arith.constant 0.000000e+00 : f32
        %broadcast_in_dim3A_905 = vector.broadcast %jit3A_904 : f32 to vector<16xf32>
        %select_n3A_906 = arith.select %ge3A_902, %mul3A_903, %broadcast_in_dim3A_905 : vector<16xi1>, vector<16xf32>
        %add3A_907 = arith.addf %add3A_783, %select_n3A_897 : vector<16xf32>
        %add3A_908 = arith.addf %add3A_784, %select_n3A_906 : vector<16xf32>
        %mul3A_909 = arith.constant 16 : i32
        %mul3A_910 = arith.muli %scan3A_123, %mul3A_909 : i32
        %add3A_911 = arith.constant 12 : i32
        %add3A_912 = arith.addi %mul3A_910, %add3A_911 : i32
        %slice3A_913 = vector.extract_strided_slice %get3A_162 {offsets = [12], sizes = [1], strides = [1]} : vector<16xi32> to vector<1xi32>
        %squeeze3A_914 = vector.extract %slice3A_913[0] : i32 from vector<1xi32>
        %shift_right_logical3A_915 = arith.constant 7 : i32
        %shift_right_logical3A_916 = arith.shrui %squeeze3A_914, %shift_right_logical3A_915 : i32
        %shift_right_logical3A_917 = arith.constant 5 : i32
        %shift_right_logical3A_918 = arith.shrui %squeeze3A_914, %shift_right_logical3A_917 : i32
        %and3A_919 = arith.constant 3 : i32
        %and3A_920 = arith.andi %shift_right_logical3A_918, %and3A_919 : i32
        %mul3A_921 = arith.constant 32 : i32
        %mul3A_922 = arith.muli %and3A_920, %mul3A_921 : i32
        %add3A_923 = arith.constant 12 : i32
        %add3A_924 = arith.addi %mul3A_132, %add3A_923 : i32
        %gt3A_925 = arith.cmpi sgt, %add3A_924, %add3A_129 : i32
        %and3A_926 = arith.constant 31 : i32
        %and3A_927 = arith.andi %squeeze3A_914, %and3A_926 : i32
        %jit3A_928 = arith.constant 64 : i32
        %select_n3A_929 = arith.select %gt3A_925, %and3A_927, %jit3A_928 : i32
        %add3A_930 = arith.addi %mul3A_170, %shift_right_logical3A_916 : i32
        %get3A_931 = arith.index_cast %add3A_930 : i32 to index
        %get3A_932 = arith.index_cast %mul3A_922 : i32 to index
        %get3A_933 = tpu.vector_load %arg7[%get3A_931, %get3A_932] {strides = array<i32>} : memref<64x128xf32, #tpu.memory_space<vmem>>, vector<1x16xf32>,
        %get3A_934 = vector.shape_cast %get3A_933 : vector<1x16xf32> to vector<16xf32>
        %get3A_935 = arith.index_cast %add3A_912 : i32 to index
        %get3A_936 = arith.index_cast %mul3A_922 : i32 to index
        %get3A_937 = tpu.vector_load %arg9[%get3A_935, %get3A_936] {strides = array<i32>} : memref<128x128xf32, #tpu.memory_space<vmem>>, vector<1x16xf32>,
        %get3A_938 = vector.shape_cast %get3A_937 : vector<1x16xf32> to vector<16xf32>
        %add3A_939 = arith.addi %mul3A_170, %shift_right_logical3A_916 : i32
        %add3A_940 = arith.constant 16 : i32
        %add3A_941 = arith.addi %mul3A_922, %add3A_940 : i32
        %get3A_942 = arith.index_cast %add3A_939 : i32 to index
        %get3A_943 = arith.index_cast %add3A_941 : i32 to index
        %get3A_944 = tpu.vector_load %arg7[%get3A_942, %get3A_943] {strides = array<i32>} : memref<64x128xf32, #tpu.memory_space<vmem>>, vector<1x16xf32>,
        %get3A_945 = vector.shape_cast %get3A_944 : vector<1x16xf32> to vector<16xf32>
        %add3A_946 = arith.constant 16 : i32
        %add3A_947 = arith.addi %mul3A_922, %add3A_946 : i32
        %get3A_948 = arith.index_cast %add3A_912 : i32 to index
        %get3A_949 = arith.index_cast %add3A_947 : i32 to index
        %get3A_950 = tpu.vector_load %arg9[%get3A_948, %get3A_949] {strides = array<i32>} : memref<128x128xf32, #tpu.memory_space<vmem>>, vector<1x16xf32>,
        %get3A_951 = vector.shape_cast %get3A_950 : vector<1x16xf32> to vector<16xf32>
        %sub3A_952 = arith.subf %get3A_934, %get3A_938 : vector<16xf32>
        %sub3A_953 = arith.subf %get3A_945, %get3A_951 : vector<16xf32>
        %ge3A_954 = vector.broadcast %select_n3A_929 : i32 to vector<16xi32>
        %ge3A_955 = arith.cmpi sge, %iota3A, %ge3A_954 : vector<16xi32>
        %mul3A_956 = arith.mulf %sub3A_952, %sub3A_952 : vector<16xf32>
        %jit3A_957 = arith.constant 0.000000e+00 : f32
        %broadcast_in_dim3A_958 = vector.broadcast %jit3A_957 : f32 to vector<16xf32>
        %select_n3A_959 = arith.select %ge3A_955, %mul3A_956, %broadcast_in_dim3A_958 : vector<16xi1>, vector<16xf32>
        %add3A_960 = arith.constant 16 : i32
        %add3A_961 = vector.broadcast %add3A_960 : i32 to vector<16xi32>
        %add3A_962 = arith.addi %iota3A, %add3A_961 : vector<16xi32>
        %ge3A_963 = vector.broadcast %select_n3A_929 : i32 to vector<16xi32>
        %ge3A_964 = arith.cmpi sge, %add3A_962, %ge3A_963 : vector<16xi32>
        %mul3A_965 = arith.mulf %sub3A_953, %sub3A_953 : vector<16xf32>
        %jit3A_966 = arith.constant 0.000000e+00 : f32
        %broadcast_in_dim3A_967 = vector.broadcast %jit3A_966 : f32 to vector<16xf32>
        %select_n3A_968 = arith.select %ge3A_964, %mul3A_965, %broadcast_in_dim3A_967 : vector<16xi1>, vector<16xf32>
        %add3A_969 = arith.addf %add3A_845, %select_n3A_959 : vector<16xf32>
        %add3A_970 = arith.addf %add3A_846, %select_n3A_968 : vector<16xf32>
        %mul3A_971 = arith.constant 16 : i32
        %mul3A_972 = arith.muli %scan3A_123, %mul3A_971 : i32
        %add3A_973 = arith.constant 13 : i32
        %add3A_974 = arith.addi %mul3A_972, %add3A_973 : i32
        %slice3A_975 = vector.extract_strided_slice %get3A_162 {offsets = [13], sizes = [1], strides = [1]} : vector<16xi32> to vector<1xi32>
        %squeeze3A_976 = vector.extract %slice3A_975[0] : i32 from vector<1xi32>
        %shift_right_logical3A_977 = arith.constant 7 : i32
        %shift_right_logical3A_978 = arith.shrui %squeeze3A_976, %shift_right_logical3A_977 : i32
        %shift_right_logical3A_979 = arith.constant 5 : i32
        %shift_right_logical3A_980 = arith.shrui %squeeze3A_976, %shift_right_logical3A_979 : i32
        %and3A_981 = arith.constant 3 : i32
        %and3A_982 = arith.andi %shift_right_logical3A_980, %and3A_981 : i32
        %mul3A_983 = arith.constant 32 : i32
        %mul3A_984 = arith.muli %and3A_982, %mul3A_983 : i32
        %add3A_985 = arith.constant 13 : i32
        %add3A_986 = arith.addi %mul3A_132, %add3A_985 : i32
        %gt3A_987 = arith.cmpi sgt, %add3A_986, %add3A_129 : i32
        %and3A_988 = arith.constant 31 : i32
        %and3A_989 = arith.andi %squeeze3A_976, %and3A_988 : i32
        %jit3A_990 = arith.constant 64 : i32
        %select_n3A_991 = arith.select %gt3A_987, %and3A_989, %jit3A_990 : i32
        %add3A_992 = arith.addi %mul3A_170, %shift_right_logical3A_978 : i32
        %get3A_993 = arith.index_cast %add3A_992 : i32 to index
        %get3A_994 = arith.index_cast %mul3A_984 : i32 to index
        %get3A_995 = tpu.vector_load %arg7[%get3A_993, %get3A_994] {strides = array<i32>} : memref<64x128xf32, #tpu.memory_space<vmem>>, vector<1x16xf32>,
        %get3A_996 = vector.shape_cast %get3A_995 : vector<1x16xf32> to vector<16xf32>
        %get3A_997 = arith.index_cast %add3A_974 : i32 to index
        %get3A_998 = arith.index_cast %mul3A_984 : i32 to index
        %get3A_999 = tpu.vector_load %arg9[%get3A_997, %get3A_998] {strides = array<i32>} : memref<128x128xf32, #tpu.memory_space<vmem>>, vector<1x16xf32>,
        %get3A_1000 = vector.shape_cast %get3A_999 : vector<1x16xf32> to vector<16xf32>
        %add3A_1001 = arith.addi %mul3A_170, %shift_right_logical3A_978 : i32
        %add3A_1002 = arith.constant 16 : i32
        %add3A_1003 = arith.addi %mul3A_984, %add3A_1002 : i32
        %get3A_1004 = arith.index_cast %add3A_1001 : i32 to index
        %get3A_1005 = arith.index_cast %add3A_1003 : i32 to index
        %get3A_1006 = tpu.vector_load %arg7[%get3A_1004, %get3A_1005] {strides = array<i32>} : memref<64x128xf32, #tpu.memory_space<vmem>>, vector<1x16xf32>,
        %get3A_1007 = vector.shape_cast %get3A_1006 : vector<1x16xf32> to vector<16xf32>
        %add3A_1008 = arith.constant 16 : i32
        %add3A_1009 = arith.addi %mul3A_984, %add3A_1008 : i32
        %get3A_1010 = arith.index_cast %add3A_974 : i32 to index
        %get3A_1011 = arith.index_cast %add3A_1009 : i32 to index
        %get3A_1012 = tpu.vector_load %arg9[%get3A_1010, %get3A_1011] {strides = array<i32>} : memref<128x128xf32, #tpu.memory_space<vmem>>, vector<1x16xf32>,
        %get3A_1013 = vector.shape_cast %get3A_1012 : vector<1x16xf32> to vector<16xf32>
        %sub3A_1014 = arith.subf %get3A_996, %get3A_1000 : vector<16xf32>
        %sub3A_1015 = arith.subf %get3A_1007, %get3A_1013 : vector<16xf32>
        %ge3A_1016 = vector.broadcast %select_n3A_991 : i32 to vector<16xi32>
        %ge3A_1017 = arith.cmpi sge, %iota3A, %ge3A_1016 : vector<16xi32>
        %mul3A_1018 = arith.mulf %sub3A_1014, %sub3A_1014 : vector<16xf32>
        %jit3A_1019 = arith.constant 0.000000e+00 : f32
        %broadcast_in_dim3A_1020 = vector.broadcast %jit3A_1019 : f32 to vector<16xf32>
        %select_n3A_1021 = arith.select %ge3A_1017, %mul3A_1018, %broadcast_in_dim3A_1020 : vector<16xi1>, vector<16xf32>
        %add3A_1022 = arith.constant 16 : i32
        %add3A_1023 = vector.broadcast %add3A_1022 : i32 to vector<16xi32>
        %add3A_1024 = arith.addi %iota3A, %add3A_1023 : vector<16xi32>
        %ge3A_1025 = vector.broadcast %select_n3A_991 : i32 to vector<16xi32>
        %ge3A_1026 = arith.cmpi sge, %add3A_1024, %ge3A_1025 : vector<16xi32>
        %mul3A_1027 = arith.mulf %sub3A_1015, %sub3A_1015 : vector<16xf32>
        %jit3A_1028 = arith.constant 0.000000e+00 : f32
        %broadcast_in_dim3A_1029 = vector.broadcast %jit3A_1028 : f32 to vector<16xf32>
        %select_n3A_1030 = arith.select %ge3A_1026, %mul3A_1027, %broadcast_in_dim3A_1029 : vector<16xi1>, vector<16xf32>
        %add3A_1031 = arith.addf %add3A_907, %select_n3A_1021 : vector<16xf32>
        %add3A_1032 = arith.addf %add3A_908, %select_n3A_1030 : vector<16xf32>
        %mul3A_1033 = arith.constant 16 : i32
        %mul3A_1034 = arith.muli %scan3A_123, %mul3A_1033 : i32
        %add3A_1035 = arith.constant 14 : i32
        %add3A_1036 = arith.addi %mul3A_1034, %add3A_1035 : i32
        %slice3A_1037 = vector.extract_strided_slice %get3A_162 {offsets = [14], sizes = [1], strides = [1]} : vector<16xi32> to vector<1xi32>
        %squeeze3A_1038 = vector.extract %slice3A_1037[0] : i32 from vector<1xi32>
        %shift_right_logical3A_1039 = arith.constant 7 : i32
        %shift_right_logical3A_1040 = arith.shrui %squeeze3A_1038, %shift_right_logical3A_1039 : i32
        %shift_right_logical3A_1041 = arith.constant 5 : i32
        %shift_right_logical3A_1042 = arith.shrui %squeeze3A_1038, %shift_right_logical3A_1041 : i32
        %and3A_1043 = arith.constant 3 : i32
        %and3A_1044 = arith.andi %shift_right_logical3A_1042, %and3A_1043 : i32
        %mul3A_1045 = arith.constant 32 : i32
        %mul3A_1046 = arith.muli %and3A_1044, %mul3A_1045 : i32
        %add3A_1047 = arith.constant 14 : i32
        %add3A_1048 = arith.addi %mul3A_132, %add3A_1047 : i32
        %gt3A_1049 = arith.cmpi sgt, %add3A_1048, %add3A_129 : i32
        %and3A_1050 = arith.constant 31 : i32
        %and3A_1051 = arith.andi %squeeze3A_1038, %and3A_1050 : i32
        %jit3A_1052 = arith.constant 64 : i32
        %select_n3A_1053 = arith.select %gt3A_1049, %and3A_1051, %jit3A_1052 : i32
        %add3A_1054 = arith.addi %mul3A_170, %shift_right_logical3A_1040 : i32
        %get3A_1055 = arith.index_cast %add3A_1054 : i32 to index
        %get3A_1056 = arith.index_cast %mul3A_1046 : i32 to index
        %get3A_1057 = tpu.vector_load %arg7[%get3A_1055, %get3A_1056] {strides = array<i32>} : memref<64x128xf32, #tpu.memory_space<vmem>>, vector<1x16xf32>,
        %get3A_1058 = vector.shape_cast %get3A_1057 : vector<1x16xf32> to vector<16xf32>
        %get3A_1059 = arith.index_cast %add3A_1036 : i32 to index
        %get3A_1060 = arith.index_cast %mul3A_1046 : i32 to index
        %get3A_1061 = tpu.vector_load %arg9[%get3A_1059, %get3A_1060] {strides = array<i32>} : memref<128x128xf32, #tpu.memory_space<vmem>>, vector<1x16xf32>,
        %get3A_1062 = vector.shape_cast %get3A_1061 : vector<1x16xf32> to vector<16xf32>
        %add3A_1063 = arith.addi %mul3A_170, %shift_right_logical3A_1040 : i32
        %add3A_1064 = arith.constant 16 : i32
        %add3A_1065 = arith.addi %mul3A_1046, %add3A_1064 : i32
        %get3A_1066 = arith.index_cast %add3A_1063 : i32 to index
        %get3A_1067 = arith.index_cast %add3A_1065 : i32 to index
        %get3A_1068 = tpu.vector_load %arg7[%get3A_1066, %get3A_1067] {strides = array<i32>} : memref<64x128xf32, #tpu.memory_space<vmem>>, vector<1x16xf32>,
        %get3A_1069 = vector.shape_cast %get3A_1068 : vector<1x16xf32> to vector<16xf32>
        %add3A_1070 = arith.constant 16 : i32
        %add3A_1071 = arith.addi %mul3A_1046, %add3A_1070 : i32
        %get3A_1072 = arith.index_cast %add3A_1036 : i32 to index
        %get3A_1073 = arith.index_cast %add3A_1071 : i32 to index
        %get3A_1074 = tpu.vector_load %arg9[%get3A_1072, %get3A_1073] {strides = array<i32>} : memref<128x128xf32, #tpu.memory_space<vmem>>, vector<1x16xf32>,
        %get3A_1075 = vector.shape_cast %get3A_1074 : vector<1x16xf32> to vector<16xf32>
        %sub3A_1076 = arith.subf %get3A_1058, %get3A_1062 : vector<16xf32>
        %sub3A_1077 = arith.subf %get3A_1069, %get3A_1075 : vector<16xf32>
        %ge3A_1078 = vector.broadcast %select_n3A_1053 : i32 to vector<16xi32>
        %ge3A_1079 = arith.cmpi sge, %iota3A, %ge3A_1078 : vector<16xi32>
        %mul3A_1080 = arith.mulf %sub3A_1076, %sub3A_1076 : vector<16xf32>
        %jit3A_1081 = arith.constant 0.000000e+00 : f32
        %broadcast_in_dim3A_1082 = vector.broadcast %jit3A_1081 : f32 to vector<16xf32>
        %select_n3A_1083 = arith.select %ge3A_1079, %mul3A_1080, %broadcast_in_dim3A_1082 : vector<16xi1>, vector<16xf32>
        %add3A_1084 = arith.constant 16 : i32
        %add3A_1085 = vector.broadcast %add3A_1084 : i32 to vector<16xi32>
        %add3A_1086 = arith.addi %iota3A, %add3A_1085 : vector<16xi32>
        %ge3A_1087 = vector.broadcast %select_n3A_1053 : i32 to vector<16xi32>
        %ge3A_1088 = arith.cmpi sge, %add3A_1086, %ge3A_1087 : vector<16xi32>
        %mul3A_1089 = arith.mulf %sub3A_1077, %sub3A_1077 : vector<16xf32>
        %jit3A_1090 = arith.constant 0.000000e+00 : f32
        %broadcast_in_dim3A_1091 = vector.broadcast %jit3A_1090 : f32 to vector<16xf32>
        %select_n3A_1092 = arith.select %ge3A_1088, %mul3A_1089, %broadcast_in_dim3A_1091 : vector<16xi1>, vector<16xf32>
        %add3A_1093 = arith.addf %add3A_969, %select_n3A_1083 : vector<16xf32>
        %add3A_1094 = arith.addf %add3A_970, %select_n3A_1092 : vector<16xf32>
        %mul3A_1095 = arith.constant 16 : i32
        %mul3A_1096 = arith.muli %scan3A_123, %mul3A_1095 : i32
        %add3A_1097 = arith.constant 15 : i32
        %add3A_1098 = arith.addi %mul3A_1096, %add3A_1097 : i32
        %slice3A_1099 = vector.extract_strided_slice %get3A_162 {offsets = [15], sizes = [1], strides = [1]} : vector<16xi32> to vector<1xi32>
        %squeeze3A_1100 = vector.extract %slice3A_1099[0] : i32 from vector<1xi32>
        %shift_right_logical3A_1101 = arith.constant 7 : i32
        %shift_right_logical3A_1102 = arith.shrui %squeeze3A_1100, %shift_right_logical3A_1101 : i32
        %shift_right_logical3A_1103 = arith.constant 5 : i32
        %shift_right_logical3A_1104 = arith.shrui %squeeze3A_1100, %shift_right_logical3A_1103 : i32
        %and3A_1105 = arith.constant 3 : i32
        %and3A_1106 = arith.andi %shift_right_logical3A_1104, %and3A_1105 : i32
        %mul3A_1107 = arith.constant 32 : i32
        %mul3A_1108 = arith.muli %and3A_1106, %mul3A_1107 : i32
        %add3A_1109 = arith.constant 15 : i32
        %add3A_1110 = arith.addi %mul3A_132, %add3A_1109 : i32
        %gt3A_1111 = arith.cmpi sgt, %add3A_1110, %add3A_129 : i32
        %and3A_1112 = arith.constant 31 : i32
        %and3A_1113 = arith.andi %squeeze3A_1100, %and3A_1112 : i32
        %jit3A_1114 = arith.constant 64 : i32
        %select_n3A_1115 = arith.select %gt3A_1111, %and3A_1113, %jit3A_1114 : i32
        %add3A_1116 = arith.addi %mul3A_170, %shift_right_logical3A_1102 : i32
        %get3A_1117 = arith.index_cast %add3A_1116 : i32 to index
        %get3A_1118 = arith.index_cast %mul3A_1108 : i32 to index
        %get3A_1119 = tpu.vector_load %arg7[%get3A_1117, %get3A_1118] {strides = array<i32>} : memref<64x128xf32, #tpu.memory_space<vmem>>, vector<1x16xf32>,
        %get3A_1120 = vector.shape_cast %get3A_1119 : vector<1x16xf32> to vector<16xf32>
        %get3A_1121 = arith.index_cast %add3A_1098 : i32 to index
        %get3A_1122 = arith.index_cast %mul3A_1108 : i32 to index
        %get3A_1123 = tpu.vector_load %arg9[%get3A_1121, %get3A_1122] {strides = array<i32>} : memref<128x128xf32, #tpu.memory_space<vmem>>, vector<1x16xf32>,
        %get3A_1124 = vector.shape_cast %get3A_1123 : vector<1x16xf32> to vector<16xf32>
        %add3A_1125 = arith.addi %mul3A_170, %shift_right_logical3A_1102 : i32
        %add3A_1126 = arith.constant 16 : i32
        %add3A_1127 = arith.addi %mul3A_1108, %add3A_1126 : i32
        %get3A_1128 = arith.index_cast %add3A_1125 : i32 to index
        %get3A_1129 = arith.index_cast %add3A_1127 : i32 to index
        %get3A_1130 = tpu.vector_load %arg7[%get3A_1128, %get3A_1129] {strides = array<i32>} : memref<64x128xf32, #tpu.memory_space<vmem>>, vector<1x16xf32>,
        %get3A_1131 = vector.shape_cast %get3A_1130 : vector<1x16xf32> to vector<16xf32>
        %add3A_1132 = arith.constant 16 : i32
        %add3A_1133 = arith.addi %mul3A_1108, %add3A_1132 : i32
        %get3A_1134 = arith.index_cast %add3A_1098 : i32 to index
        %get3A_1135 = arith.index_cast %add3A_1133 : i32 to index
        %get3A_1136 = tpu.vector_load %arg9[%get3A_1134, %get3A_1135] {strides = array<i32>} : memref<128x128xf32, #tpu.memory_space<vmem>>, vector<1x16xf32>,
        %get3A_1137 = vector.shape_cast %get3A_1136 : vector<1x16xf32> to vector<16xf32>
        %sub3A_1138 = arith.subf %get3A_1120, %get3A_1124 : vector<16xf32>
        %sub3A_1139 = arith.subf %get3A_1131, %get3A_1137 : vector<16xf32>
        %ge3A_1140 = vector.broadcast %select_n3A_1115 : i32 to vector<16xi32>
        %ge3A_1141 = arith.cmpi sge, %iota3A, %ge3A_1140 : vector<16xi32>
        %mul3A_1142 = arith.mulf %sub3A_1138, %sub3A_1138 : vector<16xf32>
        %jit3A_1143 = arith.constant 0.000000e+00 : f32
        %broadcast_in_dim3A_1144 = vector.broadcast %jit3A_1143 : f32 to vector<16xf32>
        %select_n3A_1145 = arith.select %ge3A_1141, %mul3A_1142, %broadcast_in_dim3A_1144 : vector<16xi1>, vector<16xf32>
        %add3A_1146 = arith.constant 16 : i32
        %add3A_1147 = vector.broadcast %add3A_1146 : i32 to vector<16xi32>
        %add3A_1148 = arith.addi %iota3A, %add3A_1147 : vector<16xi32>
        %ge3A_1149 = vector.broadcast %select_n3A_1115 : i32 to vector<16xi32>
        %ge3A_1150 = arith.cmpi sge, %add3A_1148, %ge3A_1149 : vector<16xi32>
        %mul3A_1151 = arith.mulf %sub3A_1139, %sub3A_1139 : vector<16xf32>
        %jit3A_1152 = arith.constant 0.000000e+00 : f32
        %broadcast_in_dim3A_1153 = vector.broadcast %jit3A_1152 : f32 to vector<16xf32>
        %select_n3A_1154 = arith.select %ge3A_1150, %mul3A_1151, %broadcast_in_dim3A_1153 : vector<16xi1>, vector<16xf32>
        %add3A_1155 = arith.addf %add3A_1031, %select_n3A_1145 : vector<16xf32>
        %add3A_1156 = arith.addf %add3A_1032, %select_n3A_1154 : vector<16xf32>
        %swap3A_1157 = arith.constant 0 : i32
        %swap3A_1158 = arith.index_cast %swap3A_1157 : i32 to index
        %swap3A_1159 = arith.constant 0 : index
        %swap3A_1160 = tpu.vector_load %arg11[%swap3A_1158, %swap3A_1159] {strides = array<i32>} : memref<4x16xf32, #tpu.memory_space<vmem>>, vector<1x16xf32>,
        %swap3A_1161 = vector.shape_cast %swap3A_1160 : vector<1x16xf32> to vector<16xf32>
        %swap3A_1162 = vector.shape_cast %add3A_1093 : vector<16xf32> to vector<1x16xf32>
        tpu.vector_store %arg11[%swap3A_1158, %swap3A_1159], %swap3A_1162 {strides = array<i32>} : memref<4x16xf32, #tpu.memory_space<vmem>>, vector<1x16xf32>,
        %swap3A_1163 = arith.constant 1 : i32
        %swap3A_1164 = arith.index_cast %swap3A_1163 : i32 to index
        %swap3A_1165 = arith.constant 0 : index
        %swap3A_1166 = tpu.vector_load %arg11[%swap3A_1164, %swap3A_1165] {strides = array<i32>} : memref<4x16xf32, #tpu.memory_space<vmem>>, vector<1x16xf32>,
        %swap3A_1167 = vector.shape_cast %swap3A_1166 : vector<1x16xf32> to vector<16xf32>
        %swap3A_1168 = vector.shape_cast %add3A_1094 : vector<16xf32> to vector<1x16xf32>
        tpu.vector_store %arg11[%swap3A_1164, %swap3A_1165], %swap3A_1168 {strides = array<i32>} : memref<4x16xf32, #tpu.memory_space<vmem>>, vector<1x16xf32>,
        %swap3A_1169 = arith.constant 2 : i32
        %swap3A_1170 = arith.index_cast %swap3A_1169 : i32 to index
        %swap3A_1171 = arith.constant 0 : index
        %swap3A_1172 = tpu.vector_load %arg11[%swap3A_1170, %swap3A_1171] {strides = array<i32>} : memref<4x16xf32, #tpu.memory_space<vmem>>, vector<1x16xf32>,
        %swap3A_1173 = vector.shape_cast %swap3A_1172 : vector<1x16xf32> to vector<16xf32>
        %swap3A_1174 = vector.shape_cast %add3A_1155 : vector<16xf32> to vector<1x16xf32>
        tpu.vector_store %arg11[%swap3A_1170, %swap3A_1171], %swap3A_1174 {strides = array<i32>} : memref<4x16xf32, #tpu.memory_space<vmem>>, vector<1x16xf32>,
        %swap3A_1175 = arith.constant 3 : i32
        %swap3A_1176 = arith.index_cast %swap3A_1175 : i32 to index
        %swap3A_1177 = arith.constant 0 : index
        %swap3A_1178 = tpu.vector_load %arg11[%swap3A_1176, %swap3A_1177] {strides = array<i32>} : memref<4x16xf32, #tpu.memory_space<vmem>>, vector<1x16xf32>,
        %swap3A_1179 = vector.shape_cast %swap3A_1178 : vector<1x16xf32> to vector<16xf32>
        %swap3A_1180 = vector.shape_cast %add3A_1156 : vector<16xf32> to vector<1x16xf32>
        tpu.vector_store %arg11[%swap3A_1176, %swap3A_1177], %swap3A_1180 {strides = array<i32>} : memref<4x16xf32, #tpu.memory_space<vmem>>, vector<1x16xf32>,
      } else {
      }
    }
    %scan3A_69 = arith.constant 8 : i32
    %dma_start3A_70 = arith.constant 384 : i32
    %dma_start3A_71 = tpu.memref_slice %arg6[%dma_start3A_70] : memref<512xi32, #tpu.memory_space<vmem>> -> memref<128xi32, #tpu.memory_space<vmem>>
    %dma_start3A_72 = arith.constant 0 : i32
    %dma_start3A_73 = arith.constant 0 : i32
    %dma_start3A_74 = tpu.memref_slice %arg2[%dma_start3A_72, %dma_start3A_73] : memref<2048x128xf32, #tpu.memory_space<hbm>> -> memref<2048x128xf32, #tpu.memory_space<hbm>>
    tpu.enqueue_indirect_dma source(%dma_start3A_74 : memref<2048x128xf32, #tpu.memory_space<hbm>>) target(%arg9 : memref<128x128xf32, #tpu.memory_space<vmem>>) offsets(%dma_start3A_71 : memref<128xi32, #tpu.memory_space<vmem>>) semaphore(%arg13 : memref<!tpu.dma_semaphore, #tpu.memory_space<semaphore_mem>>)
    %dma_wait3A_75 = arith.constant 256 : i32
    %dma_wait3A_76 = tpu.memref_slice %arg6[%dma_wait3A_75] : memref<512xi32, #tpu.memory_space<vmem>> -> memref<128xi32, #tpu.memory_space<vmem>>
    %dma_wait3A_77 = arith.constant 0 : i32
    %dma_wait3A_78 = arith.constant 0 : i32
    %dma_wait3A_79 = tpu.memref_slice %arg2[%dma_wait3A_77, %dma_wait3A_78] : memref<2048x128xf32, #tpu.memory_space<hbm>> -> memref<2048x128xf32, #tpu.memory_space<hbm>>
    tpu.wait_indirect_dma semaphore(%arg12 : memref<!tpu.dma_semaphore, #tpu.memory_space<semaphore_mem>>) src(%dma_wait3A_79 : memref<2048x128xf32, #tpu.memory_space<hbm>>) dst(%arg8 : memref<128x128xf32, #tpu.memory_space<vmem>>)
    %scan3A_80 = arith.constant 0 : i32
    %scan3A_81 = arith.constant 0 : i32
    %scan3A_82 = arith.constant 8 : i32
    %scan3A_83 = arith.addi %scan3A_81, %scan3A_82 : i32
    %scan3A_84 = arith.constant 1 : i32
    scf.for %scan3A_123 = %scan3A_81 to %scan3A_83 step %scan3A_84  : i32 {
      %add3A_124 = arith.constant 16 : i32
      %add3A_125 = arith.addi %add3A_124, %scan3A_123 : i32
      %mul3A_126 = arith.constant 4 : i32
      %mul3A_127 = arith.muli %add3A, %mul3A_126 : i32
      %shift_right_logical3A = arith.constant 3 : i32
      %shift_right_logical3A_128 = arith.shrui %add3A_125, %shift_right_logical3A : i32
      %add3A_129 = arith.addi %mul3A_127, %shift_right_logical3A_128 : i32
      %and3A = arith.constant 7 : i32
      %and3A_130 = arith.andi %add3A_125, %and3A : i32
      %mul3A_131 = arith.constant 16 : i32
      %mul3A_132 = arith.muli %and3A_130, %mul3A_131 : i32
      %add3A_133 = arith.constant 15 : i32
      %add3A_134 = arith.addi %mul3A_132, %add3A_133 : i32
      %gt3A = arith.cmpi sgt, %add3A_134, %add3A_129 : i32
      %convert_element_type3A = arith.extui %gt3A : i1 to i32
      %cond3A = arith.constant 0 : i32
      %cond3A_135 = arith.cmpi ne, %convert_element_type3A, %cond3A : i32
      scf.if %cond3A_135 {
        %get3A_136 = arith.constant 0 : i32
        %get3A_137 = arith.index_cast %get3A_136 : i32 to index
        %get3A_138 = arith.constant 0 : index
        %get3A_139 = tpu.vector_load %arg11[%get3A_137, %get3A_138] {strides = array<i32>} : memref<4x16xf32, #tpu.memory_space<vmem>>, vector<1x16xf32>,
        %get3A_140 = vector.shape_cast %get3A_139 : vector<1x16xf32> to vector<16xf32>
        %get3A_141 = arith.constant 1 : i32
        %get3A_142 = arith.index_cast %get3A_141 : i32 to index
        %get3A_143 = arith.constant 0 : index
        %get3A_144 = tpu.vector_load %arg11[%get3A_142, %get3A_143] {strides = array<i32>} : memref<4x16xf32, #tpu.memory_space<vmem>>, vector<1x16xf32>,
        %get3A_145 = vector.shape_cast %get3A_144 : vector<1x16xf32> to vector<16xf32>
        %get3A_146 = arith.constant 2 : i32
        %get3A_147 = arith.index_cast %get3A_146 : i32 to index
        %get3A_148 = arith.constant 0 : index
        %get3A_149 = tpu.vector_load %arg11[%get3A_147, %get3A_148] {strides = array<i32>} : memref<4x16xf32, #tpu.memory_space<vmem>>, vector<1x16xf32>,
        %get3A_150 = vector.shape_cast %get3A_149 : vector<1x16xf32> to vector<16xf32>
        %get3A_151 = arith.constant 3 : i32
        %get3A_152 = arith.index_cast %get3A_151 : i32 to index
        %get3A_153 = arith.constant 0 : index
        %get3A_154 = tpu.vector_load %arg11[%get3A_152, %get3A_153] {strides = array<i32>} : memref<4x16xf32, #tpu.memory_space<vmem>>, vector<1x16xf32>,
        %get3A_155 = vector.shape_cast %get3A_154 : vector<1x16xf32> to vector<16xf32>
        %mul3A_156 = arith.constant 16 : i32
        %mul3A_157 = arith.muli %scan3A_123, %mul3A_156 : i32
        %add3A_158 = arith.constant 256 : i32
        %add3A_159 = arith.addi %add3A_158, %mul3A_157 : i32
        %get3A_160 = arith.index_cast %add3A_159 : i32 to index
        %get3A_161 = tpu.vector_load %arg5[%get3A_160] {strides = array<i32>} : memref<512xi32, #tpu.memory_space<vmem>>, vector<16xi32>,
        %get3A_162 = vector.shape_cast %get3A_161 : vector<16xi32> to vector<16xi32>
        %mul3A_163 = arith.constant 16 : i32
        %mul3A_164 = arith.muli %scan3A_123, %mul3A_163 : i32
        %add3A_165 = arith.constant 256 : i32
        %add3A_166 = arith.addi %add3A_165, %mul3A_164 : i32
        %shift_right_logical3A_167 = arith.constant 7 : i32
        %shift_right_logical3A_168 = arith.shrui %add3A_166, %shift_right_logical3A_167 : i32
        %mul3A_169 = arith.constant 16 : i32
        %mul3A_170 = arith.muli %shift_right_logical3A_168, %mul3A_169 : i32
        %mul3A_171 = arith.constant 16 : i32
        %mul3A_172 = arith.muli %scan3A_123, %mul3A_171 : i32
        %add3A_173 = arith.constant 0 : i32
        %add3A_174 = arith.addi %mul3A_172, %add3A_173 : i32
        %slice3A = vector.extract_strided_slice %get3A_162 {offsets = [0], sizes = [1], strides = [1]} : vector<16xi32> to vector<1xi32>
        %squeeze3A = vector.extract %slice3A[0] : i32 from vector<1xi32>
        %shift_right_logical3A_175 = arith.constant 7 : i32
        %shift_right_logical3A_176 = arith.shrui %squeeze3A, %shift_right_logical3A_175 : i32
        %shift_right_logical3A_177 = arith.constant 5 : i32
        %shift_right_logical3A_178 = arith.shrui %squeeze3A, %shift_right_logical3A_177 : i32
        %and3A_179 = arith.constant 3 : i32
        %and3A_180 = arith.andi %shift_right_logical3A_178, %and3A_179 : i32
        %mul3A_181 = arith.constant 32 : i32
        %mul3A_182 = arith.muli %and3A_180, %mul3A_181 : i32
        %add3A_183 = arith.constant 0 : i32
        %add3A_184 = arith.addi %mul3A_132, %add3A_183 : i32
        %gt3A_185 = arith.cmpi sgt, %add3A_184, %add3A_129 : i32
        %and3A_186 = arith.constant 31 : i32
        %and3A_187 = arith.andi %squeeze3A, %and3A_186 : i32
        %jit3A = arith.constant 64 : i32
        %select_n3A = arith.select %gt3A_185, %and3A_187, %jit3A : i32
        %add3A_188 = arith.addi %mul3A_170, %shift_right_logical3A_176 : i32
        %get3A_189 = arith.index_cast %add3A_188 : i32 to index
        %get3A_190 = arith.index_cast %mul3A_182 : i32 to index
        %get3A_191 = tpu.vector_load %arg7[%get3A_189, %get3A_190] {strides = array<i32>} : memref<64x128xf32, #tpu.memory_space<vmem>>, vector<1x16xf32>,
        %get3A_192 = vector.shape_cast %get3A_191 : vector<1x16xf32> to vector<16xf32>
        %get3A_193 = arith.index_cast %add3A_174 : i32 to index
        %get3A_194 = arith.index_cast %mul3A_182 : i32 to index
        %get3A_195 = tpu.vector_load %arg8[%get3A_193, %get3A_194] {strides = array<i32>} : memref<128x128xf32, #tpu.memory_space<vmem>>, vector<1x16xf32>,
        %get3A_196 = vector.shape_cast %get3A_195 : vector<1x16xf32> to vector<16xf32>
        %add3A_197 = arith.addi %mul3A_170, %shift_right_logical3A_176 : i32
        %add3A_198 = arith.constant 16 : i32
        %add3A_199 = arith.addi %mul3A_182, %add3A_198 : i32
        %get3A_200 = arith.index_cast %add3A_197 : i32 to index
        %get3A_201 = arith.index_cast %add3A_199 : i32 to index
        %get3A_202 = tpu.vector_load %arg7[%get3A_200, %get3A_201] {strides = array<i32>} : memref<64x128xf32, #tpu.memory_space<vmem>>, vector<1x16xf32>,
        %get3A_203 = vector.shape_cast %get3A_202 : vector<1x16xf32> to vector<16xf32>
        %add3A_204 = arith.constant 16 : i32
        %add3A_205 = arith.addi %mul3A_182, %add3A_204 : i32
        %get3A_206 = arith.index_cast %add3A_174 : i32 to index
        %get3A_207 = arith.index_cast %add3A_205 : i32 to index
        %get3A_208 = tpu.vector_load %arg8[%get3A_206, %get3A_207] {strides = array<i32>} : memref<128x128xf32, #tpu.memory_space<vmem>>, vector<1x16xf32>,
        %get3A_209 = vector.shape_cast %get3A_208 : vector<1x16xf32> to vector<16xf32>
        %sub3A = arith.subf %get3A_192, %get3A_196 : vector<16xf32>
        %sub3A_210 = arith.subf %get3A_203, %get3A_209 : vector<16xf32>
        %ge3A = vector.broadcast %select_n3A : i32 to vector<16xi32>
        %ge3A_211 = arith.cmpi sge, %iota3A, %ge3A : vector<16xi32>
        %mul3A_212 = arith.mulf %sub3A, %sub3A : vector<16xf32>
        %jit3A_213 = arith.constant 0.000000e+00 : f32
        %broadcast_in_dim3A_214 = vector.broadcast %jit3A_213 : f32 to vector<16xf32>
        %select_n3A_215 = arith.select %ge3A_211, %mul3A_212, %broadcast_in_dim3A_214 : vector<16xi1>, vector<16xf32>
        %add3A_216 = arith.constant 16 : i32
        %add3A_217 = vector.broadcast %add3A_216 : i32 to vector<16xi32>
        %add3A_218 = arith.addi %iota3A, %add3A_217 : vector<16xi32>
        %ge3A_219 = vector.broadcast %select_n3A : i32 to vector<16xi32>
        %ge3A_220 = arith.cmpi sge, %add3A_218, %ge3A_219 : vector<16xi32>
        %mul3A_221 = arith.mulf %sub3A_210, %sub3A_210 : vector<16xf32>
        %jit3A_222 = arith.constant 0.000000e+00 : f32
        %broadcast_in_dim3A_223 = vector.broadcast %jit3A_222 : f32 to vector<16xf32>
        %select_n3A_224 = arith.select %ge3A_220, %mul3A_221, %broadcast_in_dim3A_223 : vector<16xi1>, vector<16xf32>
        %add3A_225 = arith.addf %get3A_140, %select_n3A_215 : vector<16xf32>
        %add3A_226 = arith.addf %get3A_145, %select_n3A_224 : vector<16xf32>
        %mul3A_227 = arith.constant 16 : i32
        %mul3A_228 = arith.muli %scan3A_123, %mul3A_227 : i32
        %add3A_229 = arith.constant 1 : i32
        %add3A_230 = arith.addi %mul3A_228, %add3A_229 : i32
        %slice3A_231 = vector.extract_strided_slice %get3A_162 {offsets = [1], sizes = [1], strides = [1]} : vector<16xi32> to vector<1xi32>
        %squeeze3A_232 = vector.extract %slice3A_231[0] : i32 from vector<1xi32>
        %shift_right_logical3A_233 = arith.constant 7 : i32
        %shift_right_logical3A_234 = arith.shrui %squeeze3A_232, %shift_right_logical3A_233 : i32
        %shift_right_logical3A_235 = arith.constant 5 : i32
        %shift_right_logical3A_236 = arith.shrui %squeeze3A_232, %shift_right_logical3A_235 : i32
        %and3A_237 = arith.constant 3 : i32
        %and3A_238 = arith.andi %shift_right_logical3A_236, %and3A_237 : i32
        %mul3A_239 = arith.constant 32 : i32
        %mul3A_240 = arith.muli %and3A_238, %mul3A_239 : i32
        %add3A_241 = arith.constant 1 : i32
        %add3A_242 = arith.addi %mul3A_132, %add3A_241 : i32
        %gt3A_243 = arith.cmpi sgt, %add3A_242, %add3A_129 : i32
        %and3A_244 = arith.constant 31 : i32
        %and3A_245 = arith.andi %squeeze3A_232, %and3A_244 : i32
        %jit3A_246 = arith.constant 64 : i32
        %select_n3A_247 = arith.select %gt3A_243, %and3A_245, %jit3A_246 : i32
        %add3A_248 = arith.addi %mul3A_170, %shift_right_logical3A_234 : i32
        %get3A_249 = arith.index_cast %add3A_248 : i32 to index
        %get3A_250 = arith.index_cast %mul3A_240 : i32 to index
        %get3A_251 = tpu.vector_load %arg7[%get3A_249, %get3A_250] {strides = array<i32>} : memref<64x128xf32, #tpu.memory_space<vmem>>, vector<1x16xf32>,
        %get3A_252 = vector.shape_cast %get3A_251 : vector<1x16xf32> to vector<16xf32>
        %get3A_253 = arith.index_cast %add3A_230 : i32 to index
        %get3A_254 = arith.index_cast %mul3A_240 : i32 to index
        %get3A_255 = tpu.vector_load %arg8[%get3A_253, %get3A_254] {strides = array<i32>} : memref<128x128xf32, #tpu.memory_space<vmem>>, vector<1x16xf32>,
        %get3A_256 = vector.shape_cast %get3A_255 : vector<1x16xf32> to vector<16xf32>
        %add3A_257 = arith.addi %mul3A_170, %shift_right_logical3A_234 : i32
        %add3A_258 = arith.constant 16 : i32
        %add3A_259 = arith.addi %mul3A_240, %add3A_258 : i32
        %get3A_260 = arith.index_cast %add3A_257 : i32 to index
        %get3A_261 = arith.index_cast %add3A_259 : i32 to index
        %get3A_262 = tpu.vector_load %arg7[%get3A_260, %get3A_261] {strides = array<i32>} : memref<64x128xf32, #tpu.memory_space<vmem>>, vector<1x16xf32>,
        %get3A_263 = vector.shape_cast %get3A_262 : vector<1x16xf32> to vector<16xf32>
        %add3A_264 = arith.constant 16 : i32
        %add3A_265 = arith.addi %mul3A_240, %add3A_264 : i32
        %get3A_266 = arith.index_cast %add3A_230 : i32 to index
        %get3A_267 = arith.index_cast %add3A_265 : i32 to index
        %get3A_268 = tpu.vector_load %arg8[%get3A_266, %get3A_267] {strides = array<i32>} : memref<128x128xf32, #tpu.memory_space<vmem>>, vector<1x16xf32>,
        %get3A_269 = vector.shape_cast %get3A_268 : vector<1x16xf32> to vector<16xf32>
        %sub3A_270 = arith.subf %get3A_252, %get3A_256 : vector<16xf32>
        %sub3A_271 = arith.subf %get3A_263, %get3A_269 : vector<16xf32>
        %ge3A_272 = vector.broadcast %select_n3A_247 : i32 to vector<16xi32>
        %ge3A_273 = arith.cmpi sge, %iota3A, %ge3A_272 : vector<16xi32>
        %mul3A_274 = arith.mulf %sub3A_270, %sub3A_270 : vector<16xf32>
        %jit3A_275 = arith.constant 0.000000e+00 : f32
        %broadcast_in_dim3A_276 = vector.broadcast %jit3A_275 : f32 to vector<16xf32>
        %select_n3A_277 = arith.select %ge3A_273, %mul3A_274, %broadcast_in_dim3A_276 : vector<16xi1>, vector<16xf32>
        %add3A_278 = arith.constant 16 : i32
        %add3A_279 = vector.broadcast %add3A_278 : i32 to vector<16xi32>
        %add3A_280 = arith.addi %iota3A, %add3A_279 : vector<16xi32>
        %ge3A_281 = vector.broadcast %select_n3A_247 : i32 to vector<16xi32>
        %ge3A_282 = arith.cmpi sge, %add3A_280, %ge3A_281 : vector<16xi32>
        %mul3A_283 = arith.mulf %sub3A_271, %sub3A_271 : vector<16xf32>
        %jit3A_284 = arith.constant 0.000000e+00 : f32
        %broadcast_in_dim3A_285 = vector.broadcast %jit3A_284 : f32 to vector<16xf32>
        %select_n3A_286 = arith.select %ge3A_282, %mul3A_283, %broadcast_in_dim3A_285 : vector<16xi1>, vector<16xf32>
        %add3A_287 = arith.addf %get3A_150, %select_n3A_277 : vector<16xf32>
        %add3A_288 = arith.addf %get3A_155, %select_n3A_286 : vector<16xf32>
        %mul3A_289 = arith.constant 16 : i32
        %mul3A_290 = arith.muli %scan3A_123, %mul3A_289 : i32
        %add3A_291 = arith.constant 2 : i32
        %add3A_292 = arith.addi %mul3A_290, %add3A_291 : i32
        %slice3A_293 = vector.extract_strided_slice %get3A_162 {offsets = [2], sizes = [1], strides = [1]} : vector<16xi32> to vector<1xi32>
        %squeeze3A_294 = vector.extract %slice3A_293[0] : i32 from vector<1xi32>
        %shift_right_logical3A_295 = arith.constant 7 : i32
        %shift_right_logical3A_296 = arith.shrui %squeeze3A_294, %shift_right_logical3A_295 : i32
        %shift_right_logical3A_297 = arith.constant 5 : i32
        %shift_right_logical3A_298 = arith.shrui %squeeze3A_294, %shift_right_logical3A_297 : i32
        %and3A_299 = arith.constant 3 : i32
        %and3A_300 = arith.andi %shift_right_logical3A_298, %and3A_299 : i32
        %mul3A_301 = arith.constant 32 : i32
        %mul3A_302 = arith.muli %and3A_300, %mul3A_301 : i32
        %add3A_303 = arith.constant 2 : i32
        %add3A_304 = arith.addi %mul3A_132, %add3A_303 : i32
        %gt3A_305 = arith.cmpi sgt, %add3A_304, %add3A_129 : i32
        %and3A_306 = arith.constant 31 : i32
        %and3A_307 = arith.andi %squeeze3A_294, %and3A_306 : i32
        %jit3A_308 = arith.constant 64 : i32
        %select_n3A_309 = arith.select %gt3A_305, %and3A_307, %jit3A_308 : i32
        %add3A_310 = arith.addi %mul3A_170, %shift_right_logical3A_296 : i32
        %get3A_311 = arith.index_cast %add3A_310 : i32 to index
        %get3A_312 = arith.index_cast %mul3A_302 : i32 to index
        %get3A_313 = tpu.vector_load %arg7[%get3A_311, %get3A_312] {strides = array<i32>} : memref<64x128xf32, #tpu.memory_space<vmem>>, vector<1x16xf32>,
        %get3A_314 = vector.shape_cast %get3A_313 : vector<1x16xf32> to vector<16xf32>
        %get3A_315 = arith.index_cast %add3A_292 : i32 to index
        %get3A_316 = arith.index_cast %mul3A_302 : i32 to index
        %get3A_317 = tpu.vector_load %arg8[%get3A_315, %get3A_316] {strides = array<i32>} : memref<128x128xf32, #tpu.memory_space<vmem>>, vector<1x16xf32>,
        %get3A_318 = vector.shape_cast %get3A_317 : vector<1x16xf32> to vector<16xf32>
        %add3A_319 = arith.addi %mul3A_170, %shift_right_logical3A_296 : i32
        %add3A_320 = arith.constant 16 : i32
        %add3A_321 = arith.addi %mul3A_302, %add3A_320 : i32
        %get3A_322 = arith.index_cast %add3A_319 : i32 to index
        %get3A_323 = arith.index_cast %add3A_321 : i32 to index
        %get3A_324 = tpu.vector_load %arg7[%get3A_322, %get3A_323] {strides = array<i32>} : memref<64x128xf32, #tpu.memory_space<vmem>>, vector<1x16xf32>,
        %get3A_325 = vector.shape_cast %get3A_324 : vector<1x16xf32> to vector<16xf32>
        %add3A_326 = arith.constant 16 : i32
        %add3A_327 = arith.addi %mul3A_302, %add3A_326 : i32
        %get3A_328 = arith.index_cast %add3A_292 : i32 to index
        %get3A_329 = arith.index_cast %add3A_327 : i32 to index
        %get3A_330 = tpu.vector_load %arg8[%get3A_328, %get3A_329] {strides = array<i32>} : memref<128x128xf32, #tpu.memory_space<vmem>>, vector<1x16xf32>,
        %get3A_331 = vector.shape_cast %get3A_330 : vector<1x16xf32> to vector<16xf32>
        %sub3A_332 = arith.subf %get3A_314, %get3A_318 : vector<16xf32>
        %sub3A_333 = arith.subf %get3A_325, %get3A_331 : vector<16xf32>
        %ge3A_334 = vector.broadcast %select_n3A_309 : i32 to vector<16xi32>
        %ge3A_335 = arith.cmpi sge, %iota3A, %ge3A_334 : vector<16xi32>
        %mul3A_336 = arith.mulf %sub3A_332, %sub3A_332 : vector<16xf32>
        %jit3A_337 = arith.constant 0.000000e+00 : f32
        %broadcast_in_dim3A_338 = vector.broadcast %jit3A_337 : f32 to vector<16xf32>
        %select_n3A_339 = arith.select %ge3A_335, %mul3A_336, %broadcast_in_dim3A_338 : vector<16xi1>, vector<16xf32>
        %add3A_340 = arith.constant 16 : i32
        %add3A_341 = vector.broadcast %add3A_340 : i32 to vector<16xi32>
        %add3A_342 = arith.addi %iota3A, %add3A_341 : vector<16xi32>
        %ge3A_343 = vector.broadcast %select_n3A_309 : i32 to vector<16xi32>
        %ge3A_344 = arith.cmpi sge, %add3A_342, %ge3A_343 : vector<16xi32>
        %mul3A_345 = arith.mulf %sub3A_333, %sub3A_333 : vector<16xf32>
        %jit3A_346 = arith.constant 0.000000e+00 : f32
        %broadcast_in_dim3A_347 = vector.broadcast %jit3A_346 : f32 to vector<16xf32>
        %select_n3A_348 = arith.select %ge3A_344, %mul3A_345, %broadcast_in_dim3A_347 : vector<16xi1>, vector<16xf32>
        %add3A_349 = arith.addf %add3A_225, %select_n3A_339 : vector<16xf32>
        %add3A_350 = arith.addf %add3A_226, %select_n3A_348 : vector<16xf32>
        %mul3A_351 = arith.constant 16 : i32
        %mul3A_352 = arith.muli %scan3A_123, %mul3A_351 : i32
        %add3A_353 = arith.constant 3 : i32
        %add3A_354 = arith.addi %mul3A_352, %add3A_353 : i32
        %slice3A_355 = vector.extract_strided_slice %get3A_162 {offsets = [3], sizes = [1], strides = [1]} : vector<16xi32> to vector<1xi32>
        %squeeze3A_356 = vector.extract %slice3A_355[0] : i32 from vector<1xi32>
        %shift_right_logical3A_357 = arith.constant 7 : i32
        %shift_right_logical3A_358 = arith.shrui %squeeze3A_356, %shift_right_logical3A_357 : i32
        %shift_right_logical3A_359 = arith.constant 5 : i32
        %shift_right_logical3A_360 = arith.shrui %squeeze3A_356, %shift_right_logical3A_359 : i32
        %and3A_361 = arith.constant 3 : i32
        %and3A_362 = arith.andi %shift_right_logical3A_360, %and3A_361 : i32
        %mul3A_363 = arith.constant 32 : i32
        %mul3A_364 = arith.muli %and3A_362, %mul3A_363 : i32
        %add3A_365 = arith.constant 3 : i32
        %add3A_366 = arith.addi %mul3A_132, %add3A_365 : i32
        %gt3A_367 = arith.cmpi sgt, %add3A_366, %add3A_129 : i32
        %and3A_368 = arith.constant 31 : i32
        %and3A_369 = arith.andi %squeeze3A_356, %and3A_368 : i32
        %jit3A_370 = arith.constant 64 : i32
        %select_n3A_371 = arith.select %gt3A_367, %and3A_369, %jit3A_370 : i32
        %add3A_372 = arith.addi %mul3A_170, %shift_right_logical3A_358 : i32
        %get3A_373 = arith.index_cast %add3A_372 : i32 to index
        %get3A_374 = arith.index_cast %mul3A_364 : i32 to index
        %get3A_375 = tpu.vector_load %arg7[%get3A_373, %get3A_374] {strides = array<i32>} : memref<64x128xf32, #tpu.memory_space<vmem>>, vector<1x16xf32>,
        %get3A_376 = vector.shape_cast %get3A_375 : vector<1x16xf32> to vector<16xf32>
        %get3A_377 = arith.index_cast %add3A_354 : i32 to index
        %get3A_378 = arith.index_cast %mul3A_364 : i32 to index
        %get3A_379 = tpu.vector_load %arg8[%get3A_377, %get3A_378] {strides = array<i32>} : memref<128x128xf32, #tpu.memory_space<vmem>>, vector<1x16xf32>,
        %get3A_380 = vector.shape_cast %get3A_379 : vector<1x16xf32> to vector<16xf32>
        %add3A_381 = arith.addi %mul3A_170, %shift_right_logical3A_358 : i32
        %add3A_382 = arith.constant 16 : i32
        %add3A_383 = arith.addi %mul3A_364, %add3A_382 : i32
        %get3A_384 = arith.index_cast %add3A_381 : i32 to index
        %get3A_385 = arith.index_cast %add3A_383 : i32 to index
        %get3A_386 = tpu.vector_load %arg7[%get3A_384, %get3A_385] {strides = array<i32>} : memref<64x128xf32, #tpu.memory_space<vmem>>, vector<1x16xf32>,
        %get3A_387 = vector.shape_cast %get3A_386 : vector<1x16xf32> to vector<16xf32>
        %add3A_388 = arith.constant 16 : i32
        %add3A_389 = arith.addi %mul3A_364, %add3A_388 : i32
        %get3A_390 = arith.index_cast %add3A_354 : i32 to index
        %get3A_391 = arith.index_cast %add3A_389 : i32 to index
        %get3A_392 = tpu.vector_load %arg8[%get3A_390, %get3A_391] {strides = array<i32>} : memref<128x128xf32, #tpu.memory_space<vmem>>, vector<1x16xf32>,
        %get3A_393 = vector.shape_cast %get3A_392 : vector<1x16xf32> to vector<16xf32>
        %sub3A_394 = arith.subf %get3A_376, %get3A_380 : vector<16xf32>
        %sub3A_395 = arith.subf %get3A_387, %get3A_393 : vector<16xf32>
        %ge3A_396 = vector.broadcast %select_n3A_371 : i32 to vector<16xi32>
        %ge3A_397 = arith.cmpi sge, %iota3A, %ge3A_396 : vector<16xi32>
        %mul3A_398 = arith.mulf %sub3A_394, %sub3A_394 : vector<16xf32>
        %jit3A_399 = arith.constant 0.000000e+00 : f32
        %broadcast_in_dim3A_400 = vector.broadcast %jit3A_399 : f32 to vector<16xf32>
        %select_n3A_401 = arith.select %ge3A_397, %mul3A_398, %broadcast_in_dim3A_400 : vector<16xi1>, vector<16xf32>
        %add3A_402 = arith.constant 16 : i32
        %add3A_403 = vector.broadcast %add3A_402 : i32 to vector<16xi32>
        %add3A_404 = arith.addi %iota3A, %add3A_403 : vector<16xi32>
        %ge3A_405 = vector.broadcast %select_n3A_371 : i32 to vector<16xi32>
        %ge3A_406 = arith.cmpi sge, %add3A_404, %ge3A_405 : vector<16xi32>
        %mul3A_407 = arith.mulf %sub3A_395, %sub3A_395 : vector<16xf32>
        %jit3A_408 = arith.constant 0.000000e+00 : f32
        %broadcast_in_dim3A_409 = vector.broadcast %jit3A_408 : f32 to vector<16xf32>
        %select_n3A_410 = arith.select %ge3A_406, %mul3A_407, %broadcast_in_dim3A_409 : vector<16xi1>, vector<16xf32>
        %add3A_411 = arith.addf %add3A_287, %select_n3A_401 : vector<16xf32>
        %add3A_412 = arith.addf %add3A_288, %select_n3A_410 : vector<16xf32>
        %mul3A_413 = arith.constant 16 : i32
        %mul3A_414 = arith.muli %scan3A_123, %mul3A_413 : i32
        %add3A_415 = arith.constant 4 : i32
        %add3A_416 = arith.addi %mul3A_414, %add3A_415 : i32
        %slice3A_417 = vector.extract_strided_slice %get3A_162 {offsets = [4], sizes = [1], strides = [1]} : vector<16xi32> to vector<1xi32>
        %squeeze3A_418 = vector.extract %slice3A_417[0] : i32 from vector<1xi32>
        %shift_right_logical3A_419 = arith.constant 7 : i32
        %shift_right_logical3A_420 = arith.shrui %squeeze3A_418, %shift_right_logical3A_419 : i32
        %shift_right_logical3A_421 = arith.constant 5 : i32
        %shift_right_logical3A_422 = arith.shrui %squeeze3A_418, %shift_right_logical3A_421 : i32
        %and3A_423 = arith.constant 3 : i32
        %and3A_424 = arith.andi %shift_right_logical3A_422, %and3A_423 : i32
        %mul3A_425 = arith.constant 32 : i32
        %mul3A_426 = arith.muli %and3A_424, %mul3A_425 : i32
        %add3A_427 = arith.constant 4 : i32
        %add3A_428 = arith.addi %mul3A_132, %add3A_427 : i32
        %gt3A_429 = arith.cmpi sgt, %add3A_428, %add3A_129 : i32
        %and3A_430 = arith.constant 31 : i32
        %and3A_431 = arith.andi %squeeze3A_418, %and3A_430 : i32
        %jit3A_432 = arith.constant 64 : i32
        %select_n3A_433 = arith.select %gt3A_429, %and3A_431, %jit3A_432 : i32
        %add3A_434 = arith.addi %mul3A_170, %shift_right_logical3A_420 : i32
        %get3A_435 = arith.index_cast %add3A_434 : i32 to index
        %get3A_436 = arith.index_cast %mul3A_426 : i32 to index
        %get3A_437 = tpu.vector_load %arg7[%get3A_435, %get3A_436] {strides = array<i32>} : memref<64x128xf32, #tpu.memory_space<vmem>>, vector<1x16xf32>,
        %get3A_438 = vector.shape_cast %get3A_437 : vector<1x16xf32> to vector<16xf32>
        %get3A_439 = arith.index_cast %add3A_416 : i32 to index
        %get3A_440 = arith.index_cast %mul3A_426 : i32 to index
        %get3A_441 = tpu.vector_load %arg8[%get3A_439, %get3A_440] {strides = array<i32>} : memref<128x128xf32, #tpu.memory_space<vmem>>, vector<1x16xf32>,
        %get3A_442 = vector.shape_cast %get3A_441 : vector<1x16xf32> to vector<16xf32>
        %add3A_443 = arith.addi %mul3A_170, %shift_right_logical3A_420 : i32
        %add3A_444 = arith.constant 16 : i32
        %add3A_445 = arith.addi %mul3A_426, %add3A_444 : i32
        %get3A_446 = arith.index_cast %add3A_443 : i32 to index
        %get3A_447 = arith.index_cast %add3A_445 : i32 to index
        %get3A_448 = tpu.vector_load %arg7[%get3A_446, %get3A_447] {strides = array<i32>} : memref<64x128xf32, #tpu.memory_space<vmem>>, vector<1x16xf32>,
        %get3A_449 = vector.shape_cast %get3A_448 : vector<1x16xf32> to vector<16xf32>
        %add3A_450 = arith.constant 16 : i32
        %add3A_451 = arith.addi %mul3A_426, %add3A_450 : i32
        %get3A_452 = arith.index_cast %add3A_416 : i32 to index
        %get3A_453 = arith.index_cast %add3A_451 : i32 to index
        %get3A_454 = tpu.vector_load %arg8[%get3A_452, %get3A_453] {strides = array<i32>} : memref<128x128xf32, #tpu.memory_space<vmem>>, vector<1x16xf32>,
        %get3A_455 = vector.shape_cast %get3A_454 : vector<1x16xf32> to vector<16xf32>
        %sub3A_456 = arith.subf %get3A_438, %get3A_442 : vector<16xf32>
        %sub3A_457 = arith.subf %get3A_449, %get3A_455 : vector<16xf32>
        %ge3A_458 = vector.broadcast %select_n3A_433 : i32 to vector<16xi32>
        %ge3A_459 = arith.cmpi sge, %iota3A, %ge3A_458 : vector<16xi32>
        %mul3A_460 = arith.mulf %sub3A_456, %sub3A_456 : vector<16xf32>
        %jit3A_461 = arith.constant 0.000000e+00 : f32
        %broadcast_in_dim3A_462 = vector.broadcast %jit3A_461 : f32 to vector<16xf32>
        %select_n3A_463 = arith.select %ge3A_459, %mul3A_460, %broadcast_in_dim3A_462 : vector<16xi1>, vector<16xf32>
        %add3A_464 = arith.constant 16 : i32
        %add3A_465 = vector.broadcast %add3A_464 : i32 to vector<16xi32>
        %add3A_466 = arith.addi %iota3A, %add3A_465 : vector<16xi32>
        %ge3A_467 = vector.broadcast %select_n3A_433 : i32 to vector<16xi32>
        %ge3A_468 = arith.cmpi sge, %add3A_466, %ge3A_467 : vector<16xi32>
        %mul3A_469 = arith.mulf %sub3A_457, %sub3A_457 : vector<16xf32>
        %jit3A_470 = arith.constant 0.000000e+00 : f32
        %broadcast_in_dim3A_471 = vector.broadcast %jit3A_470 : f32 to vector<16xf32>
        %select_n3A_472 = arith.select %ge3A_468, %mul3A_469, %broadcast_in_dim3A_471 : vector<16xi1>, vector<16xf32>
        %add3A_473 = arith.addf %add3A_349, %select_n3A_463 : vector<16xf32>
        %add3A_474 = arith.addf %add3A_350, %select_n3A_472 : vector<16xf32>
        %mul3A_475 = arith.constant 16 : i32
        %mul3A_476 = arith.muli %scan3A_123, %mul3A_475 : i32
        %add3A_477 = arith.constant 5 : i32
        %add3A_478 = arith.addi %mul3A_476, %add3A_477 : i32
        %slice3A_479 = vector.extract_strided_slice %get3A_162 {offsets = [5], sizes = [1], strides = [1]} : vector<16xi32> to vector<1xi32>
        %squeeze3A_480 = vector.extract %slice3A_479[0] : i32 from vector<1xi32>
        %shift_right_logical3A_481 = arith.constant 7 : i32
        %shift_right_logical3A_482 = arith.shrui %squeeze3A_480, %shift_right_logical3A_481 : i32
        %shift_right_logical3A_483 = arith.constant 5 : i32
        %shift_right_logical3A_484 = arith.shrui %squeeze3A_480, %shift_right_logical3A_483 : i32
        %and3A_485 = arith.constant 3 : i32
        %and3A_486 = arith.andi %shift_right_logical3A_484, %and3A_485 : i32
        %mul3A_487 = arith.constant 32 : i32
        %mul3A_488 = arith.muli %and3A_486, %mul3A_487 : i32
        %add3A_489 = arith.constant 5 : i32
        %add3A_490 = arith.addi %mul3A_132, %add3A_489 : i32
        %gt3A_491 = arith.cmpi sgt, %add3A_490, %add3A_129 : i32
        %and3A_492 = arith.constant 31 : i32
        %and3A_493 = arith.andi %squeeze3A_480, %and3A_492 : i32
        %jit3A_494 = arith.constant 64 : i32
        %select_n3A_495 = arith.select %gt3A_491, %and3A_493, %jit3A_494 : i32
        %add3A_496 = arith.addi %mul3A_170, %shift_right_logical3A_482 : i32
        %get3A_497 = arith.index_cast %add3A_496 : i32 to index
        %get3A_498 = arith.index_cast %mul3A_488 : i32 to index
        %get3A_499 = tpu.vector_load %arg7[%get3A_497, %get3A_498] {strides = array<i32>} : memref<64x128xf32, #tpu.memory_space<vmem>>, vector<1x16xf32>,
        %get3A_500 = vector.shape_cast %get3A_499 : vector<1x16xf32> to vector<16xf32>
        %get3A_501 = arith.index_cast %add3A_478 : i32 to index
        %get3A_502 = arith.index_cast %mul3A_488 : i32 to index
        %get3A_503 = tpu.vector_load %arg8[%get3A_501, %get3A_502] {strides = array<i32>} : memref<128x128xf32, #tpu.memory_space<vmem>>, vector<1x16xf32>,
        %get3A_504 = vector.shape_cast %get3A_503 : vector<1x16xf32> to vector<16xf32>
        %add3A_505 = arith.addi %mul3A_170, %shift_right_logical3A_482 : i32
        %add3A_506 = arith.constant 16 : i32
        %add3A_507 = arith.addi %mul3A_488, %add3A_506 : i32
        %get3A_508 = arith.index_cast %add3A_505 : i32 to index
        %get3A_509 = arith.index_cast %add3A_507 : i32 to index
        %get3A_510 = tpu.vector_load %arg7[%get3A_508, %get3A_509] {strides = array<i32>} : memref<64x128xf32, #tpu.memory_space<vmem>>, vector<1x16xf32>,
        %get3A_511 = vector.shape_cast %get3A_510 : vector<1x16xf32> to vector<16xf32>
        %add3A_512 = arith.constant 16 : i32
        %add3A_513 = arith.addi %mul3A_488, %add3A_512 : i32
        %get3A_514 = arith.index_cast %add3A_478 : i32 to index
        %get3A_515 = arith.index_cast %add3A_513 : i32 to index
        %get3A_516 = tpu.vector_load %arg8[%get3A_514, %get3A_515] {strides = array<i32>} : memref<128x128xf32, #tpu.memory_space<vmem>>, vector<1x16xf32>,
        %get3A_517 = vector.shape_cast %get3A_516 : vector<1x16xf32> to vector<16xf32>
        %sub3A_518 = arith.subf %get3A_500, %get3A_504 : vector<16xf32>
        %sub3A_519 = arith.subf %get3A_511, %get3A_517 : vector<16xf32>
        %ge3A_520 = vector.broadcast %select_n3A_495 : i32 to vector<16xi32>
        %ge3A_521 = arith.cmpi sge, %iota3A, %ge3A_520 : vector<16xi32>
        %mul3A_522 = arith.mulf %sub3A_518, %sub3A_518 : vector<16xf32>
        %jit3A_523 = arith.constant 0.000000e+00 : f32
        %broadcast_in_dim3A_524 = vector.broadcast %jit3A_523 : f32 to vector<16xf32>
        %select_n3A_525 = arith.select %ge3A_521, %mul3A_522, %broadcast_in_dim3A_524 : vector<16xi1>, vector<16xf32>
        %add3A_526 = arith.constant 16 : i32
        %add3A_527 = vector.broadcast %add3A_526 : i32 to vector<16xi32>
        %add3A_528 = arith.addi %iota3A, %add3A_527 : vector<16xi32>
        %ge3A_529 = vector.broadcast %select_n3A_495 : i32 to vector<16xi32>
        %ge3A_530 = arith.cmpi sge, %add3A_528, %ge3A_529 : vector<16xi32>
        %mul3A_531 = arith.mulf %sub3A_519, %sub3A_519 : vector<16xf32>
        %jit3A_532 = arith.constant 0.000000e+00 : f32
        %broadcast_in_dim3A_533 = vector.broadcast %jit3A_532 : f32 to vector<16xf32>
        %select_n3A_534 = arith.select %ge3A_530, %mul3A_531, %broadcast_in_dim3A_533 : vector<16xi1>, vector<16xf32>
        %add3A_535 = arith.addf %add3A_411, %select_n3A_525 : vector<16xf32>
        %add3A_536 = arith.addf %add3A_412, %select_n3A_534 : vector<16xf32>
        %mul3A_537 = arith.constant 16 : i32
        %mul3A_538 = arith.muli %scan3A_123, %mul3A_537 : i32
        %add3A_539 = arith.constant 6 : i32
        %add3A_540 = arith.addi %mul3A_538, %add3A_539 : i32
        %slice3A_541 = vector.extract_strided_slice %get3A_162 {offsets = [6], sizes = [1], strides = [1]} : vector<16xi32> to vector<1xi32>
        %squeeze3A_542 = vector.extract %slice3A_541[0] : i32 from vector<1xi32>
        %shift_right_logical3A_543 = arith.constant 7 : i32
        %shift_right_logical3A_544 = arith.shrui %squeeze3A_542, %shift_right_logical3A_543 : i32
        %shift_right_logical3A_545 = arith.constant 5 : i32
        %shift_right_logical3A_546 = arith.shrui %squeeze3A_542, %shift_right_logical3A_545 : i32
        %and3A_547 = arith.constant 3 : i32
        %and3A_548 = arith.andi %shift_right_logical3A_546, %and3A_547 : i32
        %mul3A_549 = arith.constant 32 : i32
        %mul3A_550 = arith.muli %and3A_548, %mul3A_549 : i32
        %add3A_551 = arith.constant 6 : i32
        %add3A_552 = arith.addi %mul3A_132, %add3A_551 : i32
        %gt3A_553 = arith.cmpi sgt, %add3A_552, %add3A_129 : i32
        %and3A_554 = arith.constant 31 : i32
        %and3A_555 = arith.andi %squeeze3A_542, %and3A_554 : i32
        %jit3A_556 = arith.constant 64 : i32
        %select_n3A_557 = arith.select %gt3A_553, %and3A_555, %jit3A_556 : i32
        %add3A_558 = arith.addi %mul3A_170, %shift_right_logical3A_544 : i32
        %get3A_559 = arith.index_cast %add3A_558 : i32 to index
        %get3A_560 = arith.index_cast %mul3A_550 : i32 to index
        %get3A_561 = tpu.vector_load %arg7[%get3A_559, %get3A_560] {strides = array<i32>} : memref<64x128xf32, #tpu.memory_space<vmem>>, vector<1x16xf32>,
        %get3A_562 = vector.shape_cast %get3A_561 : vector<1x16xf32> to vector<16xf32>
        %get3A_563 = arith.index_cast %add3A_540 : i32 to index
        %get3A_564 = arith.index_cast %mul3A_550 : i32 to index
        %get3A_565 = tpu.vector_load %arg8[%get3A_563, %get3A_564] {strides = array<i32>} : memref<128x128xf32, #tpu.memory_space<vmem>>, vector<1x16xf32>,
        %get3A_566 = vector.shape_cast %get3A_565 : vector<1x16xf32> to vector<16xf32>
        %add3A_567 = arith.addi %mul3A_170, %shift_right_logical3A_544 : i32
        %add3A_568 = arith.constant 16 : i32
        %add3A_569 = arith.addi %mul3A_550, %add3A_568 : i32
        %get3A_570 = arith.index_cast %add3A_567 : i32 to index
        %get3A_571 = arith.index_cast %add3A_569 : i32 to index
        %get3A_572 = tpu.vector_load %arg7[%get3A_570, %get3A_571] {strides = array<i32>} : memref<64x128xf32, #tpu.memory_space<vmem>>, vector<1x16xf32>,
        %get3A_573 = vector.shape_cast %get3A_572 : vector<1x16xf32> to vector<16xf32>
        %add3A_574 = arith.constant 16 : i32
        %add3A_575 = arith.addi %mul3A_550, %add3A_574 : i32
        %get3A_576 = arith.index_cast %add3A_540 : i32 to index
        %get3A_577 = arith.index_cast %add3A_575 : i32 to index
        %get3A_578 = tpu.vector_load %arg8[%get3A_576, %get3A_577] {strides = array<i32>} : memref<128x128xf32, #tpu.memory_space<vmem>>, vector<1x16xf32>,
        %get3A_579 = vector.shape_cast %get3A_578 : vector<1x16xf32> to vector<16xf32>
        %sub3A_580 = arith.subf %get3A_562, %get3A_566 : vector<16xf32>
        %sub3A_581 = arith.subf %get3A_573, %get3A_579 : vector<16xf32>
        %ge3A_582 = vector.broadcast %select_n3A_557 : i32 to vector<16xi32>
        %ge3A_583 = arith.cmpi sge, %iota3A, %ge3A_582 : vector<16xi32>
        %mul3A_584 = arith.mulf %sub3A_580, %sub3A_580 : vector<16xf32>
        %jit3A_585 = arith.constant 0.000000e+00 : f32
        %broadcast_in_dim3A_586 = vector.broadcast %jit3A_585 : f32 to vector<16xf32>
        %select_n3A_587 = arith.select %ge3A_583, %mul3A_584, %broadcast_in_dim3A_586 : vector<16xi1>, vector<16xf32>
        %add3A_588 = arith.constant 16 : i32
        %add3A_589 = vector.broadcast %add3A_588 : i32 to vector<16xi32>
        %add3A_590 = arith.addi %iota3A, %add3A_589 : vector<16xi32>
        %ge3A_591 = vector.broadcast %select_n3A_557 : i32 to vector<16xi32>
        %ge3A_592 = arith.cmpi sge, %add3A_590, %ge3A_591 : vector<16xi32>
        %mul3A_593 = arith.mulf %sub3A_581, %sub3A_581 : vector<16xf32>
        %jit3A_594 = arith.constant 0.000000e+00 : f32
        %broadcast_in_dim3A_595 = vector.broadcast %jit3A_594 : f32 to vector<16xf32>
        %select_n3A_596 = arith.select %ge3A_592, %mul3A_593, %broadcast_in_dim3A_595 : vector<16xi1>, vector<16xf32>
        %add3A_597 = arith.addf %add3A_473, %select_n3A_587 : vector<16xf32>
        %add3A_598 = arith.addf %add3A_474, %select_n3A_596 : vector<16xf32>
        %mul3A_599 = arith.constant 16 : i32
        %mul3A_600 = arith.muli %scan3A_123, %mul3A_599 : i32
        %add3A_601 = arith.constant 7 : i32
        %add3A_602 = arith.addi %mul3A_600, %add3A_601 : i32
        %slice3A_603 = vector.extract_strided_slice %get3A_162 {offsets = [7], sizes = [1], strides = [1]} : vector<16xi32> to vector<1xi32>
        %squeeze3A_604 = vector.extract %slice3A_603[0] : i32 from vector<1xi32>
        %shift_right_logical3A_605 = arith.constant 7 : i32
        %shift_right_logical3A_606 = arith.shrui %squeeze3A_604, %shift_right_logical3A_605 : i32
        %shift_right_logical3A_607 = arith.constant 5 : i32
        %shift_right_logical3A_608 = arith.shrui %squeeze3A_604, %shift_right_logical3A_607 : i32
        %and3A_609 = arith.constant 3 : i32
        %and3A_610 = arith.andi %shift_right_logical3A_608, %and3A_609 : i32
        %mul3A_611 = arith.constant 32 : i32
        %mul3A_612 = arith.muli %and3A_610, %mul3A_611 : i32
        %add3A_613 = arith.constant 7 : i32
        %add3A_614 = arith.addi %mul3A_132, %add3A_613 : i32
        %gt3A_615 = arith.cmpi sgt, %add3A_614, %add3A_129 : i32
        %and3A_616 = arith.constant 31 : i32
        %and3A_617 = arith.andi %squeeze3A_604, %and3A_616 : i32
        %jit3A_618 = arith.constant 64 : i32
        %select_n3A_619 = arith.select %gt3A_615, %and3A_617, %jit3A_618 : i32
        %add3A_620 = arith.addi %mul3A_170, %shift_right_logical3A_606 : i32
        %get3A_621 = arith.index_cast %add3A_620 : i32 to index
        %get3A_622 = arith.index_cast %mul3A_612 : i32 to index
        %get3A_623 = tpu.vector_load %arg7[%get3A_621, %get3A_622] {strides = array<i32>} : memref<64x128xf32, #tpu.memory_space<vmem>>, vector<1x16xf32>,
        %get3A_624 = vector.shape_cast %get3A_623 : vector<1x16xf32> to vector<16xf32>
        %get3A_625 = arith.index_cast %add3A_602 : i32 to index
        %get3A_626 = arith.index_cast %mul3A_612 : i32 to index
        %get3A_627 = tpu.vector_load %arg8[%get3A_625, %get3A_626] {strides = array<i32>} : memref<128x128xf32, #tpu.memory_space<vmem>>, vector<1x16xf32>,
        %get3A_628 = vector.shape_cast %get3A_627 : vector<1x16xf32> to vector<16xf32>
        %add3A_629 = arith.addi %mul3A_170, %shift_right_logical3A_606 : i32
        %add3A_630 = arith.constant 16 : i32
        %add3A_631 = arith.addi %mul3A_612, %add3A_630 : i32
        %get3A_632 = arith.index_cast %add3A_629 : i32 to index
        %get3A_633 = arith.index_cast %add3A_631 : i32 to index
        %get3A_634 = tpu.vector_load %arg7[%get3A_632, %get3A_633] {strides = array<i32>} : memref<64x128xf32, #tpu.memory_space<vmem>>, vector<1x16xf32>,
        %get3A_635 = vector.shape_cast %get3A_634 : vector<1x16xf32> to vector<16xf32>
        %add3A_636 = arith.constant 16 : i32
        %add3A_637 = arith.addi %mul3A_612, %add3A_636 : i32
        %get3A_638 = arith.index_cast %add3A_602 : i32 to index
        %get3A_639 = arith.index_cast %add3A_637 : i32 to index
        %get3A_640 = tpu.vector_load %arg8[%get3A_638, %get3A_639] {strides = array<i32>} : memref<128x128xf32, #tpu.memory_space<vmem>>, vector<1x16xf32>,
        %get3A_641 = vector.shape_cast %get3A_640 : vector<1x16xf32> to vector<16xf32>
        %sub3A_642 = arith.subf %get3A_624, %get3A_628 : vector<16xf32>
        %sub3A_643 = arith.subf %get3A_635, %get3A_641 : vector<16xf32>
        %ge3A_644 = vector.broadcast %select_n3A_619 : i32 to vector<16xi32>
        %ge3A_645 = arith.cmpi sge, %iota3A, %ge3A_644 : vector<16xi32>
        %mul3A_646 = arith.mulf %sub3A_642, %sub3A_642 : vector<16xf32>
        %jit3A_647 = arith.constant 0.000000e+00 : f32
        %broadcast_in_dim3A_648 = vector.broadcast %jit3A_647 : f32 to vector<16xf32>
        %select_n3A_649 = arith.select %ge3A_645, %mul3A_646, %broadcast_in_dim3A_648 : vector<16xi1>, vector<16xf32>
        %add3A_650 = arith.constant 16 : i32
        %add3A_651 = vector.broadcast %add3A_650 : i32 to vector<16xi32>
        %add3A_652 = arith.addi %iota3A, %add3A_651 : vector<16xi32>
        %ge3A_653 = vector.broadcast %select_n3A_619 : i32 to vector<16xi32>
        %ge3A_654 = arith.cmpi sge, %add3A_652, %ge3A_653 : vector<16xi32>
        %mul3A_655 = arith.mulf %sub3A_643, %sub3A_643 : vector<16xf32>
        %jit3A_656 = arith.constant 0.000000e+00 : f32
        %broadcast_in_dim3A_657 = vector.broadcast %jit3A_656 : f32 to vector<16xf32>
        %select_n3A_658 = arith.select %ge3A_654, %mul3A_655, %broadcast_in_dim3A_657 : vector<16xi1>, vector<16xf32>
        %add3A_659 = arith.addf %add3A_535, %select_n3A_649 : vector<16xf32>
        %add3A_660 = arith.addf %add3A_536, %select_n3A_658 : vector<16xf32>
        %mul3A_661 = arith.constant 16 : i32
        %mul3A_662 = arith.muli %scan3A_123, %mul3A_661 : i32
        %add3A_663 = arith.constant 8 : i32
        %add3A_664 = arith.addi %mul3A_662, %add3A_663 : i32
        %slice3A_665 = vector.extract_strided_slice %get3A_162 {offsets = [8], sizes = [1], strides = [1]} : vector<16xi32> to vector<1xi32>
        %squeeze3A_666 = vector.extract %slice3A_665[0] : i32 from vector<1xi32>
        %shift_right_logical3A_667 = arith.constant 7 : i32
        %shift_right_logical3A_668 = arith.shrui %squeeze3A_666, %shift_right_logical3A_667 : i32
        %shift_right_logical3A_669 = arith.constant 5 : i32
        %shift_right_logical3A_670 = arith.shrui %squeeze3A_666, %shift_right_logical3A_669 : i32
        %and3A_671 = arith.constant 3 : i32
        %and3A_672 = arith.andi %shift_right_logical3A_670, %and3A_671 : i32
        %mul3A_673 = arith.constant 32 : i32
        %mul3A_674 = arith.muli %and3A_672, %mul3A_673 : i32
        %add3A_675 = arith.constant 8 : i32
        %add3A_676 = arith.addi %mul3A_132, %add3A_675 : i32
        %gt3A_677 = arith.cmpi sgt, %add3A_676, %add3A_129 : i32
        %and3A_678 = arith.constant 31 : i32
        %and3A_679 = arith.andi %squeeze3A_666, %and3A_678 : i32
        %jit3A_680 = arith.constant 64 : i32
        %select_n3A_681 = arith.select %gt3A_677, %and3A_679, %jit3A_680 : i32
        %add3A_682 = arith.addi %mul3A_170, %shift_right_logical3A_668 : i32
        %get3A_683 = arith.index_cast %add3A_682 : i32 to index
        %get3A_684 = arith.index_cast %mul3A_674 : i32 to index
        %get3A_685 = tpu.vector_load %arg7[%get3A_683, %get3A_684] {strides = array<i32>} : memref<64x128xf32, #tpu.memory_space<vmem>>, vector<1x16xf32>,
        %get3A_686 = vector.shape_cast %get3A_685 : vector<1x16xf32> to vector<16xf32>
        %get3A_687 = arith.index_cast %add3A_664 : i32 to index
        %get3A_688 = arith.index_cast %mul3A_674 : i32 to index
        %get3A_689 = tpu.vector_load %arg8[%get3A_687, %get3A_688] {strides = array<i32>} : memref<128x128xf32, #tpu.memory_space<vmem>>, vector<1x16xf32>,
        %get3A_690 = vector.shape_cast %get3A_689 : vector<1x16xf32> to vector<16xf32>
        %add3A_691 = arith.addi %mul3A_170, %shift_right_logical3A_668 : i32
        %add3A_692 = arith.constant 16 : i32
        %add3A_693 = arith.addi %mul3A_674, %add3A_692 : i32
        %get3A_694 = arith.index_cast %add3A_691 : i32 to index
        %get3A_695 = arith.index_cast %add3A_693 : i32 to index
        %get3A_696 = tpu.vector_load %arg7[%get3A_694, %get3A_695] {strides = array<i32>} : memref<64x128xf32, #tpu.memory_space<vmem>>, vector<1x16xf32>,
        %get3A_697 = vector.shape_cast %get3A_696 : vector<1x16xf32> to vector<16xf32>
        %add3A_698 = arith.constant 16 : i32
        %add3A_699 = arith.addi %mul3A_674, %add3A_698 : i32
        %get3A_700 = arith.index_cast %add3A_664 : i32 to index
        %get3A_701 = arith.index_cast %add3A_699 : i32 to index
        %get3A_702 = tpu.vector_load %arg8[%get3A_700, %get3A_701] {strides = array<i32>} : memref<128x128xf32, #tpu.memory_space<vmem>>, vector<1x16xf32>,
        %get3A_703 = vector.shape_cast %get3A_702 : vector<1x16xf32> to vector<16xf32>
        %sub3A_704 = arith.subf %get3A_686, %get3A_690 : vector<16xf32>
        %sub3A_705 = arith.subf %get3A_697, %get3A_703 : vector<16xf32>
        %ge3A_706 = vector.broadcast %select_n3A_681 : i32 to vector<16xi32>
        %ge3A_707 = arith.cmpi sge, %iota3A, %ge3A_706 : vector<16xi32>
        %mul3A_708 = arith.mulf %sub3A_704, %sub3A_704 : vector<16xf32>
        %jit3A_709 = arith.constant 0.000000e+00 : f32
        %broadcast_in_dim3A_710 = vector.broadcast %jit3A_709 : f32 to vector<16xf32>
        %select_n3A_711 = arith.select %ge3A_707, %mul3A_708, %broadcast_in_dim3A_710 : vector<16xi1>, vector<16xf32>
        %add3A_712 = arith.constant 16 : i32
        %add3A_713 = vector.broadcast %add3A_712 : i32 to vector<16xi32>
        %add3A_714 = arith.addi %iota3A, %add3A_713 : vector<16xi32>
        %ge3A_715 = vector.broadcast %select_n3A_681 : i32 to vector<16xi32>
        %ge3A_716 = arith.cmpi sge, %add3A_714, %ge3A_715 : vector<16xi32>
        %mul3A_717 = arith.mulf %sub3A_705, %sub3A_705 : vector<16xf32>
        %jit3A_718 = arith.constant 0.000000e+00 : f32
        %broadcast_in_dim3A_719 = vector.broadcast %jit3A_718 : f32 to vector<16xf32>
        %select_n3A_720 = arith.select %ge3A_716, %mul3A_717, %broadcast_in_dim3A_719 : vector<16xi1>, vector<16xf32>
        %add3A_721 = arith.addf %add3A_597, %select_n3A_711 : vector<16xf32>
        %add3A_722 = arith.addf %add3A_598, %select_n3A_720 : vector<16xf32>
        %mul3A_723 = arith.constant 16 : i32
        %mul3A_724 = arith.muli %scan3A_123, %mul3A_723 : i32
        %add3A_725 = arith.constant 9 : i32
        %add3A_726 = arith.addi %mul3A_724, %add3A_725 : i32
        %slice3A_727 = vector.extract_strided_slice %get3A_162 {offsets = [9], sizes = [1], strides = [1]} : vector<16xi32> to vector<1xi32>
        %squeeze3A_728 = vector.extract %slice3A_727[0] : i32 from vector<1xi32>
        %shift_right_logical3A_729 = arith.constant 7 : i32
        %shift_right_logical3A_730 = arith.shrui %squeeze3A_728, %shift_right_logical3A_729 : i32
        %shift_right_logical3A_731 = arith.constant 5 : i32
        %shift_right_logical3A_732 = arith.shrui %squeeze3A_728, %shift_right_logical3A_731 : i32
        %and3A_733 = arith.constant 3 : i32
        %and3A_734 = arith.andi %shift_right_logical3A_732, %and3A_733 : i32
        %mul3A_735 = arith.constant 32 : i32
        %mul3A_736 = arith.muli %and3A_734, %mul3A_735 : i32
        %add3A_737 = arith.constant 9 : i32
        %add3A_738 = arith.addi %mul3A_132, %add3A_737 : i32
        %gt3A_739 = arith.cmpi sgt, %add3A_738, %add3A_129 : i32
        %and3A_740 = arith.constant 31 : i32
        %and3A_741 = arith.andi %squeeze3A_728, %and3A_740 : i32
        %jit3A_742 = arith.constant 64 : i32
        %select_n3A_743 = arith.select %gt3A_739, %and3A_741, %jit3A_742 : i32
        %add3A_744 = arith.addi %mul3A_170, %shift_right_logical3A_730 : i32
        %get3A_745 = arith.index_cast %add3A_744 : i32 to index
        %get3A_746 = arith.index_cast %mul3A_736 : i32 to index
        %get3A_747 = tpu.vector_load %arg7[%get3A_745, %get3A_746] {strides = array<i32>} : memref<64x128xf32, #tpu.memory_space<vmem>>, vector<1x16xf32>,
        %get3A_748 = vector.shape_cast %get3A_747 : vector<1x16xf32> to vector<16xf32>
        %get3A_749 = arith.index_cast %add3A_726 : i32 to index
        %get3A_750 = arith.index_cast %mul3A_736 : i32 to index
        %get3A_751 = tpu.vector_load %arg8[%get3A_749, %get3A_750] {strides = array<i32>} : memref<128x128xf32, #tpu.memory_space<vmem>>, vector<1x16xf32>,
        %get3A_752 = vector.shape_cast %get3A_751 : vector<1x16xf32> to vector<16xf32>
        %add3A_753 = arith.addi %mul3A_170, %shift_right_logical3A_730 : i32
        %add3A_754 = arith.constant 16 : i32
        %add3A_755 = arith.addi %mul3A_736, %add3A_754 : i32
        %get3A_756 = arith.index_cast %add3A_753 : i32 to index
        %get3A_757 = arith.index_cast %add3A_755 : i32 to index
        %get3A_758 = tpu.vector_load %arg7[%get3A_756, %get3A_757] {strides = array<i32>} : memref<64x128xf32, #tpu.memory_space<vmem>>, vector<1x16xf32>,
        %get3A_759 = vector.shape_cast %get3A_758 : vector<1x16xf32> to vector<16xf32>
        %add3A_760 = arith.constant 16 : i32
        %add3A_761 = arith.addi %mul3A_736, %add3A_760 : i32
        %get3A_762 = arith.index_cast %add3A_726 : i32 to index
        %get3A_763 = arith.index_cast %add3A_761 : i32 to index
        %get3A_764 = tpu.vector_load %arg8[%get3A_762, %get3A_763] {strides = array<i32>} : memref<128x128xf32, #tpu.memory_space<vmem>>, vector<1x16xf32>,
        %get3A_765 = vector.shape_cast %get3A_764 : vector<1x16xf32> to vector<16xf32>
        %sub3A_766 = arith.subf %get3A_748, %get3A_752 : vector<16xf32>
        %sub3A_767 = arith.subf %get3A_759, %get3A_765 : vector<16xf32>
        %ge3A_768 = vector.broadcast %select_n3A_743 : i32 to vector<16xi32>
        %ge3A_769 = arith.cmpi sge, %iota3A, %ge3A_768 : vector<16xi32>
        %mul3A_770 = arith.mulf %sub3A_766, %sub3A_766 : vector<16xf32>
        %jit3A_771 = arith.constant 0.000000e+00 : f32
        %broadcast_in_dim3A_772 = vector.broadcast %jit3A_771 : f32 to vector<16xf32>
        %select_n3A_773 = arith.select %ge3A_769, %mul3A_770, %broadcast_in_dim3A_772 : vector<16xi1>, vector<16xf32>
        %add3A_774 = arith.constant 16 : i32
        %add3A_775 = vector.broadcast %add3A_774 : i32 to vector<16xi32>
        %add3A_776 = arith.addi %iota3A, %add3A_775 : vector<16xi32>
        %ge3A_777 = vector.broadcast %select_n3A_743 : i32 to vector<16xi32>
        %ge3A_778 = arith.cmpi sge, %add3A_776, %ge3A_777 : vector<16xi32>
        %mul3A_779 = arith.mulf %sub3A_767, %sub3A_767 : vector<16xf32>
        %jit3A_780 = arith.constant 0.000000e+00 : f32
        %broadcast_in_dim3A_781 = vector.broadcast %jit3A_780 : f32 to vector<16xf32>
        %select_n3A_782 = arith.select %ge3A_778, %mul3A_779, %broadcast_in_dim3A_781 : vector<16xi1>, vector<16xf32>
        %add3A_783 = arith.addf %add3A_659, %select_n3A_773 : vector<16xf32>
        %add3A_784 = arith.addf %add3A_660, %select_n3A_782 : vector<16xf32>
        %mul3A_785 = arith.constant 16 : i32
        %mul3A_786 = arith.muli %scan3A_123, %mul3A_785 : i32
        %add3A_787 = arith.constant 10 : i32
        %add3A_788 = arith.addi %mul3A_786, %add3A_787 : i32
        %slice3A_789 = vector.extract_strided_slice %get3A_162 {offsets = [10], sizes = [1], strides = [1]} : vector<16xi32> to vector<1xi32>
        %squeeze3A_790 = vector.extract %slice3A_789[0] : i32 from vector<1xi32>
        %shift_right_logical3A_791 = arith.constant 7 : i32
        %shift_right_logical3A_792 = arith.shrui %squeeze3A_790, %shift_right_logical3A_791 : i32
        %shift_right_logical3A_793 = arith.constant 5 : i32
        %shift_right_logical3A_794 = arith.shrui %squeeze3A_790, %shift_right_logical3A_793 : i32
        %and3A_795 = arith.constant 3 : i32
        %and3A_796 = arith.andi %shift_right_logical3A_794, %and3A_795 : i32
        %mul3A_797 = arith.constant 32 : i32
        %mul3A_798 = arith.muli %and3A_796, %mul3A_797 : i32
        %add3A_799 = arith.constant 10 : i32
        %add3A_800 = arith.addi %mul3A_132, %add3A_799 : i32
        %gt3A_801 = arith.cmpi sgt, %add3A_800, %add3A_129 : i32
        %and3A_802 = arith.constant 31 : i32
        %and3A_803 = arith.andi %squeeze3A_790, %and3A_802 : i32
        %jit3A_804 = arith.constant 64 : i32
        %select_n3A_805 = arith.select %gt3A_801, %and3A_803, %jit3A_804 : i32
        %add3A_806 = arith.addi %mul3A_170, %shift_right_logical3A_792 : i32
        %get3A_807 = arith.index_cast %add3A_806 : i32 to index
        %get3A_808 = arith.index_cast %mul3A_798 : i32 to index
        %get3A_809 = tpu.vector_load %arg7[%get3A_807, %get3A_808] {strides = array<i32>} : memref<64x128xf32, #tpu.memory_space<vmem>>, vector<1x16xf32>,
        %get3A_810 = vector.shape_cast %get3A_809 : vector<1x16xf32> to vector<16xf32>
        %get3A_811 = arith.index_cast %add3A_788 : i32 to index
        %get3A_812 = arith.index_cast %mul3A_798 : i32 to index
        %get3A_813 = tpu.vector_load %arg8[%get3A_811, %get3A_812] {strides = array<i32>} : memref<128x128xf32, #tpu.memory_space<vmem>>, vector<1x16xf32>,
        %get3A_814 = vector.shape_cast %get3A_813 : vector<1x16xf32> to vector<16xf32>
        %add3A_815 = arith.addi %mul3A_170, %shift_right_logical3A_792 : i32
        %add3A_816 = arith.constant 16 : i32
        %add3A_817 = arith.addi %mul3A_798, %add3A_816 : i32
        %get3A_818 = arith.index_cast %add3A_815 : i32 to index
        %get3A_819 = arith.index_cast %add3A_817 : i32 to index
        %get3A_820 = tpu.vector_load %arg7[%get3A_818, %get3A_819] {strides = array<i32>} : memref<64x128xf32, #tpu.memory_space<vmem>>, vector<1x16xf32>,
        %get3A_821 = vector.shape_cast %get3A_820 : vector<1x16xf32> to vector<16xf32>
        %add3A_822 = arith.constant 16 : i32
        %add3A_823 = arith.addi %mul3A_798, %add3A_822 : i32
        %get3A_824 = arith.index_cast %add3A_788 : i32 to index
        %get3A_825 = arith.index_cast %add3A_823 : i32 to index
        %get3A_826 = tpu.vector_load %arg8[%get3A_824, %get3A_825] {strides = array<i32>} : memref<128x128xf32, #tpu.memory_space<vmem>>, vector<1x16xf32>,
        %get3A_827 = vector.shape_cast %get3A_826 : vector<1x16xf32> to vector<16xf32>
        %sub3A_828 = arith.subf %get3A_810, %get3A_814 : vector<16xf32>
        %sub3A_829 = arith.subf %get3A_821, %get3A_827 : vector<16xf32>
        %ge3A_830 = vector.broadcast %select_n3A_805 : i32 to vector<16xi32>
        %ge3A_831 = arith.cmpi sge, %iota3A, %ge3A_830 : vector<16xi32>
        %mul3A_832 = arith.mulf %sub3A_828, %sub3A_828 : vector<16xf32>
        %jit3A_833 = arith.constant 0.000000e+00 : f32
        %broadcast_in_dim3A_834 = vector.broadcast %jit3A_833 : f32 to vector<16xf32>
        %select_n3A_835 = arith.select %ge3A_831, %mul3A_832, %broadcast_in_dim3A_834 : vector<16xi1>, vector<16xf32>
        %add3A_836 = arith.constant 16 : i32
        %add3A_837 = vector.broadcast %add3A_836 : i32 to vector<16xi32>
        %add3A_838 = arith.addi %iota3A, %add3A_837 : vector<16xi32>
        %ge3A_839 = vector.broadcast %select_n3A_805 : i32 to vector<16xi32>
        %ge3A_840 = arith.cmpi sge, %add3A_838, %ge3A_839 : vector<16xi32>
        %mul3A_841 = arith.mulf %sub3A_829, %sub3A_829 : vector<16xf32>
        %jit3A_842 = arith.constant 0.000000e+00 : f32
        %broadcast_in_dim3A_843 = vector.broadcast %jit3A_842 : f32 to vector<16xf32>
        %select_n3A_844 = arith.select %ge3A_840, %mul3A_841, %broadcast_in_dim3A_843 : vector<16xi1>, vector<16xf32>
        %add3A_845 = arith.addf %add3A_721, %select_n3A_835 : vector<16xf32>
        %add3A_846 = arith.addf %add3A_722, %select_n3A_844 : vector<16xf32>
        %mul3A_847 = arith.constant 16 : i32
        %mul3A_848 = arith.muli %scan3A_123, %mul3A_847 : i32
        %add3A_849 = arith.constant 11 : i32
        %add3A_850 = arith.addi %mul3A_848, %add3A_849 : i32
        %slice3A_851 = vector.extract_strided_slice %get3A_162 {offsets = [11], sizes = [1], strides = [1]} : vector<16xi32> to vector<1xi32>
        %squeeze3A_852 = vector.extract %slice3A_851[0] : i32 from vector<1xi32>
        %shift_right_logical3A_853 = arith.constant 7 : i32
        %shift_right_logical3A_854 = arith.shrui %squeeze3A_852, %shift_right_logical3A_853 : i32
        %shift_right_logical3A_855 = arith.constant 5 : i32
        %shift_right_logical3A_856 = arith.shrui %squeeze3A_852, %shift_right_logical3A_855 : i32
        %and3A_857 = arith.constant 3 : i32
        %and3A_858 = arith.andi %shift_right_logical3A_856, %and3A_857 : i32
        %mul3A_859 = arith.constant 32 : i32
        %mul3A_860 = arith.muli %and3A_858, %mul3A_859 : i32
        %add3A_861 = arith.constant 11 : i32
        %add3A_862 = arith.addi %mul3A_132, %add3A_861 : i32
        %gt3A_863 = arith.cmpi sgt, %add3A_862, %add3A_129 : i32
        %and3A_864 = arith.constant 31 : i32
        %and3A_865 = arith.andi %squeeze3A_852, %and3A_864 : i32
        %jit3A_866 = arith.constant 64 : i32
        %select_n3A_867 = arith.select %gt3A_863, %and3A_865, %jit3A_866 : i32
        %add3A_868 = arith.addi %mul3A_170, %shift_right_logical3A_854 : i32
        %get3A_869 = arith.index_cast %add3A_868 : i32 to index
        %get3A_870 = arith.index_cast %mul3A_860 : i32 to index
        %get3A_871 = tpu.vector_load %arg7[%get3A_869, %get3A_870] {strides = array<i32>} : memref<64x128xf32, #tpu.memory_space<vmem>>, vector<1x16xf32>,
        %get3A_872 = vector.shape_cast %get3A_871 : vector<1x16xf32> to vector<16xf32>
        %get3A_873 = arith.index_cast %add3A_850 : i32 to index
        %get3A_874 = arith.index_cast %mul3A_860 : i32 to index
        %get3A_875 = tpu.vector_load %arg8[%get3A_873, %get3A_874] {strides = array<i32>} : memref<128x128xf32, #tpu.memory_space<vmem>>, vector<1x16xf32>,
        %get3A_876 = vector.shape_cast %get3A_875 : vector<1x16xf32> to vector<16xf32>
        %add3A_877 = arith.addi %mul3A_170, %shift_right_logical3A_854 : i32
        %add3A_878 = arith.constant 16 : i32
        %add3A_879 = arith.addi %mul3A_860, %add3A_878 : i32
        %get3A_880 = arith.index_cast %add3A_877 : i32 to index
        %get3A_881 = arith.index_cast %add3A_879 : i32 to index
        %get3A_882 = tpu.vector_load %arg7[%get3A_880, %get3A_881] {strides = array<i32>} : memref<64x128xf32, #tpu.memory_space<vmem>>, vector<1x16xf32>,
        %get3A_883 = vector.shape_cast %get3A_882 : vector<1x16xf32> to vector<16xf32>
        %add3A_884 = arith.constant 16 : i32
        %add3A_885 = arith.addi %mul3A_860, %add3A_884 : i32
        %get3A_886 = arith.index_cast %add3A_850 : i32 to index
        %get3A_887 = arith.index_cast %add3A_885 : i32 to index
        %get3A_888 = tpu.vector_load %arg8[%get3A_886, %get3A_887] {strides = array<i32>} : memref<128x128xf32, #tpu.memory_space<vmem>>, vector<1x16xf32>,
        %get3A_889 = vector.shape_cast %get3A_888 : vector<1x16xf32> to vector<16xf32>
        %sub3A_890 = arith.subf %get3A_872, %get3A_876 : vector<16xf32>
        %sub3A_891 = arith.subf %get3A_883, %get3A_889 : vector<16xf32>
        %ge3A_892 = vector.broadcast %select_n3A_867 : i32 to vector<16xi32>
        %ge3A_893 = arith.cmpi sge, %iota3A, %ge3A_892 : vector<16xi32>
        %mul3A_894 = arith.mulf %sub3A_890, %sub3A_890 : vector<16xf32>
        %jit3A_895 = arith.constant 0.000000e+00 : f32
        %broadcast_in_dim3A_896 = vector.broadcast %jit3A_895 : f32 to vector<16xf32>
        %select_n3A_897 = arith.select %ge3A_893, %mul3A_894, %broadcast_in_dim3A_896 : vector<16xi1>, vector<16xf32>
        %add3A_898 = arith.constant 16 : i32
        %add3A_899 = vector.broadcast %add3A_898 : i32 to vector<16xi32>
        %add3A_900 = arith.addi %iota3A, %add3A_899 : vector<16xi32>
        %ge3A_901 = vector.broadcast %select_n3A_867 : i32 to vector<16xi32>
        %ge3A_902 = arith.cmpi sge, %add3A_900, %ge3A_901 : vector<16xi32>
        %mul3A_903 = arith.mulf %sub3A_891, %sub3A_891 : vector<16xf32>
        %jit3A_904 = arith.constant 0.000000e+00 : f32
        %broadcast_in_dim3A_905 = vector.broadcast %jit3A_904 : f32 to vector<16xf32>
        %select_n3A_906 = arith.select %ge3A_902, %mul3A_903, %broadcast_in_dim3A_905 : vector<16xi1>, vector<16xf32>
        %add3A_907 = arith.addf %add3A_783, %select_n3A_897 : vector<16xf32>
        %add3A_908 = arith.addf %add3A_784, %select_n3A_906 : vector<16xf32>
        %mul3A_909 = arith.constant 16 : i32
        %mul3A_910 = arith.muli %scan3A_123, %mul3A_909 : i32
        %add3A_911 = arith.constant 12 : i32
        %add3A_912 = arith.addi %mul3A_910, %add3A_911 : i32
        %slice3A_913 = vector.extract_strided_slice %get3A_162 {offsets = [12], sizes = [1], strides = [1]} : vector<16xi32> to vector<1xi32>
        %squeeze3A_914 = vector.extract %slice3A_913[0] : i32 from vector<1xi32>
        %shift_right_logical3A_915 = arith.constant 7 : i32
        %shift_right_logical3A_916 = arith.shrui %squeeze3A_914, %shift_right_logical3A_915 : i32
        %shift_right_logical3A_917 = arith.constant 5 : i32
        %shift_right_logical3A_918 = arith.shrui %squeeze3A_914, %shift_right_logical3A_917 : i32
        %and3A_919 = arith.constant 3 : i32
        %and3A_920 = arith.andi %shift_right_logical3A_918, %and3A_919 : i32
        %mul3A_921 = arith.constant 32 : i32
        %mul3A_922 = arith.muli %and3A_920, %mul3A_921 : i32
        %add3A_923 = arith.constant 12 : i32
        %add3A_924 = arith.addi %mul3A_132, %add3A_923 : i32
        %gt3A_925 = arith.cmpi sgt, %add3A_924, %add3A_129 : i32
        %and3A_926 = arith.constant 31 : i32
        %and3A_927 = arith.andi %squeeze3A_914, %and3A_926 : i32
        %jit3A_928 = arith.constant 64 : i32
        %select_n3A_929 = arith.select %gt3A_925, %and3A_927, %jit3A_928 : i32
        %add3A_930 = arith.addi %mul3A_170, %shift_right_logical3A_916 : i32
        %get3A_931 = arith.index_cast %add3A_930 : i32 to index
        %get3A_932 = arith.index_cast %mul3A_922 : i32 to index
        %get3A_933 = tpu.vector_load %arg7[%get3A_931, %get3A_932] {strides = array<i32>} : memref<64x128xf32, #tpu.memory_space<vmem>>, vector<1x16xf32>,
        %get3A_934 = vector.shape_cast %get3A_933 : vector<1x16xf32> to vector<16xf32>
        %get3A_935 = arith.index_cast %add3A_912 : i32 to index
        %get3A_936 = arith.index_cast %mul3A_922 : i32 to index
        %get3A_937 = tpu.vector_load %arg8[%get3A_935, %get3A_936] {strides = array<i32>} : memref<128x128xf32, #tpu.memory_space<vmem>>, vector<1x16xf32>,
        %get3A_938 = vector.shape_cast %get3A_937 : vector<1x16xf32> to vector<16xf32>
        %add3A_939 = arith.addi %mul3A_170, %shift_right_logical3A_916 : i32
        %add3A_940 = arith.constant 16 : i32
        %add3A_941 = arith.addi %mul3A_922, %add3A_940 : i32
        %get3A_942 = arith.index_cast %add3A_939 : i32 to index
        %get3A_943 = arith.index_cast %add3A_941 : i32 to index
        %get3A_944 = tpu.vector_load %arg7[%get3A_942, %get3A_943] {strides = array<i32>} : memref<64x128xf32, #tpu.memory_space<vmem>>, vector<1x16xf32>,
        %get3A_945 = vector.shape_cast %get3A_944 : vector<1x16xf32> to vector<16xf32>
        %add3A_946 = arith.constant 16 : i32
        %add3A_947 = arith.addi %mul3A_922, %add3A_946 : i32
        %get3A_948 = arith.index_cast %add3A_912 : i32 to index
        %get3A_949 = arith.index_cast %add3A_947 : i32 to index
        %get3A_950 = tpu.vector_load %arg8[%get3A_948, %get3A_949] {strides = array<i32>} : memref<128x128xf32, #tpu.memory_space<vmem>>, vector<1x16xf32>,
        %get3A_951 = vector.shape_cast %get3A_950 : vector<1x16xf32> to vector<16xf32>
        %sub3A_952 = arith.subf %get3A_934, %get3A_938 : vector<16xf32>
        %sub3A_953 = arith.subf %get3A_945, %get3A_951 : vector<16xf32>
        %ge3A_954 = vector.broadcast %select_n3A_929 : i32 to vector<16xi32>
        %ge3A_955 = arith.cmpi sge, %iota3A, %ge3A_954 : vector<16xi32>
        %mul3A_956 = arith.mulf %sub3A_952, %sub3A_952 : vector<16xf32>
        %jit3A_957 = arith.constant 0.000000e+00 : f32
        %broadcast_in_dim3A_958 = vector.broadcast %jit3A_957 : f32 to vector<16xf32>
        %select_n3A_959 = arith.select %ge3A_955, %mul3A_956, %broadcast_in_dim3A_958 : vector<16xi1>, vector<16xf32>
        %add3A_960 = arith.constant 16 : i32
        %add3A_961 = vector.broadcast %add3A_960 : i32 to vector<16xi32>
        %add3A_962 = arith.addi %iota3A, %add3A_961 : vector<16xi32>
        %ge3A_963 = vector.broadcast %select_n3A_929 : i32 to vector<16xi32>
        %ge3A_964 = arith.cmpi sge, %add3A_962, %ge3A_963 : vector<16xi32>
        %mul3A_965 = arith.mulf %sub3A_953, %sub3A_953 : vector<16xf32>
        %jit3A_966 = arith.constant 0.000000e+00 : f32
        %broadcast_in_dim3A_967 = vector.broadcast %jit3A_966 : f32 to vector<16xf32>
        %select_n3A_968 = arith.select %ge3A_964, %mul3A_965, %broadcast_in_dim3A_967 : vector<16xi1>, vector<16xf32>
        %add3A_969 = arith.addf %add3A_845, %select_n3A_959 : vector<16xf32>
        %add3A_970 = arith.addf %add3A_846, %select_n3A_968 : vector<16xf32>
        %mul3A_971 = arith.constant 16 : i32
        %mul3A_972 = arith.muli %scan3A_123, %mul3A_971 : i32
        %add3A_973 = arith.constant 13 : i32
        %add3A_974 = arith.addi %mul3A_972, %add3A_973 : i32
        %slice3A_975 = vector.extract_strided_slice %get3A_162 {offsets = [13], sizes = [1], strides = [1]} : vector<16xi32> to vector<1xi32>
        %squeeze3A_976 = vector.extract %slice3A_975[0] : i32 from vector<1xi32>
        %shift_right_logical3A_977 = arith.constant 7 : i32
        %shift_right_logical3A_978 = arith.shrui %squeeze3A_976, %shift_right_logical3A_977 : i32
        %shift_right_logical3A_979 = arith.constant 5 : i32
        %shift_right_logical3A_980 = arith.shrui %squeeze3A_976, %shift_right_logical3A_979 : i32
        %and3A_981 = arith.constant 3 : i32
        %and3A_982 = arith.andi %shift_right_logical3A_980, %and3A_981 : i32
        %mul3A_983 = arith.constant 32 : i32
        %mul3A_984 = arith.muli %and3A_982, %mul3A_983 : i32
        %add3A_985 = arith.constant 13 : i32
        %add3A_986 = arith.addi %mul3A_132, %add3A_985 : i32
        %gt3A_987 = arith.cmpi sgt, %add3A_986, %add3A_129 : i32
        %and3A_988 = arith.constant 31 : i32
        %and3A_989 = arith.andi %squeeze3A_976, %and3A_988 : i32
        %jit3A_990 = arith.constant 64 : i32
        %select_n3A_991 = arith.select %gt3A_987, %and3A_989, %jit3A_990 : i32
        %add3A_992 = arith.addi %mul3A_170, %shift_right_logical3A_978 : i32
        %get3A_993 = arith.index_cast %add3A_992 : i32 to index
        %get3A_994 = arith.index_cast %mul3A_984 : i32 to index
        %get3A_995 = tpu.vector_load %arg7[%get3A_993, %get3A_994] {strides = array<i32>} : memref<64x128xf32, #tpu.memory_space<vmem>>, vector<1x16xf32>,
        %get3A_996 = vector.shape_cast %get3A_995 : vector<1x16xf32> to vector<16xf32>
        %get3A_997 = arith.index_cast %add3A_974 : i32 to index
        %get3A_998 = arith.index_cast %mul3A_984 : i32 to index
        %get3A_999 = tpu.vector_load %arg8[%get3A_997, %get3A_998] {strides = array<i32>} : memref<128x128xf32, #tpu.memory_space<vmem>>, vector<1x16xf32>,
        %get3A_1000 = vector.shape_cast %get3A_999 : vector<1x16xf32> to vector<16xf32>
        %add3A_1001 = arith.addi %mul3A_170, %shift_right_logical3A_978 : i32
        %add3A_1002 = arith.constant 16 : i32
        %add3A_1003 = arith.addi %mul3A_984, %add3A_1002 : i32
        %get3A_1004 = arith.index_cast %add3A_1001 : i32 to index
        %get3A_1005 = arith.index_cast %add3A_1003 : i32 to index
        %get3A_1006 = tpu.vector_load %arg7[%get3A_1004, %get3A_1005] {strides = array<i32>} : memref<64x128xf32, #tpu.memory_space<vmem>>, vector<1x16xf32>,
        %get3A_1007 = vector.shape_cast %get3A_1006 : vector<1x16xf32> to vector<16xf32>
        %add3A_1008 = arith.constant 16 : i32
        %add3A_1009 = arith.addi %mul3A_984, %add3A_1008 : i32
        %get3A_1010 = arith.index_cast %add3A_974 : i32 to index
        %get3A_1011 = arith.index_cast %add3A_1009 : i32 to index
        %get3A_1012 = tpu.vector_load %arg8[%get3A_1010, %get3A_1011] {strides = array<i32>} : memref<128x128xf32, #tpu.memory_space<vmem>>, vector<1x16xf32>,
        %get3A_1013 = vector.shape_cast %get3A_1012 : vector<1x16xf32> to vector<16xf32>
        %sub3A_1014 = arith.subf %get3A_996, %get3A_1000 : vector<16xf32>
        %sub3A_1015 = arith.subf %get3A_1007, %get3A_1013 : vector<16xf32>
        %ge3A_1016 = vector.broadcast %select_n3A_991 : i32 to vector<16xi32>
        %ge3A_1017 = arith.cmpi sge, %iota3A, %ge3A_1016 : vector<16xi32>
        %mul3A_1018 = arith.mulf %sub3A_1014, %sub3A_1014 : vector<16xf32>
        %jit3A_1019 = arith.constant 0.000000e+00 : f32
        %broadcast_in_dim3A_1020 = vector.broadcast %jit3A_1019 : f32 to vector<16xf32>
        %select_n3A_1021 = arith.select %ge3A_1017, %mul3A_1018, %broadcast_in_dim3A_1020 : vector<16xi1>, vector<16xf32>
        %add3A_1022 = arith.constant 16 : i32
        %add3A_1023 = vector.broadcast %add3A_1022 : i32 to vector<16xi32>
        %add3A_1024 = arith.addi %iota3A, %add3A_1023 : vector<16xi32>
        %ge3A_1025 = vector.broadcast %select_n3A_991 : i32 to vector<16xi32>
        %ge3A_1026 = arith.cmpi sge, %add3A_1024, %ge3A_1025 : vector<16xi32>
        %mul3A_1027 = arith.mulf %sub3A_1015, %sub3A_1015 : vector<16xf32>
        %jit3A_1028 = arith.constant 0.000000e+00 : f32
        %broadcast_in_dim3A_1029 = vector.broadcast %jit3A_1028 : f32 to vector<16xf32>
        %select_n3A_1030 = arith.select %ge3A_1026, %mul3A_1027, %broadcast_in_dim3A_1029 : vector<16xi1>, vector<16xf32>
        %add3A_1031 = arith.addf %add3A_907, %select_n3A_1021 : vector<16xf32>
        %add3A_1032 = arith.addf %add3A_908, %select_n3A_1030 : vector<16xf32>
        %mul3A_1033 = arith.constant 16 : i32
        %mul3A_1034 = arith.muli %scan3A_123, %mul3A_1033 : i32
        %add3A_1035 = arith.constant 14 : i32
        %add3A_1036 = arith.addi %mul3A_1034, %add3A_1035 : i32
        %slice3A_1037 = vector.extract_strided_slice %get3A_162 {offsets = [14], sizes = [1], strides = [1]} : vector<16xi32> to vector<1xi32>
        %squeeze3A_1038 = vector.extract %slice3A_1037[0] : i32 from vector<1xi32>
        %shift_right_logical3A_1039 = arith.constant 7 : i32
        %shift_right_logical3A_1040 = arith.shrui %squeeze3A_1038, %shift_right_logical3A_1039 : i32
        %shift_right_logical3A_1041 = arith.constant 5 : i32
        %shift_right_logical3A_1042 = arith.shrui %squeeze3A_1038, %shift_right_logical3A_1041 : i32
        %and3A_1043 = arith.constant 3 : i32
        %and3A_1044 = arith.andi %shift_right_logical3A_1042, %and3A_1043 : i32
        %mul3A_1045 = arith.constant 32 : i32
        %mul3A_1046 = arith.muli %and3A_1044, %mul3A_1045 : i32
        %add3A_1047 = arith.constant 14 : i32
        %add3A_1048 = arith.addi %mul3A_132, %add3A_1047 : i32
        %gt3A_1049 = arith.cmpi sgt, %add3A_1048, %add3A_129 : i32
        %and3A_1050 = arith.constant 31 : i32
        %and3A_1051 = arith.andi %squeeze3A_1038, %and3A_1050 : i32
        %jit3A_1052 = arith.constant 64 : i32
        %select_n3A_1053 = arith.select %gt3A_1049, %and3A_1051, %jit3A_1052 : i32
        %add3A_1054 = arith.addi %mul3A_170, %shift_right_logical3A_1040 : i32
        %get3A_1055 = arith.index_cast %add3A_1054 : i32 to index
        %get3A_1056 = arith.index_cast %mul3A_1046 : i32 to index
        %get3A_1057 = tpu.vector_load %arg7[%get3A_1055, %get3A_1056] {strides = array<i32>} : memref<64x128xf32, #tpu.memory_space<vmem>>, vector<1x16xf32>,
        %get3A_1058 = vector.shape_cast %get3A_1057 : vector<1x16xf32> to vector<16xf32>
        %get3A_1059 = arith.index_cast %add3A_1036 : i32 to index
        %get3A_1060 = arith.index_cast %mul3A_1046 : i32 to index
        %get3A_1061 = tpu.vector_load %arg8[%get3A_1059, %get3A_1060] {strides = array<i32>} : memref<128x128xf32, #tpu.memory_space<vmem>>, vector<1x16xf32>,
        %get3A_1062 = vector.shape_cast %get3A_1061 : vector<1x16xf32> to vector<16xf32>
        %add3A_1063 = arith.addi %mul3A_170, %shift_right_logical3A_1040 : i32
        %add3A_1064 = arith.constant 16 : i32
        %add3A_1065 = arith.addi %mul3A_1046, %add3A_1064 : i32
        %get3A_1066 = arith.index_cast %add3A_1063 : i32 to index
        %get3A_1067 = arith.index_cast %add3A_1065 : i32 to index
        %get3A_1068 = tpu.vector_load %arg7[%get3A_1066, %get3A_1067] {strides = array<i32>} : memref<64x128xf32, #tpu.memory_space<vmem>>, vector<1x16xf32>,
        %get3A_1069 = vector.shape_cast %get3A_1068 : vector<1x16xf32> to vector<16xf32>
        %add3A_1070 = arith.constant 16 : i32
        %add3A_1071 = arith.addi %mul3A_1046, %add3A_1070 : i32
        %get3A_1072 = arith.index_cast %add3A_1036 : i32 to index
        %get3A_1073 = arith.index_cast %add3A_1071 : i32 to index
        %get3A_1074 = tpu.vector_load %arg8[%get3A_1072, %get3A_1073] {strides = array<i32>} : memref<128x128xf32, #tpu.memory_space<vmem>>, vector<1x16xf32>,
        %get3A_1075 = vector.shape_cast %get3A_1074 : vector<1x16xf32> to vector<16xf32>
        %sub3A_1076 = arith.subf %get3A_1058, %get3A_1062 : vector<16xf32>
        %sub3A_1077 = arith.subf %get3A_1069, %get3A_1075 : vector<16xf32>
        %ge3A_1078 = vector.broadcast %select_n3A_1053 : i32 to vector<16xi32>
        %ge3A_1079 = arith.cmpi sge, %iota3A, %ge3A_1078 : vector<16xi32>
        %mul3A_1080 = arith.mulf %sub3A_1076, %sub3A_1076 : vector<16xf32>
        %jit3A_1081 = arith.constant 0.000000e+00 : f32
        %broadcast_in_dim3A_1082 = vector.broadcast %jit3A_1081 : f32 to vector<16xf32>
        %select_n3A_1083 = arith.select %ge3A_1079, %mul3A_1080, %broadcast_in_dim3A_1082 : vector<16xi1>, vector<16xf32>
        %add3A_1084 = arith.constant 16 : i32
        %add3A_1085 = vector.broadcast %add3A_1084 : i32 to vector<16xi32>
        %add3A_1086 = arith.addi %iota3A, %add3A_1085 : vector<16xi32>
        %ge3A_1087 = vector.broadcast %select_n3A_1053 : i32 to vector<16xi32>
        %ge3A_1088 = arith.cmpi sge, %add3A_1086, %ge3A_1087 : vector<16xi32>
        %mul3A_1089 = arith.mulf %sub3A_1077, %sub3A_1077 : vector<16xf32>
        %jit3A_1090 = arith.constant 0.000000e+00 : f32
        %broadcast_in_dim3A_1091 = vector.broadcast %jit3A_1090 : f32 to vector<16xf32>
        %select_n3A_1092 = arith.select %ge3A_1088, %mul3A_1089, %broadcast_in_dim3A_1091 : vector<16xi1>, vector<16xf32>
        %add3A_1093 = arith.addf %add3A_969, %select_n3A_1083 : vector<16xf32>
        %add3A_1094 = arith.addf %add3A_970, %select_n3A_1092 : vector<16xf32>
        %mul3A_1095 = arith.constant 16 : i32
        %mul3A_1096 = arith.muli %scan3A_123, %mul3A_1095 : i32
        %add3A_1097 = arith.constant 15 : i32
        %add3A_1098 = arith.addi %mul3A_1096, %add3A_1097 : i32
        %slice3A_1099 = vector.extract_strided_slice %get3A_162 {offsets = [15], sizes = [1], strides = [1]} : vector<16xi32> to vector<1xi32>
        %squeeze3A_1100 = vector.extract %slice3A_1099[0] : i32 from vector<1xi32>
        %shift_right_logical3A_1101 = arith.constant 7 : i32
        %shift_right_logical3A_1102 = arith.shrui %squeeze3A_1100, %shift_right_logical3A_1101 : i32
        %shift_right_logical3A_1103 = arith.constant 5 : i32
        %shift_right_logical3A_1104 = arith.shrui %squeeze3A_1100, %shift_right_logical3A_1103 : i32
        %and3A_1105 = arith.constant 3 : i32
        %and3A_1106 = arith.andi %shift_right_logical3A_1104, %and3A_1105 : i32
        %mul3A_1107 = arith.constant 32 : i32
        %mul3A_1108 = arith.muli %and3A_1106, %mul3A_1107 : i32
        %add3A_1109 = arith.constant 15 : i32
        %add3A_1110 = arith.addi %mul3A_132, %add3A_1109 : i32
        %gt3A_1111 = arith.cmpi sgt, %add3A_1110, %add3A_129 : i32
        %and3A_1112 = arith.constant 31 : i32
        %and3A_1113 = arith.andi %squeeze3A_1100, %and3A_1112 : i32
        %jit3A_1114 = arith.constant 64 : i32
        %select_n3A_1115 = arith.select %gt3A_1111, %and3A_1113, %jit3A_1114 : i32
        %add3A_1116 = arith.addi %mul3A_170, %shift_right_logical3A_1102 : i32
        %get3A_1117 = arith.index_cast %add3A_1116 : i32 to index
        %get3A_1118 = arith.index_cast %mul3A_1108 : i32 to index
        %get3A_1119 = tpu.vector_load %arg7[%get3A_1117, %get3A_1118] {strides = array<i32>} : memref<64x128xf32, #tpu.memory_space<vmem>>, vector<1x16xf32>,
        %get3A_1120 = vector.shape_cast %get3A_1119 : vector<1x16xf32> to vector<16xf32>
        %get3A_1121 = arith.index_cast %add3A_1098 : i32 to index
        %get3A_1122 = arith.index_cast %mul3A_1108 : i32 to index
        %get3A_1123 = tpu.vector_load %arg8[%get3A_1121, %get3A_1122] {strides = array<i32>} : memref<128x128xf32, #tpu.memory_space<vmem>>, vector<1x16xf32>,
        %get3A_1124 = vector.shape_cast %get3A_1123 : vector<1x16xf32> to vector<16xf32>
        %add3A_1125 = arith.addi %mul3A_170, %shift_right_logical3A_1102 : i32
        %add3A_1126 = arith.constant 16 : i32
        %add3A_1127 = arith.addi %mul3A_1108, %add3A_1126 : i32
        %get3A_1128 = arith.index_cast %add3A_1125 : i32 to index
        %get3A_1129 = arith.index_cast %add3A_1127 : i32 to index
        %get3A_1130 = tpu.vector_load %arg7[%get3A_1128, %get3A_1129] {strides = array<i32>} : memref<64x128xf32, #tpu.memory_space<vmem>>, vector<1x16xf32>,
        %get3A_1131 = vector.shape_cast %get3A_1130 : vector<1x16xf32> to vector<16xf32>
        %add3A_1132 = arith.constant 16 : i32
        %add3A_1133 = arith.addi %mul3A_1108, %add3A_1132 : i32
        %get3A_1134 = arith.index_cast %add3A_1098 : i32 to index
        %get3A_1135 = arith.index_cast %add3A_1133 : i32 to index
        %get3A_1136 = tpu.vector_load %arg8[%get3A_1134, %get3A_1135] {strides = array<i32>} : memref<128x128xf32, #tpu.memory_space<vmem>>, vector<1x16xf32>,
        %get3A_1137 = vector.shape_cast %get3A_1136 : vector<1x16xf32> to vector<16xf32>
        %sub3A_1138 = arith.subf %get3A_1120, %get3A_1124 : vector<16xf32>
        %sub3A_1139 = arith.subf %get3A_1131, %get3A_1137 : vector<16xf32>
        %ge3A_1140 = vector.broadcast %select_n3A_1115 : i32 to vector<16xi32>
        %ge3A_1141 = arith.cmpi sge, %iota3A, %ge3A_1140 : vector<16xi32>
        %mul3A_1142 = arith.mulf %sub3A_1138, %sub3A_1138 : vector<16xf32>
        %jit3A_1143 = arith.constant 0.000000e+00 : f32
        %broadcast_in_dim3A_1144 = vector.broadcast %jit3A_1143 : f32 to vector<16xf32>
        %select_n3A_1145 = arith.select %ge3A_1141, %mul3A_1142, %broadcast_in_dim3A_1144 : vector<16xi1>, vector<16xf32>
        %add3A_1146 = arith.constant 16 : i32
        %add3A_1147 = vector.broadcast %add3A_1146 : i32 to vector<16xi32>
        %add3A_1148 = arith.addi %iota3A, %add3A_1147 : vector<16xi32>
        %ge3A_1149 = vector.broadcast %select_n3A_1115 : i32 to vector<16xi32>
        %ge3A_1150 = arith.cmpi sge, %add3A_1148, %ge3A_1149 : vector<16xi32>
        %mul3A_1151 = arith.mulf %sub3A_1139, %sub3A_1139 : vector<16xf32>
        %jit3A_1152 = arith.constant 0.000000e+00 : f32
        %broadcast_in_dim3A_1153 = vector.broadcast %jit3A_1152 : f32 to vector<16xf32>
        %select_n3A_1154 = arith.select %ge3A_1150, %mul3A_1151, %broadcast_in_dim3A_1153 : vector<16xi1>, vector<16xf32>
        %add3A_1155 = arith.addf %add3A_1031, %select_n3A_1145 : vector<16xf32>
        %add3A_1156 = arith.addf %add3A_1032, %select_n3A_1154 : vector<16xf32>
        %swap3A_1157 = arith.constant 0 : i32
        %swap3A_1158 = arith.index_cast %swap3A_1157 : i32 to index
        %swap3A_1159 = arith.constant 0 : index
        %swap3A_1160 = tpu.vector_load %arg11[%swap3A_1158, %swap3A_1159] {strides = array<i32>} : memref<4x16xf32, #tpu.memory_space<vmem>>, vector<1x16xf32>,
        %swap3A_1161 = vector.shape_cast %swap3A_1160 : vector<1x16xf32> to vector<16xf32>
        %swap3A_1162 = vector.shape_cast %add3A_1093 : vector<16xf32> to vector<1x16xf32>
        tpu.vector_store %arg11[%swap3A_1158, %swap3A_1159], %swap3A_1162 {strides = array<i32>} : memref<4x16xf32, #tpu.memory_space<vmem>>, vector<1x16xf32>,
        %swap3A_1163 = arith.constant 1 : i32
        %swap3A_1164 = arith.index_cast %swap3A_1163 : i32 to index
        %swap3A_1165 = arith.constant 0 : index
        %swap3A_1166 = tpu.vector_load %arg11[%swap3A_1164, %swap3A_1165] {strides = array<i32>} : memref<4x16xf32, #tpu.memory_space<vmem>>, vector<1x16xf32>,
        %swap3A_1167 = vector.shape_cast %swap3A_1166 : vector<1x16xf32> to vector<16xf32>
        %swap3A_1168 = vector.shape_cast %add3A_1094 : vector<16xf32> to vector<1x16xf32>
        tpu.vector_store %arg11[%swap3A_1164, %swap3A_1165], %swap3A_1168 {strides = array<i32>} : memref<4x16xf32, #tpu.memory_space<vmem>>, vector<1x16xf32>,
        %swap3A_1169 = arith.constant 2 : i32
        %swap3A_1170 = arith.index_cast %swap3A_1169 : i32 to index
        %swap3A_1171 = arith.constant 0 : index
        %swap3A_1172 = tpu.vector_load %arg11[%swap3A_1170, %swap3A_1171] {strides = array<i32>} : memref<4x16xf32, #tpu.memory_space<vmem>>, vector<1x16xf32>,
        %swap3A_1173 = vector.shape_cast %swap3A_1172 : vector<1x16xf32> to vector<16xf32>
        %swap3A_1174 = vector.shape_cast %add3A_1155 : vector<16xf32> to vector<1x16xf32>
        tpu.vector_store %arg11[%swap3A_1170, %swap3A_1171], %swap3A_1174 {strides = array<i32>} : memref<4x16xf32, #tpu.memory_space<vmem>>, vector<1x16xf32>,
        %swap3A_1175 = arith.constant 3 : i32
        %swap3A_1176 = arith.index_cast %swap3A_1175 : i32 to index
        %swap3A_1177 = arith.constant 0 : index
        %swap3A_1178 = tpu.vector_load %arg11[%swap3A_1176, %swap3A_1177] {strides = array<i32>} : memref<4x16xf32, #tpu.memory_space<vmem>>, vector<1x16xf32>,
        %swap3A_1179 = vector.shape_cast %swap3A_1178 : vector<1x16xf32> to vector<16xf32>
        %swap3A_1180 = vector.shape_cast %add3A_1156 : vector<16xf32> to vector<1x16xf32>
        tpu.vector_store %arg11[%swap3A_1176, %swap3A_1177], %swap3A_1180 {strides = array<i32>} : memref<4x16xf32, #tpu.memory_space<vmem>>, vector<1x16xf32>,
      } else {
      }
    }
    %scan3A_85 = arith.constant 8 : i32
    %dma_wait3A_86 = arith.constant 384 : i32
    %dma_wait3A_87 = tpu.memref_slice %arg6[%dma_wait3A_86] : memref<512xi32, #tpu.memory_space<vmem>> -> memref<128xi32, #tpu.memory_space<vmem>>
    %dma_wait3A_88 = arith.constant 0 : i32
    %dma_wait3A_89 = arith.constant 0 : i32
    %dma_wait3A_90 = tpu.memref_slice %arg2[%dma_wait3A_88, %dma_wait3A_89] : memref<2048x128xf32, #tpu.memory_space<hbm>> -> memref<2048x128xf32, #tpu.memory_space<hbm>>
    tpu.wait_indirect_dma semaphore(%arg13 : memref<!tpu.dma_semaphore, #tpu.memory_space<semaphore_mem>>) src(%dma_wait3A_90 : memref<2048x128xf32, #tpu.memory_space<hbm>>) dst(%arg9 : memref<128x128xf32, #tpu.memory_space<vmem>>)
    %scan3A_91 = arith.constant 0 : i32
    %scan3A_92 = arith.constant 0 : i32
    %scan3A_93 = arith.constant 8 : i32
    %scan3A_94 = arith.addi %scan3A_92, %scan3A_93 : i32
    %scan3A_95 = arith.constant 1 : i32
    scf.for %scan3A_123 = %scan3A_92 to %scan3A_94 step %scan3A_95  : i32 {
      %add3A_124 = arith.constant 24 : i32
      %add3A_125 = arith.addi %add3A_124, %scan3A_123 : i32
      %mul3A_126 = arith.constant 4 : i32
      %mul3A_127 = arith.muli %add3A, %mul3A_126 : i32
      %shift_right_logical3A = arith.constant 3 : i32
      %shift_right_logical3A_128 = arith.shrui %add3A_125, %shift_right_logical3A : i32
      %add3A_129 = arith.addi %mul3A_127, %shift_right_logical3A_128 : i32
      %and3A = arith.constant 7 : i32
      %and3A_130 = arith.andi %add3A_125, %and3A : i32
      %mul3A_131 = arith.constant 16 : i32
      %mul3A_132 = arith.muli %and3A_130, %mul3A_131 : i32
      %add3A_133 = arith.constant 15 : i32
      %add3A_134 = arith.addi %mul3A_132, %add3A_133 : i32
      %gt3A = arith.cmpi sgt, %add3A_134, %add3A_129 : i32
      %convert_element_type3A = arith.extui %gt3A : i1 to i32
      %cond3A = arith.constant 0 : i32
      %cond3A_135 = arith.cmpi ne, %convert_element_type3A, %cond3A : i32
      scf.if %cond3A_135 {
        %get3A_136 = arith.constant 0 : i32
        %get3A_137 = arith.index_cast %get3A_136 : i32 to index
        %get3A_138 = arith.constant 0 : index
        %get3A_139 = tpu.vector_load %arg11[%get3A_137, %get3A_138] {strides = array<i32>} : memref<4x16xf32, #tpu.memory_space<vmem>>, vector<1x16xf32>,
        %get3A_140 = vector.shape_cast %get3A_139 : vector<1x16xf32> to vector<16xf32>
        %get3A_141 = arith.constant 1 : i32
        %get3A_142 = arith.index_cast %get3A_141 : i32 to index
        %get3A_143 = arith.constant 0 : index
        %get3A_144 = tpu.vector_load %arg11[%get3A_142, %get3A_143] {strides = array<i32>} : memref<4x16xf32, #tpu.memory_space<vmem>>, vector<1x16xf32>,
        %get3A_145 = vector.shape_cast %get3A_144 : vector<1x16xf32> to vector<16xf32>
        %get3A_146 = arith.constant 2 : i32
        %get3A_147 = arith.index_cast %get3A_146 : i32 to index
        %get3A_148 = arith.constant 0 : index
        %get3A_149 = tpu.vector_load %arg11[%get3A_147, %get3A_148] {strides = array<i32>} : memref<4x16xf32, #tpu.memory_space<vmem>>, vector<1x16xf32>,
        %get3A_150 = vector.shape_cast %get3A_149 : vector<1x16xf32> to vector<16xf32>
        %get3A_151 = arith.constant 3 : i32
        %get3A_152 = arith.index_cast %get3A_151 : i32 to index
        %get3A_153 = arith.constant 0 : index
        %get3A_154 = tpu.vector_load %arg11[%get3A_152, %get3A_153] {strides = array<i32>} : memref<4x16xf32, #tpu.memory_space<vmem>>, vector<1x16xf32>,
        %get3A_155 = vector.shape_cast %get3A_154 : vector<1x16xf32> to vector<16xf32>
        %mul3A_156 = arith.constant 16 : i32
        %mul3A_157 = arith.muli %scan3A_123, %mul3A_156 : i32
        %add3A_158 = arith.constant 384 : i32
        %add3A_159 = arith.addi %add3A_158, %mul3A_157 : i32
        %get3A_160 = arith.index_cast %add3A_159 : i32 to index
        %get3A_161 = tpu.vector_load %arg5[%get3A_160] {strides = array<i32>} : memref<512xi32, #tpu.memory_space<vmem>>, vector<16xi32>,
        %get3A_162 = vector.shape_cast %get3A_161 : vector<16xi32> to vector<16xi32>
        %mul3A_163 = arith.constant 16 : i32
        %mul3A_164 = arith.muli %scan3A_123, %mul3A_163 : i32
        %add3A_165 = arith.constant 384 : i32
        %add3A_166 = arith.addi %add3A_165, %mul3A_164 : i32
        %shift_right_logical3A_167 = arith.constant 7 : i32
        %shift_right_logical3A_168 = arith.shrui %add3A_166, %shift_right_logical3A_167 : i32
        %mul3A_169 = arith.constant 16 : i32
        %mul3A_170 = arith.muli %shift_right_logical3A_168, %mul3A_169 : i32
        %mul3A_171 = arith.constant 16 : i32
        %mul3A_172 = arith.muli %scan3A_123, %mul3A_171 : i32
        %add3A_173 = arith.constant 0 : i32
        %add3A_174 = arith.addi %mul3A_172, %add3A_173 : i32
        %slice3A = vector.extract_strided_slice %get3A_162 {offsets = [0], sizes = [1], strides = [1]} : vector<16xi32> to vector<1xi32>
        %squeeze3A = vector.extract %slice3A[0] : i32 from vector<1xi32>
        %shift_right_logical3A_175 = arith.constant 7 : i32
        %shift_right_logical3A_176 = arith.shrui %squeeze3A, %shift_right_logical3A_175 : i32
        %shift_right_logical3A_177 = arith.constant 5 : i32
        %shift_right_logical3A_178 = arith.shrui %squeeze3A, %shift_right_logical3A_177 : i32
        %and3A_179 = arith.constant 3 : i32
        %and3A_180 = arith.andi %shift_right_logical3A_178, %and3A_179 : i32
        %mul3A_181 = arith.constant 32 : i32
        %mul3A_182 = arith.muli %and3A_180, %mul3A_181 : i32
        %add3A_183 = arith.constant 0 : i32
        %add3A_184 = arith.addi %mul3A_132, %add3A_183 : i32
        %gt3A_185 = arith.cmpi sgt, %add3A_184, %add3A_129 : i32
        %and3A_186 = arith.constant 31 : i32
        %and3A_187 = arith.andi %squeeze3A, %and3A_186 : i32
        %jit3A = arith.constant 64 : i32
        %select_n3A = arith.select %gt3A_185, %and3A_187, %jit3A : i32
        %add3A_188 = arith.addi %mul3A_170, %shift_right_logical3A_176 : i32
        %get3A_189 = arith.index_cast %add3A_188 : i32 to index
        %get3A_190 = arith.index_cast %mul3A_182 : i32 to index
        %get3A_191 = tpu.vector_load %arg7[%get3A_189, %get3A_190] {strides = array<i32>} : memref<64x128xf32, #tpu.memory_space<vmem>>, vector<1x16xf32>,
        %get3A_192 = vector.shape_cast %get3A_191 : vector<1x16xf32> to vector<16xf32>
        %get3A_193 = arith.index_cast %add3A_174 : i32 to index
        %get3A_194 = arith.index_cast %mul3A_182 : i32 to index
        %get3A_195 = tpu.vector_load %arg9[%get3A_193, %get3A_194] {strides = array<i32>} : memref<128x128xf32, #tpu.memory_space<vmem>>, vector<1x16xf32>,
        %get3A_196 = vector.shape_cast %get3A_195 : vector<1x16xf32> to vector<16xf32>
        %add3A_197 = arith.addi %mul3A_170, %shift_right_logical3A_176 : i32
        %add3A_198 = arith.constant 16 : i32
        %add3A_199 = arith.addi %mul3A_182, %add3A_198 : i32
        %get3A_200 = arith.index_cast %add3A_197 : i32 to index
        %get3A_201 = arith.index_cast %add3A_199 : i32 to index
        %get3A_202 = tpu.vector_load %arg7[%get3A_200, %get3A_201] {strides = array<i32>} : memref<64x128xf32, #tpu.memory_space<vmem>>, vector<1x16xf32>,
        %get3A_203 = vector.shape_cast %get3A_202 : vector<1x16xf32> to vector<16xf32>
        %add3A_204 = arith.constant 16 : i32
        %add3A_205 = arith.addi %mul3A_182, %add3A_204 : i32
        %get3A_206 = arith.index_cast %add3A_174 : i32 to index
        %get3A_207 = arith.index_cast %add3A_205 : i32 to index
        %get3A_208 = tpu.vector_load %arg9[%get3A_206, %get3A_207] {strides = array<i32>} : memref<128x128xf32, #tpu.memory_space<vmem>>, vector<1x16xf32>,
        %get3A_209 = vector.shape_cast %get3A_208 : vector<1x16xf32> to vector<16xf32>
        %sub3A = arith.subf %get3A_192, %get3A_196 : vector<16xf32>
        %sub3A_210 = arith.subf %get3A_203, %get3A_209 : vector<16xf32>
        %ge3A = vector.broadcast %select_n3A : i32 to vector<16xi32>
        %ge3A_211 = arith.cmpi sge, %iota3A, %ge3A : vector<16xi32>
        %mul3A_212 = arith.mulf %sub3A, %sub3A : vector<16xf32>
        %jit3A_213 = arith.constant 0.000000e+00 : f32
        %broadcast_in_dim3A_214 = vector.broadcast %jit3A_213 : f32 to vector<16xf32>
        %select_n3A_215 = arith.select %ge3A_211, %mul3A_212, %broadcast_in_dim3A_214 : vector<16xi1>, vector<16xf32>
        %add3A_216 = arith.constant 16 : i32
        %add3A_217 = vector.broadcast %add3A_216 : i32 to vector<16xi32>
        %add3A_218 = arith.addi %iota3A, %add3A_217 : vector<16xi32>
        %ge3A_219 = vector.broadcast %select_n3A : i32 to vector<16xi32>
        %ge3A_220 = arith.cmpi sge, %add3A_218, %ge3A_219 : vector<16xi32>
        %mul3A_221 = arith.mulf %sub3A_210, %sub3A_210 : vector<16xf32>
        %jit3A_222 = arith.constant 0.000000e+00 : f32
        %broadcast_in_dim3A_223 = vector.broadcast %jit3A_222 : f32 to vector<16xf32>
        %select_n3A_224 = arith.select %ge3A_220, %mul3A_221, %broadcast_in_dim3A_223 : vector<16xi1>, vector<16xf32>
        %add3A_225 = arith.addf %get3A_140, %select_n3A_215 : vector<16xf32>
        %add3A_226 = arith.addf %get3A_145, %select_n3A_224 : vector<16xf32>
        %mul3A_227 = arith.constant 16 : i32
        %mul3A_228 = arith.muli %scan3A_123, %mul3A_227 : i32
        %add3A_229 = arith.constant 1 : i32
        %add3A_230 = arith.addi %mul3A_228, %add3A_229 : i32
        %slice3A_231 = vector.extract_strided_slice %get3A_162 {offsets = [1], sizes = [1], strides = [1]} : vector<16xi32> to vector<1xi32>
        %squeeze3A_232 = vector.extract %slice3A_231[0] : i32 from vector<1xi32>
        %shift_right_logical3A_233 = arith.constant 7 : i32
        %shift_right_logical3A_234 = arith.shrui %squeeze3A_232, %shift_right_logical3A_233 : i32
        %shift_right_logical3A_235 = arith.constant 5 : i32
        %shift_right_logical3A_236 = arith.shrui %squeeze3A_232, %shift_right_logical3A_235 : i32
        %and3A_237 = arith.constant 3 : i32
        %and3A_238 = arith.andi %shift_right_logical3A_236, %and3A_237 : i32
        %mul3A_239 = arith.constant 32 : i32
        %mul3A_240 = arith.muli %and3A_238, %mul3A_239 : i32
        %add3A_241 = arith.constant 1 : i32
        %add3A_242 = arith.addi %mul3A_132, %add3A_241 : i32
        %gt3A_243 = arith.cmpi sgt, %add3A_242, %add3A_129 : i32
        %and3A_244 = arith.constant 31 : i32
        %and3A_245 = arith.andi %squeeze3A_232, %and3A_244 : i32
        %jit3A_246 = arith.constant 64 : i32
        %select_n3A_247 = arith.select %gt3A_243, %and3A_245, %jit3A_246 : i32
        %add3A_248 = arith.addi %mul3A_170, %shift_right_logical3A_234 : i32
        %get3A_249 = arith.index_cast %add3A_248 : i32 to index
        %get3A_250 = arith.index_cast %mul3A_240 : i32 to index
        %get3A_251 = tpu.vector_load %arg7[%get3A_249, %get3A_250] {strides = array<i32>} : memref<64x128xf32, #tpu.memory_space<vmem>>, vector<1x16xf32>,
        %get3A_252 = vector.shape_cast %get3A_251 : vector<1x16xf32> to vector<16xf32>
        %get3A_253 = arith.index_cast %add3A_230 : i32 to index
        %get3A_254 = arith.index_cast %mul3A_240 : i32 to index
        %get3A_255 = tpu.vector_load %arg9[%get3A_253, %get3A_254] {strides = array<i32>} : memref<128x128xf32, #tpu.memory_space<vmem>>, vector<1x16xf32>,
        %get3A_256 = vector.shape_cast %get3A_255 : vector<1x16xf32> to vector<16xf32>
        %add3A_257 = arith.addi %mul3A_170, %shift_right_logical3A_234 : i32
        %add3A_258 = arith.constant 16 : i32
        %add3A_259 = arith.addi %mul3A_240, %add3A_258 : i32
        %get3A_260 = arith.index_cast %add3A_257 : i32 to index
        %get3A_261 = arith.index_cast %add3A_259 : i32 to index
        %get3A_262 = tpu.vector_load %arg7[%get3A_260, %get3A_261] {strides = array<i32>} : memref<64x128xf32, #tpu.memory_space<vmem>>, vector<1x16xf32>,
        %get3A_263 = vector.shape_cast %get3A_262 : vector<1x16xf32> to vector<16xf32>
        %add3A_264 = arith.constant 16 : i32
        %add3A_265 = arith.addi %mul3A_240, %add3A_264 : i32
        %get3A_266 = arith.index_cast %add3A_230 : i32 to index
        %get3A_267 = arith.index_cast %add3A_265 : i32 to index
        %get3A_268 = tpu.vector_load %arg9[%get3A_266, %get3A_267] {strides = array<i32>} : memref<128x128xf32, #tpu.memory_space<vmem>>, vector<1x16xf32>,
        %get3A_269 = vector.shape_cast %get3A_268 : vector<1x16xf32> to vector<16xf32>
        %sub3A_270 = arith.subf %get3A_252, %get3A_256 : vector<16xf32>
        %sub3A_271 = arith.subf %get3A_263, %get3A_269 : vector<16xf32>
        %ge3A_272 = vector.broadcast %select_n3A_247 : i32 to vector<16xi32>
        %ge3A_273 = arith.cmpi sge, %iota3A, %ge3A_272 : vector<16xi32>
        %mul3A_274 = arith.mulf %sub3A_270, %sub3A_270 : vector<16xf32>
        %jit3A_275 = arith.constant 0.000000e+00 : f32
        %broadcast_in_dim3A_276 = vector.broadcast %jit3A_275 : f32 to vector<16xf32>
        %select_n3A_277 = arith.select %ge3A_273, %mul3A_274, %broadcast_in_dim3A_276 : vector<16xi1>, vector<16xf32>
        %add3A_278 = arith.constant 16 : i32
        %add3A_279 = vector.broadcast %add3A_278 : i32 to vector<16xi32>
        %add3A_280 = arith.addi %iota3A, %add3A_279 : vector<16xi32>
        %ge3A_281 = vector.broadcast %select_n3A_247 : i32 to vector<16xi32>
        %ge3A_282 = arith.cmpi sge, %add3A_280, %ge3A_281 : vector<16xi32>
        %mul3A_283 = arith.mulf %sub3A_271, %sub3A_271 : vector<16xf32>
        %jit3A_284 = arith.constant 0.000000e+00 : f32
        %broadcast_in_dim3A_285 = vector.broadcast %jit3A_284 : f32 to vector<16xf32>
        %select_n3A_286 = arith.select %ge3A_282, %mul3A_283, %broadcast_in_dim3A_285 : vector<16xi1>, vector<16xf32>
        %add3A_287 = arith.addf %get3A_150, %select_n3A_277 : vector<16xf32>
        %add3A_288 = arith.addf %get3A_155, %select_n3A_286 : vector<16xf32>
        %mul3A_289 = arith.constant 16 : i32
        %mul3A_290 = arith.muli %scan3A_123, %mul3A_289 : i32
        %add3A_291 = arith.constant 2 : i32
        %add3A_292 = arith.addi %mul3A_290, %add3A_291 : i32
        %slice3A_293 = vector.extract_strided_slice %get3A_162 {offsets = [2], sizes = [1], strides = [1]} : vector<16xi32> to vector<1xi32>
        %squeeze3A_294 = vector.extract %slice3A_293[0] : i32 from vector<1xi32>
        %shift_right_logical3A_295 = arith.constant 7 : i32
        %shift_right_logical3A_296 = arith.shrui %squeeze3A_294, %shift_right_logical3A_295 : i32
        %shift_right_logical3A_297 = arith.constant 5 : i32
        %shift_right_logical3A_298 = arith.shrui %squeeze3A_294, %shift_right_logical3A_297 : i32
        %and3A_299 = arith.constant 3 : i32
        %and3A_300 = arith.andi %shift_right_logical3A_298, %and3A_299 : i32
        %mul3A_301 = arith.constant 32 : i32
        %mul3A_302 = arith.muli %and3A_300, %mul3A_301 : i32
        %add3A_303 = arith.constant 2 : i32
        %add3A_304 = arith.addi %mul3A_132, %add3A_303 : i32
        %gt3A_305 = arith.cmpi sgt, %add3A_304, %add3A_129 : i32
        %and3A_306 = arith.constant 31 : i32
        %and3A_307 = arith.andi %squeeze3A_294, %and3A_306 : i32
        %jit3A_308 = arith.constant 64 : i32
        %select_n3A_309 = arith.select %gt3A_305, %and3A_307, %jit3A_308 : i32
        %add3A_310 = arith.addi %mul3A_170, %shift_right_logical3A_296 : i32
        %get3A_311 = arith.index_cast %add3A_310 : i32 to index
        %get3A_312 = arith.index_cast %mul3A_302 : i32 to index
        %get3A_313 = tpu.vector_load %arg7[%get3A_311, %get3A_312] {strides = array<i32>} : memref<64x128xf32, #tpu.memory_space<vmem>>, vector<1x16xf32>,
        %get3A_314 = vector.shape_cast %get3A_313 : vector<1x16xf32> to vector<16xf32>
        %get3A_315 = arith.index_cast %add3A_292 : i32 to index
        %get3A_316 = arith.index_cast %mul3A_302 : i32 to index
        %get3A_317 = tpu.vector_load %arg9[%get3A_315, %get3A_316] {strides = array<i32>} : memref<128x128xf32, #tpu.memory_space<vmem>>, vector<1x16xf32>,
        %get3A_318 = vector.shape_cast %get3A_317 : vector<1x16xf32> to vector<16xf32>
        %add3A_319 = arith.addi %mul3A_170, %shift_right_logical3A_296 : i32
        %add3A_320 = arith.constant 16 : i32
        %add3A_321 = arith.addi %mul3A_302, %add3A_320 : i32
        %get3A_322 = arith.index_cast %add3A_319 : i32 to index
        %get3A_323 = arith.index_cast %add3A_321 : i32 to index
        %get3A_324 = tpu.vector_load %arg7[%get3A_322, %get3A_323] {strides = array<i32>} : memref<64x128xf32, #tpu.memory_space<vmem>>, vector<1x16xf32>,
        %get3A_325 = vector.shape_cast %get3A_324 : vector<1x16xf32> to vector<16xf32>
        %add3A_326 = arith.constant 16 : i32
        %add3A_327 = arith.addi %mul3A_302, %add3A_326 : i32
        %get3A_328 = arith.index_cast %add3A_292 : i32 to index
        %get3A_329 = arith.index_cast %add3A_327 : i32 to index
        %get3A_330 = tpu.vector_load %arg9[%get3A_328, %get3A_329] {strides = array<i32>} : memref<128x128xf32, #tpu.memory_space<vmem>>, vector<1x16xf32>,
        %get3A_331 = vector.shape_cast %get3A_330 : vector<1x16xf32> to vector<16xf32>
        %sub3A_332 = arith.subf %get3A_314, %get3A_318 : vector<16xf32>
        %sub3A_333 = arith.subf %get3A_325, %get3A_331 : vector<16xf32>
        %ge3A_334 = vector.broadcast %select_n3A_309 : i32 to vector<16xi32>
        %ge3A_335 = arith.cmpi sge, %iota3A, %ge3A_334 : vector<16xi32>
        %mul3A_336 = arith.mulf %sub3A_332, %sub3A_332 : vector<16xf32>
        %jit3A_337 = arith.constant 0.000000e+00 : f32
        %broadcast_in_dim3A_338 = vector.broadcast %jit3A_337 : f32 to vector<16xf32>
        %select_n3A_339 = arith.select %ge3A_335, %mul3A_336, %broadcast_in_dim3A_338 : vector<16xi1>, vector<16xf32>
        %add3A_340 = arith.constant 16 : i32
        %add3A_341 = vector.broadcast %add3A_340 : i32 to vector<16xi32>
        %add3A_342 = arith.addi %iota3A, %add3A_341 : vector<16xi32>
        %ge3A_343 = vector.broadcast %select_n3A_309 : i32 to vector<16xi32>
        %ge3A_344 = arith.cmpi sge, %add3A_342, %ge3A_343 : vector<16xi32>
        %mul3A_345 = arith.mulf %sub3A_333, %sub3A_333 : vector<16xf32>
        %jit3A_346 = arith.constant 0.000000e+00 : f32
        %broadcast_in_dim3A_347 = vector.broadcast %jit3A_346 : f32 to vector<16xf32>
        %select_n3A_348 = arith.select %ge3A_344, %mul3A_345, %broadcast_in_dim3A_347 : vector<16xi1>, vector<16xf32>
        %add3A_349 = arith.addf %add3A_225, %select_n3A_339 : vector<16xf32>
        %add3A_350 = arith.addf %add3A_226, %select_n3A_348 : vector<16xf32>
        %mul3A_351 = arith.constant 16 : i32
        %mul3A_352 = arith.muli %scan3A_123, %mul3A_351 : i32
        %add3A_353 = arith.constant 3 : i32
        %add3A_354 = arith.addi %mul3A_352, %add3A_353 : i32
        %slice3A_355 = vector.extract_strided_slice %get3A_162 {offsets = [3], sizes = [1], strides = [1]} : vector<16xi32> to vector<1xi32>
        %squeeze3A_356 = vector.extract %slice3A_355[0] : i32 from vector<1xi32>
        %shift_right_logical3A_357 = arith.constant 7 : i32
        %shift_right_logical3A_358 = arith.shrui %squeeze3A_356, %shift_right_logical3A_357 : i32
        %shift_right_logical3A_359 = arith.constant 5 : i32
        %shift_right_logical3A_360 = arith.shrui %squeeze3A_356, %shift_right_logical3A_359 : i32
        %and3A_361 = arith.constant 3 : i32
        %and3A_362 = arith.andi %shift_right_logical3A_360, %and3A_361 : i32
        %mul3A_363 = arith.constant 32 : i32
        %mul3A_364 = arith.muli %and3A_362, %mul3A_363 : i32
        %add3A_365 = arith.constant 3 : i32
        %add3A_366 = arith.addi %mul3A_132, %add3A_365 : i32
        %gt3A_367 = arith.cmpi sgt, %add3A_366, %add3A_129 : i32
        %and3A_368 = arith.constant 31 : i32
        %and3A_369 = arith.andi %squeeze3A_356, %and3A_368 : i32
        %jit3A_370 = arith.constant 64 : i32
        %select_n3A_371 = arith.select %gt3A_367, %and3A_369, %jit3A_370 : i32
        %add3A_372 = arith.addi %mul3A_170, %shift_right_logical3A_358 : i32
        %get3A_373 = arith.index_cast %add3A_372 : i32 to index
        %get3A_374 = arith.index_cast %mul3A_364 : i32 to index
        %get3A_375 = tpu.vector_load %arg7[%get3A_373, %get3A_374] {strides = array<i32>} : memref<64x128xf32, #tpu.memory_space<vmem>>, vector<1x16xf32>,
        %get3A_376 = vector.shape_cast %get3A_375 : vector<1x16xf32> to vector<16xf32>
        %get3A_377 = arith.index_cast %add3A_354 : i32 to index
        %get3A_378 = arith.index_cast %mul3A_364 : i32 to index
        %get3A_379 = tpu.vector_load %arg9[%get3A_377, %get3A_378] {strides = array<i32>} : memref<128x128xf32, #tpu.memory_space<vmem>>, vector<1x16xf32>,
        %get3A_380 = vector.shape_cast %get3A_379 : vector<1x16xf32> to vector<16xf32>
        %add3A_381 = arith.addi %mul3A_170, %shift_right_logical3A_358 : i32
        %add3A_382 = arith.constant 16 : i32
        %add3A_383 = arith.addi %mul3A_364, %add3A_382 : i32
        %get3A_384 = arith.index_cast %add3A_381 : i32 to index
        %get3A_385 = arith.index_cast %add3A_383 : i32 to index
        %get3A_386 = tpu.vector_load %arg7[%get3A_384, %get3A_385] {strides = array<i32>} : memref<64x128xf32, #tpu.memory_space<vmem>>, vector<1x16xf32>,
        %get3A_387 = vector.shape_cast %get3A_386 : vector<1x16xf32> to vector<16xf32>
        %add3A_388 = arith.constant 16 : i32
        %add3A_389 = arith.addi %mul3A_364, %add3A_388 : i32
        %get3A_390 = arith.index_cast %add3A_354 : i32 to index
        %get3A_391 = arith.index_cast %add3A_389 : i32 to index
        %get3A_392 = tpu.vector_load %arg9[%get3A_390, %get3A_391] {strides = array<i32>} : memref<128x128xf32, #tpu.memory_space<vmem>>, vector<1x16xf32>,
        %get3A_393 = vector.shape_cast %get3A_392 : vector<1x16xf32> to vector<16xf32>
        %sub3A_394 = arith.subf %get3A_376, %get3A_380 : vector<16xf32>
        %sub3A_395 = arith.subf %get3A_387, %get3A_393 : vector<16xf32>
        %ge3A_396 = vector.broadcast %select_n3A_371 : i32 to vector<16xi32>
        %ge3A_397 = arith.cmpi sge, %iota3A, %ge3A_396 : vector<16xi32>
        %mul3A_398 = arith.mulf %sub3A_394, %sub3A_394 : vector<16xf32>
        %jit3A_399 = arith.constant 0.000000e+00 : f32
        %broadcast_in_dim3A_400 = vector.broadcast %jit3A_399 : f32 to vector<16xf32>
        %select_n3A_401 = arith.select %ge3A_397, %mul3A_398, %broadcast_in_dim3A_400 : vector<16xi1>, vector<16xf32>
        %add3A_402 = arith.constant 16 : i32
        %add3A_403 = vector.broadcast %add3A_402 : i32 to vector<16xi32>
        %add3A_404 = arith.addi %iota3A, %add3A_403 : vector<16xi32>
        %ge3A_405 = vector.broadcast %select_n3A_371 : i32 to vector<16xi32>
        %ge3A_406 = arith.cmpi sge, %add3A_404, %ge3A_405 : vector<16xi32>
        %mul3A_407 = arith.mulf %sub3A_395, %sub3A_395 : vector<16xf32>
        %jit3A_408 = arith.constant 0.000000e+00 : f32
        %broadcast_in_dim3A_409 = vector.broadcast %jit3A_408 : f32 to vector<16xf32>
        %select_n3A_410 = arith.select %ge3A_406, %mul3A_407, %broadcast_in_dim3A_409 : vector<16xi1>, vector<16xf32>
        %add3A_411 = arith.addf %add3A_287, %select_n3A_401 : vector<16xf32>
        %add3A_412 = arith.addf %add3A_288, %select_n3A_410 : vector<16xf32>
        %mul3A_413 = arith.constant 16 : i32
        %mul3A_414 = arith.muli %scan3A_123, %mul3A_413 : i32
        %add3A_415 = arith.constant 4 : i32
        %add3A_416 = arith.addi %mul3A_414, %add3A_415 : i32
        %slice3A_417 = vector.extract_strided_slice %get3A_162 {offsets = [4], sizes = [1], strides = [1]} : vector<16xi32> to vector<1xi32>
        %squeeze3A_418 = vector.extract %slice3A_417[0] : i32 from vector<1xi32>
        %shift_right_logical3A_419 = arith.constant 7 : i32
        %shift_right_logical3A_420 = arith.shrui %squeeze3A_418, %shift_right_logical3A_419 : i32
        %shift_right_logical3A_421 = arith.constant 5 : i32
        %shift_right_logical3A_422 = arith.shrui %squeeze3A_418, %shift_right_logical3A_421 : i32
        %and3A_423 = arith.constant 3 : i32
        %and3A_424 = arith.andi %shift_right_logical3A_422, %and3A_423 : i32
        %mul3A_425 = arith.constant 32 : i32
        %mul3A_426 = arith.muli %and3A_424, %mul3A_425 : i32
        %add3A_427 = arith.constant 4 : i32
        %add3A_428 = arith.addi %mul3A_132, %add3A_427 : i32
        %gt3A_429 = arith.cmpi sgt, %add3A_428, %add3A_129 : i32
        %and3A_430 = arith.constant 31 : i32
        %and3A_431 = arith.andi %squeeze3A_418, %and3A_430 : i32
        %jit3A_432 = arith.constant 64 : i32
        %select_n3A_433 = arith.select %gt3A_429, %and3A_431, %jit3A_432 : i32
        %add3A_434 = arith.addi %mul3A_170, %shift_right_logical3A_420 : i32
        %get3A_435 = arith.index_cast %add3A_434 : i32 to index
        %get3A_436 = arith.index_cast %mul3A_426 : i32 to index
        %get3A_437 = tpu.vector_load %arg7[%get3A_435, %get3A_436] {strides = array<i32>} : memref<64x128xf32, #tpu.memory_space<vmem>>, vector<1x16xf32>,
        %get3A_438 = vector.shape_cast %get3A_437 : vector<1x16xf32> to vector<16xf32>
        %get3A_439 = arith.index_cast %add3A_416 : i32 to index
        %get3A_440 = arith.index_cast %mul3A_426 : i32 to index
        %get3A_441 = tpu.vector_load %arg9[%get3A_439, %get3A_440] {strides = array<i32>} : memref<128x128xf32, #tpu.memory_space<vmem>>, vector<1x16xf32>,
        %get3A_442 = vector.shape_cast %get3A_441 : vector<1x16xf32> to vector<16xf32>
        %add3A_443 = arith.addi %mul3A_170, %shift_right_logical3A_420 : i32
        %add3A_444 = arith.constant 16 : i32
        %add3A_445 = arith.addi %mul3A_426, %add3A_444 : i32
        %get3A_446 = arith.index_cast %add3A_443 : i32 to index
        %get3A_447 = arith.index_cast %add3A_445 : i32 to index
        %get3A_448 = tpu.vector_load %arg7[%get3A_446, %get3A_447] {strides = array<i32>} : memref<64x128xf32, #tpu.memory_space<vmem>>, vector<1x16xf32>,
        %get3A_449 = vector.shape_cast %get3A_448 : vector<1x16xf32> to vector<16xf32>
        %add3A_450 = arith.constant 16 : i32
        %add3A_451 = arith.addi %mul3A_426, %add3A_450 : i32
        %get3A_452 = arith.index_cast %add3A_416 : i32 to index
        %get3A_453 = arith.index_cast %add3A_451 : i32 to index
        %get3A_454 = tpu.vector_load %arg9[%get3A_452, %get3A_453] {strides = array<i32>} : memref<128x128xf32, #tpu.memory_space<vmem>>, vector<1x16xf32>,
        %get3A_455 = vector.shape_cast %get3A_454 : vector<1x16xf32> to vector<16xf32>
        %sub3A_456 = arith.subf %get3A_438, %get3A_442 : vector<16xf32>
        %sub3A_457 = arith.subf %get3A_449, %get3A_455 : vector<16xf32>
        %ge3A_458 = vector.broadcast %select_n3A_433 : i32 to vector<16xi32>
        %ge3A_459 = arith.cmpi sge, %iota3A, %ge3A_458 : vector<16xi32>
        %mul3A_460 = arith.mulf %sub3A_456, %sub3A_456 : vector<16xf32>
        %jit3A_461 = arith.constant 0.000000e+00 : f32
        %broadcast_in_dim3A_462 = vector.broadcast %jit3A_461 : f32 to vector<16xf32>
        %select_n3A_463 = arith.select %ge3A_459, %mul3A_460, %broadcast_in_dim3A_462 : vector<16xi1>, vector<16xf32>
        %add3A_464 = arith.constant 16 : i32
        %add3A_465 = vector.broadcast %add3A_464 : i32 to vector<16xi32>
        %add3A_466 = arith.addi %iota3A, %add3A_465 : vector<16xi32>
        %ge3A_467 = vector.broadcast %select_n3A_433 : i32 to vector<16xi32>
        %ge3A_468 = arith.cmpi sge, %add3A_466, %ge3A_467 : vector<16xi32>
        %mul3A_469 = arith.mulf %sub3A_457, %sub3A_457 : vector<16xf32>
        %jit3A_470 = arith.constant 0.000000e+00 : f32
        %broadcast_in_dim3A_471 = vector.broadcast %jit3A_470 : f32 to vector<16xf32>
        %select_n3A_472 = arith.select %ge3A_468, %mul3A_469, %broadcast_in_dim3A_471 : vector<16xi1>, vector<16xf32>
        %add3A_473 = arith.addf %add3A_349, %select_n3A_463 : vector<16xf32>
        %add3A_474 = arith.addf %add3A_350, %select_n3A_472 : vector<16xf32>
        %mul3A_475 = arith.constant 16 : i32
        %mul3A_476 = arith.muli %scan3A_123, %mul3A_475 : i32
        %add3A_477 = arith.constant 5 : i32
        %add3A_478 = arith.addi %mul3A_476, %add3A_477 : i32
        %slice3A_479 = vector.extract_strided_slice %get3A_162 {offsets = [5], sizes = [1], strides = [1]} : vector<16xi32> to vector<1xi32>
        %squeeze3A_480 = vector.extract %slice3A_479[0] : i32 from vector<1xi32>
        %shift_right_logical3A_481 = arith.constant 7 : i32
        %shift_right_logical3A_482 = arith.shrui %squeeze3A_480, %shift_right_logical3A_481 : i32
        %shift_right_logical3A_483 = arith.constant 5 : i32
        %shift_right_logical3A_484 = arith.shrui %squeeze3A_480, %shift_right_logical3A_483 : i32
        %and3A_485 = arith.constant 3 : i32
        %and3A_486 = arith.andi %shift_right_logical3A_484, %and3A_485 : i32
        %mul3A_487 = arith.constant 32 : i32
        %mul3A_488 = arith.muli %and3A_486, %mul3A_487 : i32
        %add3A_489 = arith.constant 5 : i32
        %add3A_490 = arith.addi %mul3A_132, %add3A_489 : i32
        %gt3A_491 = arith.cmpi sgt, %add3A_490, %add3A_129 : i32
        %and3A_492 = arith.constant 31 : i32
        %and3A_493 = arith.andi %squeeze3A_480, %and3A_492 : i32
        %jit3A_494 = arith.constant 64 : i32
        %select_n3A_495 = arith.select %gt3A_491, %and3A_493, %jit3A_494 : i32
        %add3A_496 = arith.addi %mul3A_170, %shift_right_logical3A_482 : i32
        %get3A_497 = arith.index_cast %add3A_496 : i32 to index
        %get3A_498 = arith.index_cast %mul3A_488 : i32 to index
        %get3A_499 = tpu.vector_load %arg7[%get3A_497, %get3A_498] {strides = array<i32>} : memref<64x128xf32, #tpu.memory_space<vmem>>, vector<1x16xf32>,
        %get3A_500 = vector.shape_cast %get3A_499 : vector<1x16xf32> to vector<16xf32>
        %get3A_501 = arith.index_cast %add3A_478 : i32 to index
        %get3A_502 = arith.index_cast %mul3A_488 : i32 to index
        %get3A_503 = tpu.vector_load %arg9[%get3A_501, %get3A_502] {strides = array<i32>} : memref<128x128xf32, #tpu.memory_space<vmem>>, vector<1x16xf32>,
        %get3A_504 = vector.shape_cast %get3A_503 : vector<1x16xf32> to vector<16xf32>
        %add3A_505 = arith.addi %mul3A_170, %shift_right_logical3A_482 : i32
        %add3A_506 = arith.constant 16 : i32
        %add3A_507 = arith.addi %mul3A_488, %add3A_506 : i32
        %get3A_508 = arith.index_cast %add3A_505 : i32 to index
        %get3A_509 = arith.index_cast %add3A_507 : i32 to index
        %get3A_510 = tpu.vector_load %arg7[%get3A_508, %get3A_509] {strides = array<i32>} : memref<64x128xf32, #tpu.memory_space<vmem>>, vector<1x16xf32>,
        %get3A_511 = vector.shape_cast %get3A_510 : vector<1x16xf32> to vector<16xf32>
        %add3A_512 = arith.constant 16 : i32
        %add3A_513 = arith.addi %mul3A_488, %add3A_512 : i32
        %get3A_514 = arith.index_cast %add3A_478 : i32 to index
        %get3A_515 = arith.index_cast %add3A_513 : i32 to index
        %get3A_516 = tpu.vector_load %arg9[%get3A_514, %get3A_515] {strides = array<i32>} : memref<128x128xf32, #tpu.memory_space<vmem>>, vector<1x16xf32>,
        %get3A_517 = vector.shape_cast %get3A_516 : vector<1x16xf32> to vector<16xf32>
        %sub3A_518 = arith.subf %get3A_500, %get3A_504 : vector<16xf32>
        %sub3A_519 = arith.subf %get3A_511, %get3A_517 : vector<16xf32>
        %ge3A_520 = vector.broadcast %select_n3A_495 : i32 to vector<16xi32>
        %ge3A_521 = arith.cmpi sge, %iota3A, %ge3A_520 : vector<16xi32>
        %mul3A_522 = arith.mulf %sub3A_518, %sub3A_518 : vector<16xf32>
        %jit3A_523 = arith.constant 0.000000e+00 : f32
        %broadcast_in_dim3A_524 = vector.broadcast %jit3A_523 : f32 to vector<16xf32>
        %select_n3A_525 = arith.select %ge3A_521, %mul3A_522, %broadcast_in_dim3A_524 : vector<16xi1>, vector<16xf32>
        %add3A_526 = arith.constant 16 : i32
        %add3A_527 = vector.broadcast %add3A_526 : i32 to vector<16xi32>
        %add3A_528 = arith.addi %iota3A, %add3A_527 : vector<16xi32>
        %ge3A_529 = vector.broadcast %select_n3A_495 : i32 to vector<16xi32>
        %ge3A_530 = arith.cmpi sge, %add3A_528, %ge3A_529 : vector<16xi32>
        %mul3A_531 = arith.mulf %sub3A_519, %sub3A_519 : vector<16xf32>
        %jit3A_532 = arith.constant 0.000000e+00 : f32
        %broadcast_in_dim3A_533 = vector.broadcast %jit3A_532 : f32 to vector<16xf32>
        %select_n3A_534 = arith.select %ge3A_530, %mul3A_531, %broadcast_in_dim3A_533 : vector<16xi1>, vector<16xf32>
        %add3A_535 = arith.addf %add3A_411, %select_n3A_525 : vector<16xf32>
        %add3A_536 = arith.addf %add3A_412, %select_n3A_534 : vector<16xf32>
        %mul3A_537 = arith.constant 16 : i32
        %mul3A_538 = arith.muli %scan3A_123, %mul3A_537 : i32
        %add3A_539 = arith.constant 6 : i32
        %add3A_540 = arith.addi %mul3A_538, %add3A_539 : i32
        %slice3A_541 = vector.extract_strided_slice %get3A_162 {offsets = [6], sizes = [1], strides = [1]} : vector<16xi32> to vector<1xi32>
        %squeeze3A_542 = vector.extract %slice3A_541[0] : i32 from vector<1xi32>
        %shift_right_logical3A_543 = arith.constant 7 : i32
        %shift_right_logical3A_544 = arith.shrui %squeeze3A_542, %shift_right_logical3A_543 : i32
        %shift_right_logical3A_545 = arith.constant 5 : i32
        %shift_right_logical3A_546 = arith.shrui %squeeze3A_542, %shift_right_logical3A_545 : i32
        %and3A_547 = arith.constant 3 : i32
        %and3A_548 = arith.andi %shift_right_logical3A_546, %and3A_547 : i32
        %mul3A_549 = arith.constant 32 : i32
        %mul3A_550 = arith.muli %and3A_548, %mul3A_549 : i32
        %add3A_551 = arith.constant 6 : i32
        %add3A_552 = arith.addi %mul3A_132, %add3A_551 : i32
        %gt3A_553 = arith.cmpi sgt, %add3A_552, %add3A_129 : i32
        %and3A_554 = arith.constant 31 : i32
        %and3A_555 = arith.andi %squeeze3A_542, %and3A_554 : i32
        %jit3A_556 = arith.constant 64 : i32
        %select_n3A_557 = arith.select %gt3A_553, %and3A_555, %jit3A_556 : i32
        %add3A_558 = arith.addi %mul3A_170, %shift_right_logical3A_544 : i32
        %get3A_559 = arith.index_cast %add3A_558 : i32 to index
        %get3A_560 = arith.index_cast %mul3A_550 : i32 to index
        %get3A_561 = tpu.vector_load %arg7[%get3A_559, %get3A_560] {strides = array<i32>} : memref<64x128xf32, #tpu.memory_space<vmem>>, vector<1x16xf32>,
        %get3A_562 = vector.shape_cast %get3A_561 : vector<1x16xf32> to vector<16xf32>
        %get3A_563 = arith.index_cast %add3A_540 : i32 to index
        %get3A_564 = arith.index_cast %mul3A_550 : i32 to index
        %get3A_565 = tpu.vector_load %arg9[%get3A_563, %get3A_564] {strides = array<i32>} : memref<128x128xf32, #tpu.memory_space<vmem>>, vector<1x16xf32>,
        %get3A_566 = vector.shape_cast %get3A_565 : vector<1x16xf32> to vector<16xf32>
        %add3A_567 = arith.addi %mul3A_170, %shift_right_logical3A_544 : i32
        %add3A_568 = arith.constant 16 : i32
        %add3A_569 = arith.addi %mul3A_550, %add3A_568 : i32
        %get3A_570 = arith.index_cast %add3A_567 : i32 to index
        %get3A_571 = arith.index_cast %add3A_569 : i32 to index
        %get3A_572 = tpu.vector_load %arg7[%get3A_570, %get3A_571] {strides = array<i32>} : memref<64x128xf32, #tpu.memory_space<vmem>>, vector<1x16xf32>,
        %get3A_573 = vector.shape_cast %get3A_572 : vector<1x16xf32> to vector<16xf32>
        %add3A_574 = arith.constant 16 : i32
        %add3A_575 = arith.addi %mul3A_550, %add3A_574 : i32
        %get3A_576 = arith.index_cast %add3A_540 : i32 to index
        %get3A_577 = arith.index_cast %add3A_575 : i32 to index
        %get3A_578 = tpu.vector_load %arg9[%get3A_576, %get3A_577] {strides = array<i32>} : memref<128x128xf32, #tpu.memory_space<vmem>>, vector<1x16xf32>,
        %get3A_579 = vector.shape_cast %get3A_578 : vector<1x16xf32> to vector<16xf32>
        %sub3A_580 = arith.subf %get3A_562, %get3A_566 : vector<16xf32>
        %sub3A_581 = arith.subf %get3A_573, %get3A_579 : vector<16xf32>
        %ge3A_582 = vector.broadcast %select_n3A_557 : i32 to vector<16xi32>
        %ge3A_583 = arith.cmpi sge, %iota3A, %ge3A_582 : vector<16xi32>
        %mul3A_584 = arith.mulf %sub3A_580, %sub3A_580 : vector<16xf32>
        %jit3A_585 = arith.constant 0.000000e+00 : f32
        %broadcast_in_dim3A_586 = vector.broadcast %jit3A_585 : f32 to vector<16xf32>
        %select_n3A_587 = arith.select %ge3A_583, %mul3A_584, %broadcast_in_dim3A_586 : vector<16xi1>, vector<16xf32>
        %add3A_588 = arith.constant 16 : i32
        %add3A_589 = vector.broadcast %add3A_588 : i32 to vector<16xi32>
        %add3A_590 = arith.addi %iota3A, %add3A_589 : vector<16xi32>
        %ge3A_591 = vector.broadcast %select_n3A_557 : i32 to vector<16xi32>
        %ge3A_592 = arith.cmpi sge, %add3A_590, %ge3A_591 : vector<16xi32>
        %mul3A_593 = arith.mulf %sub3A_581, %sub3A_581 : vector<16xf32>
        %jit3A_594 = arith.constant 0.000000e+00 : f32
        %broadcast_in_dim3A_595 = vector.broadcast %jit3A_594 : f32 to vector<16xf32>
        %select_n3A_596 = arith.select %ge3A_592, %mul3A_593, %broadcast_in_dim3A_595 : vector<16xi1>, vector<16xf32>
        %add3A_597 = arith.addf %add3A_473, %select_n3A_587 : vector<16xf32>
        %add3A_598 = arith.addf %add3A_474, %select_n3A_596 : vector<16xf32>
        %mul3A_599 = arith.constant 16 : i32
        %mul3A_600 = arith.muli %scan3A_123, %mul3A_599 : i32
        %add3A_601 = arith.constant 7 : i32
        %add3A_602 = arith.addi %mul3A_600, %add3A_601 : i32
        %slice3A_603 = vector.extract_strided_slice %get3A_162 {offsets = [7], sizes = [1], strides = [1]} : vector<16xi32> to vector<1xi32>
        %squeeze3A_604 = vector.extract %slice3A_603[0] : i32 from vector<1xi32>
        %shift_right_logical3A_605 = arith.constant 7 : i32
        %shift_right_logical3A_606 = arith.shrui %squeeze3A_604, %shift_right_logical3A_605 : i32
        %shift_right_logical3A_607 = arith.constant 5 : i32
        %shift_right_logical3A_608 = arith.shrui %squeeze3A_604, %shift_right_logical3A_607 : i32
        %and3A_609 = arith.constant 3 : i32
        %and3A_610 = arith.andi %shift_right_logical3A_608, %and3A_609 : i32
        %mul3A_611 = arith.constant 32 : i32
        %mul3A_612 = arith.muli %and3A_610, %mul3A_611 : i32
        %add3A_613 = arith.constant 7 : i32
        %add3A_614 = arith.addi %mul3A_132, %add3A_613 : i32
        %gt3A_615 = arith.cmpi sgt, %add3A_614, %add3A_129 : i32
        %and3A_616 = arith.constant 31 : i32
        %and3A_617 = arith.andi %squeeze3A_604, %and3A_616 : i32
        %jit3A_618 = arith.constant 64 : i32
        %select_n3A_619 = arith.select %gt3A_615, %and3A_617, %jit3A_618 : i32
        %add3A_620 = arith.addi %mul3A_170, %shift_right_logical3A_606 : i32
        %get3A_621 = arith.index_cast %add3A_620 : i32 to index
        %get3A_622 = arith.index_cast %mul3A_612 : i32 to index
        %get3A_623 = tpu.vector_load %arg7[%get3A_621, %get3A_622] {strides = array<i32>} : memref<64x128xf32, #tpu.memory_space<vmem>>, vector<1x16xf32>,
        %get3A_624 = vector.shape_cast %get3A_623 : vector<1x16xf32> to vector<16xf32>
        %get3A_625 = arith.index_cast %add3A_602 : i32 to index
        %get3A_626 = arith.index_cast %mul3A_612 : i32 to index
        %get3A_627 = tpu.vector_load %arg9[%get3A_625, %get3A_626] {strides = array<i32>} : memref<128x128xf32, #tpu.memory_space<vmem>>, vector<1x16xf32>,
        %get3A_628 = vector.shape_cast %get3A_627 : vector<1x16xf32> to vector<16xf32>
        %add3A_629 = arith.addi %mul3A_170, %shift_right_logical3A_606 : i32
        %add3A_630 = arith.constant 16 : i32
        %add3A_631 = arith.addi %mul3A_612, %add3A_630 : i32
        %get3A_632 = arith.index_cast %add3A_629 : i32 to index
        %get3A_633 = arith.index_cast %add3A_631 : i32 to index
        %get3A_634 = tpu.vector_load %arg7[%get3A_632, %get3A_633] {strides = array<i32>} : memref<64x128xf32, #tpu.memory_space<vmem>>, vector<1x16xf32>,
        %get3A_635 = vector.shape_cast %get3A_634 : vector<1x16xf32> to vector<16xf32>
        %add3A_636 = arith.constant 16 : i32
        %add3A_637 = arith.addi %mul3A_612, %add3A_636 : i32
        %get3A_638 = arith.index_cast %add3A_602 : i32 to index
        %get3A_639 = arith.index_cast %add3A_637 : i32 to index
        %get3A_640 = tpu.vector_load %arg9[%get3A_638, %get3A_639] {strides = array<i32>} : memref<128x128xf32, #tpu.memory_space<vmem>>, vector<1x16xf32>,
        %get3A_641 = vector.shape_cast %get3A_640 : vector<1x16xf32> to vector<16xf32>
        %sub3A_642 = arith.subf %get3A_624, %get3A_628 : vector<16xf32>
        %sub3A_643 = arith.subf %get3A_635, %get3A_641 : vector<16xf32>
        %ge3A_644 = vector.broadcast %select_n3A_619 : i32 to vector<16xi32>
        %ge3A_645 = arith.cmpi sge, %iota3A, %ge3A_644 : vector<16xi32>
        %mul3A_646 = arith.mulf %sub3A_642, %sub3A_642 : vector<16xf32>
        %jit3A_647 = arith.constant 0.000000e+00 : f32
        %broadcast_in_dim3A_648 = vector.broadcast %jit3A_647 : f32 to vector<16xf32>
        %select_n3A_649 = arith.select %ge3A_645, %mul3A_646, %broadcast_in_dim3A_648 : vector<16xi1>, vector<16xf32>
        %add3A_650 = arith.constant 16 : i32
        %add3A_651 = vector.broadcast %add3A_650 : i32 to vector<16xi32>
        %add3A_652 = arith.addi %iota3A, %add3A_651 : vector<16xi32>
        %ge3A_653 = vector.broadcast %select_n3A_619 : i32 to vector<16xi32>
        %ge3A_654 = arith.cmpi sge, %add3A_652, %ge3A_653 : vector<16xi32>
        %mul3A_655 = arith.mulf %sub3A_643, %sub3A_643 : vector<16xf32>
        %jit3A_656 = arith.constant 0.000000e+00 : f32
        %broadcast_in_dim3A_657 = vector.broadcast %jit3A_656 : f32 to vector<16xf32>
        %select_n3A_658 = arith.select %ge3A_654, %mul3A_655, %broadcast_in_dim3A_657 : vector<16xi1>, vector<16xf32>
        %add3A_659 = arith.addf %add3A_535, %select_n3A_649 : vector<16xf32>
        %add3A_660 = arith.addf %add3A_536, %select_n3A_658 : vector<16xf32>
        %mul3A_661 = arith.constant 16 : i32
        %mul3A_662 = arith.muli %scan3A_123, %mul3A_661 : i32
        %add3A_663 = arith.constant 8 : i32
        %add3A_664 = arith.addi %mul3A_662, %add3A_663 : i32
        %slice3A_665 = vector.extract_strided_slice %get3A_162 {offsets = [8], sizes = [1], strides = [1]} : vector<16xi32> to vector<1xi32>
        %squeeze3A_666 = vector.extract %slice3A_665[0] : i32 from vector<1xi32>
        %shift_right_logical3A_667 = arith.constant 7 : i32
        %shift_right_logical3A_668 = arith.shrui %squeeze3A_666, %shift_right_logical3A_667 : i32
        %shift_right_logical3A_669 = arith.constant 5 : i32
        %shift_right_logical3A_670 = arith.shrui %squeeze3A_666, %shift_right_logical3A_669 : i32
        %and3A_671 = arith.constant 3 : i32
        %and3A_672 = arith.andi %shift_right_logical3A_670, %and3A_671 : i32
        %mul3A_673 = arith.constant 32 : i32
        %mul3A_674 = arith.muli %and3A_672, %mul3A_673 : i32
        %add3A_675 = arith.constant 8 : i32
        %add3A_676 = arith.addi %mul3A_132, %add3A_675 : i32
        %gt3A_677 = arith.cmpi sgt, %add3A_676, %add3A_129 : i32
        %and3A_678 = arith.constant 31 : i32
        %and3A_679 = arith.andi %squeeze3A_666, %and3A_678 : i32
        %jit3A_680 = arith.constant 64 : i32
        %select_n3A_681 = arith.select %gt3A_677, %and3A_679, %jit3A_680 : i32
        %add3A_682 = arith.addi %mul3A_170, %shift_right_logical3A_668 : i32
        %get3A_683 = arith.index_cast %add3A_682 : i32 to index
        %get3A_684 = arith.index_cast %mul3A_674 : i32 to index
        %get3A_685 = tpu.vector_load %arg7[%get3A_683, %get3A_684] {strides = array<i32>} : memref<64x128xf32, #tpu.memory_space<vmem>>, vector<1x16xf32>,
        %get3A_686 = vector.shape_cast %get3A_685 : vector<1x16xf32> to vector<16xf32>
        %get3A_687 = arith.index_cast %add3A_664 : i32 to index
        %get3A_688 = arith.index_cast %mul3A_674 : i32 to index
        %get3A_689 = tpu.vector_load %arg9[%get3A_687, %get3A_688] {strides = array<i32>} : memref<128x128xf32, #tpu.memory_space<vmem>>, vector<1x16xf32>,
        %get3A_690 = vector.shape_cast %get3A_689 : vector<1x16xf32> to vector<16xf32>
        %add3A_691 = arith.addi %mul3A_170, %shift_right_logical3A_668 : i32
        %add3A_692 = arith.constant 16 : i32
        %add3A_693 = arith.addi %mul3A_674, %add3A_692 : i32
        %get3A_694 = arith.index_cast %add3A_691 : i32 to index
        %get3A_695 = arith.index_cast %add3A_693 : i32 to index
        %get3A_696 = tpu.vector_load %arg7[%get3A_694, %get3A_695] {strides = array<i32>} : memref<64x128xf32, #tpu.memory_space<vmem>>, vector<1x16xf32>,
        %get3A_697 = vector.shape_cast %get3A_696 : vector<1x16xf32> to vector<16xf32>
        %add3A_698 = arith.constant 16 : i32
        %add3A_699 = arith.addi %mul3A_674, %add3A_698 : i32
        %get3A_700 = arith.index_cast %add3A_664 : i32 to index
        %get3A_701 = arith.index_cast %add3A_699 : i32 to index
        %get3A_702 = tpu.vector_load %arg9[%get3A_700, %get3A_701] {strides = array<i32>} : memref<128x128xf32, #tpu.memory_space<vmem>>, vector<1x16xf32>,
        %get3A_703 = vector.shape_cast %get3A_702 : vector<1x16xf32> to vector<16xf32>
        %sub3A_704 = arith.subf %get3A_686, %get3A_690 : vector<16xf32>
        %sub3A_705 = arith.subf %get3A_697, %get3A_703 : vector<16xf32>
        %ge3A_706 = vector.broadcast %select_n3A_681 : i32 to vector<16xi32>
        %ge3A_707 = arith.cmpi sge, %iota3A, %ge3A_706 : vector<16xi32>
        %mul3A_708 = arith.mulf %sub3A_704, %sub3A_704 : vector<16xf32>
        %jit3A_709 = arith.constant 0.000000e+00 : f32
        %broadcast_in_dim3A_710 = vector.broadcast %jit3A_709 : f32 to vector<16xf32>
        %select_n3A_711 = arith.select %ge3A_707, %mul3A_708, %broadcast_in_dim3A_710 : vector<16xi1>, vector<16xf32>
        %add3A_712 = arith.constant 16 : i32
        %add3A_713 = vector.broadcast %add3A_712 : i32 to vector<16xi32>
        %add3A_714 = arith.addi %iota3A, %add3A_713 : vector<16xi32>
        %ge3A_715 = vector.broadcast %select_n3A_681 : i32 to vector<16xi32>
        %ge3A_716 = arith.cmpi sge, %add3A_714, %ge3A_715 : vector<16xi32>
        %mul3A_717 = arith.mulf %sub3A_705, %sub3A_705 : vector<16xf32>
        %jit3A_718 = arith.constant 0.000000e+00 : f32
        %broadcast_in_dim3A_719 = vector.broadcast %jit3A_718 : f32 to vector<16xf32>
        %select_n3A_720 = arith.select %ge3A_716, %mul3A_717, %broadcast_in_dim3A_719 : vector<16xi1>, vector<16xf32>
        %add3A_721 = arith.addf %add3A_597, %select_n3A_711 : vector<16xf32>
        %add3A_722 = arith.addf %add3A_598, %select_n3A_720 : vector<16xf32>
        %mul3A_723 = arith.constant 16 : i32
        %mul3A_724 = arith.muli %scan3A_123, %mul3A_723 : i32
        %add3A_725 = arith.constant 9 : i32
        %add3A_726 = arith.addi %mul3A_724, %add3A_725 : i32
        %slice3A_727 = vector.extract_strided_slice %get3A_162 {offsets = [9], sizes = [1], strides = [1]} : vector<16xi32> to vector<1xi32>
        %squeeze3A_728 = vector.extract %slice3A_727[0] : i32 from vector<1xi32>
        %shift_right_logical3A_729 = arith.constant 7 : i32
        %shift_right_logical3A_730 = arith.shrui %squeeze3A_728, %shift_right_logical3A_729 : i32
        %shift_right_logical3A_731 = arith.constant 5 : i32
        %shift_right_logical3A_732 = arith.shrui %squeeze3A_728, %shift_right_logical3A_731 : i32
        %and3A_733 = arith.constant 3 : i32
        %and3A_734 = arith.andi %shift_right_logical3A_732, %and3A_733 : i32
        %mul3A_735 = arith.constant 32 : i32
        %mul3A_736 = arith.muli %and3A_734, %mul3A_735 : i32
        %add3A_737 = arith.constant 9 : i32
        %add3A_738 = arith.addi %mul3A_132, %add3A_737 : i32
        %gt3A_739 = arith.cmpi sgt, %add3A_738, %add3A_129 : i32
        %and3A_740 = arith.constant 31 : i32
        %and3A_741 = arith.andi %squeeze3A_728, %and3A_740 : i32
        %jit3A_742 = arith.constant 64 : i32
        %select_n3A_743 = arith.select %gt3A_739, %and3A_741, %jit3A_742 : i32
        %add3A_744 = arith.addi %mul3A_170, %shift_right_logical3A_730 : i32
        %get3A_745 = arith.index_cast %add3A_744 : i32 to index
        %get3A_746 = arith.index_cast %mul3A_736 : i32 to index
        %get3A_747 = tpu.vector_load %arg7[%get3A_745, %get3A_746] {strides = array<i32>} : memref<64x128xf32, #tpu.memory_space<vmem>>, vector<1x16xf32>,
        %get3A_748 = vector.shape_cast %get3A_747 : vector<1x16xf32> to vector<16xf32>
        %get3A_749 = arith.index_cast %add3A_726 : i32 to index
        %get3A_750 = arith.index_cast %mul3A_736 : i32 to index
        %get3A_751 = tpu.vector_load %arg9[%get3A_749, %get3A_750] {strides = array<i32>} : memref<128x128xf32, #tpu.memory_space<vmem>>, vector<1x16xf32>,
        %get3A_752 = vector.shape_cast %get3A_751 : vector<1x16xf32> to vector<16xf32>
        %add3A_753 = arith.addi %mul3A_170, %shift_right_logical3A_730 : i32
        %add3A_754 = arith.constant 16 : i32
        %add3A_755 = arith.addi %mul3A_736, %add3A_754 : i32
        %get3A_756 = arith.index_cast %add3A_753 : i32 to index
        %get3A_757 = arith.index_cast %add3A_755 : i32 to index
        %get3A_758 = tpu.vector_load %arg7[%get3A_756, %get3A_757] {strides = array<i32>} : memref<64x128xf32, #tpu.memory_space<vmem>>, vector<1x16xf32>,
        %get3A_759 = vector.shape_cast %get3A_758 : vector<1x16xf32> to vector<16xf32>
        %add3A_760 = arith.constant 16 : i32
        %add3A_761 = arith.addi %mul3A_736, %add3A_760 : i32
        %get3A_762 = arith.index_cast %add3A_726 : i32 to index
        %get3A_763 = arith.index_cast %add3A_761 : i32 to index
        %get3A_764 = tpu.vector_load %arg9[%get3A_762, %get3A_763] {strides = array<i32>} : memref<128x128xf32, #tpu.memory_space<vmem>>, vector<1x16xf32>,
        %get3A_765 = vector.shape_cast %get3A_764 : vector<1x16xf32> to vector<16xf32>
        %sub3A_766 = arith.subf %get3A_748, %get3A_752 : vector<16xf32>
        %sub3A_767 = arith.subf %get3A_759, %get3A_765 : vector<16xf32>
        %ge3A_768 = vector.broadcast %select_n3A_743 : i32 to vector<16xi32>
        %ge3A_769 = arith.cmpi sge, %iota3A, %ge3A_768 : vector<16xi32>
        %mul3A_770 = arith.mulf %sub3A_766, %sub3A_766 : vector<16xf32>
        %jit3A_771 = arith.constant 0.000000e+00 : f32
        %broadcast_in_dim3A_772 = vector.broadcast %jit3A_771 : f32 to vector<16xf32>
        %select_n3A_773 = arith.select %ge3A_769, %mul3A_770, %broadcast_in_dim3A_772 : vector<16xi1>, vector<16xf32>
        %add3A_774 = arith.constant 16 : i32
        %add3A_775 = vector.broadcast %add3A_774 : i32 to vector<16xi32>
        %add3A_776 = arith.addi %iota3A, %add3A_775 : vector<16xi32>
        %ge3A_777 = vector.broadcast %select_n3A_743 : i32 to vector<16xi32>
        %ge3A_778 = arith.cmpi sge, %add3A_776, %ge3A_777 : vector<16xi32>
        %mul3A_779 = arith.mulf %sub3A_767, %sub3A_767 : vector<16xf32>
        %jit3A_780 = arith.constant 0.000000e+00 : f32
        %broadcast_in_dim3A_781 = vector.broadcast %jit3A_780 : f32 to vector<16xf32>
        %select_n3A_782 = arith.select %ge3A_778, %mul3A_779, %broadcast_in_dim3A_781 : vector<16xi1>, vector<16xf32>
        %add3A_783 = arith.addf %add3A_659, %select_n3A_773 : vector<16xf32>
        %add3A_784 = arith.addf %add3A_660, %select_n3A_782 : vector<16xf32>
        %mul3A_785 = arith.constant 16 : i32
        %mul3A_786 = arith.muli %scan3A_123, %mul3A_785 : i32
        %add3A_787 = arith.constant 10 : i32
        %add3A_788 = arith.addi %mul3A_786, %add3A_787 : i32
        %slice3A_789 = vector.extract_strided_slice %get3A_162 {offsets = [10], sizes = [1], strides = [1]} : vector<16xi32> to vector<1xi32>
        %squeeze3A_790 = vector.extract %slice3A_789[0] : i32 from vector<1xi32>
        %shift_right_logical3A_791 = arith.constant 7 : i32
        %shift_right_logical3A_792 = arith.shrui %squeeze3A_790, %shift_right_logical3A_791 : i32
        %shift_right_logical3A_793 = arith.constant 5 : i32
        %shift_right_logical3A_794 = arith.shrui %squeeze3A_790, %shift_right_logical3A_793 : i32
        %and3A_795 = arith.constant 3 : i32
        %and3A_796 = arith.andi %shift_right_logical3A_794, %and3A_795 : i32
        %mul3A_797 = arith.constant 32 : i32
        %mul3A_798 = arith.muli %and3A_796, %mul3A_797 : i32
        %add3A_799 = arith.constant 10 : i32
        %add3A_800 = arith.addi %mul3A_132, %add3A_799 : i32
        %gt3A_801 = arith.cmpi sgt, %add3A_800, %add3A_129 : i32
        %and3A_802 = arith.constant 31 : i32
        %and3A_803 = arith.andi %squeeze3A_790, %and3A_802 : i32
        %jit3A_804 = arith.constant 64 : i32
        %select_n3A_805 = arith.select %gt3A_801, %and3A_803, %jit3A_804 : i32
        %add3A_806 = arith.addi %mul3A_170, %shift_right_logical3A_792 : i32
        %get3A_807 = arith.index_cast %add3A_806 : i32 to index
        %get3A_808 = arith.index_cast %mul3A_798 : i32 to index
        %get3A_809 = tpu.vector_load %arg7[%get3A_807, %get3A_808] {strides = array<i32>} : memref<64x128xf32, #tpu.memory_space<vmem>>, vector<1x16xf32>,
        %get3A_810 = vector.shape_cast %get3A_809 : vector<1x16xf32> to vector<16xf32>
        %get3A_811 = arith.index_cast %add3A_788 : i32 to index
        %get3A_812 = arith.index_cast %mul3A_798 : i32 to index
        %get3A_813 = tpu.vector_load %arg9[%get3A_811, %get3A_812] {strides = array<i32>} : memref<128x128xf32, #tpu.memory_space<vmem>>, vector<1x16xf32>,
        %get3A_814 = vector.shape_cast %get3A_813 : vector<1x16xf32> to vector<16xf32>
        %add3A_815 = arith.addi %mul3A_170, %shift_right_logical3A_792 : i32
        %add3A_816 = arith.constant 16 : i32
        %add3A_817 = arith.addi %mul3A_798, %add3A_816 : i32
        %get3A_818 = arith.index_cast %add3A_815 : i32 to index
        %get3A_819 = arith.index_cast %add3A_817 : i32 to index
        %get3A_820 = tpu.vector_load %arg7[%get3A_818, %get3A_819] {strides = array<i32>} : memref<64x128xf32, #tpu.memory_space<vmem>>, vector<1x16xf32>,
        %get3A_821 = vector.shape_cast %get3A_820 : vector<1x16xf32> to vector<16xf32>
        %add3A_822 = arith.constant 16 : i32
        %add3A_823 = arith.addi %mul3A_798, %add3A_822 : i32
        %get3A_824 = arith.index_cast %add3A_788 : i32 to index
        %get3A_825 = arith.index_cast %add3A_823 : i32 to index
        %get3A_826 = tpu.vector_load %arg9[%get3A_824, %get3A_825] {strides = array<i32>} : memref<128x128xf32, #tpu.memory_space<vmem>>, vector<1x16xf32>,
        %get3A_827 = vector.shape_cast %get3A_826 : vector<1x16xf32> to vector<16xf32>
        %sub3A_828 = arith.subf %get3A_810, %get3A_814 : vector<16xf32>
        %sub3A_829 = arith.subf %get3A_821, %get3A_827 : vector<16xf32>
        %ge3A_830 = vector.broadcast %select_n3A_805 : i32 to vector<16xi32>
        %ge3A_831 = arith.cmpi sge, %iota3A, %ge3A_830 : vector<16xi32>
        %mul3A_832 = arith.mulf %sub3A_828, %sub3A_828 : vector<16xf32>
        %jit3A_833 = arith.constant 0.000000e+00 : f32
        %broadcast_in_dim3A_834 = vector.broadcast %jit3A_833 : f32 to vector<16xf32>
        %select_n3A_835 = arith.select %ge3A_831, %mul3A_832, %broadcast_in_dim3A_834 : vector<16xi1>, vector<16xf32>
        %add3A_836 = arith.constant 16 : i32
        %add3A_837 = vector.broadcast %add3A_836 : i32 to vector<16xi32>
        %add3A_838 = arith.addi %iota3A, %add3A_837 : vector<16xi32>
        %ge3A_839 = vector.broadcast %select_n3A_805 : i32 to vector<16xi32>
        %ge3A_840 = arith.cmpi sge, %add3A_838, %ge3A_839 : vector<16xi32>
        %mul3A_841 = arith.mulf %sub3A_829, %sub3A_829 : vector<16xf32>
        %jit3A_842 = arith.constant 0.000000e+00 : f32
        %broadcast_in_dim3A_843 = vector.broadcast %jit3A_842 : f32 to vector<16xf32>
        %select_n3A_844 = arith.select %ge3A_840, %mul3A_841, %broadcast_in_dim3A_843 : vector<16xi1>, vector<16xf32>
        %add3A_845 = arith.addf %add3A_721, %select_n3A_835 : vector<16xf32>
        %add3A_846 = arith.addf %add3A_722, %select_n3A_844 : vector<16xf32>
        %mul3A_847 = arith.constant 16 : i32
        %mul3A_848 = arith.muli %scan3A_123, %mul3A_847 : i32
        %add3A_849 = arith.constant 11 : i32
        %add3A_850 = arith.addi %mul3A_848, %add3A_849 : i32
        %slice3A_851 = vector.extract_strided_slice %get3A_162 {offsets = [11], sizes = [1], strides = [1]} : vector<16xi32> to vector<1xi32>
        %squeeze3A_852 = vector.extract %slice3A_851[0] : i32 from vector<1xi32>
        %shift_right_logical3A_853 = arith.constant 7 : i32
        %shift_right_logical3A_854 = arith.shrui %squeeze3A_852, %shift_right_logical3A_853 : i32
        %shift_right_logical3A_855 = arith.constant 5 : i32
        %shift_right_logical3A_856 = arith.shrui %squeeze3A_852, %shift_right_logical3A_855 : i32
        %and3A_857 = arith.constant 3 : i32
        %and3A_858 = arith.andi %shift_right_logical3A_856, %and3A_857 : i32
        %mul3A_859 = arith.constant 32 : i32
        %mul3A_860 = arith.muli %and3A_858, %mul3A_859 : i32
        %add3A_861 = arith.constant 11 : i32
        %add3A_862 = arith.addi %mul3A_132, %add3A_861 : i32
        %gt3A_863 = arith.cmpi sgt, %add3A_862, %add3A_129 : i32
        %and3A_864 = arith.constant 31 : i32
        %and3A_865 = arith.andi %squeeze3A_852, %and3A_864 : i32
        %jit3A_866 = arith.constant 64 : i32
        %select_n3A_867 = arith.select %gt3A_863, %and3A_865, %jit3A_866 : i32
        %add3A_868 = arith.addi %mul3A_170, %shift_right_logical3A_854 : i32
        %get3A_869 = arith.index_cast %add3A_868 : i32 to index
        %get3A_870 = arith.index_cast %mul3A_860 : i32 to index
        %get3A_871 = tpu.vector_load %arg7[%get3A_869, %get3A_870] {strides = array<i32>} : memref<64x128xf32, #tpu.memory_space<vmem>>, vector<1x16xf32>,
        %get3A_872 = vector.shape_cast %get3A_871 : vector<1x16xf32> to vector<16xf32>
        %get3A_873 = arith.index_cast %add3A_850 : i32 to index
        %get3A_874 = arith.index_cast %mul3A_860 : i32 to index
        %get3A_875 = tpu.vector_load %arg9[%get3A_873, %get3A_874] {strides = array<i32>} : memref<128x128xf32, #tpu.memory_space<vmem>>, vector<1x16xf32>,
        %get3A_876 = vector.shape_cast %get3A_875 : vector<1x16xf32> to vector<16xf32>
        %add3A_877 = arith.addi %mul3A_170, %shift_right_logical3A_854 : i32
        %add3A_878 = arith.constant 16 : i32
        %add3A_879 = arith.addi %mul3A_860, %add3A_878 : i32
        %get3A_880 = arith.index_cast %add3A_877 : i32 to index
        %get3A_881 = arith.index_cast %add3A_879 : i32 to index
        %get3A_882 = tpu.vector_load %arg7[%get3A_880, %get3A_881] {strides = array<i32>} : memref<64x128xf32, #tpu.memory_space<vmem>>, vector<1x16xf32>,
        %get3A_883 = vector.shape_cast %get3A_882 : vector<1x16xf32> to vector<16xf32>
        %add3A_884 = arith.constant 16 : i32
        %add3A_885 = arith.addi %mul3A_860, %add3A_884 : i32
        %get3A_886 = arith.index_cast %add3A_850 : i32 to index
        %get3A_887 = arith.index_cast %add3A_885 : i32 to index
        %get3A_888 = tpu.vector_load %arg9[%get3A_886, %get3A_887] {strides = array<i32>} : memref<128x128xf32, #tpu.memory_space<vmem>>, vector<1x16xf32>,
        %get3A_889 = vector.shape_cast %get3A_888 : vector<1x16xf32> to vector<16xf32>
        %sub3A_890 = arith.subf %get3A_872, %get3A_876 : vector<16xf32>
        %sub3A_891 = arith.subf %get3A_883, %get3A_889 : vector<16xf32>
        %ge3A_892 = vector.broadcast %select_n3A_867 : i32 to vector<16xi32>
        %ge3A_893 = arith.cmpi sge, %iota3A, %ge3A_892 : vector<16xi32>
        %mul3A_894 = arith.mulf %sub3A_890, %sub3A_890 : vector<16xf32>
        %jit3A_895 = arith.constant 0.000000e+00 : f32
        %broadcast_in_dim3A_896 = vector.broadcast %jit3A_895 : f32 to vector<16xf32>
        %select_n3A_897 = arith.select %ge3A_893, %mul3A_894, %broadcast_in_dim3A_896 : vector<16xi1>, vector<16xf32>
        %add3A_898 = arith.constant 16 : i32
        %add3A_899 = vector.broadcast %add3A_898 : i32 to vector<16xi32>
        %add3A_900 = arith.addi %iota3A, %add3A_899 : vector<16xi32>
        %ge3A_901 = vector.broadcast %select_n3A_867 : i32 to vector<16xi32>
        %ge3A_902 = arith.cmpi sge, %add3A_900, %ge3A_901 : vector<16xi32>
        %mul3A_903 = arith.mulf %sub3A_891, %sub3A_891 : vector<16xf32>
        %jit3A_904 = arith.constant 0.000000e+00 : f32
        %broadcast_in_dim3A_905 = vector.broadcast %jit3A_904 : f32 to vector<16xf32>
        %select_n3A_906 = arith.select %ge3A_902, %mul3A_903, %broadcast_in_dim3A_905 : vector<16xi1>, vector<16xf32>
        %add3A_907 = arith.addf %add3A_783, %select_n3A_897 : vector<16xf32>
        %add3A_908 = arith.addf %add3A_784, %select_n3A_906 : vector<16xf32>
        %mul3A_909 = arith.constant 16 : i32
        %mul3A_910 = arith.muli %scan3A_123, %mul3A_909 : i32
        %add3A_911 = arith.constant 12 : i32
        %add3A_912 = arith.addi %mul3A_910, %add3A_911 : i32
        %slice3A_913 = vector.extract_strided_slice %get3A_162 {offsets = [12], sizes = [1], strides = [1]} : vector<16xi32> to vector<1xi32>
        %squeeze3A_914 = vector.extract %slice3A_913[0] : i32 from vector<1xi32>
        %shift_right_logical3A_915 = arith.constant 7 : i32
        %shift_right_logical3A_916 = arith.shrui %squeeze3A_914, %shift_right_logical3A_915 : i32
        %shift_right_logical3A_917 = arith.constant 5 : i32
        %shift_right_logical3A_918 = arith.shrui %squeeze3A_914, %shift_right_logical3A_917 : i32
        %and3A_919 = arith.constant 3 : i32
        %and3A_920 = arith.andi %shift_right_logical3A_918, %and3A_919 : i32
        %mul3A_921 = arith.constant 32 : i32
        %mul3A_922 = arith.muli %and3A_920, %mul3A_921 : i32
        %add3A_923 = arith.constant 12 : i32
        %add3A_924 = arith.addi %mul3A_132, %add3A_923 : i32
        %gt3A_925 = arith.cmpi sgt, %add3A_924, %add3A_129 : i32
        %and3A_926 = arith.constant 31 : i32
        %and3A_927 = arith.andi %squeeze3A_914, %and3A_926 : i32
        %jit3A_928 = arith.constant 64 : i32
        %select_n3A_929 = arith.select %gt3A_925, %and3A_927, %jit3A_928 : i32
        %add3A_930 = arith.addi %mul3A_170, %shift_right_logical3A_916 : i32
        %get3A_931 = arith.index_cast %add3A_930 : i32 to index
        %get3A_932 = arith.index_cast %mul3A_922 : i32 to index
        %get3A_933 = tpu.vector_load %arg7[%get3A_931, %get3A_932] {strides = array<i32>} : memref<64x128xf32, #tpu.memory_space<vmem>>, vector<1x16xf32>,
        %get3A_934 = vector.shape_cast %get3A_933 : vector<1x16xf32> to vector<16xf32>
        %get3A_935 = arith.index_cast %add3A_912 : i32 to index
        %get3A_936 = arith.index_cast %mul3A_922 : i32 to index
        %get3A_937 = tpu.vector_load %arg9[%get3A_935, %get3A_936] {strides = array<i32>} : memref<128x128xf32, #tpu.memory_space<vmem>>, vector<1x16xf32>,
        %get3A_938 = vector.shape_cast %get3A_937 : vector<1x16xf32> to vector<16xf32>
        %add3A_939 = arith.addi %mul3A_170, %shift_right_logical3A_916 : i32
        %add3A_940 = arith.constant 16 : i32
        %add3A_941 = arith.addi %mul3A_922, %add3A_940 : i32
        %get3A_942 = arith.index_cast %add3A_939 : i32 to index
        %get3A_943 = arith.index_cast %add3A_941 : i32 to index
        %get3A_944 = tpu.vector_load %arg7[%get3A_942, %get3A_943] {strides = array<i32>} : memref<64x128xf32, #tpu.memory_space<vmem>>, vector<1x16xf32>,
        %get3A_945 = vector.shape_cast %get3A_944 : vector<1x16xf32> to vector<16xf32>
        %add3A_946 = arith.constant 16 : i32
        %add3A_947 = arith.addi %mul3A_922, %add3A_946 : i32
        %get3A_948 = arith.index_cast %add3A_912 : i32 to index
        %get3A_949 = arith.index_cast %add3A_947 : i32 to index
        %get3A_950 = tpu.vector_load %arg9[%get3A_948, %get3A_949] {strides = array<i32>} : memref<128x128xf32, #tpu.memory_space<vmem>>, vector<1x16xf32>,
        %get3A_951 = vector.shape_cast %get3A_950 : vector<1x16xf32> to vector<16xf32>
        %sub3A_952 = arith.subf %get3A_934, %get3A_938 : vector<16xf32>
        %sub3A_953 = arith.subf %get3A_945, %get3A_951 : vector<16xf32>
        %ge3A_954 = vector.broadcast %select_n3A_929 : i32 to vector<16xi32>
        %ge3A_955 = arith.cmpi sge, %iota3A, %ge3A_954 : vector<16xi32>
        %mul3A_956 = arith.mulf %sub3A_952, %sub3A_952 : vector<16xf32>
        %jit3A_957 = arith.constant 0.000000e+00 : f32
        %broadcast_in_dim3A_958 = vector.broadcast %jit3A_957 : f32 to vector<16xf32>
        %select_n3A_959 = arith.select %ge3A_955, %mul3A_956, %broadcast_in_dim3A_958 : vector<16xi1>, vector<16xf32>
        %add3A_960 = arith.constant 16 : i32
        %add3A_961 = vector.broadcast %add3A_960 : i32 to vector<16xi32>
        %add3A_962 = arith.addi %iota3A, %add3A_961 : vector<16xi32>
        %ge3A_963 = vector.broadcast %select_n3A_929 : i32 to vector<16xi32>
        %ge3A_964 = arith.cmpi sge, %add3A_962, %ge3A_963 : vector<16xi32>
        %mul3A_965 = arith.mulf %sub3A_953, %sub3A_953 : vector<16xf32>
        %jit3A_966 = arith.constant 0.000000e+00 : f32
        %broadcast_in_dim3A_967 = vector.broadcast %jit3A_966 : f32 to vector<16xf32>
        %select_n3A_968 = arith.select %ge3A_964, %mul3A_965, %broadcast_in_dim3A_967 : vector<16xi1>, vector<16xf32>
        %add3A_969 = arith.addf %add3A_845, %select_n3A_959 : vector<16xf32>
        %add3A_970 = arith.addf %add3A_846, %select_n3A_968 : vector<16xf32>
        %mul3A_971 = arith.constant 16 : i32
        %mul3A_972 = arith.muli %scan3A_123, %mul3A_971 : i32
        %add3A_973 = arith.constant 13 : i32
        %add3A_974 = arith.addi %mul3A_972, %add3A_973 : i32
        %slice3A_975 = vector.extract_strided_slice %get3A_162 {offsets = [13], sizes = [1], strides = [1]} : vector<16xi32> to vector<1xi32>
        %squeeze3A_976 = vector.extract %slice3A_975[0] : i32 from vector<1xi32>
        %shift_right_logical3A_977 = arith.constant 7 : i32
        %shift_right_logical3A_978 = arith.shrui %squeeze3A_976, %shift_right_logical3A_977 : i32
        %shift_right_logical3A_979 = arith.constant 5 : i32
        %shift_right_logical3A_980 = arith.shrui %squeeze3A_976, %shift_right_logical3A_979 : i32
        %and3A_981 = arith.constant 3 : i32
        %and3A_982 = arith.andi %shift_right_logical3A_980, %and3A_981 : i32
        %mul3A_983 = arith.constant 32 : i32
        %mul3A_984 = arith.muli %and3A_982, %mul3A_983 : i32
        %add3A_985 = arith.constant 13 : i32
        %add3A_986 = arith.addi %mul3A_132, %add3A_985 : i32
        %gt3A_987 = arith.cmpi sgt, %add3A_986, %add3A_129 : i32
        %and3A_988 = arith.constant 31 : i32
        %and3A_989 = arith.andi %squeeze3A_976, %and3A_988 : i32
        %jit3A_990 = arith.constant 64 : i32
        %select_n3A_991 = arith.select %gt3A_987, %and3A_989, %jit3A_990 : i32
        %add3A_992 = arith.addi %mul3A_170, %shift_right_logical3A_978 : i32
        %get3A_993 = arith.index_cast %add3A_992 : i32 to index
        %get3A_994 = arith.index_cast %mul3A_984 : i32 to index
        %get3A_995 = tpu.vector_load %arg7[%get3A_993, %get3A_994] {strides = array<i32>} : memref<64x128xf32, #tpu.memory_space<vmem>>, vector<1x16xf32>,
        %get3A_996 = vector.shape_cast %get3A_995 : vector<1x16xf32> to vector<16xf32>
        %get3A_997 = arith.index_cast %add3A_974 : i32 to index
        %get3A_998 = arith.index_cast %mul3A_984 : i32 to index
        %get3A_999 = tpu.vector_load %arg9[%get3A_997, %get3A_998] {strides = array<i32>} : memref<128x128xf32, #tpu.memory_space<vmem>>, vector<1x16xf32>,
        %get3A_1000 = vector.shape_cast %get3A_999 : vector<1x16xf32> to vector<16xf32>
        %add3A_1001 = arith.addi %mul3A_170, %shift_right_logical3A_978 : i32
        %add3A_1002 = arith.constant 16 : i32
        %add3A_1003 = arith.addi %mul3A_984, %add3A_1002 : i32
        %get3A_1004 = arith.index_cast %add3A_1001 : i32 to index
        %get3A_1005 = arith.index_cast %add3A_1003 : i32 to index
        %get3A_1006 = tpu.vector_load %arg7[%get3A_1004, %get3A_1005] {strides = array<i32>} : memref<64x128xf32, #tpu.memory_space<vmem>>, vector<1x16xf32>,
        %get3A_1007 = vector.shape_cast %get3A_1006 : vector<1x16xf32> to vector<16xf32>
        %add3A_1008 = arith.constant 16 : i32
        %add3A_1009 = arith.addi %mul3A_984, %add3A_1008 : i32
        %get3A_1010 = arith.index_cast %add3A_974 : i32 to index
        %get3A_1011 = arith.index_cast %add3A_1009 : i32 to index
        %get3A_1012 = tpu.vector_load %arg9[%get3A_1010, %get3A_1011] {strides = array<i32>} : memref<128x128xf32, #tpu.memory_space<vmem>>, vector<1x16xf32>,
        %get3A_1013 = vector.shape_cast %get3A_1012 : vector<1x16xf32> to vector<16xf32>
        %sub3A_1014 = arith.subf %get3A_996, %get3A_1000 : vector<16xf32>
        %sub3A_1015 = arith.subf %get3A_1007, %get3A_1013 : vector<16xf32>
        %ge3A_1016 = vector.broadcast %select_n3A_991 : i32 to vector<16xi32>
        %ge3A_1017 = arith.cmpi sge, %iota3A, %ge3A_1016 : vector<16xi32>
        %mul3A_1018 = arith.mulf %sub3A_1014, %sub3A_1014 : vector<16xf32>
        %jit3A_1019 = arith.constant 0.000000e+00 : f32
        %broadcast_in_dim3A_1020 = vector.broadcast %jit3A_1019 : f32 to vector<16xf32>
        %select_n3A_1021 = arith.select %ge3A_1017, %mul3A_1018, %broadcast_in_dim3A_1020 : vector<16xi1>, vector<16xf32>
        %add3A_1022 = arith.constant 16 : i32
        %add3A_1023 = vector.broadcast %add3A_1022 : i32 to vector<16xi32>
        %add3A_1024 = arith.addi %iota3A, %add3A_1023 : vector<16xi32>
        %ge3A_1025 = vector.broadcast %select_n3A_991 : i32 to vector<16xi32>
        %ge3A_1026 = arith.cmpi sge, %add3A_1024, %ge3A_1025 : vector<16xi32>
        %mul3A_1027 = arith.mulf %sub3A_1015, %sub3A_1015 : vector<16xf32>
        %jit3A_1028 = arith.constant 0.000000e+00 : f32
        %broadcast_in_dim3A_1029 = vector.broadcast %jit3A_1028 : f32 to vector<16xf32>
        %select_n3A_1030 = arith.select %ge3A_1026, %mul3A_1027, %broadcast_in_dim3A_1029 : vector<16xi1>, vector<16xf32>
        %add3A_1031 = arith.addf %add3A_907, %select_n3A_1021 : vector<16xf32>
        %add3A_1032 = arith.addf %add3A_908, %select_n3A_1030 : vector<16xf32>
        %mul3A_1033 = arith.constant 16 : i32
        %mul3A_1034 = arith.muli %scan3A_123, %mul3A_1033 : i32
        %add3A_1035 = arith.constant 14 : i32
        %add3A_1036 = arith.addi %mul3A_1034, %add3A_1035 : i32
        %slice3A_1037 = vector.extract_strided_slice %get3A_162 {offsets = [14], sizes = [1], strides = [1]} : vector<16xi32> to vector<1xi32>
        %squeeze3A_1038 = vector.extract %slice3A_1037[0] : i32 from vector<1xi32>
        %shift_right_logical3A_1039 = arith.constant 7 : i32
        %shift_right_logical3A_1040 = arith.shrui %squeeze3A_1038, %shift_right_logical3A_1039 : i32
        %shift_right_logical3A_1041 = arith.constant 5 : i32
        %shift_right_logical3A_1042 = arith.shrui %squeeze3A_1038, %shift_right_logical3A_1041 : i32
        %and3A_1043 = arith.constant 3 : i32
        %and3A_1044 = arith.andi %shift_right_logical3A_1042, %and3A_1043 : i32
        %mul3A_1045 = arith.constant 32 : i32
        %mul3A_1046 = arith.muli %and3A_1044, %mul3A_1045 : i32
        %add3A_1047 = arith.constant 14 : i32
        %add3A_1048 = arith.addi %mul3A_132, %add3A_1047 : i32
        %gt3A_1049 = arith.cmpi sgt, %add3A_1048, %add3A_129 : i32
        %and3A_1050 = arith.constant 31 : i32
        %and3A_1051 = arith.andi %squeeze3A_1038, %and3A_1050 : i32
        %jit3A_1052 = arith.constant 64 : i32
        %select_n3A_1053 = arith.select %gt3A_1049, %and3A_1051, %jit3A_1052 : i32
        %add3A_1054 = arith.addi %mul3A_170, %shift_right_logical3A_1040 : i32
        %get3A_1055 = arith.index_cast %add3A_1054 : i32 to index
        %get3A_1056 = arith.index_cast %mul3A_1046 : i32 to index
        %get3A_1057 = tpu.vector_load %arg7[%get3A_1055, %get3A_1056] {strides = array<i32>} : memref<64x128xf32, #tpu.memory_space<vmem>>, vector<1x16xf32>,
        %get3A_1058 = vector.shape_cast %get3A_1057 : vector<1x16xf32> to vector<16xf32>
        %get3A_1059 = arith.index_cast %add3A_1036 : i32 to index
        %get3A_1060 = arith.index_cast %mul3A_1046 : i32 to index
        %get3A_1061 = tpu.vector_load %arg9[%get3A_1059, %get3A_1060] {strides = array<i32>} : memref<128x128xf32, #tpu.memory_space<vmem>>, vector<1x16xf32>,
        %get3A_1062 = vector.shape_cast %get3A_1061 : vector<1x16xf32> to vector<16xf32>
        %add3A_1063 = arith.addi %mul3A_170, %shift_right_logical3A_1040 : i32
        %add3A_1064 = arith.constant 16 : i32
        %add3A_1065 = arith.addi %mul3A_1046, %add3A_1064 : i32
        %get3A_1066 = arith.index_cast %add3A_1063 : i32 to index
        %get3A_1067 = arith.index_cast %add3A_1065 : i32 to index
        %get3A_1068 = tpu.vector_load %arg7[%get3A_1066, %get3A_1067] {strides = array<i32>} : memref<64x128xf32, #tpu.memory_space<vmem>>, vector<1x16xf32>,
        %get3A_1069 = vector.shape_cast %get3A_1068 : vector<1x16xf32> to vector<16xf32>
        %add3A_1070 = arith.constant 16 : i32
        %add3A_1071 = arith.addi %mul3A_1046, %add3A_1070 : i32
        %get3A_1072 = arith.index_cast %add3A_1036 : i32 to index
        %get3A_1073 = arith.index_cast %add3A_1071 : i32 to index
        %get3A_1074 = tpu.vector_load %arg9[%get3A_1072, %get3A_1073] {strides = array<i32>} : memref<128x128xf32, #tpu.memory_space<vmem>>, vector<1x16xf32>,
        %get3A_1075 = vector.shape_cast %get3A_1074 : vector<1x16xf32> to vector<16xf32>
        %sub3A_1076 = arith.subf %get3A_1058, %get3A_1062 : vector<16xf32>
        %sub3A_1077 = arith.subf %get3A_1069, %get3A_1075 : vector<16xf32>
        %ge3A_1078 = vector.broadcast %select_n3A_1053 : i32 to vector<16xi32>
        %ge3A_1079 = arith.cmpi sge, %iota3A, %ge3A_1078 : vector<16xi32>
        %mul3A_1080 = arith.mulf %sub3A_1076, %sub3A_1076 : vector<16xf32>
        %jit3A_1081 = arith.constant 0.000000e+00 : f32
        %broadcast_in_dim3A_1082 = vector.broadcast %jit3A_1081 : f32 to vector<16xf32>
        %select_n3A_1083 = arith.select %ge3A_1079, %mul3A_1080, %broadcast_in_dim3A_1082 : vector<16xi1>, vector<16xf32>
        %add3A_1084 = arith.constant 16 : i32
        %add3A_1085 = vector.broadcast %add3A_1084 : i32 to vector<16xi32>
        %add3A_1086 = arith.addi %iota3A, %add3A_1085 : vector<16xi32>
        %ge3A_1087 = vector.broadcast %select_n3A_1053 : i32 to vector<16xi32>
        %ge3A_1088 = arith.cmpi sge, %add3A_1086, %ge3A_1087 : vector<16xi32>
        %mul3A_1089 = arith.mulf %sub3A_1077, %sub3A_1077 : vector<16xf32>
        %jit3A_1090 = arith.constant 0.000000e+00 : f32
        %broadcast_in_dim3A_1091 = vector.broadcast %jit3A_1090 : f32 to vector<16xf32>
        %select_n3A_1092 = arith.select %ge3A_1088, %mul3A_1089, %broadcast_in_dim3A_1091 : vector<16xi1>, vector<16xf32>
        %add3A_1093 = arith.addf %add3A_969, %select_n3A_1083 : vector<16xf32>
        %add3A_1094 = arith.addf %add3A_970, %select_n3A_1092 : vector<16xf32>
        %mul3A_1095 = arith.constant 16 : i32
        %mul3A_1096 = arith.muli %scan3A_123, %mul3A_1095 : i32
        %add3A_1097 = arith.constant 15 : i32
        %add3A_1098 = arith.addi %mul3A_1096, %add3A_1097 : i32
        %slice3A_1099 = vector.extract_strided_slice %get3A_162 {offsets = [15], sizes = [1], strides = [1]} : vector<16xi32> to vector<1xi32>
        %squeeze3A_1100 = vector.extract %slice3A_1099[0] : i32 from vector<1xi32>
        %shift_right_logical3A_1101 = arith.constant 7 : i32
        %shift_right_logical3A_1102 = arith.shrui %squeeze3A_1100, %shift_right_logical3A_1101 : i32
        %shift_right_logical3A_1103 = arith.constant 5 : i32
        %shift_right_logical3A_1104 = arith.shrui %squeeze3A_1100, %shift_right_logical3A_1103 : i32
        %and3A_1105 = arith.constant 3 : i32
        %and3A_1106 = arith.andi %shift_right_logical3A_1104, %and3A_1105 : i32
        %mul3A_1107 = arith.constant 32 : i32
        %mul3A_1108 = arith.muli %and3A_1106, %mul3A_1107 : i32
        %add3A_1109 = arith.constant 15 : i32
        %add3A_1110 = arith.addi %mul3A_132, %add3A_1109 : i32
        %gt3A_1111 = arith.cmpi sgt, %add3A_1110, %add3A_129 : i32
        %and3A_1112 = arith.constant 31 : i32
        %and3A_1113 = arith.andi %squeeze3A_1100, %and3A_1112 : i32
        %jit3A_1114 = arith.constant 64 : i32
        %select_n3A_1115 = arith.select %gt3A_1111, %and3A_1113, %jit3A_1114 : i32
        %add3A_1116 = arith.addi %mul3A_170, %shift_right_logical3A_1102 : i32
        %get3A_1117 = arith.index_cast %add3A_1116 : i32 to index
        %get3A_1118 = arith.index_cast %mul3A_1108 : i32 to index
        %get3A_1119 = tpu.vector_load %arg7[%get3A_1117, %get3A_1118] {strides = array<i32>} : memref<64x128xf32, #tpu.memory_space<vmem>>, vector<1x16xf32>,
        %get3A_1120 = vector.shape_cast %get3A_1119 : vector<1x16xf32> to vector<16xf32>
        %get3A_1121 = arith.index_cast %add3A_1098 : i32 to index
        %get3A_1122 = arith.index_cast %mul3A_1108 : i32 to index
        %get3A_1123 = tpu.vector_load %arg9[%get3A_1121, %get3A_1122] {strides = array<i32>} : memref<128x128xf32, #tpu.memory_space<vmem>>, vector<1x16xf32>,
        %get3A_1124 = vector.shape_cast %get3A_1123 : vector<1x16xf32> to vector<16xf32>
        %add3A_1125 = arith.addi %mul3A_170, %shift_right_logical3A_1102 : i32
        %add3A_1126 = arith.constant 16 : i32
        %add3A_1127 = arith.addi %mul3A_1108, %add3A_1126 : i32
        %get3A_1128 = arith.index_cast %add3A_1125 : i32 to index
        %get3A_1129 = arith.index_cast %add3A_1127 : i32 to index
        %get3A_1130 = tpu.vector_load %arg7[%get3A_1128, %get3A_1129] {strides = array<i32>} : memref<64x128xf32, #tpu.memory_space<vmem>>, vector<1x16xf32>,
        %get3A_1131 = vector.shape_cast %get3A_1130 : vector<1x16xf32> to vector<16xf32>
        %add3A_1132 = arith.constant 16 : i32
        %add3A_1133 = arith.addi %mul3A_1108, %add3A_1132 : i32
        %get3A_1134 = arith.index_cast %add3A_1098 : i32 to index
        %get3A_1135 = arith.index_cast %add3A_1133 : i32 to index
        %get3A_1136 = tpu.vector_load %arg9[%get3A_1134, %get3A_1135] {strides = array<i32>} : memref<128x128xf32, #tpu.memory_space<vmem>>, vector<1x16xf32>,
        %get3A_1137 = vector.shape_cast %get3A_1136 : vector<1x16xf32> to vector<16xf32>
        %sub3A_1138 = arith.subf %get3A_1120, %get3A_1124 : vector<16xf32>
        %sub3A_1139 = arith.subf %get3A_1131, %get3A_1137 : vector<16xf32>
        %ge3A_1140 = vector.broadcast %select_n3A_1115 : i32 to vector<16xi32>
        %ge3A_1141 = arith.cmpi sge, %iota3A, %ge3A_1140 : vector<16xi32>
        %mul3A_1142 = arith.mulf %sub3A_1138, %sub3A_1138 : vector<16xf32>
        %jit3A_1143 = arith.constant 0.000000e+00 : f32
        %broadcast_in_dim3A_1144 = vector.broadcast %jit3A_1143 : f32 to vector<16xf32>
        %select_n3A_1145 = arith.select %ge3A_1141, %mul3A_1142, %broadcast_in_dim3A_1144 : vector<16xi1>, vector<16xf32>
        %add3A_1146 = arith.constant 16 : i32
        %add3A_1147 = vector.broadcast %add3A_1146 : i32 to vector<16xi32>
        %add3A_1148 = arith.addi %iota3A, %add3A_1147 : vector<16xi32>
        %ge3A_1149 = vector.broadcast %select_n3A_1115 : i32 to vector<16xi32>
        %ge3A_1150 = arith.cmpi sge, %add3A_1148, %ge3A_1149 : vector<16xi32>
        %mul3A_1151 = arith.mulf %sub3A_1139, %sub3A_1139 : vector<16xf32>
        %jit3A_1152 = arith.constant 0.000000e+00 : f32
        %broadcast_in_dim3A_1153 = vector.broadcast %jit3A_1152 : f32 to vector<16xf32>
        %select_n3A_1154 = arith.select %ge3A_1150, %mul3A_1151, %broadcast_in_dim3A_1153 : vector<16xi1>, vector<16xf32>
        %add3A_1155 = arith.addf %add3A_1031, %select_n3A_1145 : vector<16xf32>
        %add3A_1156 = arith.addf %add3A_1032, %select_n3A_1154 : vector<16xf32>
        %swap3A_1157 = arith.constant 0 : i32
        %swap3A_1158 = arith.index_cast %swap3A_1157 : i32 to index
        %swap3A_1159 = arith.constant 0 : index
        %swap3A_1160 = tpu.vector_load %arg11[%swap3A_1158, %swap3A_1159] {strides = array<i32>} : memref<4x16xf32, #tpu.memory_space<vmem>>, vector<1x16xf32>,
        %swap3A_1161 = vector.shape_cast %swap3A_1160 : vector<1x16xf32> to vector<16xf32>
        %swap3A_1162 = vector.shape_cast %add3A_1093 : vector<16xf32> to vector<1x16xf32>
        tpu.vector_store %arg11[%swap3A_1158, %swap3A_1159], %swap3A_1162 {strides = array<i32>} : memref<4x16xf32, #tpu.memory_space<vmem>>, vector<1x16xf32>,
        %swap3A_1163 = arith.constant 1 : i32
        %swap3A_1164 = arith.index_cast %swap3A_1163 : i32 to index
        %swap3A_1165 = arith.constant 0 : index
        %swap3A_1166 = tpu.vector_load %arg11[%swap3A_1164, %swap3A_1165] {strides = array<i32>} : memref<4x16xf32, #tpu.memory_space<vmem>>, vector<1x16xf32>,
        %swap3A_1167 = vector.shape_cast %swap3A_1166 : vector<1x16xf32> to vector<16xf32>
        %swap3A_1168 = vector.shape_cast %add3A_1094 : vector<16xf32> to vector<1x16xf32>
        tpu.vector_store %arg11[%swap3A_1164, %swap3A_1165], %swap3A_1168 {strides = array<i32>} : memref<4x16xf32, #tpu.memory_space<vmem>>, vector<1x16xf32>,
        %swap3A_1169 = arith.constant 2 : i32
        %swap3A_1170 = arith.index_cast %swap3A_1169 : i32 to index
        %swap3A_1171 = arith.constant 0 : index
        %swap3A_1172 = tpu.vector_load %arg11[%swap3A_1170, %swap3A_1171] {strides = array<i32>} : memref<4x16xf32, #tpu.memory_space<vmem>>, vector<1x16xf32>,
        %swap3A_1173 = vector.shape_cast %swap3A_1172 : vector<1x16xf32> to vector<16xf32>
        %swap3A_1174 = vector.shape_cast %add3A_1155 : vector<16xf32> to vector<1x16xf32>
        tpu.vector_store %arg11[%swap3A_1170, %swap3A_1171], %swap3A_1174 {strides = array<i32>} : memref<4x16xf32, #tpu.memory_space<vmem>>, vector<1x16xf32>,
        %swap3A_1175 = arith.constant 3 : i32
        %swap3A_1176 = arith.index_cast %swap3A_1175 : i32 to index
        %swap3A_1177 = arith.constant 0 : index
        %swap3A_1178 = tpu.vector_load %arg11[%swap3A_1176, %swap3A_1177] {strides = array<i32>} : memref<4x16xf32, #tpu.memory_space<vmem>>, vector<1x16xf32>,
        %swap3A_1179 = vector.shape_cast %swap3A_1178 : vector<1x16xf32> to vector<16xf32>
        %swap3A_1180 = vector.shape_cast %add3A_1156 : vector<16xf32> to vector<1x16xf32>
        tpu.vector_store %arg11[%swap3A_1176, %swap3A_1177], %swap3A_1180 {strides = array<i32>} : memref<4x16xf32, #tpu.memory_space<vmem>>, vector<1x16xf32>,
      } else {
      }
    }
    %scan3A_96 = arith.constant 8 : i32
    %get3A = arith.constant 0 : i32
    %get3A_97 = arith.index_cast %get3A : i32 to index
    %get3A_98 = arith.constant 0 : index
    %get3A_99 = tpu.vector_load %arg11[%get3A_97, %get3A_98] {strides = array<i32>} : memref<4x16xf32, #tpu.memory_space<vmem>>, vector<1x16xf32>,
    %get3A_100 = vector.shape_cast %get3A_99 : vector<1x16xf32> to vector<16xf32>
    %get3A_101 = arith.constant 1 : i32
    %get3A_102 = arith.index_cast %get3A_101 : i32 to index
    %get3A_103 = arith.constant 0 : index
    %get3A_104 = tpu.vector_load %arg11[%get3A_102, %get3A_103] {strides = array<i32>} : memref<4x16xf32, #tpu.memory_space<vmem>>, vector<1x16xf32>,
    %get3A_105 = vector.shape_cast %get3A_104 : vector<1x16xf32> to vector<16xf32>
    %add3A_106 = arith.addf %get3A_100, %get3A_105 : vector<16xf32>
    %get3A_107 = arith.constant 2 : i32
    %get3A_108 = arith.index_cast %get3A_107 : i32 to index
    %get3A_109 = arith.constant 0 : index
    %get3A_110 = tpu.vector_load %arg11[%get3A_108, %get3A_109] {strides = array<i32>} : memref<4x16xf32, #tpu.memory_space<vmem>>, vector<1x16xf32>,
    %get3A_111 = vector.shape_cast %get3A_110 : vector<1x16xf32> to vector<16xf32>
    %add3A_112 = arith.addf %add3A_106, %get3A_111 : vector<16xf32>
    %get3A_113 = arith.constant 3 : i32
    %get3A_114 = arith.index_cast %get3A_113 : i32 to index
    %get3A_115 = arith.constant 0 : index
    %get3A_116 = tpu.vector_load %arg11[%get3A_114, %get3A_115] {strides = array<i32>} : memref<4x16xf32, #tpu.memory_space<vmem>>, vector<1x16xf32>,
    %get3A_117 = vector.shape_cast %get3A_116 : vector<1x16xf32> to vector<16xf32>
    %add3A_118 = arith.addf %add3A_112, %get3A_117 : vector<16xf32>
    %swap3A_119 = arith.constant 0 : index
    %swap3A_120 = tpu.vector_load %arg10[%swap3A_119] {strides = array<i32>} : memref<16xf32, #tpu.memory_space<vmem>>, vector<16xf32>,
    %swap3A_121 = vector.shape_cast %swap3A_120 : vector<16xf32> to vector<16xf32>
    %swap3A_122 = vector.shape_cast %add3A_118 : vector<16xf32> to vector<16xf32>
    tpu.vector_store %arg10[%swap3A_119], %swap3A_122 {strides = array<i32>} : memref<16xf32, #tpu.memory_space<vmem>>, vector<16xf32>,
    "tpu.region"() ({
      %run_scoped3A = tpu.sem_alloc : memref<!tpu.dma_semaphore, #tpu.memory_space<semaphore_mem>>
      %dma_start3A_123 = arith.constant 0 : i32
      %dma_start3A_124 = tpu.memref_slice %arg4[%add3A, %dma_start3A_123] : memref<32x16xf32, #tpu.memory_space<hbm>> -> memref<1x16xf32, #tpu.memory_space<hbm>>
      %dma_start3A_125 = tpu.memref_squeeze %dma_start3A_124 : memref<1x16xf32, #tpu.memory_space<hbm>> -> memref<16xf32, #tpu.memory_space<hbm>>
      %dma_start3A_126 = arith.constant 0 : i32
      %dma_start3A_127 = tpu.memref_slice %arg4[%add3A, %dma_start3A_126] : memref<32x16xf32, #tpu.memory_space<hbm>> -> memref<1x16xf32, #tpu.memory_space<hbm>>
      %dma_start3A_128 = tpu.memref_squeeze %dma_start3A_127 : memref<1x16xf32, #tpu.memory_space<hbm>> -> memref<16xf32, #tpu.memory_space<hbm>>
      tpu.enqueue_dma source(%arg10 : memref<16xf32, #tpu.memory_space<vmem>>) target(%dma_start3A_128 : memref<16xf32, #tpu.memory_space<hbm>>) target_semaphore(%run_scoped3A : memref<!tpu.dma_semaphore, #tpu.memory_space<semaphore_mem>>)
      %dma_wait3A_129 = arith.constant 0 : i32
      %dma_wait3A_130 = tpu.memref_slice %arg4[%add3A, %dma_wait3A_129] : memref<32x16xf32, #tpu.memory_space<hbm>> -> memref<1x16xf32, #tpu.memory_space<hbm>>
      %dma_wait3A_131 = tpu.memref_squeeze %dma_wait3A_130 : memref<1x16xf32, #tpu.memory_space<hbm>> -> memref<16xf32, #tpu.memory_space<hbm>>
      %dma_wait3A_132 = arith.constant 0 : i32
      %dma_wait3A_133 = tpu.memref_slice %arg4[%add3A, %dma_wait3A_132] : memref<32x16xf32, #tpu.memory_space<hbm>> -> memref<1x16xf32, #tpu.memory_space<hbm>>
      %dma_wait3A_134 = tpu.memref_squeeze %dma_wait3A_133 : memref<1x16xf32, #tpu.memory_space<hbm>> -> memref<16xf32, #tpu.memory_space<hbm>>
      tpu.wait_dma2 semaphore(%run_scoped3A : memref<!tpu.dma_semaphore, #tpu.memory_space<semaphore_mem>>) src(%arg10 : memref<16xf32, #tpu.memory_space<vmem>>) dst(%dma_wait3A_134 : memref<16xf32, #tpu.memory_space<hbm>>)
      tpu.yield
    }) : () -> ()
    return
  }
}

module attributes {stable_mosaic.version = 14 : i64} {
  func.func @_coarse_kernel(%arg0: i32, %arg1: memref<128x256xf32, #tpu.memory_space<vmem>>, %arg2: memref<128x128xi32, #tpu.memory_space<vmem>>, %arg3: memref<1x1xf32, #tpu.memory_space<smem>>, %arg4: memref<128x128xf32, #tpu.memory_space<vmem>>) attributes {dimension_semantics = [#tpu.dimension_semantics<arbitrary>], iteration_bounds = array<i64: 8>, scalar_prefetch = 0 : i64, scratch_operands = 1 : i64, tpu.core_type = #tpu.core_type<tc>, window_params = [{transform_indices = @transform_0, window_bounds = array<i64: 128, 256>}, {pipeline_mode = #tpu.pipeline_mode<synchronous>, transform_indices = @transform_1, window_bounds = array<i64: 128, 128>}, {transform_indices = @transform_2, window_bounds = array<i64: 1, 1>}]} {
    %eq3A = arith.constant 0 : i32
    %eq3A_0 = arith.cmpi eq, %arg0, %eq3A : i32
    %convert_element_type3A = arith.extui %eq3A_0 : i1 to i32
    %cond3A = arith.constant 0 : i32
    %cond3A_1 = arith.cmpi ne, %convert_element_type3A, %cond3A : i32
    scf.if %cond3A_1 {
      %broadcast_in_dim3A_239 = arith.constant 0.000000e+00 : f32
      %broadcast_in_dim3A_240 = vector.broadcast %broadcast_in_dim3A_239 : f32 to vector<128x128xf32>
      %swap3A_241 = arith.constant 0 : index
      %swap3A_242 = arith.constant 0 : index
      %swap3A_243 = vector.load %arg4[%swap3A_241, %swap3A_242] : memref<128x128xf32, #tpu.memory_space<vmem>>, vector<128x128xf32>
      tpu.vector_store %arg4[%swap3A_241, %swap3A_242], %broadcast_in_dim3A_240 {strides = array<i32>} : memref<128x128xf32, #tpu.memory_space<vmem>>, vector<128x128xf32>,
    } else {
    }
    %get3A = arith.constant 0 : index
    %get3A_2 = arith.constant 0 : index
    %get3A_3 = vector.load %arg1[%get3A, %get3A_2] : memref<128x256xf32, #tpu.memory_space<vmem>>, vector<128x256xf32>
    %broadcast_in_dim3A = arith.constant 1.000000e+00 : f32
    %broadcast_in_dim3A_4 = vector.broadcast %broadcast_in_dim3A : f32 to vector<1x32xf32>
    %slice3A = vector.extract_strided_slice %get3A_3 {offsets = [0, 0], sizes = [128, 32], strides = [1, 1]} : vector<128x256xf32> to vector<128x32xf32>
    %convert_element_type3A_5 = arith.truncf %slice3A : vector<128x32xf32> to vector<128x32xbf16>
    %dot_general3A = arith.constant dense<0.000000e+00> : vector<128x128xf32>
    %dot_general3A_6 = tpu.matmul %convert_element_type3A_5, %convert_element_type3A_5, %dot_general3A {dimension_numbers = #tpu.dot_dimension_numbers<[1], [1], [0], [0], [0, 0, 1, 0], [], []>, transpose_lhs_hint = false} : vector<128x32xbf16>, vector<128x32xbf16>, vector<128x128xf32> -> vector<128x128xf32>
    %mul3A = arith.mulf %slice3A, %slice3A : vector<128x32xf32>
    %dot_general3A_7 = arith.constant dense<0.000000e+00> : vector<128x1xf32>
    %dot_general3A_8 = tpu.matmul %mul3A, %broadcast_in_dim3A_4, %dot_general3A_7 {dimension_numbers = #tpu.dot_dimension_numbers<[1], [1], [0], [0], [0, 0, 1, 0], [], []>, transpose_lhs_hint = false} : vector<128x32xf32>, vector<1x32xf32>, vector<128x1xf32> -> vector<128x1xf32>
    %dot_general3A_9 = arith.constant dense<0.000000e+00> : vector<1x128xf32>
    %dot_general3A_10 = tpu.matmul %broadcast_in_dim3A_4, %mul3A, %dot_general3A_9 {dimension_numbers = #tpu.dot_dimension_numbers<[1], [1], [0], [0], [0, 0, 1, 0], [], []>, transpose_lhs_hint = false} : vector<1x32xf32>, vector<128x32xf32>, vector<1x128xf32> -> vector<1x128xf32>
    %add3A = vector.broadcast %dot_general3A_8 : vector<128x1xf32> to vector<128x128xf32>
    %add3A_11 = vector.broadcast %dot_general3A_10 : vector<1x128xf32> to vector<128x128xf32>
    %add3A_12 = arith.addf %add3A, %add3A_11 : vector<128x128xf32>
    %mul3A_13 = arith.constant 2.000000e+00 : f32
    %mul3A_14 = vector.broadcast %mul3A_13 : f32 to vector<128x128xf32>
    %mul3A_15 = arith.mulf %mul3A_14, %dot_general3A_6 : vector<128x128xf32>
    %sub3A = arith.subf %add3A_12, %mul3A_15 : vector<128x128xf32>
    %get3A_16 = arith.constant 0 : index
    %get3A_17 = arith.constant 0 : index
    %get3A_18 = vector.load %arg2[%get3A_16, %get3A_17] : memref<128x128xi32, #tpu.memory_space<vmem>>, vector<128x128xi32>
    %mul3A_19 = arith.constant 256 : i32
    %mul3A_20 = arith.muli %arg0, %mul3A_19 : i32
    %add3A_21 = arith.constant 0 : i32
    %add3A_22 = arith.addi %mul3A_20, %add3A_21 : i32
    %lt3A = vector.broadcast %add3A_22 : i32 to vector<128x128xi32>
    %lt3A_23 = arith.cmpi slt, %get3A_18, %lt3A : vector<128x128xi32>
    %jit3A = arith.constant 0.000000e+00 : f32
    %broadcast_in_dim3A_24 = vector.broadcast %jit3A : f32 to vector<128x128xf32>
    %select_n3A = arith.select %lt3A_23, %sub3A, %broadcast_in_dim3A_24 : vector<128x128xi1>, vector<128x128xf32>
    %slice3A_25 = vector.extract_strided_slice %get3A_3 {offsets = [0, 32], sizes = [128, 32], strides = [1, 1]} : vector<128x256xf32> to vector<128x32xf32>
    %convert_element_type3A_26 = arith.truncf %slice3A_25 : vector<128x32xf32> to vector<128x32xbf16>
    %dot_general3A_27 = arith.constant dense<0.000000e+00> : vector<128x128xf32>
    %dot_general3A_28 = tpu.matmul %convert_element_type3A_26, %convert_element_type3A_26, %dot_general3A_27 {dimension_numbers = #tpu.dot_dimension_numbers<[1], [1], [0], [0], [0, 0, 1, 0], [], []>, transpose_lhs_hint = false} : vector<128x32xbf16>, vector<128x32xbf16>, vector<128x128xf32> -> vector<128x128xf32>
    %mul3A_29 = arith.mulf %slice3A_25, %slice3A_25 : vector<128x32xf32>
    %dot_general3A_30 = arith.constant dense<0.000000e+00> : vector<128x1xf32>
    %dot_general3A_31 = tpu.matmul %mul3A_29, %broadcast_in_dim3A_4, %dot_general3A_30 {dimension_numbers = #tpu.dot_dimension_numbers<[1], [1], [0], [0], [0, 0, 1, 0], [], []>, transpose_lhs_hint = false} : vector<128x32xf32>, vector<1x32xf32>, vector<128x1xf32> -> vector<128x1xf32>
    %dot_general3A_32 = arith.constant dense<0.000000e+00> : vector<1x128xf32>
    %dot_general3A_33 = tpu.matmul %broadcast_in_dim3A_4, %mul3A_29, %dot_general3A_32 {dimension_numbers = #tpu.dot_dimension_numbers<[1], [1], [0], [0], [0, 0, 1, 0], [], []>, transpose_lhs_hint = false} : vector<1x32xf32>, vector<128x32xf32>, vector<1x128xf32> -> vector<1x128xf32>
    %add3A_34 = vector.broadcast %dot_general3A_31 : vector<128x1xf32> to vector<128x128xf32>
    %add3A_35 = vector.broadcast %dot_general3A_33 : vector<1x128xf32> to vector<128x128xf32>
    %add3A_36 = arith.addf %add3A_34, %add3A_35 : vector<128x128xf32>
    %mul3A_37 = arith.constant 2.000000e+00 : f32
    %mul3A_38 = vector.broadcast %mul3A_37 : f32 to vector<128x128xf32>
    %mul3A_39 = arith.mulf %mul3A_38, %dot_general3A_28 : vector<128x128xf32>
    %sub3A_40 = arith.subf %add3A_36, %mul3A_39 : vector<128x128xf32>
    %get3A_41 = arith.constant 0 : index
    %get3A_42 = arith.constant 0 : index
    %get3A_43 = vector.load %arg2[%get3A_41, %get3A_42] : memref<128x128xi32, #tpu.memory_space<vmem>>, vector<128x128xi32>
    %mul3A_44 = arith.constant 256 : i32
    %mul3A_45 = arith.muli %arg0, %mul3A_44 : i32
    %add3A_46 = arith.constant 32 : i32
    %add3A_47 = arith.addi %mul3A_45, %add3A_46 : i32
    %lt3A_48 = vector.broadcast %add3A_47 : i32 to vector<128x128xi32>
    %lt3A_49 = arith.cmpi slt, %get3A_43, %lt3A_48 : vector<128x128xi32>
    %jit3A_50 = arith.constant 0.000000e+00 : f32
    %broadcast_in_dim3A_51 = vector.broadcast %jit3A_50 : f32 to vector<128x128xf32>
    %select_n3A_52 = arith.select %lt3A_49, %sub3A_40, %broadcast_in_dim3A_51 : vector<128x128xi1>, vector<128x128xf32>
    %slice3A_53 = vector.extract_strided_slice %get3A_3 {offsets = [0, 64], sizes = [128, 32], strides = [1, 1]} : vector<128x256xf32> to vector<128x32xf32>
    %convert_element_type3A_54 = arith.truncf %slice3A_53 : vector<128x32xf32> to vector<128x32xbf16>
    %dot_general3A_55 = arith.constant dense<0.000000e+00> : vector<128x128xf32>
    %dot_general3A_56 = tpu.matmul %convert_element_type3A_54, %convert_element_type3A_54, %dot_general3A_55 {dimension_numbers = #tpu.dot_dimension_numbers<[1], [1], [0], [0], [0, 0, 1, 0], [], []>, transpose_lhs_hint = false} : vector<128x32xbf16>, vector<128x32xbf16>, vector<128x128xf32> -> vector<128x128xf32>
    %mul3A_57 = arith.mulf %slice3A_53, %slice3A_53 : vector<128x32xf32>
    %dot_general3A_58 = arith.constant dense<0.000000e+00> : vector<128x1xf32>
    %dot_general3A_59 = tpu.matmul %mul3A_57, %broadcast_in_dim3A_4, %dot_general3A_58 {dimension_numbers = #tpu.dot_dimension_numbers<[1], [1], [0], [0], [0, 0, 1, 0], [], []>, transpose_lhs_hint = false} : vector<128x32xf32>, vector<1x32xf32>, vector<128x1xf32> -> vector<128x1xf32>
    %dot_general3A_60 = arith.constant dense<0.000000e+00> : vector<1x128xf32>
    %dot_general3A_61 = tpu.matmul %broadcast_in_dim3A_4, %mul3A_57, %dot_general3A_60 {dimension_numbers = #tpu.dot_dimension_numbers<[1], [1], [0], [0], [0, 0, 1, 0], [], []>, transpose_lhs_hint = false} : vector<1x32xf32>, vector<128x32xf32>, vector<1x128xf32> -> vector<1x128xf32>
    %add3A_62 = vector.broadcast %dot_general3A_59 : vector<128x1xf32> to vector<128x128xf32>
    %add3A_63 = vector.broadcast %dot_general3A_61 : vector<1x128xf32> to vector<128x128xf32>
    %add3A_64 = arith.addf %add3A_62, %add3A_63 : vector<128x128xf32>
    %mul3A_65 = arith.constant 2.000000e+00 : f32
    %mul3A_66 = vector.broadcast %mul3A_65 : f32 to vector<128x128xf32>
    %mul3A_67 = arith.mulf %mul3A_66, %dot_general3A_56 : vector<128x128xf32>
    %sub3A_68 = arith.subf %add3A_64, %mul3A_67 : vector<128x128xf32>
    %get3A_69 = arith.constant 0 : index
    %get3A_70 = arith.constant 0 : index
    %get3A_71 = vector.load %arg2[%get3A_69, %get3A_70] : memref<128x128xi32, #tpu.memory_space<vmem>>, vector<128x128xi32>
    %mul3A_72 = arith.constant 256 : i32
    %mul3A_73 = arith.muli %arg0, %mul3A_72 : i32
    %add3A_74 = arith.constant 64 : i32
    %add3A_75 = arith.addi %mul3A_73, %add3A_74 : i32
    %lt3A_76 = vector.broadcast %add3A_75 : i32 to vector<128x128xi32>
    %lt3A_77 = arith.cmpi slt, %get3A_71, %lt3A_76 : vector<128x128xi32>
    %jit3A_78 = arith.constant 0.000000e+00 : f32
    %broadcast_in_dim3A_79 = vector.broadcast %jit3A_78 : f32 to vector<128x128xf32>
    %select_n3A_80 = arith.select %lt3A_77, %sub3A_68, %broadcast_in_dim3A_79 : vector<128x128xi1>, vector<128x128xf32>
    %slice3A_81 = vector.extract_strided_slice %get3A_3 {offsets = [0, 96], sizes = [128, 32], strides = [1, 1]} : vector<128x256xf32> to vector<128x32xf32>
    %convert_element_type3A_82 = arith.truncf %slice3A_81 : vector<128x32xf32> to vector<128x32xbf16>
    %dot_general3A_83 = arith.constant dense<0.000000e+00> : vector<128x128xf32>
    %dot_general3A_84 = tpu.matmul %convert_element_type3A_82, %convert_element_type3A_82, %dot_general3A_83 {dimension_numbers = #tpu.dot_dimension_numbers<[1], [1], [0], [0], [0, 0, 1, 0], [], []>, transpose_lhs_hint = false} : vector<128x32xbf16>, vector<128x32xbf16>, vector<128x128xf32> -> vector<128x128xf32>
    %mul3A_85 = arith.mulf %slice3A_81, %slice3A_81 : vector<128x32xf32>
    %dot_general3A_86 = arith.constant dense<0.000000e+00> : vector<128x1xf32>
    %dot_general3A_87 = tpu.matmul %mul3A_85, %broadcast_in_dim3A_4, %dot_general3A_86 {dimension_numbers = #tpu.dot_dimension_numbers<[1], [1], [0], [0], [0, 0, 1, 0], [], []>, transpose_lhs_hint = false} : vector<128x32xf32>, vector<1x32xf32>, vector<128x1xf32> -> vector<128x1xf32>
    %dot_general3A_88 = arith.constant dense<0.000000e+00> : vector<1x128xf32>
    %dot_general3A_89 = tpu.matmul %broadcast_in_dim3A_4, %mul3A_85, %dot_general3A_88 {dimension_numbers = #tpu.dot_dimension_numbers<[1], [1], [0], [0], [0, 0, 1, 0], [], []>, transpose_lhs_hint = false} : vector<1x32xf32>, vector<128x32xf32>, vector<1x128xf32> -> vector<1x128xf32>
    %add3A_90 = vector.broadcast %dot_general3A_87 : vector<128x1xf32> to vector<128x128xf32>
    %add3A_91 = vector.broadcast %dot_general3A_89 : vector<1x128xf32> to vector<128x128xf32>
    %add3A_92 = arith.addf %add3A_90, %add3A_91 : vector<128x128xf32>
    %mul3A_93 = arith.constant 2.000000e+00 : f32
    %mul3A_94 = vector.broadcast %mul3A_93 : f32 to vector<128x128xf32>
    %mul3A_95 = arith.mulf %mul3A_94, %dot_general3A_84 : vector<128x128xf32>
    %sub3A_96 = arith.subf %add3A_92, %mul3A_95 : vector<128x128xf32>
    %get3A_97 = arith.constant 0 : index
    %get3A_98 = arith.constant 0 : index
    %get3A_99 = vector.load %arg2[%get3A_97, %get3A_98] : memref<128x128xi32, #tpu.memory_space<vmem>>, vector<128x128xi32>
    %mul3A_100 = arith.constant 256 : i32
    %mul3A_101 = arith.muli %arg0, %mul3A_100 : i32
    %add3A_102 = arith.constant 96 : i32
    %add3A_103 = arith.addi %mul3A_101, %add3A_102 : i32
    %lt3A_104 = vector.broadcast %add3A_103 : i32 to vector<128x128xi32>
    %lt3A_105 = arith.cmpi slt, %get3A_99, %lt3A_104 : vector<128x128xi32>
    %jit3A_106 = arith.constant 0.000000e+00 : f32
    %broadcast_in_dim3A_107 = vector.broadcast %jit3A_106 : f32 to vector<128x128xf32>
    %select_n3A_108 = arith.select %lt3A_105, %sub3A_96, %broadcast_in_dim3A_107 : vector<128x128xi1>, vector<128x128xf32>
    %slice3A_109 = vector.extract_strided_slice %get3A_3 {offsets = [0, 128], sizes = [128, 32], strides = [1, 1]} : vector<128x256xf32> to vector<128x32xf32>
    %convert_element_type3A_110 = arith.truncf %slice3A_109 : vector<128x32xf32> to vector<128x32xbf16>
    %dot_general3A_111 = arith.constant dense<0.000000e+00> : vector<128x128xf32>
    %dot_general3A_112 = tpu.matmul %convert_element_type3A_110, %convert_element_type3A_110, %dot_general3A_111 {dimension_numbers = #tpu.dot_dimension_numbers<[1], [1], [0], [0], [0, 0, 1, 0], [], []>, transpose_lhs_hint = false} : vector<128x32xbf16>, vector<128x32xbf16>, vector<128x128xf32> -> vector<128x128xf32>
    %mul3A_113 = arith.mulf %slice3A_109, %slice3A_109 : vector<128x32xf32>
    %dot_general3A_114 = arith.constant dense<0.000000e+00> : vector<128x1xf32>
    %dot_general3A_115 = tpu.matmul %mul3A_113, %broadcast_in_dim3A_4, %dot_general3A_114 {dimension_numbers = #tpu.dot_dimension_numbers<[1], [1], [0], [0], [0, 0, 1, 0], [], []>, transpose_lhs_hint = false} : vector<128x32xf32>, vector<1x32xf32>, vector<128x1xf32> -> vector<128x1xf32>
    %dot_general3A_116 = arith.constant dense<0.000000e+00> : vector<1x128xf32>
    %dot_general3A_117 = tpu.matmul %broadcast_in_dim3A_4, %mul3A_113, %dot_general3A_116 {dimension_numbers = #tpu.dot_dimension_numbers<[1], [1], [0], [0], [0, 0, 1, 0], [], []>, transpose_lhs_hint = false} : vector<1x32xf32>, vector<128x32xf32>, vector<1x128xf32> -> vector<1x128xf32>
    %add3A_118 = vector.broadcast %dot_general3A_115 : vector<128x1xf32> to vector<128x128xf32>
    %add3A_119 = vector.broadcast %dot_general3A_117 : vector<1x128xf32> to vector<128x128xf32>
    %add3A_120 = arith.addf %add3A_118, %add3A_119 : vector<128x128xf32>
    %mul3A_121 = arith.constant 2.000000e+00 : f32
    %mul3A_122 = vector.broadcast %mul3A_121 : f32 to vector<128x128xf32>
    %mul3A_123 = arith.mulf %mul3A_122, %dot_general3A_112 : vector<128x128xf32>
    %sub3A_124 = arith.subf %add3A_120, %mul3A_123 : vector<128x128xf32>
    %get3A_125 = arith.constant 0 : index
    %get3A_126 = arith.constant 0 : index
    %get3A_127 = vector.load %arg2[%get3A_125, %get3A_126] : memref<128x128xi32, #tpu.memory_space<vmem>>, vector<128x128xi32>
    %mul3A_128 = arith.constant 256 : i32
    %mul3A_129 = arith.muli %arg0, %mul3A_128 : i32
    %add3A_130 = arith.constant 128 : i32
    %add3A_131 = arith.addi %mul3A_129, %add3A_130 : i32
    %lt3A_132 = vector.broadcast %add3A_131 : i32 to vector<128x128xi32>
    %lt3A_133 = arith.cmpi slt, %get3A_127, %lt3A_132 : vector<128x128xi32>
    %jit3A_134 = arith.constant 0.000000e+00 : f32
    %broadcast_in_dim3A_135 = vector.broadcast %jit3A_134 : f32 to vector<128x128xf32>
    %select_n3A_136 = arith.select %lt3A_133, %sub3A_124, %broadcast_in_dim3A_135 : vector<128x128xi1>, vector<128x128xf32>
    %slice3A_137 = vector.extract_strided_slice %get3A_3 {offsets = [0, 160], sizes = [128, 32], strides = [1, 1]} : vector<128x256xf32> to vector<128x32xf32>
    %convert_element_type3A_138 = arith.truncf %slice3A_137 : vector<128x32xf32> to vector<128x32xbf16>
    %dot_general3A_139 = arith.constant dense<0.000000e+00> : vector<128x128xf32>
    %dot_general3A_140 = tpu.matmul %convert_element_type3A_138, %convert_element_type3A_138, %dot_general3A_139 {dimension_numbers = #tpu.dot_dimension_numbers<[1], [1], [0], [0], [0, 0, 1, 0], [], []>, transpose_lhs_hint = false} : vector<128x32xbf16>, vector<128x32xbf16>, vector<128x128xf32> -> vector<128x128xf32>
    %mul3A_141 = arith.mulf %slice3A_137, %slice3A_137 : vector<128x32xf32>
    %dot_general3A_142 = arith.constant dense<0.000000e+00> : vector<128x1xf32>
    %dot_general3A_143 = tpu.matmul %mul3A_141, %broadcast_in_dim3A_4, %dot_general3A_142 {dimension_numbers = #tpu.dot_dimension_numbers<[1], [1], [0], [0], [0, 0, 1, 0], [], []>, transpose_lhs_hint = false} : vector<128x32xf32>, vector<1x32xf32>, vector<128x1xf32> -> vector<128x1xf32>
    %dot_general3A_144 = arith.constant dense<0.000000e+00> : vector<1x128xf32>
    %dot_general3A_145 = tpu.matmul %broadcast_in_dim3A_4, %mul3A_141, %dot_general3A_144 {dimension_numbers = #tpu.dot_dimension_numbers<[1], [1], [0], [0], [0, 0, 1, 0], [], []>, transpose_lhs_hint = false} : vector<1x32xf32>, vector<128x32xf32>, vector<1x128xf32> -> vector<1x128xf32>
    %add3A_146 = vector.broadcast %dot_general3A_143 : vector<128x1xf32> to vector<128x128xf32>
    %add3A_147 = vector.broadcast %dot_general3A_145 : vector<1x128xf32> to vector<128x128xf32>
    %add3A_148 = arith.addf %add3A_146, %add3A_147 : vector<128x128xf32>
    %mul3A_149 = arith.constant 2.000000e+00 : f32
    %mul3A_150 = vector.broadcast %mul3A_149 : f32 to vector<128x128xf32>
    %mul3A_151 = arith.mulf %mul3A_150, %dot_general3A_140 : vector<128x128xf32>
    %sub3A_152 = arith.subf %add3A_148, %mul3A_151 : vector<128x128xf32>
    %get3A_153 = arith.constant 0 : index
    %get3A_154 = arith.constant 0 : index
    %get3A_155 = vector.load %arg2[%get3A_153, %get3A_154] : memref<128x128xi32, #tpu.memory_space<vmem>>, vector<128x128xi32>
    %mul3A_156 = arith.constant 256 : i32
    %mul3A_157 = arith.muli %arg0, %mul3A_156 : i32
    %add3A_158 = arith.constant 160 : i32
    %add3A_159 = arith.addi %mul3A_157, %add3A_158 : i32
    %lt3A_160 = vector.broadcast %add3A_159 : i32 to vector<128x128xi32>
    %lt3A_161 = arith.cmpi slt, %get3A_155, %lt3A_160 : vector<128x128xi32>
    %jit3A_162 = arith.constant 0.000000e+00 : f32
    %broadcast_in_dim3A_163 = vector.broadcast %jit3A_162 : f32 to vector<128x128xf32>
    %select_n3A_164 = arith.select %lt3A_161, %sub3A_152, %broadcast_in_dim3A_163 : vector<128x128xi1>, vector<128x128xf32>
    %slice3A_165 = vector.extract_strided_slice %get3A_3 {offsets = [0, 192], sizes = [128, 32], strides = [1, 1]} : vector<128x256xf32> to vector<128x32xf32>
    %convert_element_type3A_166 = arith.truncf %slice3A_165 : vector<128x32xf32> to vector<128x32xbf16>
    %dot_general3A_167 = arith.constant dense<0.000000e+00> : vector<128x128xf32>
    %dot_general3A_168 = tpu.matmul %convert_element_type3A_166, %convert_element_type3A_166, %dot_general3A_167 {dimension_numbers = #tpu.dot_dimension_numbers<[1], [1], [0], [0], [0, 0, 1, 0], [], []>, transpose_lhs_hint = false} : vector<128x32xbf16>, vector<128x32xbf16>, vector<128x128xf32> -> vector<128x128xf32>
    %mul3A_169 = arith.mulf %slice3A_165, %slice3A_165 : vector<128x32xf32>
    %dot_general3A_170 = arith.constant dense<0.000000e+00> : vector<128x1xf32>
    %dot_general3A_171 = tpu.matmul %mul3A_169, %broadcast_in_dim3A_4, %dot_general3A_170 {dimension_numbers = #tpu.dot_dimension_numbers<[1], [1], [0], [0], [0, 0, 1, 0], [], []>, transpose_lhs_hint = false} : vector<128x32xf32>, vector<1x32xf32>, vector<128x1xf32> -> vector<128x1xf32>
    %dot_general3A_172 = arith.constant dense<0.000000e+00> : vector<1x128xf32>
    %dot_general3A_173 = tpu.matmul %broadcast_in_dim3A_4, %mul3A_169, %dot_general3A_172 {dimension_numbers = #tpu.dot_dimension_numbers<[1], [1], [0], [0], [0, 0, 1, 0], [], []>, transpose_lhs_hint = false} : vector<1x32xf32>, vector<128x32xf32>, vector<1x128xf32> -> vector<1x128xf32>
    %add3A_174 = vector.broadcast %dot_general3A_171 : vector<128x1xf32> to vector<128x128xf32>
    %add3A_175 = vector.broadcast %dot_general3A_173 : vector<1x128xf32> to vector<128x128xf32>
    %add3A_176 = arith.addf %add3A_174, %add3A_175 : vector<128x128xf32>
    %mul3A_177 = arith.constant 2.000000e+00 : f32
    %mul3A_178 = vector.broadcast %mul3A_177 : f32 to vector<128x128xf32>
    %mul3A_179 = arith.mulf %mul3A_178, %dot_general3A_168 : vector<128x128xf32>
    %sub3A_180 = arith.subf %add3A_176, %mul3A_179 : vector<128x128xf32>
    %get3A_181 = arith.constant 0 : index
    %get3A_182 = arith.constant 0 : index
    %get3A_183 = vector.load %arg2[%get3A_181, %get3A_182] : memref<128x128xi32, #tpu.memory_space<vmem>>, vector<128x128xi32>
    %mul3A_184 = arith.constant 256 : i32
    %mul3A_185 = arith.muli %arg0, %mul3A_184 : i32
    %add3A_186 = arith.constant 192 : i32
    %add3A_187 = arith.addi %mul3A_185, %add3A_186 : i32
    %lt3A_188 = vector.broadcast %add3A_187 : i32 to vector<128x128xi32>
    %lt3A_189 = arith.cmpi slt, %get3A_183, %lt3A_188 : vector<128x128xi32>
    %jit3A_190 = arith.constant 0.000000e+00 : f32
    %broadcast_in_dim3A_191 = vector.broadcast %jit3A_190 : f32 to vector<128x128xf32>
    %select_n3A_192 = arith.select %lt3A_189, %sub3A_180, %broadcast_in_dim3A_191 : vector<128x128xi1>, vector<128x128xf32>
    %slice3A_193 = vector.extract_strided_slice %get3A_3 {offsets = [0, 224], sizes = [128, 32], strides = [1, 1]} : vector<128x256xf32> to vector<128x32xf32>
    %convert_element_type3A_194 = arith.truncf %slice3A_193 : vector<128x32xf32> to vector<128x32xbf16>
    %dot_general3A_195 = arith.constant dense<0.000000e+00> : vector<128x128xf32>
    %dot_general3A_196 = tpu.matmul %convert_element_type3A_194, %convert_element_type3A_194, %dot_general3A_195 {dimension_numbers = #tpu.dot_dimension_numbers<[1], [1], [0], [0], [0, 0, 1, 0], [], []>, transpose_lhs_hint = false} : vector<128x32xbf16>, vector<128x32xbf16>, vector<128x128xf32> -> vector<128x128xf32>
    %mul3A_197 = arith.mulf %slice3A_193, %slice3A_193 : vector<128x32xf32>
    %dot_general3A_198 = arith.constant dense<0.000000e+00> : vector<128x1xf32>
    %dot_general3A_199 = tpu.matmul %mul3A_197, %broadcast_in_dim3A_4, %dot_general3A_198 {dimension_numbers = #tpu.dot_dimension_numbers<[1], [1], [0], [0], [0, 0, 1, 0], [], []>, transpose_lhs_hint = false} : vector<128x32xf32>, vector<1x32xf32>, vector<128x1xf32> -> vector<128x1xf32>
    %dot_general3A_200 = arith.constant dense<0.000000e+00> : vector<1x128xf32>
    %dot_general3A_201 = tpu.matmul %broadcast_in_dim3A_4, %mul3A_197, %dot_general3A_200 {dimension_numbers = #tpu.dot_dimension_numbers<[1], [1], [0], [0], [0, 0, 1, 0], [], []>, transpose_lhs_hint = false} : vector<1x32xf32>, vector<128x32xf32>, vector<1x128xf32> -> vector<1x128xf32>
    %add3A_202 = vector.broadcast %dot_general3A_199 : vector<128x1xf32> to vector<128x128xf32>
    %add3A_203 = vector.broadcast %dot_general3A_201 : vector<1x128xf32> to vector<128x128xf32>
    %add3A_204 = arith.addf %add3A_202, %add3A_203 : vector<128x128xf32>
    %mul3A_205 = arith.constant 2.000000e+00 : f32
    %mul3A_206 = vector.broadcast %mul3A_205 : f32 to vector<128x128xf32>
    %mul3A_207 = arith.mulf %mul3A_206, %dot_general3A_196 : vector<128x128xf32>
    %sub3A_208 = arith.subf %add3A_204, %mul3A_207 : vector<128x128xf32>
    %get3A_209 = arith.constant 0 : index
    %get3A_210 = arith.constant 0 : index
    %get3A_211 = vector.load %arg2[%get3A_209, %get3A_210] : memref<128x128xi32, #tpu.memory_space<vmem>>, vector<128x128xi32>
    %mul3A_212 = arith.constant 256 : i32
    %mul3A_213 = arith.muli %arg0, %mul3A_212 : i32
    %add3A_214 = arith.constant 224 : i32
    %add3A_215 = arith.addi %mul3A_213, %add3A_214 : i32
    %lt3A_216 = vector.broadcast %add3A_215 : i32 to vector<128x128xi32>
    %lt3A_217 = arith.cmpi slt, %get3A_211, %lt3A_216 : vector<128x128xi32>
    %jit3A_218 = arith.constant 0.000000e+00 : f32
    %broadcast_in_dim3A_219 = vector.broadcast %jit3A_218 : f32 to vector<128x128xf32>
    %select_n3A_220 = arith.select %lt3A_217, %sub3A_208, %broadcast_in_dim3A_219 : vector<128x128xi1>, vector<128x128xf32>
    %add3A_221 = arith.addf %select_n3A, %select_n3A_52 : vector<128x128xf32>
    %add3A_222 = arith.addf %add3A_221, %select_n3A_80 : vector<128x128xf32>
    %add3A_223 = arith.addf %add3A_222, %select_n3A_108 : vector<128x128xf32>
    %add3A_224 = arith.addf %add3A_223, %select_n3A_136 : vector<128x128xf32>
    %add3A_225 = arith.addf %add3A_224, %select_n3A_164 : vector<128x128xf32>
    %add3A_226 = arith.addf %add3A_225, %select_n3A_192 : vector<128x128xf32>
    %add3A_227 = arith.addf %add3A_226, %select_n3A_220 : vector<128x128xf32>
    %get3A_228 = arith.constant 0 : index
    %get3A_229 = arith.constant 0 : index
    %get3A_230 = vector.load %arg4[%get3A_228, %get3A_229] : memref<128x128xf32, #tpu.memory_space<vmem>>, vector<128x128xf32>
    %add3A_231 = arith.addf %get3A_230, %add3A_227 : vector<128x128xf32>
    %swap3A = arith.constant 0 : index
    %swap3A_232 = arith.constant 0 : index
    %swap3A_233 = vector.load %arg4[%swap3A, %swap3A_232] : memref<128x128xf32, #tpu.memory_space<vmem>>, vector<128x128xf32>
    tpu.vector_store %arg4[%swap3A, %swap3A_232], %add3A_231 {strides = array<i32>} : memref<128x128xf32, #tpu.memory_space<vmem>>, vector<128x128xf32>,
    %eq3A_234 = arith.constant 7 : i32
    %eq3A_235 = arith.cmpi eq, %arg0, %eq3A_234 : i32
    %convert_element_type3A_236 = arith.extui %eq3A_235 : i1 to i32
    %cond3A_237 = arith.constant 0 : i32
    %cond3A_238 = arith.cmpi ne, %convert_element_type3A_236, %cond3A_237 : i32
    scf.if %cond3A_238 {
      %get3A_239 = arith.constant 0 : index
      %get3A_240 = arith.constant 0 : index
      %get3A_241 = vector.load %arg4[%get3A_239, %get3A_240] : memref<128x128xf32, #tpu.memory_space<vmem>>, vector<128x128xf32>
      %reduce_sum3A = vector.shape_cast %get3A_241 : vector<128x128xf32> to vector<1x128x128xf32>
      %reduce_sum3A_242 = arith.constant dense<0.000000e+00> : vector<1xf32>
      %reduce_sum3A_243 = vector.multi_reduction <add>, %reduce_sum3A, %reduce_sum3A_242 [1, 2] : vector<1x128x128xf32> to vector<1xf32>
      %reduce_sum3A_244 = vector.shape_cast %reduce_sum3A_243 : vector<1xf32> to vector<1x1x1xf32>
      %reduce_sum3A_245 = vector.extract %reduce_sum3A_244[0, 0, 0] : f32 from vector<1x1x1xf32>
      %swap3A_246 = arith.constant 0 : index
      %swap3A_247 = arith.constant 0 : index
      %swap3A_248 = memref.load %arg3[%swap3A_246, %swap3A_247] : memref<1x1xf32, #tpu.memory_space<smem>>
      memref.store %reduce_sum3A_245, %arg3[%swap3A_246, %swap3A_247] : memref<1x1xf32, #tpu.memory_space<smem>>
    } else {
    }
    return
  }
  func.func @transform_0(%arg0: i32) -> (i32, i32) {
    %c0_i32 = arith.constant 0 : i32
    %c0_i32_0 = arith.constant 0 : i32
    return %c0_i32, %arg0 : i32, i32
  }
  func.func @transform_1(%arg0: i32) -> (i32, i32) {
    %c0_i32 = arith.constant 0 : i32
    %c0_i32_0 = arith.constant 0 : i32
    %c0_i32_1 = arith.constant 0 : i32
    return %c0_i32, %c0_i32_0 : i32, i32
  }
  func.func @transform_2(%arg0: i32) -> (i32, i32) {
    %c0_i32 = arith.constant 0 : i32
    %c0_i32_0 = arith.constant 0 : i32
    %c0_i32_1 = arith.constant 0 : i32
    return %c0_i32, %c0_i32_0 : i32, i32
  }
}

module attributes {stable_mosaic.version = 14 : i64} {
  func.func @_prod_kernel(%arg0: memref<128x1xf32, #tpu.memory_space<vmem>>, %arg1: memref<1x128xf32, #tpu.memory_space<vmem>>, %arg2: memref<128x2048xf32, #tpu.memory_space<vmem>>, %arg3: memref<128x2048xf32, #tpu.memory_space<vmem>>, %arg4: memref<128x128xi32, #tpu.memory_space<vmem>>) attributes {dimension_semantics = [], scalar_prefetch = 0 : i64, scratch_operands = 0 : i64, tpu.core_type = #tpu.core_type<tc>} {
    %get3A = arith.constant 0 : index
    %get3A_0 = arith.constant 0 : index
    %get3A_1 = vector.load %arg0[%get3A, %get3A_0] : memref<128x1xf32, #tpu.memory_space<vmem>>, vector<128x1xf32>
    %get3A_2 = arith.constant 0 : index
    %get3A_3 = arith.constant 0 : index
    %get3A_4 = vector.load %arg1[%get3A_2, %get3A_3] : memref<1x128xf32, #tpu.memory_space<vmem>>, vector<1x128xf32>
    %sub3A = vector.broadcast %get3A_1 : vector<128x1xf32> to vector<128x128xf32>
    %sub3A_5 = vector.broadcast %get3A_4 : vector<1x128xf32> to vector<128x128xf32>
    %sub3A_6 = arith.subf %sub3A, %sub3A_5 : vector<128x128xf32>
    %abs3A = math.absf %sub3A_6 : vector<128x128xf32>
    %add3A = arith.constant 1.000000e+00 : f32
    %add3A_7 = vector.broadcast %add3A : f32 to vector<128x128xf32>
    %add3A_8 = arith.addf %abs3A, %add3A_7 : vector<128x128xf32>
    %log3A = math.log %add3A_8 : vector<128x128xf32>
    %log3A_9 = arith.constant 2.000000e+00 : f32
    %log3A_10 = math.log %log3A_9 : f32
    %div3A = vector.broadcast %log3A_10 : f32 to vector<128x128xf32>
    %div3A_11 = arith.divf %log3A, %div3A : vector<128x128xf32>
    %mul3A = arith.constant 1.280000e+02 : f32
    %mul3A_12 = vector.broadcast %mul3A : f32 to vector<128x128xf32>
    %mul3A_13 = arith.mulf %div3A_11, %mul3A_12 : vector<128x128xf32>
    %ceil3A = math.ceil %mul3A_13 : vector<128x128xf32>
    %jit3A = arith.constant 0.000000e+00 : f32
    %jit3A_14 = arith.constant 2.048000e+03 : f32
    %max3A = vector.broadcast %jit3A : f32 to vector<128x128xf32>
    %max3A_15 = arith.maximumf %max3A, %ceil3A : vector<128x128xf32>
    %min3A = vector.broadcast %jit3A_14 : f32 to vector<128x128xf32>
    %min3A_16 = arith.minimumf %min3A, %max3A_15 : vector<128x128xf32>
    %convert_element_type3A = arith.fptosi %min3A_16 : vector<128x128xf32> to vector<128x128xi32>
    %swap3A = arith.constant 0 : index
    %swap3A_17 = arith.constant 0 : index
    %swap3A_18 = vector.load %arg4[%swap3A, %swap3A_17] : memref<128x128xi32, #tpu.memory_space<vmem>>, vector<128x128xi32>
    tpu.vector_store %arg4[%swap3A, %swap3A_17], %convert_element_type3A {strides = array<i32>} : memref<128x128xi32, #tpu.memory_space<vmem>>, vector<128x128xi32>,
    %iota3A = tpu.iota {dimensions = array<i32: 1>} : vector<1x2048xi32>
    %convert_element_type3A_19 = arith.sitofp %iota3A : vector<1x2048xi32> to vector<1x2048xf32>
    %add3A_20 = arith.constant 1.000000e+00 : f32
    %add3A_21 = vector.broadcast %add3A_20 : f32 to vector<1x2048xf32>
    %add3A_22 = arith.addf %convert_element_type3A_19, %add3A_21 : vector<1x2048xf32>
    %div3A_23 = arith.constant 1.280000e+02 : f32
    %div3A_24 = vector.broadcast %div3A_23 : f32 to vector<1x2048xf32>
    %div3A_25 = arith.divf %add3A_22, %div3A_24 : vector<1x2048xf32>
    %exp23A = math.exp2 %div3A_25 : vector<1x2048xf32>
    %div3A_26 = arith.constant 1.280000e+02 : f32
    %div3A_27 = vector.broadcast %div3A_26 : f32 to vector<1x2048xf32>
    %div3A_28 = arith.divf %convert_element_type3A_19, %div3A_27 : vector<1x2048xf32>
    %exp23A_29 = math.exp2 %div3A_28 : vector<1x2048xf32>
    %sub3A_30 = arith.subf %exp23A, %exp23A_29 : vector<1x2048xf32>
    %div3A_31 = arith.constant 2.048000e+03 : f32
    %div3A_32 = arith.constant 1.280000e+02 : f32
    %div3A_33 = arith.divf %div3A_31, %div3A_32 : f32
    %exp23A_34 = math.exp2 %div3A_33 : f32
    %sub3A_35 = arith.constant 2.048000e+03 : f32
    %sub3A_36 = arith.constant 1.000000e+00 : f32
    %sub3A_37 = arith.subf %sub3A_35, %sub3A_36 : f32
    %div3A_38 = arith.constant 1.280000e+02 : f32
    %div3A_39 = arith.divf %sub3A_37, %div3A_38 : f32
    %exp23A_40 = math.exp2 %div3A_39 : f32
    %sub3A_41 = arith.subf %exp23A_34, %exp23A_40 : f32
    %get3A_42 = arith.constant 0 : index
    %get3A_43 = arith.constant 0 : index
    %get3A_44 = vector.load %arg2[%get3A_42, %get3A_43] : memref<128x2048xf32, #tpu.memory_space<vmem>>, vector<128x2048xf32>
    %div3A_45 = vector.broadcast %sub3A_41 : f32 to vector<1x2048xf32>
    %div3A_46 = arith.divf %div3A_45, %sub3A_30 : vector<1x2048xf32>
    %sqrt3A = math.sqrt %div3A_46 : vector<1x2048xf32>
    %mul3A_47 = vector.broadcast %sqrt3A : vector<1x2048xf32> to vector<128x2048xf32>
    %mul3A_48 = arith.mulf %get3A_44, %mul3A_47 : vector<128x2048xf32>
    %swap3A_49 = arith.constant 0 : index
    %swap3A_50 = arith.constant 0 : index
    %swap3A_51 = vector.load %arg3[%swap3A_49, %swap3A_50] : memref<128x2048xf32, #tpu.memory_space<vmem>>, vector<128x2048xf32>
    tpu.vector_store %arg3[%swap3A_49, %swap3A_50], %mul3A_48 {strides = array<i32>} : memref<128x2048xf32, #tpu.memory_space<vmem>>, vector<128x2048xf32>,
    return
  }
}

</mosaic_0001>

<sc_bundles>
// kernel: kernel.5.cloned.1.call-start
scs
__scs_entry_jumppad:
0x0: {  	(pc) =	sbr.rel $0x88, $3  }
0x1: {  	(tag) =	ssettag $0x0;
	lr =	simm.s32 $0x1  }
0x2: {  	[smem:$0x3F9F] =	sst lr;
	_ =	strace $0xD0000000  }
0x3: {  	_ = 	snop  }
0x4: {  	_ = 	snop  }
0x5: {  	_ = 	snop  }
0x6: {  	_ = 	snop  }
0x7: {  	_ = 	snop  }
__scs_overlays_trampoline_lowered:
0x8: {  	[smem:$0x3FAE] =	sst s0  }
0x9: {  	[smem:$0x3FAF] =	sst s1  }
0xa: {  	[smem:$0x3FB0] =	sst s2  }
0xb: {  	[smem:$0x3FB1] =	sst s3  }
0xc: {  	[smem:$0x3FB2] =	sst s4  }
0xd: {  	[smem:$0x3FB3] =	sst s5  }
0xe: {  	[smem:$0x3FB4] =	sst s6  }
0xf: {  	[smem:$0x3FB5] =	sst s7  }
0x10: {  	[smem:$0x3FB6] =	sst s8  }
0x11: {  	[smem:$0x3FB7] =	sst s9;
	s0 =	simm.s32 @!p0 $0x0  }
0x12: {  	s1 =	sld [smem:$0x3F9D];
	s0 =	simm.s32 @p0 $0x1  }
0x13: {  	[smem:$0x3FB8] =	sst s0;
	s0 =	simm.s32 @!p1 $0x0  }
0x14: {  	s2 =	sld [smem:$0x3F9C];
	s0 =	simm.s32 @p1 $0x1  }
0x15: {  	[smem:$0x3FB9] =	sst s0;
	s0 =	simm.s32 @!p2 $0x0  }
0x16: {  	s3 =	sld [smem:$0x3FDB];
	s0 =	simm.s32 @p2 $0x1  }
0x17: {  	s4 =	simm.s32 $0x1BF5;
	[smem:$0x3FBB] =	sst s0  }
0x18: {  	s0 =	sld [smem:$0x3F9E];
	_ =	swait.ge [sflag:s4], $0x0  }
0x19: {  	s7 =	sld [smem:$0x3F9F]  }
0x1a: {  	s8 =	sadd.s32 $0xFFFFE003, lr  }
0x1b: {  	s9 =	sadd.s32 $0xFFFFFEF7, lr;
	s5 =	simm.s32 $0xFFFFFFFF;
	p2 =	slt.u32 s8, $0xFFFFF086  }
0x1c: {  	p1 =	slt.u32 s9, $0xF7A;
	s5 =	simm.s32 @!p2 $0x0  }
0x1d: {  	s5 =	simm.s32 @p1 $0x1;
	p0 =	seq.s32 s7, s2  }
0x1e: {  	s7 =	smul.u32 @!p0 $0xF7A, s2;
	p2 =	seq.s32 @!p0 s5, $0x0  }
0x1f: {  	s9 =	smul.u32 $0xF7A, s1;
	s8 =	simm.s32 @!p0 $0x1BF5;
	p2 =	por !p2, p0  }
0x20: {  	[sflag:s8] =	ssyncset.s32 @!p0 $0xFFFFF086;
	s6 =	sadd.s32 @!p0 s3, s7;
	s7 =	simm.s32 @!p0 $0x108  }
0x21: {  	s3 =	sadd.s32 s3, s9;
	s6 =	sadd.s32 @!p0 $0x88, s6;
	s7 =	simm.s32 @p2 $0x1082  }
0x22: {  	[simem:s7], [sflag:s8] =	dma.local @!p0 [hbm:s6], $0xF7A  }
0x23: {  	s9 =	sor.u32 $0xD0000000, s2;
	s6 =	simm.s32 $0x108;
	_ =	swait.ge @!p0 [sflag:s8], $0x0  }
0x24: {  	s3 =	sadd.s32 $0x88, s3;
	s6 =	simm.s32 @!p1 $0x1082;
	[sflag:s4] =	ssyncset.s32 $0xFFFFF086  }
0x25: {  	[simem:s6], [sflag:s4] =	dma.local [hbm:s3], $0xF7A  }
0x26: {  	[smem:$0x3F9F] =	sst s1;
	(tag) =	ssettag s2;
	_ =	strace s9  }
0x27: {  	s1 =	sld [smem:$0x3FAF]  }
0x28: {  	s2 =	sld [smem:$0x3FB0]  }
0x29: {  	s4 =	sld [smem:$0x3FB2]  }
0x2a: {  	p0 =	seq.s32 s5, $0x0;
	s5 =	sld [smem:$0x3FB3]  }
0x2b: {  	s6 =	sld [smem:$0x3FB4]  }
0x2c: {  	s7 =	sld [smem:$0x3FB5]  }
0x2d: {  	s3 =	simm.s32 $0x108;
	s8 =	sld [smem:$0x3FB6]  }
0x2e: {  	s3 =	simm.s32 @!p0 $0x1082;
	s9 =	sld [smem:$0x3FB7]  }
0x2f: {  	lr =	sadd.s32 s0, s3;
	s0 =	sld [smem:$0x3FAE]  }
0x30: {  	s3 =	sld [smem:$0x3FB1]  }
0x31: {  	[smem:$0x3FBA] =	sst s10  }
0x32: {  	s10 =	sld [smem:$0x3FB8];
	_ =	sdelay $0x3  }
0x33: {  	p0 =	seq.s32 s10, $0x1;
	s10 =	sld [smem:$0x3FBA];
	_ =	sdelay $0x3  }
0x34: {  	[smem:$0x3FBA] =	sst s10  }
0x35: {  	s10 =	sld [smem:$0x3FB9];
	_ =	sdelay $0x3  }
0x36: {  	p1 =	seq.s32 s10, $0x1;
	s10 =	sld [smem:$0x3FBA];
	_ =	sdelay $0x3  }
0x37: {  	[smem:$0x3FBA] =	sst s10  }
0x38: {  	s10 =	sld [smem:$0x3FBB]  }
0x39: {  	_ = 	snop;
	(pc) =	sbr.ind lr, $3  }
0x3a: {  	_ = 	snop  }
0x3b: {  	_ = 	snop  }
0x3c: {  	p2 =	seq.s32 s10, $0x1;
	s10 =	sld [smem:$0x3FBA]  }
0x3d: {  	_ =	shalt  }
0x3e: {  	_ =	shalt  }
0x3f: {  	_ =	shalt  }
0x40: {  	_ =	shalt  }
0x41: {  	_ =	shalt  }
0x42: {  	_ =	shalt  }
0x43: {  	_ =	shalt  }
0x44: {  	_ =	shalt  }
0x45: {  	_ =	shalt  }
0x46: {  	_ =	shalt  }
0x47: {  	_ =	shalt  }
0x48: {  	_ =	shalt  }
0x49: {  	_ =	shalt  }
0x4a: {  	_ =	shalt  }
0x4b: {  	_ =	shalt  }
0x4c: {  	_ =	shalt  }
0x4d: {  	_ =	shalt  }
0x4e: {  	_ =	shalt  }
0x4f: {  	_ =	shalt  }
0x50: {  	_ =	shalt  }
0x51: {  	_ =	shalt  }
0x52: {  	_ =	shalt  }
0x53: {  	_ =	shalt  }
0x54: {  	_ =	shalt  }
0x55: {  	_ =	shalt  }
0x56: {  	_ =	shalt  }
0x57: {  	_ =	shalt  }
0x58: {  	_ =	shalt  }
0x59: {  	_ =	shalt  }
0x5a: {  	_ =	shalt  }
0x5b: {  	_ =	shalt  }
0x5c: {  	_ =	shalt  }
0x5d: {  	_ =	shalt  }
0x5e: {  	_ =	shalt  }
0x5f: {  	_ =	shalt  }
0x60: {  	_ =	shalt  }
0x61: {  	_ =	shalt  }
0x62: {  	_ =	shalt  }
0x63: {  	_ =	shalt  }
0x64: {  	_ =	shalt  }
0x65: {  	_ =	shalt  }
0x66: {  	_ =	shalt  }
0x67: {  	_ =	shalt  }
0x68: {  	_ =	shalt  }
0x69: {  	_ =	shalt  }
0x6a: {  	_ =	shalt  }
0x6b: {  	_ =	shalt  }
0x6c: {  	_ =	shalt  }
0x6d: {  	_ =	shalt  }
0x6e: {  	_ =	shalt  }
0x6f: {  	_ =	shalt  }
0x70: {  	_ =	shalt  }
0x71: {  	_ =	shalt  }
0x72: {  	_ =	shalt  }
0x73: {  	_ =	shalt  }
0x74: {  	_ =	shalt  }
0x75: {  	_ =	shalt  }
0x76: {  	_ =	shalt  }
0x77: {  	_ =	shalt  }
0x78: {  	_ =	shalt  }
0x79: {  	_ =	shalt  }
0x7a: {  	_ =	shalt  }
0x7b: {  	_ =	shalt  }
0x7c: {  	_ =	shalt  }
0x7d: {  	_ =	shalt  }
0x7e: {  	_ =	shalt  }
0x7f: {  	_ =	shalt  }
0x80: {  	_ =	shalt  }
0x81: {  	_ =	shalt  }
0x82: {  	_ =	shalt  }
0x83: {  	_ =	shalt  }
0x84: {  	_ =	shalt  }
0x85: {  	_ =	shalt  }
0x86: {  	_ =	shalt  }
0x87: {  	_ =	shalt  }
.Lfunc_end0:
.L_simem_size_0:
called_computation_lowered:
.L_overlay_start_0:
0x88: {  	s2 =	sld [smem:$0x3FD9]  }
0x89: {  	s3 =	sld [smem:$0x3FFE];
	_ =	sdelay $0x1  }
0x8a: {  	s1 =	srdreg.scid  }
0x8b: {  	s0 =	sand.u32 $0x1, s1  }
0x8c: {  	s16 =	sshll.u32 s0, $0xA;
	s2 =	sadd.s32 s3, s2  }
0x8d: {  	s2 =	sadd.s32 s2, s16  }
0x8e: {  	[smem:$0x3FC6] =	sst s2  }
0x8f: {  	_ = 	snop  }
0x90: {  	(tm) =	ssettm $0x1  }
0x91: {  	s17 =	sld [smem:$0x3FFB];
	_ =	sdelay $0x3  }
0x92: {  	_ =	strace s17  }
0x93: {  	s2 =	sld [smem:$0x3FFC];
	_ =	sdelay $0x3  }
0x94: {  	_ =	strace s2  }
0x95: {  	s2 =	sld [smem:$0x3FFD];
	_ =	sdelay $0x3  }
0x96: {  	_ =	strace s2  }
0x97: {  	_ =	strace $0x8FFFFFFF  }
0x98: {  	s18 =	sld [smem:$0x3FDB];
	_ =	sdelay $0x1  }
0x99: {  	s19 =	simm.s32 $_scs_section_size  }
0x9a: {  	s4 =	simm.s32 $_size__tile_overlayer_lowered;
	s5 =	simm.s32 $_tile_overlayer_lowered  }
0x9b: {  	s22 =	simm.s32 $0x1BFF;
	s21 =	sshll.u32 s5, $0x1;
	s2 =	sadd.s32 s19, s18  }
0x9c: {  	s6 =	simm.s32 $0x0;
	s20 =	sshll.u32 s4, $0x1;
	s4 =	sadd.s32 s21, s2  }
0x9d: {  	[timem:s6], [sflag:s22] =	dma.local [hbm:s4], s20  }
0x9e: {  	_ =	swait.ge [sflag:s22], s20  }
0x9f: {  	s3 =	ssub.s32 $0x0, s20;
	[sflag:s22] =	ssyncset.done $0x0  }
0xa0: {  	[sflag:s22] =	ssyncadd.s32 s3;
	_ =	sdelay $0x1  }
0xa1: {  	s23 =	simm.s32 $0x1B8B  }
0xa2: {  	_ =	swait.ge [sflag:s23], $0x1  }
0xa3: {  	[sflag:s23] =	ssyncset.done $0x0  }
0xa4: {  	s25 =	simm.s32 $0x1B8E;
	s24 =	sld [smem:$0x3FFE];
	[sflag:s23] =	ssyncadd.s32 $0xFFFFFFFF  }
0xa5: {  	s26 =	simm.s32 $execute0_lowered;
	[smem:$0x3FD2] =	sst s25  }
0xa6: {  	s4 =	sshll.u32 s26, $0x1;
	_ =	strace $0x80000046;
	[dreg:$0x1] =	wrdreg $0xFFFFFFFF  }
0xa7: {  	s28 =	simm.s32 $_size_execute0_lowered;
	s2 =	sadd.s32 s2, s4;
	[dreg:$0x0] =	wrdreg $0x0  }
0xa8: {  	s4 =	sshll.u32 s28, $0x1;
	[dreg:$0x2] =	wrdreg s2  }
0xa9: {  	[dreg:$0x3] =	wrdreg s4  }
0xaa: {  	[dreg:$0x4] =	wrdreg $0xC0  }
0xab: {  	_ =	task [dreg:s6], $0x5FFFF  }
0xac: {  	[dreg:$0x1] =	wrdreg $0xFFFFFFFF  }
0xad: {  	[dreg:$0x0] =	wrdreg $0x60  }
0xae: {  	[dreg:$0x2] =	wrdreg s24  }
0xaf: {  	[dreg:$0x3] =	wrdreg $0x9  }
0xb0: {  	_ =	task.clear_ibuf [dreg:s6], $0x4FFFF;
	_ =	strace $0x90000046  }
0xb1: {  	s29 =	simm.s32 $0x9;
	_ =	strace $0x80000048  }
0xb2: {  	_ =	swait.ge [sflag:s29], $0x1  }
0xb3: {  	[sflag:s29] =	ssyncadd.s32 $0xFFFFFFFF  }
0xb4: {  	_ =	strace $0x90000048  }
0xb5: {  	_ =	sfence  }
0xb6: {  	s30 =	sld [smem:$0x0];
	_ =	sdelay $0x2  }
0xb7: {  	s31 =	sshll.u32 s1, $0xD;
	s1 =	sshrl.u32 s1, $0x2  }
0xb8: {  	s3 =	sand.u32 $0x4000, s31;
	s1 =	sadd.s32 s1, s30  }
0xb9: {  	s0 =	sor.u32 s3, s0;
	s1 =	sshll.u32 s1, $0x11  }
0xba: {  	s0 =	sor.u32 s1, s0  }
0xbb: {  	s0 =	sadd.s32 $0x8F2B, s0  }
0xbc: {  	[sflag:s0] =	ssyncadd.remote.s32 $0x1  }
0xbd: {  	_ =	sfence.sel $0xFFFF  }
0xbe: {  	[dreg:$0x0] =	wrdreg $0xFFFFFFFF;
	(pc) =	sbr.abs _section_cstart, $3  }
0xbf: {  	[dreg:$0x1] =	wrdreg $0xFFFFFFFF  }
0xc0: {  	_ =	task.clear_ibuf [dreg:s6], $0x2FFFF;
	_ =	strace $0x9FFFFFFF  }
0xc1: {  	(tm) =	ssettm $0x7FFFFFFF  }
tec
execute0_lowered:
.L_overlay_start_1:
0x0: {  	(tag) =	ssettag $0x1  }
0x1: {  	s0 =	rddreg [dreg:$0x0];
	s1 =	srdreg.scid  }
0x2: {  	s2 =	simm.s32 $0x0;
	s5 =	stileid.u32;
	s12 =	simm.s32 $0x3  }
0x3: {  	s14 =	simm.s32 $0x80;
	s15 =	simm.s32 $0x200;
	s16 =	simm.s32 $0x2400  }
0x4: {  	s18 =	simm.s32 $0x6400;
	s19 =	simm.s32 $0x1;
	s21 =	simm.s32 $0x2  }
0x5: {  	s22 =	simm.s32 $0x380;
	s23 =	simm.s32 $0xA400;
	s24 =	simm.s32 $0x0  }
0x6: {  	s1 =	sand.u32 $0x1, s1;
	[smem:$0x7FF] =	sst s2;
	s3 =	sadd.s32 $0x1400, s0  }
0x7: {  	s4 =	sshll.u32 s1, $0x4;
	_ =	strace $0x80000047;
	s1 =	ssub.s32 $0x2, s1  }
0x8: {  	s9 =	sor.u32 s5, s4;
	s5 =	sshll.u32 s5, $0x4;
	s6 =	sshrl.u32 s1, $0x1  }
0x9: {  	s4 =	sshll.u32 s9, $0x6;
	s5 =	sand.u32 $0x70, s5;
	s1 =	ssub.s32 s1, s6  }
.Ltmp0:
0xa: {  	s31 =	sshll.u32 s9, $0xA;
	s8 =	sshll.u32 s9, $0x4;
	(pc) =	sbr.rel .LBB2_1-.Ltmp0, $4  }
0xb: {  	s4 =	sadd.s32 s4, s0;
	s0 =	sadd.s32 s5, s0;
	s5 =	sshll.u32 s9, $0x2  }
0xc: {  	s6 =	sadd.s32 s3, s31;
	s10 =	sand.u32 $0x180, s8;
	s9 =	sshllo.u32 s9, $0x2  }
0xd: {  	v3 =	vlaneseq.u32;
	v1 =	vimm.f32 $0.0e+00;
	s11 =	smax.u32 s1, $0x1;
	s4 =	sadd.s32 $0xC00, s4;
	s0 =	sadd.s32 s10, s0  }
0xe: {  	v0 =	vmul.u32 $0x10, v3;
	v2 =	vadd.s32 $0x1, v3;
	v3 =	vadd.s32 $0x11, v3;
	s7 =	sor.u32 $0x1, s5;
	s8 =	sor.u32 $0x2, s5;
	s10 =	sadd.s32 $0x9400, s0  }
.LBB2_19:
0xf: {  	v4 =	vld [tilespmem:$0xA480]  }
0x10: {  	v5 =	vld [tilespmem:$0xA500];
	_ =	sdelay $0x1  }
0x11: {  	v6 =	vld [tilespmem:$0xA580];
	_ =	sdelay $0x1  }
0x12: {  	v7 =	vld [tilespmem:$0xA600]  }
0x13: {  	v4 =	vadd.f32 v5, v4;
	_ =	sdelay $0x1  }
0x14: {  	v4 =	vadd.f32 v6, v4;
	_ =	sdelay $0x1  }
0x15: {  	s24 =	sadd.s32 $0x1, s24;
	v4 =	vadd.f32 v7, v4  }
0x16: {  	p0 =	sne.s32 s24, s11  }
.Ltmp1:
0x17: {  	[tilespmem:$0xA400] =	vst v4;
	(pc) =	sbr.rel @!p0 .LBB2_20-.Ltmp1, $4  }
0x18: {  	[hbm4b:s10+s2] =	stream.linear.scatter [tilespmem:s23], [sflag:$0x3], $0x80, $0x38;
	[tilespmem:$0xA680] =	vst v63  }
0x19: {  	_ =	swait.ge [sflag:s12], $0x80  }
0x1a: {  	[sflag:s12] =	ssyncset.done $0x0  }
0x1b: {  	[sflag:s12] =	ssyncadd.s32 $0xFFFFFF80  }
.LBB2_1:
0x1c: {  	[tilespmem:s2], [sflag:$0x3] =	stream.linear.gather [hbm4b:s4+s2], $0x200, $0x38;
	[tilespmem:$0xA680] =	vst v63  }
0x1d: {  	_ =	swait.ge [sflag:s12], $0x200  }
0x1e: {  	[sflag:s12] =	ssyncset.done $0x0  }
0x1f: {  	s0 =	simm.s32 $0x400;
	[sflag:s12] =	ssyncadd.s32 $0xFFFFFE00  }
0x20: {  	[tilespmem:s0], [sflag:$0x3] =	stream.linear.gather [hbm4b:s6+s2], $0x2000, $0x38;
	[tilespmem:$0xA680] =	vst v63  }
0x21: {  	_ =	swait.ge [sflag:s12], $0x2000  }
0x22: {  	[sflag:s12] =	ssyncset.done $0x0  }
0x23: {  	[sflag:s12] =	ssyncadd.s32 $0xFFFFE000  }
0x24: {  	v4 =	vld [tilespmem:s2+$0x0];
	_ =	sdelay $0x1  }
0x25: {  	v5 =	vmov s2  }
0x26: {  	v5 =	vshll.u32 v5, $0x4  }
0x27: {  	v5 =	vor.u32 v0, v5  }
0x28: {  	v5 =	vand.u32 $0x7F0, v5;
	v4 =	vshrl.u32 v4, $0x7  }
0x29: {  	v4 =	vadd.s32 v5, v4  }
0x2a: {  	s1 =	simm.s32 $0x10;
	[tilespmem:s15+$0x0] =	vst v4  }
0x2b: {  	s25 =	simm.s32 $0x20;
	s26 =	simm.s32 $0x10;
	s0 =	simm.s32 $0x200;
	v4 =	vld [tilespmem:s1+$0x0]  }
.LBB2_2:
0x2c: {  	p0 =	sne.s32 s25, $0x1F0  }
0x2d: {  	v5 =	vmov s1;
	s1 =	smov.u32 s25  }
0x2e: {  	v5 =	vshll.u32 v5, $0x4  }
.Ltmp2:
0x2f: {  	v5 =	vor.u32 v0, v5;
	(pc) =	sbr.rel @p0 .LBB2_2-.Ltmp2, $4  }
0x30: {  	v5 =	vand.u32 $0x7F0, v5;
	v4 =	vshrl.u32 v4, $0x7  }
0x31: {  	s0 =	sadd.s32 $0x10, s0;
	v4 =	vadd.s32 v5, v4  }
0x32: {  	s26 =	sadd.s32 $0x10, s26;
	[tilespmem:s0+$0x0] =	vst v4  }
0x33: {  	s25 =	sadd.s32 $0x10, s25;
	v4 =	vld [tilespmem:s26+$0x0]  }
0x34: {  	_ = 	snop  }
0x35: {  	v5 =	vmov s1  }
0x36: {  	v5 =	vshll.u32 v5, $0x4  }
0x37: {  	v5 =	vor.u32 v0, v5  }
0x38: {  	v5 =	vand.u32 $0x7F0, v5;
	v4 =	vshrl.u32 v4, $0x7  }
0x39: {  	s0 =	sadd.s32 $0x10, s0;
	v4 =	vadd.s32 v5, v4  }
0x3a: {  	[tilespmem:s0+$0x0] =	vst v4  }
0x3b: {  	[tilespmem:$0xA480] =	vst v1  }
0x3c: {  	[tilespmem:$0xA500] =	vst v1  }
0x3d: {  	[tilespmem:$0xA580] =	vst v1  }
0x3e: {  	[tilespmem:$0xA600] =	vst v1  }
0x3f: {  	[tilespmem:s16], [sflag:$0x1] =	stream.indirect.gather [hbm4b:s3+s14], $0x80, s15, s14, $0xb8;
	[tilespmem:$0xA680] =	vst v63  }
.Ltmp3:
0x40: {  	s31 =	simm.s32 $0x280;
	(pc) =	sbr.rel .LBB2_4-.Ltmp3, $4  }
0x41: {  	[tilespmem:s18], [sflag:$0x2] =	stream.indirect.gather [hbm4b:s3+s14], $0x80, s31, s14, $0xb8;
	[tilespmem:$0xA680] =	vst v63  }
0x42: {  	_ =	swait.ge [sflag:s19], $0x4000  }
0x43: {  	s25 =	simm.s32 $0x0;
	[sflag:s19] =	ssyncset.done $0x0  }
0x44: {  	s26 =	simm.s32 $0x0;
	s28 =	simm.s32 $0x0;
	[sflag:s19] =	ssyncadd.s32 $0xFFFFC000  }
.LBB2_6:
0x45: {  	s28 =	sadd.s32 $0x2000, s28  }
0x46: {  	p0 =	sne.s32 s28, $0x10000  }
.Ltmp4:
0x47: {  	_ = 	snop;
	(pc) =	sbr.rel @!p0 .LBB2_7-.Ltmp4, $2  }
0x48: {  	_ =	sdelay $0x2  }
0x49: {  	s26 =	sadd.s32 $0x10, s26;
	s25 =	sadd.s32 $0x10, s25  }
.LBB2_4:
0x4a: {  	s0 =	sadd.s32 $0xF, s26  }
0x4b: {  	p0 =	sle.u32 s0, s5  }
.Ltmp5:
0x4c: {  	_ = 	snop;
	(pc) =	sbr.rel @p0 .LBB2_6-.Ltmp5, $1  }
0x4d: {  	_ =	sdelay $0x3  }
0x4e: {  	v4 =	vld [tilespmem:s25+$0x0];
	_ =	sdelay $0x4  }
0x4f: {  	(v2sf) =	vpush v4, $0x0;
	_ =	sdelay $0x3  }
0x50: {  	(v2sf) =	vpush v4, $0x1;
	_ =	sdelay $0x3  }
0x51: {  	(v2sf) =	vpush v4, $0x2;
	_ =	sdelay $0x3  }
0x52: {  	(v2sf) =	vpush v4, $0x3  }
0x53: {  	v5 =	vld [tilespmem:$0xA480]  }
0x54: {  	v6 =	vld [tilespmem:$0xA500]  }
0x55: {  	v7 =	vld [tilespmem:$0xA580];
	(v2sf) =	vpush v4, $0x4;
	s0 =	spop (v2sf)  }
0x56: {  	v8 =	vld [tilespmem:$0xA600];
	s30 =	sand.u32 $0xFFFFFFE0, s0  }
0x57: {  	s29 =	sshra.s32 s28, $0x2;
	s1 =	sand.u32 $0x60, s0;
	v9 =	vld [tilespmem:s30+$0x400]  }
0x58: {  	s1 =	sadd.s32 s29, s1;
	v11 =	vld [tilespmem:s30+$0x410]  }
0x59: {  	s30 =	spop (v2sf);
	v10 =	vld [tilespmem:s1+$0x2400]  }
0x5a: {  	(v2sf) =	vpush v4, $0x5;
	v12 =	vld [tilespmem:s1+$0x2410];
	s31 =	sand.u32 $0xFFFFFFE0, s30  }
0x5b: {  	s17 =	sand.u32 $0x60, s30;
	v13 =	vld [tilespmem:s31+$0x400]  }
0x5c: {  	s1 =	sadd.s32 s29, s17;
	v15 =	vld [tilespmem:s31+$0x410]  }
0x5d: {  	s31 =	spop (v2sf);
	v14 =	vld [tilespmem:s1+$0x2480]  }
0x5e: {  	p0 =	sgt.u32 s26, s5;
	s0 =	sand.u32 $0x1F, s0;
	(v2sf) =	vpush v4, $0x6;
	v16 =	vld [tilespmem:s1+$0x2490];
	s13 =	sand.u32 $0xFFFFFFE0, s31  }
0x5f: {  	s0 =	simm.s32 @!p0 $0x40;
	s20 =	sand.u32 $0x60, s31;
	v17 =	vld [tilespmem:s13+$0x400]  }
0x60: {  	p0 =	slt.u32 s26, s5;
	s30 =	sand.u32 $0x1F, s30;
	s1 =	sadd.s32 s29, s20;
	v18 =	vld [tilespmem:s13+$0x410]  }
0x61: {  	v19 =	vmov s0;
	s30 =	simm.s32 @p0 $0x40;
	s13 =	spop (v2sf);
	v55 =	vld [tilespmem:s1+$0x2500]  }
0x62: {  	vm0 =	vlt.u32 v19, v2;
	(v2sf) =	vpush v4, $0x7;
	v59 =	vmov s30;
	s31 =	sand.u32 $0x1F, s31;
	v20 =	vld [tilespmem:s1+$0x2510];
	s17 =	sand.u32 $0xFFFFFFE0, s13  }
0x63: {  	vm9 =	vlt.u32 v19, v3;
	(v2sf) =	vpush v4, $0x8;
	vm10 =	vlt.u32 v59, v2;
	s31 =	simm.s32 @p0 $0x40;
	s1 =	sand.u32 $0x60, s13;
	v56 =	vld [tilespmem:s17+$0x400]  }
0x64: {  	v24 =	vmov s31;
	v9 =	vsub.f32 v9, v10;
	v11 =	vsub.f32 v11, v12;
	s0 =	sadd.s32 s29, s1;
	v58 =	vld [tilespmem:s17+$0x410];
	s1 =	spop (v2sf)  }
0x65: {  	vm11 =	vlt.u32 v59, v3;
	(v2sf) =	vpush v4, $0x9;
	vm12 =	vlt.u32 v24, v2;
	v57 =	vld [tilespmem:s0+$0x2580];
	s20 =	sand.u32 $0x60, s1;
	s17 =	sand.u32 $0xFFFFFFE0, s1;
	s1 =	sand.u32 $0x1F, s1  }
0x66: {  	v21 =	vld [tilespmem:s0+$0x2590];
	v9 =	vmul.f32 v9, v9;
	v13 =	vsub.f32 v13, v14;
	v11 =	vmul.f32 v11, v11;
	s1 =	simm.s32 @p0 $0x40  }
0x67: {  	vm13 =	vlt.u32 v24, v3;
	v15 =	vsub.f32 v15, v16;
	v60 =	vld [tilespmem:s17+$0x400];
	v35 =	vmov s1  }
0x68: {  	s0 =	sadd.s32 s29, s20;
	v63 =	vld [tilespmem:s17+$0x410];
	s17 =	sadd.s32 $0x3, s26;
	v9 =	vnsel vm0, $0x0, v9;
	v13 =	vmul.f32 v13, v13;
	v11 =	vnsel vm9, $0x0, v11  }
0x69: {  	s13 =	sand.u32 $0x1F, s13;
	v62 =	vld [tilespmem:s0+$0x2600];
	p1 =	sgt.u32 s17, s5;
	v10 =	vsub.f32 v17, v55;
	v15 =	vmul.f32 v15, v15;
	v18 =	vsub.f32 v18, v20;
	s30 =	spop (v2sf)  }
0x6a: {  	v25 =	vld [tilespmem:s0+$0x2610];
	s13 =	simm.s32 @!p1 $0x40;
	vm4 =	vlt.u32 v35, v2;
	vm5 =	vlt.u32 v35, v3;
	v5 =	vadd.f32 v9, v5;
	s20 =	sand.u32 $0xFFFFFFE0, s30  }
0x6b: {  	v6 =	vadd.f32 v11, v6;
	v30 =	vmov s13;
	v61 =	vnsel vm10, $0x0, v13;
	s0 =	sand.u32 $0x60, s30;
	v26 =	vld [tilespmem:s20+$0x400]  }
0x6c: {  	v10 =	vmul.f32 v10, v10;
	v15 =	vnsel vm11, $0x0, v15;
	v12 =	vsub.f32 v56, v57;
	s0 =	sadd.s32 s29, s0;
	v29 =	vld [tilespmem:s20+$0x410]  }
0x6d: {  	v28 =	vmul.f32 v18, v18;
	v9 =	vsub.f32 v58, v21;
	vm14 =	vlt.u32 v30, v2;
	s17 =	spop (v2sf);
	v27 =	vld [tilespmem:s0+$0x2680]  }
0x6e: {  	vm15 =	vlt.u32 v30, v3;
	v7 =	vadd.f32 v61, v7;
	(v2sf) =	vpush v4, $0xA;
	v31 =	vld [tilespmem:s0+$0x2690];
	s31 =	sand.u32 $0xFFFFFFE0, s17  }
0x6f: {  	v8 =	vadd.f32 v15, v8;
	v10 =	vnsel vm12, $0x0, v10;
	v12 =	vmul.f32 v12, v12;
	s20 =	sand.u32 $0x60, s17;
	v32 =	vld [tilespmem:s31+$0x400]  }
0x70: {  	v15 =	vnsel vm13, $0x0, v28;
	v13 =	vsub.f32 v60, v62;
	v11 =	vsub.f32 v63, v25;
	s0 =	sadd.s32 s29, s20;
	v34 =	vld [tilespmem:s31+$0x410]  }
0x71: {  	v9 =	vmul.f32 v9, v9;
	v5 =	vadd.f32 v10, v5;
	v12 =	vnsel vm14, $0x0, v12;
	s31 =	spop (v2sf);
	v33 =	vld [tilespmem:s0+$0x2700]  }
0x72: {  	v13 =	vmul.f32 v13, v13;
	v11 =	vmul.f32 v11, v11;
	(v2sf) =	vpush v4, $0xB;
	v36 =	vld [tilespmem:s0+$0x2710];
	s1 =	sand.u32 $0xFFFFFFE0, s31  }
0x73: {  	v6 =	vadd.f32 v15, v6;
	v9 =	vnsel vm15, $0x0, v9;
	v7 =	vadd.f32 v12, v7;
	s13 =	sand.u32 $0x60, s31;
	v37 =	vld [tilespmem:s1+$0x400]  }
0x74: {  	v8 =	vadd.f32 v9, v8;
	v38 =	vnsel vm4, $0x0, v13;
	v11 =	vnsel vm5, $0x0, v11;
	s20 =	sadd.s32 $0x5, s26;
	s0 =	sadd.s32 s29, s13;
	v41 =	vld [tilespmem:s1+$0x410]  }
0x75: {  	v5 =	vadd.f32 v38, v5;
	v6 =	vadd.f32 v11, v6;
	p0 =	sgt.u32 s20, s5;
	s13 =	sand.u32 $0x1F, s30;
	s30 =	spop (v2sf);
	v40 =	vld [tilespmem:s0+$0x2780]  }
0x76: {  	(v2sf) =	vpush v4, $0xC;
	s13 =	simm.s32 @!p0 $0x40;
	v43 =	vld [tilespmem:s0+$0x2790];
	s1 =	sand.u32 $0xFFFFFFE0, s30;
	v39 =	vsub.f32 v26, v27  }
0x77: {  	s20 =	sand.u32 $0x60, s30;
	s0 =	spop (v2sf);
	(v2sf) =	vpush v4, $0xD;
	v42 =	vmov s13;
	v10 =	vsub.f32 v29, v31;
	s13 =	sadd.s32 $0x6, s26;
	v44 =	vld [tilespmem:s1+$0x400]  }
0x78: {  	s20 =	sadd.s32 s29, s20;
	v48 =	vld [tilespmem:s1+$0x410];
	(v2sf) =	vpush v4, $0xE;
	vm6 =	vlt.u32 v42, v2;
	p0 =	sgt.u32 s13, s5;
	s13 =	sand.u32 $0x1F, s17;
	v13 =	vmul.f32 v39, v39  }
0x79: {  	v47 =	vld [tilespmem:s20+$0x2800];
	vm7 =	vlt.u32 v42, v3;
	s17 =	sand.u32 $0x60, s0;
	v46 =	vsub.f32 v32, v33;
	v10 =	vmul.f32 v10, v10;
	s13 =	simm.s32 @!p0 $0x40  }
0x7a: {  	v50 =	vld [tilespmem:s20+$0x2810];
	s20 =	sadd.s32 $0x7, s26;
	v12 =	vsub.f32 v34, v36;
	s1 =	sadd.s32 s29, s17;
	v49 =	vmov s13;
	v45 =	vnsel vm6, $0x0, v13  }
0x7b: {  	p0 =	sgt.u32 s20, s5;
	s17 =	sand.u32 $0x1F, s31;
	v54 =	vld [tilespmem:s1+$0x2880];
	v13 =	vmul.f32 v46, v46;
	v10 =	vnsel vm7, $0x0, v10;
	vm8 =	vlt.u32 v49, v2  }
0x7c: {  	s13 =	sand.u32 $0xFFFFFFE0, s0;
	s17 =	simm.s32 @!p0 $0x40;
	v57 =	vld [tilespmem:s1+$0x2890];
	v53 =	vsub.f32 v37, v40;
	vm9 =	vlt.u32 v49, v3;
	v12 =	vmul.f32 v12, v12  }
0x7d: {  	v51 =	vld [tilespmem:s13+$0x400];
	v9 =	vsub.f32 v41, v43;
	v56 =	vmov s17;
	v7 =	vadd.f32 v45, v7;
	s31 =	spop (v2sf)  }
0x7e: {  	v55 =	vld [tilespmem:s13+$0x410];
	v8 =	vadd.f32 v10, v8;
	vm10 =	vlt.u32 v56, v2;
	vm11 =	vlt.u32 v56, v3;
	s13 =	sand.u32 $0xFFFFFFE0, s31  }
0x7f: {  	v52 =	vnsel vm8, $0x0, v13;
	v13 =	vmul.f32 v53, v53;
	v12 =	vnsel vm9, $0x0, v12;
	s17 =	sand.u32 $0x60, s31;
	v58 =	vld [tilespmem:s13+$0x400]  }
0x80: {  	v9 =	vmul.f32 v9, v9;
	v61 =	vsub.f32 v44, v47;
	v11 =	vsub.f32 v48, v50;
	s1 =	sadd.s32 s29, s17;
	v62 =	vld [tilespmem:s13+$0x410]  }
0x81: {  	s20 =	sadd.s32 $0x8, s26;
	v5 =	vadd.f32 v52, v5;
	v6 =	vadd.f32 v12, v6;
	v59 =	vnsel vm10, $0x0, v13;
	s17 =	sand.u32 $0x1F, s30;
	s30 =	spop (v2sf);
	v60 =	vld [tilespmem:s1+$0x2900]  }
0x82: {  	p0 =	sgt.u32 s20, s5;
	v9 =	vnsel vm11, $0x0, v9;
	v24 =	vmul.f32 v61, v61;
	(v2sf) =	vpush v4, $0xF;
	v63 =	vld [tilespmem:s1+$0x2910];
	s13 =	sand.u32 $0xFFFFFFE0, s30  }
0x83: {  	s20 =	sadd.s32 $0x9, s26;
	v11 =	vmul.f32 v11, v11;
	v14 =	vsub.f32 v51, v54;
	v27 =	vsub.f32 v55, v57;
	s17 =	simm.s32 @!p0 $0x40;
	s1 =	sand.u32 $0x60, s30;
	v25 =	vld [tilespmem:s13+$0x400]  }
0x84: {  	s0 =	sand.u32 $0x1F, s0;
	v7 =	vadd.f32 v59, v7;
	v4 =	vadd.f32 v9, v8;
	p0 =	sgt.u32 s20, s5;
	v23 =	vmov s17;
	s1 =	sadd.s32 s29, s1;
	v28 =	vld [tilespmem:s13+$0x410]  }
0x85: {  	v14 =	vmul.f32 v14, v14;
	v8 =	vmul.f32 v27, v27;
	s17 =	spop (v2sf);
	s0 =	simm.s32 @!p0 $0x40;
	vm12 =	vlt.u32 v23, v2;
	v26 =	vld [tilespmem:s1+$0x2980]  }
0x86: {  	s20 =	sadd.s32 $0xA, s26;
	vm13 =	vlt.u32 v23, v3;
	v29 =	vmov s0;
	v30 =	vld [tilespmem:s1+$0x2990];
	s1 =	sand.u32 $0xFFFFFFE0, s17;
	v9 =	vnsel vm12, $0x0, v24  }
0x87: {  	p0 =	sgt.u32 s20, s5;
	s13 =	sand.u32 $0x60, s17;
	s20 =	spop (v2sf);
	v11 =	vnsel vm13, $0x0, v11;
	vm14 =	vlt.u32 v29, v2;
	v31 =	vld [tilespmem:s1+$0x400];
	vm15 =	vlt.u32 v29, v3  }
0x88: {  	s0 =	sadd.s32 s29, s13;
	s13 =	sand.u32 $0x1F, s31;
	v34 =	vld [tilespmem:s1+$0x410];
	s31 =	sadd.s32 $0xB, s26;
	v5 =	vadd.f32 v9, v5;
	v14 =	vnsel vm14, $0x0, v14;
	v6 =	vadd.f32 v11, v6  }
0x89: {  	s1 =	sand.u32 $0x1F, s30;
	v32 =	vld [tilespmem:s0+$0x2A00];
	v8 =	vnsel vm15, $0x0, v8;
	s13 =	simm.s32 @!p0 $0x40;
	p1 =	sgt.u32 s31, s5;
	v10 =	vsub.f32 v58, v60;
	v33 =	vsub.f32 v62, v63  }
0x8a: {  	v36 =	vld [tilespmem:s0+$0x2A10];
	s0 =	sand.u32 $0xFFFFFFE0, s20;
	v7 =	vadd.f32 v14, v7;
	v35 =	vmov s13;
	v4 =	vadd.f32 v8, v4;
	s1 =	simm.s32 @!p1 $0x40  }
0x8b: {  	s31 =	sand.u32 $0x60, s20;
	s13 =	sadd.s32 $0xC, s26;
	v38 =	vld [tilespmem:s0+$0x400];
	vm4 =	vlt.u32 v35, v2;
	vm5 =	vlt.u32 v35, v3;
	v42 =	vmov s1  }
0x8c: {  	s17 =	sand.u32 $0x1F, s17;
	v39 =	vld [tilespmem:s0+$0x410];
	p0 =	sgt.u32 s13, s5;
	s13 =	sadd.s32 s29, s31;
	v10 =	vmul.f32 v10, v10;
	v37 =	vmul.f32 v33, v33;
	v12 =	vsub.f32 v25, v26  }
0x8d: {  	s0 =	spop (v2sf);
	v40 =	vsub.f32 v28, v30;
	v41 =	vld [tilespmem:s13+$0x2A80];
	s17 =	simm.s32 @!p0 $0x40;
	vm6 =	vlt.u32 v42, v2;
	vm7 =	vlt.u32 v42, v3  }
0x8e: {  	s30 =	sadd.s32 $0xD, s26;
	s31 =	sand.u32 $0xFFFFFFE0, s0;
	v43 =	vld [tilespmem:s13+$0x2A90];
	v44 =	vmov s17;
	v10 =	vnsel vm4, $0x0, v10;
	v8 =	vnsel vm5, $0x0, v37  }
0x8f: {  	s13 =	sand.u32 $0x60, s0;
	v45 =	vld [tilespmem:s31+$0x400];
	p0 =	sgt.u32 s30, s5;
	s17 =	sand.u32 $0x1F, s20;
	v12 =	vmul.f32 v12, v12;
	v46 =	vsub.f32 v31, v32;
	v48 =	vsub.f32 v34, v36  }
0x90: {  	v49 =	vld [tilespmem:s31+$0x410];
	s30 =	sadd.s32 $0xE, s26;
	s1 =	sadd.s32 s29, s13;
	s17 =	simm.s32 @!p0 $0x40;
	vm8 =	vlt.u32 v44, v2;
	vm9 =	vlt.u32 v44, v3;
	v5 =	vadd.f32 v10, v5  }
0x91: {  	s0 =	sand.u32 $0x1F, s0;
	v47 =	vld [tilespmem:s1+$0x2B00];
	p0 =	sgt.u32 s30, s5;
	v6 =	vadd.f32 v8, v6;
	v10 =	vmul.f32 v40, v40;
	v50 =	vmov s17;
	s31 =	spop (v2sf)  }
0x92: {  	v51 =	vld [tilespmem:s1+$0x2B10];
	s0 =	simm.s32 @!p0 $0x40;
	v12 =	vnsel vm6, $0x0, v12;
	v8 =	vmul.f32 v46, v46;
	vm10 =	vlt.u32 v50, v2;
	s20 =	sand.u32 $0xFFFFFFE0, s31  }
0x93: {  	vm11 =	vlt.u32 v50, v3;
	v59 =	vmov s0;
	v10 =	vnsel vm7, $0x0, v10;
	s17 =	sand.u32 $0x60, s31;
	v52 =	vld [tilespmem:s20+$0x400]  }
0x94: {  	v7 =	vadd.f32 v12, v7;
	v12 =	vmul.f32 v48, v48;
	v11 =	vsub.f32 v38, v41;
	s1 =	sadd.s32 s29, s17;
	v55 =	vld [tilespmem:s20+$0x410]  }
0x95: {  	v14 =	vsub.f32 v39, v43;
	vm12 =	vlt.u32 v59, v2;
	v8 =	vnsel vm8, $0x0, v8;
	v53 =	vld [tilespmem:s1+$0x2B80]  }
0x96: {  	v4 =	vadd.f32 v10, v4;
	v12 =	vnsel vm9, $0x0, v12;
	v5 =	vadd.f32 v8, v5;
	v57 =	vld [tilespmem:s1+$0x2B90]  }
0x97: {  	v54 =	vmul.f32 v11, v11;
	v56 =	vmul.f32 v14, v14;
	v9 =	vsub.f32 v45, v47  }
0x98: {  	vm13 =	vlt.u32 v59, v3;
	v58 =	vsub.f32 v49, v51;
	v6 =	vadd.f32 v12, v6  }
0x99: {  	s31 =	sand.u32 $0x1F, s31;
	v8 =	vnsel vm10, $0x0, v54;
	v10 =	vnsel vm11, $0x0, v56;
	v9 =	vmul.f32 v9, v9  }
0x9a: {  	v61 =	vmov s31;
	v7 =	vadd.f32 v8, v7;
	v60 =	vsub.f32 v52, v53  }
0x9b: {  	v4 =	vadd.f32 v10, v4;
	v8 =	vmul.f32 v58, v58;
	v11 =	vsub.f32 v55, v57  }
0x9c: {  	vm14 =	vlt.u32 v61, v2;
	v9 =	vnsel vm12, $0x0, v9;
	v12 =	vmul.f32 v60, v60  }
0x9d: {  	v8 =	vnsel vm13, $0x0, v8;
	v5 =	vadd.f32 v9, v5;
	v62 =	vmul.f32 v11, v11  }
.Ltmp6:
0x9e: {  	vm15 =	vlt.u32 v61, v3;
	v6 =	vadd.f32 v8, v6;
	v63 =	vnsel vm14, $0x0, v12;
	(pc) =	sbr.rel .LBB2_6-.Ltmp6, $4  }
0x9f: {  	[tilespmem:$0xA480] =	vst v5;
	v9 =	vnsel vm15, $0x0, v62;
	v7 =	vadd.f32 v63, v7  }
0xa0: {  	[tilespmem:$0xA500] =	vst v6;
	v4 =	vadd.f32 v9, v4  }
0xa1: {  	[tilespmem:$0xA580] =	vst v7  }
0xa2: {  	[tilespmem:$0xA600] =	vst v4  }
.LBB2_7:
.Ltmp7:
0xa3: {  	s25 =	simm.s32 $0x80;
	s0 =	simm.s32 $0x300;
	(pc) =	sbr.rel .LBB2_8-.Ltmp7, $4  }
0xa4: {  	[tilespmem:s16], [sflag:$0x1] =	stream.indirect.gather [hbm4b:s3+s25], $0x80, s0, s25, $0xb8;
	[tilespmem:$0xA680] =	vst v63  }
0xa5: {  	_ =	swait.ge [sflag:s21], $0x4000  }
0xa6: {  	[sflag:s21] =	ssyncset.done $0x0  }
0xa7: {  	s26 =	simm.s32 $0x0;
	s28 =	simm.s32 $0x0;
	[sflag:s21] =	ssyncadd.s32 $0xFFFFC000  }
.LBB2_10:
0xa8: {  	s28 =	sadd.s32 $0x2000, s28  }
0xa9: {  	p0 =	sne.s32 s28, $0x10000  }
.Ltmp8:
0xaa: {  	_ = 	snop;
	(pc) =	sbr.rel @!p0 .LBB2_11-.Ltmp8, $2  }
0xab: {  	_ =	sdelay $0x2  }
0xac: {  	s26 =	sadd.s32 $0x10, s26;
	s25 =	sadd.s32 $0x10, s25  }
.LBB2_8:
0xad: {  	s0 =	sadd.s32 $0xF, s26  }
0xae: {  	p0 =	sle.u32 s0, s7  }
.Ltmp9:
0xaf: {  	_ = 	snop;
	(pc) =	sbr.rel @p0 .LBB2_10-.Ltmp9, $1  }
0xb0: {  	_ =	sdelay $0x3  }
0xb1: {  	v4 =	vld [tilespmem:s25+$0x0];
	_ =	sdelay $0x4  }
0xb2: {  	(v2sf) =	vpush v4, $0x0;
	_ =	sdelay $0x3  }
0xb3: {  	(v2sf) =	vpush v4, $0x1;
	_ =	sdelay $0x3  }
0xb4: {  	(v2sf) =	vpush v4, $0x2;
	_ =	sdelay $0x3  }
0xb5: {  	(v2sf) =	vpush v4, $0x3  }
0xb6: {  	v5 =	vld [tilespmem:$0xA480]  }
0xb7: {  	v6 =	vld [tilespmem:$0xA500]  }
0xb8: {  	v7 =	vld [tilespmem:$0xA580];
	s0 =	spop (v2sf)  }
0xb9: {  	v8 =	vld [tilespmem:$0xA600];
	(v2sf) =	vpush v4, $0x4;
	s13 =	sand.u32 $0xFFFFFFE0, s0  }
0xba: {  	s29 =	sshra.s32 s28, $0x2;
	s1 =	sand.u32 $0x60, s0;
	v9 =	vld [tilespmem:s13+$0xC00]  }
0xbb: {  	(v2sf) =	vpush v4, $0x5;
	s1 =	sadd.s32 s29, s1;
	v11 =	vld [tilespmem:s13+$0xC10]  }
0xbc: {  	s13 =	spop (v2sf);
	v10 =	vld [tilespmem:s1+$0x6400]  }
0xbd: {  	v12 =	vld [tilespmem:s1+$0x6410];
	s17 =	sand.u32 $0xFFFFFFE0, s13  }
0xbe: {  	s30 =	sand.u32 $0x60, s13;
	v13 =	vld [tilespmem:s17+$0xC00]  }
0xbf: {  	s1 =	sadd.s32 s29, s30;
	v15 =	vld [tilespmem:s17+$0xC10]  }
0xc0: {  	s17 =	spop (v2sf);
	v14 =	vld [tilespmem:s1+$0x6480]  }
0xc1: {  	v16 =	vld [tilespmem:s1+$0x6490];
	s20 =	sand.u32 $0xFFFFFFE0, s17  }
0xc2: {  	(v2sf) =	vpush v4, $0x6;
	s31 =	sand.u32 $0x60, s17;
	v17 =	vld [tilespmem:s20+$0xC00]  }
0xc3: {  	p0 =	sgt.u32 s26, s7;
	s0 =	sand.u32 $0x1F, s0;
	s1 =	sadd.s32 s29, s31;
	v18 =	vld [tilespmem:s20+$0xC10]  }
0xc4: {  	s0 =	simm.s32 @!p0 $0x40;
	s20 =	spop (v2sf);
	v55 =	vld [tilespmem:s1+$0x6500]  }
0xc5: {  	p0 =	sgt.u32 s26, s5;
	v19 =	vmov s0;
	s13 =	sand.u32 $0x1F, s13;
	v20 =	vld [tilespmem:s1+$0x6510];
	s31 =	sand.u32 $0xFFFFFFE0, s20  }
0xc6: {  	vm0 =	vlt.u32 v19, v2;
	vm9 =	vlt.u32 v19, v3;
	s13 =	simm.s32 @!p0 $0x40;
	(v2sf) =	vpush v4, $0x7;
	s30 =	sand.u32 $0x60, s20;
	v56 =	vld [tilespmem:s31+$0xC00]  }
0xc7: {  	v59 =	vmov s13;
	v9 =	vsub.f32 v9, v10;
	v11 =	vsub.f32 v11, v12;
	s30 =	sadd.s32 s29, s30;
	v58 =	vld [tilespmem:s31+$0xC10];
	s31 =	sadd.s32 $0x2, s26  }
0xc8: {  	s17 =	sand.u32 $0x1F, s17;
	vm10 =	vlt.u32 v59, v2;
	vm11 =	vlt.u32 v59, v3;
	s0 =	spop (v2sf);
	(v2sf) =	vpush v4, $0x8;
	v57 =	vld [tilespmem:s30+$0x6580];
	p0 =	sgt.u32 s31, s7  }
0xc9: {  	s13 =	sand.u32 $0xFFFFFFE0, s0;
	v21 =	vld [tilespmem:s30+$0x6590];
	v9 =	vmul.f32 v9, v9;
	v13 =	vsub.f32 v13, v14;
	v11 =	vmul.f32 v11, v11;
	s17 =	simm.s32 @!p0 $0x40  }
0xca: {  	s1 =	sand.u32 $0x60, s0;
	v60 =	vld [tilespmem:s13+$0xC00];
	s30 =	spop (v2sf);
	(v2sf) =	vpush v4, $0x9;
	v15 =	vsub.f32 v15, v16;
	v24 =	vmov s17  }
0xcb: {  	s1 =	sadd.s32 s29, s1;
	v63 =	vld [tilespmem:s13+$0xC10];
	v9 =	vnsel vm0, $0x0, v9;
	v13 =	vmul.f32 v13, v13;
	v11 =	vnsel vm9, $0x0, v11  }
0xcc: {  	v62 =	vld [tilespmem:s1+$0x6600];
	v10 =	vsub.f32 v17, v55;
	v15 =	vmul.f32 v15, v15;
	v18 =	vsub.f32 v18, v20  }
0xcd: {  	s31 =	sadd.s32 $0x3, s26;
	v25 =	vld [tilespmem:s1+$0x6610];
	s13 =	sand.u32 $0xFFFFFFE0, s30;
	s17 =	sand.u32 $0x60, s30;
	vm12 =	vlt.u32 v24, v2;
	vm13 =	vlt.u32 v24, v3;
	v5 =	vadd.f32 v9, v5  }
0xce: {  	p0 =	sgt.u32 s31, s7;
	s1 =	sadd.s32 s29, s17;
	s17 =	sand.u32 $0x1F, s20;
	v6 =	vadd.f32 v11, v6;
	v61 =	vnsel vm10, $0x0, v13;
	v10 =	vmul.f32 v10, v10  }
0xcf: {  	v26 =	vld [tilespmem:s13+$0xC00];
	s17 =	simm.s32 @!p0 $0x40;
	v15 =	vnsel vm11, $0x0, v15;
	v12 =	vsub.f32 v56, v57;
	v28 =	vmul.f32 v18, v18  }
0xd0: {  	v29 =	vld [tilespmem:s13+$0xC10];
	v30 =	vmov s17;
	v9 =	vsub.f32 v58, v21;
	v7 =	vadd.f32 v61, v7  }
0xd1: {  	v31 =	vld [tilespmem:s1+$0x6690];
	v8 =	vadd.f32 v15, v8;
	vm14 =	vlt.u32 v30, v2;
	v13 =	vsub.f32 v60, v62;
	s31 =	spop (v2sf)  }
0xd2: {  	v27 =	vld [tilespmem:s1+$0x6680];
	vm15 =	vlt.u32 v30, v3;
	v11 =	vsub.f32 v63, v25;
	(v2sf) =	vpush v4, $0xA;
	s13 =	sand.u32 $0xFFFFFFE0, s31  }
0xd3: {  	v10 =	vnsel vm12, $0x0, v10;
	v12 =	vmul.f32 v12, v12;
	v15 =	vnsel vm13, $0x0, v28;
	s17 =	sand.u32 $0x60, s31;
	v32 =	vld [tilespmem:s13+$0xC00]  }
0xd4: {  	s20 =	sadd.s32 $0x4, s26;
	v9 =	vmul.f32 v9, v9;
	v5 =	vadd.f32 v10, v5;
	v6 =	vadd.f32 v15, v6;
	s1 =	sadd.s32 s29, s17;
	v34 =	vld [tilespmem:s13+$0xC10]  }
0xd5: {  	p0 =	sgt.u32 s20, s7;
	v13 =	vmul.f32 v13, v13;
	v11 =	vmul.f32 v11, v11;
	v12 =	vnsel vm14, $0x0, v12;
	s17 =	sand.u32 $0x1F, s0;
	s0 =	spop (v2sf);
	v33 =	vld [tilespmem:s1+$0x6700]  }
0xd6: {  	v9 =	vnsel vm15, $0x0, v9;
	v10 =	vsub.f32 v29, v31;
	(v2sf) =	vpush v4, $0xB;
	s17 =	simm.s32 @!p0 $0x40;
	v36 =	vld [tilespmem:s1+$0x6710];
	s13 =	sand.u32 $0xFFFFFFE0, s0  }
0xd7: {  	s20 =	sadd.s32 $0x5, s26;
	v39 =	vsub.f32 v26, v27;
	v7 =	vadd.f32 v12, v7;
	v35 =	vmov s17;
	s17 =	sand.u32 $0x60, s0;
	v37 =	vld [tilespmem:s13+$0xC00]  }
0xd8: {  	v8 =	vadd.f32 v9, v8;
	v10 =	vmul.f32 v10, v10;
	p0 =	sgt.u32 s20, s7;
	v41 =	vld [tilespmem:s13+$0xC10];
	vm4 =	vlt.u32 v35, v2;
	s1 =	sadd.s32 s29, s17;
	s17 =	sand.u32 $0x1F, s30  }
0xd9: {  	vm5 =	vlt.u32 v35, v3;
	s30 =	spop (v2sf);
	(v2sf) =	vpush v4, $0xC;
	v38 =	vnsel vm4, $0x0, v13;
	v40 =	vld [tilespmem:s1+$0x6780];
	s17 =	simm.s32 @!p0 $0x40  }
0xda: {  	s20 =	sadd.s32 $0x6, s26;
	v13 =	vmul.f32 v39, v39;
	v43 =	vld [tilespmem:s1+$0x6790];
	s13 =	sand.u32 $0xFFFFFFE0, s30;
	v11 =	vnsel vm5, $0x0, v11;
	v42 =	vmov s17  }
0xdb: {  	p0 =	sgt.u32 s20, s7;
	v5 =	vadd.f32 v38, v5;
	s17 =	sand.u32 $0x60, s30;
	v44 =	vld [tilespmem:s13+$0xC00];
	v6 =	vadd.f32 v11, v6;
	vm6 =	vlt.u32 v42, v2  }
0xdc: {  	v48 =	vld [tilespmem:s13+$0xC10];
	s1 =	sadd.s32 s29, s17;
	s17 =	sand.u32 $0x1F, s31;
	v46 =	vsub.f32 v32, v33;
	vm7 =	vlt.u32 v42, v3;
	s31 =	spop (v2sf);
	(v2sf) =	vpush v4, $0xD  }
0xdd: {  	v12 =	vsub.f32 v34, v36;
	v45 =	vnsel vm6, $0x0, v13;
	v47 =	vld [tilespmem:s1+$0x6800];
	s17 =	simm.s32 @!p0 $0x40;
	v10 =	vnsel vm7, $0x0, v10  }
0xde: {  	v50 =	vld [tilespmem:s1+$0x6810];
	s13 =	sand.u32 $0xFFFFFFE0, s31;
	(v2sf) =	vpush v4, $0xE;
	v7 =	vadd.f32 v45, v7;
	v49 =	vmov s17  }
0xdf: {  	s20 =	sadd.s32 $0x7, s26;
	v13 =	vmul.f32 v46, v46;
	s17 =	sand.u32 $0x60, s31;
	v51 =	vld [tilespmem:s13+$0xC00];
	v8 =	vadd.f32 v10, v8;
	v12 =	vmul.f32 v12, v12  }
0xe0: {  	p0 =	sgt.u32 s20, s7;
	v55 =	vld [tilespmem:s13+$0xC10];
	(v2sf) =	vpush v4, $0xF;
	vm8 =	vlt.u32 v49, v2;
	s1 =	sadd.s32 s29, s17;
	s17 =	sand.u32 $0x1F, s0;
	v53 =	vsub.f32 v37, v40  }
0xe1: {  	vm9 =	vlt.u32 v49, v3;
	v9 =	vsub.f32 v41, v43;
	v52 =	vnsel vm8, $0x0, v13;
	v54 =	vld [tilespmem:s1+$0x6880];
	s17 =	simm.s32 @!p0 $0x40;
	s0 =	spop (v2sf)  }
0xe2: {  	v57 =	vld [tilespmem:s1+$0x6890];
	v12 =	vnsel vm9, $0x0, v12;
	v56 =	vmov s17;
	v13 =	vmul.f32 v53, v53;
	s13 =	sand.u32 $0xFFFFFFE0, s0  }
0xe3: {  	v5 =	vadd.f32 v52, v5;
	v6 =	vadd.f32 v12, v6;
	v9 =	vmul.f32 v9, v9;
	s17 =	sand.u32 $0x60, s0;
	v58 =	vld [tilespmem:s13+$0xC00]  }
0xe4: {  	vm10 =	vlt.u32 v56, v2;
	vm11 =	vlt.u32 v56, v3;
	v61 =	vsub.f32 v44, v47;
	s1 =	sadd.s32 s29, s17;
	v62 =	vld [tilespmem:s13+$0xC10]  }
0xe5: {  	s20 =	sadd.s32 $0x8, s26;
	v11 =	vsub.f32 v48, v50;
	v59 =	vnsel vm10, $0x0, v13;
	v9 =	vnsel vm11, $0x0, v9;
	s13 =	spop (v2sf);
	v60 =	vld [tilespmem:s1+$0x6900]  }
0xe6: {  	p0 =	sgt.u32 s20, s7;
	v7 =	vadd.f32 v59, v7;
	v4 =	vadd.f32 v9, v8;
	s17 =	sand.u32 $0x1F, s30;
	v63 =	vld [tilespmem:s1+$0x6910];
	s20 =	sand.u32 $0xFFFFFFE0, s13  }
0xe7: {  	s30 =	sadd.s32 $0x9, s26;
	v14 =	vsub.f32 v51, v54;
	v27 =	vsub.f32 v55, v57;
	s17 =	simm.s32 @!p0 $0x40;
	s1 =	sand.u32 $0x60, s13;
	v25 =	vld [tilespmem:s20+$0xC00]  }
0xe8: {  	v24 =	vmul.f32 v61, v61;
	v11 =	vmul.f32 v11, v11;
	p0 =	sgt.u32 s30, s7;
	v23 =	vmov s17;
	s1 =	sadd.s32 s29, s1;
	s17 =	sand.u32 $0x1F, s31;
	v28 =	vld [tilespmem:s20+$0xC10]  }
0xe9: {  	v14 =	vmul.f32 v14, v14;
	v8 =	vmul.f32 v27, v27;
	s20 =	sadd.s32 $0xA, s26;
	vm12 =	vlt.u32 v23, v2;
	v26 =	vld [tilespmem:s1+$0x6980];
	s30 =	spop (v2sf);
	s17 =	simm.s32 @!p0 $0x40  }
0xea: {  	s0 =	sand.u32 $0x1F, s0;
	vm13 =	vlt.u32 v23, v3;
	v30 =	vld [tilespmem:s1+$0x6990];
	p0 =	sgt.u32 s20, s7;
	v9 =	vnsel vm12, $0x0, v24;
	v29 =	vmov s17;
	s1 =	sand.u32 $0xFFFFFFE0, s30  }
0xeb: {  	v11 =	vnsel vm13, $0x0, v11;
	s31 =	sand.u32 $0x60, s30;
	s0 =	simm.s32 @!p0 $0x40;
	v5 =	vadd.f32 v9, v5;
	vm14 =	vlt.u32 v29, v2;
	v31 =	vld [tilespmem:s1+$0xC00]  }
0xec: {  	s20 =	sadd.s32 $0xB, s26;
	vm15 =	vlt.u32 v29, v3;
	s31 =	sadd.s32 s29, s31;
	v32 =	vld [tilespmem:s1+$0xC10];
	v6 =	vadd.f32 v11, v6;
	v35 =	vmov s0  }
0xed: {  	p0 =	sgt.u32 s20, s7;
	s0 =	sand.u32 $0x1F, s13;
	v14 =	vnsel vm14, $0x0, v14;
	v10 =	vsub.f32 v58, v60;
	s1 =	spop (v2sf);
	v8 =	vnsel vm15, $0x0, v8;
	v34 =	vld [tilespmem:s31+$0x6A00]  }
0xee: {  	v33 =	vsub.f32 v62, v63;
	v36 =	vld [tilespmem:s31+$0x6A10];
	vm4 =	vlt.u32 v35, v2;
	vm5 =	vlt.u32 v35, v3;
	s0 =	simm.s32 @!p0 $0x40;
	s31 =	sand.u32 $0xFFFFFFE0, s1  }
0xef: {  	v7 =	vadd.f32 v14, v7;
	v4 =	vadd.f32 v8, v4;
	s20 =	sand.u32 $0x60, s1;
	v42 =	vmov s0;
	v38 =	vld [tilespmem:s31+$0xC00]  }
0xf0: {  	s17 =	spop (v2sf);
	v10 =	vmul.f32 v10, v10;
	v37 =	vmul.f32 v33, v33;
	v12 =	vsub.f32 v25, v26;
	v39 =	vld [tilespmem:s31+$0xC10];
	s13 =	sadd.s32 s29, s20  }
0xf1: {  	s1 =	sand.u32 $0x1F, s1;
	s31 =	sadd.s32 $0xC, s26;
	v40 =	vsub.f32 v28, v30;
	s20 =	sand.u32 $0x1F, s30;
	vm6 =	vlt.u32 v42, v2;
	vm7 =	vlt.u32 v42, v3;
	v41 =	vld [tilespmem:s13+$0x6A80]  }
0xf2: {  	s30 =	sadd.s32 $0xD, s26;
	p0 =	sgt.u32 s31, s7;
	v43 =	vld [tilespmem:s13+$0x6A90];
	s31 =	sand.u32 $0xFFFFFFE0, s17;
	v10 =	vnsel vm4, $0x0, v10;
	v8 =	vnsel vm5, $0x0, v37;
	v12 =	vmul.f32 v12, v12  }
0xf3: {  	s13 =	sand.u32 $0x60, s17;
	s20 =	simm.s32 @!p0 $0x40;
	v45 =	vld [tilespmem:s31+$0xC00];
	p0 =	sgt.u32 s30, s7;
	v5 =	vadd.f32 v10, v5;
	v6 =	vadd.f32 v8, v6;
	v10 =	vmul.f32 v40, v40  }
0xf4: {  	s0 =	sadd.s32 s29, s13;
	v49 =	vld [tilespmem:s31+$0xC10];
	v44 =	vmov s20;
	v46 =	vsub.f32 v31, v34;
	v48 =	vsub.f32 v32, v36;
	s1 =	simm.s32 @!p0 $0x40  }
0xf5: {  	s31 =	spop (v2sf);
	v47 =	vld [tilespmem:s0+$0x6B00];
	v12 =	vnsel vm6, $0x0, v12;
	v50 =	vmov s1;
	vm8 =	vlt.u32 v44, v2  }
0xf6: {  	v51 =	vld [tilespmem:s0+$0x6B10];
	s20 =	sand.u32 $0xFFFFFFE0, s31;
	vm9 =	vlt.u32 v44, v3;
	v10 =	vnsel vm7, $0x0, v10;
	v7 =	vadd.f32 v12, v7  }
0xf7: {  	s1 =	sand.u32 $0x60, s31;
	v52 =	vld [tilespmem:s20+$0xC00];
	s31 =	sand.u32 $0x1F, s31;
	v8 =	vmul.f32 v46, v46;
	v12 =	vmul.f32 v48, v48;
	vm10 =	vlt.u32 v50, v2  }
0xf8: {  	v55 =	vld [tilespmem:s20+$0xC10];
	s0 =	sadd.s32 s29, s1;
	vm11 =	vlt.u32 v50, v3;
	v61 =	vmov s31;
	v4 =	vadd.f32 v10, v4  }
0xf9: {  	s30 =	sadd.s32 $0xE, s26;
	v11 =	vsub.f32 v38, v41;
	v14 =	vsub.f32 v39, v43;
	v53 =	vld [tilespmem:s0+$0x6B80];
	vm14 =	vlt.u32 v61, v2  }
0xfa: {  	p0 =	sgt.u32 s30, s7;
	v57 =	vld [tilespmem:s0+$0x6B90];
	s0 =	sand.u32 $0x1F, s17;
	vm15 =	vlt.u32 v61, v3;
	v8 =	vnsel vm8, $0x0, v8;
	v12 =	vnsel vm9, $0x0, v12  }
0xfb: {  	s0 =	simm.s32 @!p0 $0x40;
	v5 =	vadd.f32 v8, v5;
	v54 =	vmul.f32 v11, v11;
	v6 =	vadd.f32 v12, v6  }
0xfc: {  	v56 =	vmul.f32 v14, v14;
	v9 =	vsub.f32 v45, v47;
	v59 =	vmov s0  }
0xfd: {  	v58 =	vsub.f32 v49, v51;
	vm12 =	vlt.u32 v59, v2;
	vm13 =	vlt.u32 v59, v3  }
0xfe: {  	v8 =	vnsel vm10, $0x0, v54;
	v9 =	vmul.f32 v9, v9;
	v60 =	vsub.f32 v52, v53  }
0xff: {  	v7 =	vadd.f32 v8, v7;
	v8 =	vmul.f32 v58, v58;
	v11 =	vsub.f32 v55, v57  }
0x100: {  	v10 =	vnsel vm11, $0x0, v56;
	v9 =	vnsel vm12, $0x0, v9;
	v12 =	vmul.f32 v60, v60  }
0x101: {  	v8 =	vnsel vm13, $0x0, v8;
	v5 =	vadd.f32 v9, v5;
	v62 =	vmul.f32 v11, v11  }
.Ltmp10:
0x102: {  	v4 =	vadd.f32 v10, v4;
	v6 =	vadd.f32 v8, v6;
	v63 =	vnsel vm14, $0x0, v12;
	(pc) =	sbr.rel .LBB2_10-.Ltmp10, $4  }
0x103: {  	v9 =	vnsel vm15, $0x0, v62;
	[tilespmem:$0xA480] =	vst v5;
	v7 =	vadd.f32 v63, v7  }
0x104: {  	v4 =	vadd.f32 v9, v4;
	[tilespmem:$0xA500] =	vst v6  }
0x105: {  	[tilespmem:$0xA580] =	vst v7  }
0x106: {  	[tilespmem:$0xA600] =	vst v4  }
.LBB2_11:
.Ltmp11:
0x107: {  	(pc) =	sbr.rel .LBB2_12-.Ltmp11, $4  }
0x108: {  	[tilespmem:s18], [sflag:$0x2] =	stream.indirect.gather [hbm4b:s3+s14], $0x80, s22, s14, $0xb8;
	[tilespmem:$0xA680] =	vst v63  }
0x109: {  	_ =	swait.ge [sflag:s19], $0x4000  }
0x10a: {  	s25 =	simm.s32 $0x0;
	[sflag:s19] =	ssyncset.done $0x0  }
0x10b: {  	s26 =	simm.s32 $0x100;
	s28 =	simm.s32 $0x0;
	[sflag:s19] =	ssyncadd.s32 $0xFFFFC000  }
.LBB2_14:
0x10c: {  	s28 =	sadd.s32 $0x2000, s28  }
0x10d: {  	p0 =	sne.s32 s28, $0x10000  }
.Ltmp12:
0x10e: {  	_ = 	snop;
	(pc) =	sbr.rel @!p0 .LBB2_15-.Ltmp12, $2  }
0x10f: {  	_ =	sdelay $0x2  }
0x110: {  	s25 =	sadd.s32 $0x10, s25;
	s26 =	sadd.s32 $0x10, s26  }
.LBB2_12:
0x111: {  	s0 =	sadd.s32 $0xF, s25  }
0x112: {  	p0 =	sle.u32 s0, s8  }
.Ltmp13:
0x113: {  	_ = 	snop;
	(pc) =	sbr.rel @p0 .LBB2_14-.Ltmp13, $1  }
0x114: {  	_ =	sdelay $0x3  }
0x115: {  	v4 =	vld [tilespmem:s26+$0x0];
	_ =	sdelay $0x4  }
0x116: {  	(v2sf) =	vpush v4, $0x0;
	_ =	sdelay $0x3  }
0x117: {  	(v2sf) =	vpush v4, $0x1;
	_ =	sdelay $0x3  }
0x118: {  	(v2sf) =	vpush v4, $0x2;
	_ =	sdelay $0x3  }
0x119: {  	(v2sf) =	vpush v4, $0x3  }
0x11a: {  	v5 =	vld [tilespmem:$0xA480]  }
0x11b: {  	v6 =	vld [tilespmem:$0xA500]  }
0x11c: {  	v7 =	vld [tilespmem:$0xA580];
	s0 =	spop (v2sf)  }
0x11d: {  	v8 =	vld [tilespmem:$0xA600];
	(v2sf) =	vpush v4, $0x4;
	s13 =	sand.u32 $0xFFFFFFE0, s0  }
0x11e: {  	s29 =	sshra.s32 s28, $0x2;
	s1 =	sand.u32 $0x60, s0;
	v9 =	vld [tilespmem:s13+$0x1400]  }
0x11f: {  	s1 =	sadd.s32 s29, s1;
	v11 =	vld [tilespmem:s13+$0x1410]  }
0x120: {  	s13 =	spop (v2sf);
	v10 =	vld [tilespmem:s1+$0x2400]  }
0x121: {  	(v2sf) =	vpush v4, $0x5;
	v12 =	vld [tilespmem:s1+$0x2410];
	s17 =	sand.u32 $0xFFFFFFE0, s13  }
0x122: {  	s30 =	sand.u32 $0x60, s13;
	v13 =	vld [tilespmem:s17+$0x1400]  }
0x123: {  	s1 =	sadd.s32 s29, s30;
	v15 =	vld [tilespmem:s17+$0x1410]  }
0x124: {  	s17 =	spop (v2sf);
	v14 =	vld [tilespmem:s1+$0x2480]  }
0x125: {  	(v2sf) =	vpush v4, $0x6;
	v16 =	vld [tilespmem:s1+$0x2490];
	s20 =	sand.u32 $0xFFFFFFE0, s17  }
0x126: {  	s31 =	sand.u32 $0x60, s17;
	v17 =	vld [tilespmem:s20+$0x1400]  }
0x127: {  	p0 =	sgt.u32 s25, s8;
	s0 =	sand.u32 $0x1F, s0;
	s1 =	sadd.s32 s29, s31;
	v18 =	vld [tilespmem:s20+$0x1410]  }
0x128: {  	s0 =	simm.s32 @!p0 $0x40;
	s20 =	spop (v2sf);
	v55 =	vld [tilespmem:s1+$0x2500]  }
0x129: {  	p0 =	sgt.u32 s25, s5;
	s13 =	sand.u32 $0x1F, s13;
	(v2sf) =	vpush v4, $0x7;
	v20 =	vld [tilespmem:s1+$0x2510];
	s31 =	sand.u32 $0xFFFFFFE0, s20  }
0x12a: {  	v19 =	vmov s0;
	s13 =	simm.s32 @!p0 $0x40;
	(v2sf) =	vpush v4, $0x8;
	s30 =	sand.u32 $0x60, s20;
	v56 =	vld [tilespmem:s31+$0x1400]  }
0x12b: {  	vm0 =	vlt.u32 v19, v2;
	v59 =	vmov s13;
	s17 =	sand.u32 $0x1F, s17;
	v9 =	vsub.f32 v9, v10;
	s0 =	sadd.s32 s29, s30;
	v58 =	vld [tilespmem:s31+$0x1410]  }
0x12c: {  	vm9 =	vlt.u32 v19, v3;
	vm10 =	vlt.u32 v59, v2;
	s17 =	simm.s32 @!p0 $0x40;
	v11 =	vsub.f32 v11, v12;
	v57 =	vld [tilespmem:s0+$0x2580];
	s1 =	spop (v2sf)  }
0x12d: {  	vm11 =	vlt.u32 v59, v3;
	v24 =	vmov s17;
	v21 =	vld [tilespmem:s0+$0x2590];
	v9 =	vmul.f32 v9, v9;
	s31 =	sand.u32 $0xFFFFFFE0, s1  }
0x12e: {  	vm12 =	vlt.u32 v24, v2;
	v13 =	vsub.f32 v13, v14;
	v11 =	vmul.f32 v11, v11;
	s30 =	sand.u32 $0x60, s1;
	v60 =	vld [tilespmem:s31+$0x1400]  }
0x12f: {  	vm13 =	vlt.u32 v24, v3;
	v15 =	vsub.f32 v15, v16;
	v9 =	vnsel vm0, $0x0, v9;
	s30 =	sadd.s32 s29, s30;
	v63 =	vld [tilespmem:s31+$0x1410]  }
0x130: {  	v13 =	vmul.f32 v13, v13;
	v11 =	vnsel vm9, $0x0, v11;
	v10 =	vsub.f32 v17, v55;
	s0 =	spop (v2sf);
	v62 =	vld [tilespmem:s30+$0x2600]  }
0x131: {  	v15 =	vmul.f32 v15, v15;
	v18 =	vsub.f32 v18, v20;
	(v2sf) =	vpush v4, $0x9;
	v25 =	vld [tilespmem:s30+$0x2610];
	s17 =	sand.u32 $0xFFFFFFE0, s0  }
0x132: {  	v5 =	vadd.f32 v9, v5;
	v6 =	vadd.f32 v11, v6;
	v61 =	vnsel vm10, $0x0, v13;
	s13 =	sand.u32 $0x60, s0;
	v26 =	vld [tilespmem:s17+$0x1400]  }
0x133: {  	v10 =	vmul.f32 v10, v10;
	v15 =	vnsel vm11, $0x0, v15;
	v12 =	vsub.f32 v56, v57;
	s31 =	sadd.s32 $0x3, s25;
	s13 =	sadd.s32 s29, s13;
	v29 =	vld [tilespmem:s17+$0x1410]  }
0x134: {  	s20 =	sand.u32 $0x1F, s20;
	v28 =	vmul.f32 v18, v18;
	v9 =	vsub.f32 v58, v21;
	v7 =	vadd.f32 v61, v7;
	p0 =	sgt.u32 s31, s8;
	s31 =	spop (v2sf);
	v27 =	vld [tilespmem:s13+$0x2680]  }
0x135: {  	v8 =	vadd.f32 v15, v8;
	v10 =	vnsel vm12, $0x0, v10;
	(v2sf) =	vpush v4, $0xA;
	s20 =	simm.s32 @!p0 $0x40;
	s17 =	sand.u32 $0xFFFFFFE0, s31;
	v31 =	vld [tilespmem:s13+$0x2690]  }
0x136: {  	v12 =	vmul.f32 v12, v12;
	v15 =	vnsel vm13, $0x0, v28;
	s30 =	sadd.s32 $0x4, s25;
	v30 =	vmov s20;
	s20 =	sand.u32 $0x60, s31;
	v32 =	vld [tilespmem:s17+$0x1400]  }
0x137: {  	v9 =	vmul.f32 v9, v9;
	v5 =	vadd.f32 v10, v5;
	v6 =	vadd.f32 v15, v6;
	p0 =	sgt.u32 s30, s8;
	v34 =	vld [tilespmem:s17+$0x1410];
	s13 =	sadd.s32 s29, s20;
	s20 =	sand.u32 $0x1F, s1  }
0x138: {  	s30 =	sadd.s32 $0x5, s25;
	vm14 =	vlt.u32 v30, v2;
	vm15 =	vlt.u32 v30, v3;
	s1 =	spop (v2sf);
	(v2sf) =	vpush v4, $0xB;
	v33 =	vld [tilespmem:s13+$0x2700];
	s20 =	simm.s32 @!p0 $0x40  }
0x139: {  	v12 =	vnsel vm14, $0x0, v12;
	v36 =	vld [tilespmem:s13+$0x2710];
	s17 =	sand.u32 $0xFFFFFFE0, s1;
	v9 =	vnsel vm15, $0x0, v9;
	p0 =	sgt.u32 s30, s8;
	s30 =	spop (v2sf);
	(v2sf) =	vpush v4, $0xC  }
0x13a: {  	v13 =	vsub.f32 v60, v62;
	v7 =	vadd.f32 v12, v7;
	v35 =	vmov s20;
	s20 =	sand.u32 $0x60, s1;
	v37 =	vld [tilespmem:s17+$0x1400]  }
0x13b: {  	s0 =	sand.u32 $0x1F, s0;
	v11 =	vsub.f32 v63, v25;
	v8 =	vadd.f32 v9, v8;
	v41 =	vld [tilespmem:s17+$0x1410];
	s13 =	sadd.s32 s29, s20  }
0x13c: {  	s0 =	simm.s32 @!p0 $0x40;
	s17 =	sadd.s32 $0x6, s25;
	(v2sf) =	vpush v4, $0xD;
	vm4 =	vlt.u32 v35, v2;
	vm5 =	vlt.u32 v35, v3;
	s20 =	sand.u32 $0x60, s30;
	v40 =	vld [tilespmem:s13+$0x2780]  }
0x13d: {  	v42 =	vmov s0;
	p0 =	sgt.u32 s17, s8;
	s17 =	sand.u32 $0x1F, s31;
	v13 =	vmul.f32 v13, v13;
	v39 =	vsub.f32 v26, v27;
	v43 =	vld [tilespmem:s13+$0x2790];
	s13 =	sand.u32 $0xFFFFFFE0, s30  }
0x13e: {  	v11 =	vmul.f32 v11, v11;
	v10 =	vsub.f32 v29, v31;
	vm6 =	vlt.u32 v42, v2;
	s20 =	sadd.s32 s29, s20;
	s17 =	simm.s32 @!p0 $0x40;
	v44 =	vld [tilespmem:s13+$0x1400]  }
0x13f: {  	vm7 =	vlt.u32 v42, v3;
	v47 =	vld [tilespmem:s20+$0x2800];
	v49 =	vmov s17;
	v38 =	vnsel vm4, $0x0, v13  }
0x140: {  	v48 =	vld [tilespmem:s13+$0x1410];
	v13 =	vmul.f32 v39, v39;
	v11 =	vnsel vm5, $0x0, v11;
	v46 =	vsub.f32 v32, v33;
	s0 =	spop (v2sf)  }
0x141: {  	v50 =	vld [tilespmem:s20+$0x2810];
	v10 =	vmul.f32 v10, v10;
	v12 =	vsub.f32 v34, v36;
	vm8 =	vlt.u32 v49, v2;
	s17 =	sand.u32 $0xFFFFFFE0, s0  }
0x142: {  	vm9 =	vlt.u32 v49, v3;
	v5 =	vadd.f32 v38, v5;
	v6 =	vadd.f32 v11, v6;
	s20 =	sand.u32 $0x60, s0;
	v51 =	vld [tilespmem:s17+$0x1400]  }
0x143: {  	s31 =	sadd.s32 $0x7, s25;
	v45 =	vnsel vm6, $0x0, v13;
	v13 =	vmul.f32 v46, v46;
	v10 =	vnsel vm7, $0x0, v10;
	s13 =	sadd.s32 s29, s20;
	v55 =	vld [tilespmem:s17+$0x1410]  }
0x144: {  	p0 =	sgt.u32 s31, s8;
	v12 =	vmul.f32 v12, v12;
	v7 =	vadd.f32 v45, v7;
	v8 =	vadd.f32 v10, v8;
	s20 =	sand.u32 $0x1F, s1;
	s1 =	spop (v2sf);
	v54 =	vld [tilespmem:s13+$0x2880]  }
0x145: {  	v53 =	vsub.f32 v37, v40;
	v9 =	vsub.f32 v41, v43;
	v52 =	vnsel vm8, $0x0, v13;
	s20 =	simm.s32 @!p0 $0x40;
	v57 =	vld [tilespmem:s13+$0x2890];
	s17 =	sand.u32 $0xFFFFFFE0, s1  }
0x146: {  	v12 =	vnsel vm9, $0x0, v12;
	(v2sf) =	vpush v4, $0xE;
	v56 =	vmov s20;
	s20 =	sand.u32 $0x60, s1;
	v58 =	vld [tilespmem:s17+$0x1400]  }
0x147: {  	v61 =	vsub.f32 v44, v47;
	v11 =	vsub.f32 v48, v50;
	v13 =	vmul.f32 v53, v53;
	v62 =	vld [tilespmem:s17+$0x1410];
	s13 =	sadd.s32 s29, s20  }
0x148: {  	s31 =	sadd.s32 $0x8, s25;
	v5 =	vadd.f32 v52, v5;
	v6 =	vadd.f32 v12, v6;
	v9 =	vmul.f32 v9, v9;
	v60 =	vld [tilespmem:s13+$0x2900];
	s17 =	spop (v2sf)  }
0x149: {  	p0 =	sgt.u32 s31, s8;
	(v2sf) =	vpush v4, $0xF;
	v24 =	vmul.f32 v61, v61;
	vm10 =	vlt.u32 v56, v2;
	s20 =	sand.u32 $0x1F, s30;
	v63 =	vld [tilespmem:s13+$0x2910];
	s30 =	sand.u32 $0xFFFFFFE0, s17  }
0x14a: {  	s31 =	sadd.s32 $0x9, s25;
	v11 =	vmul.f32 v11, v11;
	vm11 =	vlt.u32 v56, v3;
	v59 =	vnsel vm10, $0x0, v13;
	s20 =	simm.s32 @!p0 $0x40;
	s13 =	sand.u32 $0x60, s17;
	v25 =	vld [tilespmem:s30+$0x1400]  }
0x14b: {  	s0 =	sand.u32 $0x1F, s0;
	v9 =	vnsel vm11, $0x0, v9;
	p0 =	sgt.u32 s31, s8;
	v7 =	vadd.f32 v59, v7;
	v23 =	vmov s20;
	s13 =	sadd.s32 s29, s13;
	v28 =	vld [tilespmem:s30+$0x1410]  }
0x14c: {  	v4 =	vadd.f32 v9, v8;
	s20 =	spop (v2sf);
	s0 =	simm.s32 @!p0 $0x40;
	vm12 =	vlt.u32 v23, v2;
	v14 =	vsub.f32 v51, v54;
	v26 =	vld [tilespmem:s13+$0x2980]  }
0x14d: {  	vm13 =	vlt.u32 v23, v3;
	v27 =	vsub.f32 v55, v57;
	v29 =	vmov s0;
	s0 =	sand.u32 $0xFFFFFFE0, s20;
	v30 =	vld [tilespmem:s13+$0x2990]  }
0x14e: {  	s31 =	sand.u32 $0x60, s20;
	v9 =	vnsel vm12, $0x0, v24;
	v11 =	vnsel vm13, $0x0, v11;
	vm14 =	vlt.u32 v29, v2;
	v31 =	vld [tilespmem:s0+$0x1400]  }
0x14f: {  	s13 =	sadd.s32 $0xA, s25;
	s31 =	sadd.s32 s29, s31;
	v32 =	vld [tilespmem:s0+$0x1410];
	v14 =	vmul.f32 v14, v14;
	v5 =	vadd.f32 v9, v5;
	v8 =	vmul.f32 v27, v27  }
0x150: {  	s1 =	sand.u32 $0x1F, s1;
	vm15 =	vlt.u32 v29, v3;
	s0 =	spop (v2sf);
	p0 =	sgt.u32 s13, s8;
	v6 =	vadd.f32 v11, v6;
	v34 =	vld [tilespmem:s31+$0x2A00];
	v10 =	vsub.f32 v58, v60  }
0x151: {  	s30 =	sadd.s32 $0xB, s25;
	v36 =	vld [tilespmem:s31+$0x2A10];
	s31 =	sand.u32 $0xFFFFFFE0, s0;
	s1 =	simm.s32 @!p0 $0x40;
	v33 =	vsub.f32 v62, v63;
	v14 =	vnsel vm14, $0x0, v14;
	v8 =	vnsel vm15, $0x0, v8  }
0x152: {  	s20 =	sand.u32 $0x1F, s20;
	p0 =	sgt.u32 s30, s8;
	v38 =	vld [tilespmem:s31+$0x1400];
	v35 =	vmov s1;
	v7 =	vadd.f32 v14, v7;
	v10 =	vmul.f32 v10, v10  }
0x153: {  	s30 =	sand.u32 $0x60, s0;
	v39 =	vld [tilespmem:s31+$0x1410];
	s31 =	sadd.s32 $0xC, s25;
	s1 =	sand.u32 $0x1F, s17;
	v4 =	vadd.f32 v8, v4;
	vm4 =	vlt.u32 v35, v2;
	v37 =	vmul.f32 v33, v33  }
0x154: {  	s17 =	sadd.s32 s29, s30;
	vm5 =	vlt.u32 v35, v3;
	s1 =	simm.s32 @!p0 $0x40;
	p0 =	sgt.u32 s31, s8;
	v12 =	vsub.f32 v25, v26;
	v40 =	vsub.f32 v28, v30  }
0x155: {  	v41 =	vld [tilespmem:s17+$0x2A80];
	v42 =	vmov s1;
	s20 =	simm.s32 @!p0 $0x40;
	v10 =	vnsel vm4, $0x0, v10;
	v8 =	vnsel vm5, $0x0, v37;
	s13 =	spop (v2sf)  }
0x156: {  	s30 =	sadd.s32 $0xD, s25;
	v43 =	vld [tilespmem:s17+$0x2A90];
	vm6 =	vlt.u32 v42, v2;
	v44 =	vmov s20;
	v46 =	vsub.f32 v31, v34;
	s31 =	sand.u32 $0xFFFFFFE0, s13  }
0x157: {  	s0 =	sand.u32 $0x1F, s0;
	p0 =	sgt.u32 s30, s8;
	vm7 =	vlt.u32 v42, v3;
	v48 =	vsub.f32 v32, v36;
	v5 =	vadd.f32 v10, v5;
	s17 =	sand.u32 $0x60, s13;
	v45 =	vld [tilespmem:s31+$0x1400]  }
0x158: {  	s0 =	simm.s32 @!p0 $0x40;
	v6 =	vadd.f32 v8, v6;
	v12 =	vmul.f32 v12, v12;
	v10 =	vmul.f32 v40, v40;
	s1 =	sadd.s32 s29, s17;
	v49 =	vld [tilespmem:s31+$0x1410]  }
0x159: {  	v50 =	vmov s0;
	vm8 =	vlt.u32 v44, v2;
	vm9 =	vlt.u32 v44, v3;
	s31 =	spop (v2sf);
	v47 =	vld [tilespmem:s1+$0x2B00]  }
0x15a: {  	v8 =	vmul.f32 v46, v46;
	vm10 =	vlt.u32 v50, v2;
	vm11 =	vlt.u32 v50, v3;
	v51 =	vld [tilespmem:s1+$0x2B10];
	s20 =	sand.u32 $0xFFFFFFE0, s31  }
0x15b: {  	v12 =	vnsel vm6, $0x0, v12;
	v10 =	vnsel vm7, $0x0, v10;
	v11 =	vsub.f32 v38, v41;
	s1 =	sand.u32 $0x60, s31;
	v52 =	vld [tilespmem:s20+$0x1400]  }
0x15c: {  	v14 =	vsub.f32 v39, v43;
	v7 =	vadd.f32 v12, v7;
	v12 =	vmul.f32 v48, v48;
	s0 =	sadd.s32 s29, s1;
	v55 =	vld [tilespmem:s20+$0x1410]  }
0x15d: {  	v4 =	vadd.f32 v10, v4;
	v8 =	vnsel vm8, $0x0, v8;
	v54 =	vmul.f32 v11, v11;
	v53 =	vld [tilespmem:s0+$0x2B80]  }
0x15e: {  	v5 =	vadd.f32 v8, v5;
	v56 =	vmul.f32 v14, v14;
	s31 =	sand.u32 $0x1F, s31;
	v12 =	vnsel vm9, $0x0, v12;
	v57 =	vld [tilespmem:s0+$0x2B90]  }
0x15f: {  	s30 =	sadd.s32 $0xE, s25;
	v61 =	vmov s31;
	v6 =	vadd.f32 v12, v6;
	v8 =	vnsel vm10, $0x0, v54  }
0x160: {  	p0 =	sgt.u32 s30, s8;
	s0 =	sand.u32 $0x1F, s13;
	v10 =	vnsel vm11, $0x0, v56;
	vm14 =	vlt.u32 v61, v2;
	v9 =	vsub.f32 v45, v47  }
0x161: {  	vm15 =	vlt.u32 v61, v3;
	v7 =	vadd.f32 v8, v7;
	s0 =	simm.s32 @!p0 $0x40;
	v58 =	vsub.f32 v49, v51  }
0x162: {  	v59 =	vmov s0;
	v9 =	vmul.f32 v9, v9;
	v60 =	vsub.f32 v52, v53  }
0x163: {  	vm12 =	vlt.u32 v59, v2;
	v8 =	vmul.f32 v58, v58;
	v11 =	vsub.f32 v55, v57  }
0x164: {  	vm13 =	vlt.u32 v59, v3;
	v9 =	vnsel vm12, $0x0, v9;
	v12 =	vmul.f32 v60, v60  }
0x165: {  	v8 =	vnsel vm13, $0x0, v8;
	v62 =	vmul.f32 v11, v11;
	v5 =	vadd.f32 v9, v5  }
.Ltmp14:
0x166: {  	v4 =	vadd.f32 v10, v4;
	v6 =	vadd.f32 v8, v6;
	v63 =	vnsel vm14, $0x0, v12;
	(pc) =	sbr.rel .LBB2_14-.Ltmp14, $4  }
0x167: {  	v9 =	vnsel vm15, $0x0, v62;
	v7 =	vadd.f32 v63, v7;
	[tilespmem:$0xA480] =	vst v5  }
0x168: {  	v4 =	vadd.f32 v9, v4;
	[tilespmem:$0xA500] =	vst v6  }
0x169: {  	[tilespmem:$0xA580] =	vst v7  }
0x16a: {  	[tilespmem:$0xA600] =	vst v4  }
.LBB2_15:
.Ltmp15:
0x16b: {  	(pc) =	sbr.rel .LBB2_16-.Ltmp15, $4  }
0x16c: {  	_ = 	snop  }
0x16d: {  	_ =	swait.ge [sflag:s21], $0x4000  }
0x16e: {  	s25 =	simm.s32 $0x0;
	[sflag:s21] =	ssyncset.done $0x0  }
0x16f: {  	s26 =	simm.s32 $0x180;
	s28 =	simm.s32 $0x0;
	[sflag:s21] =	ssyncadd.s32 $0xFFFFC000  }
.LBB2_18:
0x170: {  	s28 =	sadd.s32 $0x2000, s28  }
0x171: {  	p0 =	sne.s32 s28, $0x10000  }
.Ltmp16:
0x172: {  	_ = 	snop;
	(pc) =	sbr.rel @!p0 .LBB2_19-.Ltmp16, $2  }
0x173: {  	_ =	sdelay $0x2  }
0x174: {  	s25 =	sadd.s32 $0x10, s25;
	s26 =	sadd.s32 $0x10, s26  }
.LBB2_16:
0x175: {  	s0 =	sadd.s32 $0xF, s25  }
0x176: {  	p0 =	sle.u32 s0, s9  }
.Ltmp17:
0x177: {  	_ = 	snop;
	(pc) =	sbr.rel @p0 .LBB2_18-.Ltmp17, $1  }
0x178: {  	_ =	sdelay $0x3  }
0x179: {  	v4 =	vld [tilespmem:s26+$0x0];
	_ =	sdelay $0x4  }
0x17a: {  	(v2sf) =	vpush v4, $0x0;
	_ =	sdelay $0x3  }
0x17b: {  	(v2sf) =	vpush v4, $0x1;
	_ =	sdelay $0x3  }
0x17c: {  	(v2sf) =	vpush v4, $0x2;
	_ =	sdelay $0x3  }
0x17d: {  	(v2sf) =	vpush v4, $0x3  }
0x17e: {  	v5 =	vld [tilespmem:$0xA480]  }
0x17f: {  	v6 =	vld [tilespmem:$0xA500]  }
0x180: {  	v7 =	vld [tilespmem:$0xA580];
	s0 =	spop (v2sf)  }
0x181: {  	v8 =	vld [tilespmem:$0xA600];
	(v2sf) =	vpush v4, $0x4;
	s13 =	sand.u32 $0xFFFFFFE0, s0  }
0x182: {  	s29 =	sshra.s32 s28, $0x2;
	s1 =	sand.u32 $0x60, s0;
	v9 =	vld [tilespmem:s13+$0x1C00]  }
0x183: {  	s1 =	sadd.s32 s29, s1;
	v11 =	vld [tilespmem:s13+$0x1C10]  }
0x184: {  	s13 =	spop (v2sf);
	v10 =	vld [tilespmem:s1+$0x6400]  }
0x185: {  	(v2sf) =	vpush v4, $0x5;
	v12 =	vld [tilespmem:s1+$0x6410];
	s17 =	sand.u32 $0xFFFFFFE0, s13  }
0x186: {  	s30 =	sand.u32 $0x60, s13;
	v13 =	vld [tilespmem:s17+$0x1C00]  }
0x187: {  	s1 =	sadd.s32 s29, s30;
	v15 =	vld [tilespmem:s17+$0x1C10]  }
0x188: {  	s17 =	spop (v2sf);
	v14 =	vld [tilespmem:s1+$0x6480]  }
0x189: {  	(v2sf) =	vpush v4, $0x6;
	v16 =	vld [tilespmem:s1+$0x6490];
	s20 =	sand.u32 $0xFFFFFFE0, s17  }
0x18a: {  	s31 =	sand.u32 $0x60, s17;
	v17 =	vld [tilespmem:s20+$0x1C00]  }
0x18b: {  	p0 =	sgt.u32 s25, s9;
	s0 =	sand.u32 $0x1F, s0;
	s1 =	sadd.s32 s29, s31;
	v18 =	vld [tilespmem:s20+$0x1C10]  }
0x18c: {  	s0 =	simm.s32 @!p0 $0x40;
	s20 =	spop (v2sf);
	v55 =	vld [tilespmem:s1+$0x6500]  }
0x18d: {  	p0 =	slt.u32 s25, s9;
	s13 =	sand.u32 $0x1F, s13;
	(v2sf) =	vpush v4, $0x7;
	v20 =	vld [tilespmem:s1+$0x6510];
	s31 =	sand.u32 $0xFFFFFFE0, s20  }
0x18e: {  	s13 =	simm.s32 @p0 $0x40;
	s30 =	sand.u32 $0x60, s20;
	v56 =	vld [tilespmem:s31+$0x1C00]  }
0x18f: {  	v19 =	vmov s0;
	p0 =	sgt.u32 s25, s7;
	s17 =	sand.u32 $0x1F, s17;
	s0 =	sadd.s32 s29, s30;
	v58 =	vld [tilespmem:s31+$0x1C10]  }
0x190: {  	vm0 =	vlt.u32 v19, v2;
	vm9 =	vlt.u32 v19, v3;
	v59 =	vmov s13;
	s17 =	simm.s32 @!p0 $0x40;
	v57 =	vld [tilespmem:s0+$0x6580];
	s1 =	spop (v2sf)  }
0x191: {  	(v2sf) =	vpush v4, $0x8;
	vm10 =	vlt.u32 v59, v2;
	vm11 =	vlt.u32 v59, v3;
	p0 =	sgt.u32 s25, s5;
	s20 =	sand.u32 $0x1F, s20;
	v21 =	vld [tilespmem:s0+$0x6590];
	s31 =	sand.u32 $0xFFFFFFE0, s1  }
0x192: {  	v24 =	vmov s17;
	v9 =	vsub.f32 v9, v10;
	v11 =	vsub.f32 v11, v12;
	s20 =	simm.s32 @!p0 $0x40;
	s30 =	sand.u32 $0x60, s1;
	v60 =	vld [tilespmem:s31+$0x1C00]  }
0x193: {  	vm12 =	vlt.u32 v24, v2;
	vm13 =	vlt.u32 v24, v3;
	v30 =	vmov s20;
	s0 =	sadd.s32 s29, s30;
	v63 =	vld [tilespmem:s31+$0x1C10]  }
0x194: {  	v9 =	vmul.f32 v9, v9;
	v13 =	vsub.f32 v13, v14;
	v11 =	vmul.f32 v11, v11;
	s30 =	spop (v2sf);
	v62 =	vld [tilespmem:s0+$0x6600]  }
0x195: {  	v15 =	vsub.f32 v15, v16;
	vm14 =	vlt.u32 v30, v2;
	(v2sf) =	vpush v4, $0x9;
	v25 =	vld [tilespmem:s0+$0x6610];
	s17 =	sand.u32 $0xFFFFFFE0, s30  }
0x196: {  	v9 =	vnsel vm0, $0x0, v9;
	v13 =	vmul.f32 v13, v13;
	v11 =	vnsel vm9, $0x0, v11;
	s13 =	sand.u32 $0x60, s30;
	v26 =	vld [tilespmem:s17+$0x1C00]  }
0x197: {  	v10 =	vsub.f32 v17, v55;
	v15 =	vmul.f32 v15, v15;
	v18 =	vsub.f32 v18, v20;
	s31 =	sadd.s32 s29, s13;
	v29 =	vld [tilespmem:s17+$0x1C10]  }
0x198: {  	v5 =	vadd.f32 v9, v5;
	v6 =	vadd.f32 v11, v6;
	v61 =	vnsel vm10, $0x0, v13;
	s0 =	spop (v2sf);
	v27 =	vld [tilespmem:s31+$0x6680]  }
0x199: {  	v10 =	vmul.f32 v10, v10;
	v15 =	vnsel vm11, $0x0, v15;
	(v2sf) =	vpush v4, $0xA;
	s17 =	sand.u32 $0xFFFFFFE0, s0;
	v31 =	vld [tilespmem:s31+$0x6690]  }
0x19a: {  	v12 =	vsub.f32 v56, v57;
	v28 =	vmul.f32 v18, v18;
	v9 =	vsub.f32 v58, v21;
	s20 =	sand.u32 $0x60, s0;
	v32 =	vld [tilespmem:s17+$0x1C00]  }
0x19b: {  	vm15 =	vlt.u32 v30, v3;
	v7 =	vadd.f32 v61, v7;
	v8 =	vadd.f32 v15, v8;
	s31 =	sadd.s32 $0x4, s25;
	s13 =	sadd.s32 s29, s20;
	v34 =	vld [tilespmem:s17+$0x1C10]  }
0x19c: {  	v10 =	vnsel vm12, $0x0, v10;
	v12 =	vmul.f32 v12, v12;
	v15 =	vnsel vm13, $0x0, v28;
	s20 =	sand.u32 $0x1F, s1;
	s1 =	spop (v2sf);
	p0 =	sgt.u32 s31, s9;
	v33 =	vld [tilespmem:s13+$0x6700]  }
0x19d: {  	v9 =	vmul.f32 v9, v9;
	v5 =	vadd.f32 v10, v5;
	(v2sf) =	vpush v4, $0xB;
	v36 =	vld [tilespmem:s13+$0x6710];
	s17 =	sand.u32 $0xFFFFFFE0, s1;
	s20 =	simm.s32 @!p0 $0x40  }
0x19e: {  	v6 =	vadd.f32 v15, v6;
	v12 =	vnsel vm14, $0x0, v12;
	v37 =	vld [tilespmem:s17+$0x1C00];
	v35 =	vmov s20;
	s20 =	sand.u32 $0x60, s1  }
0x19f: {  	v9 =	vnsel vm15, $0x0, v9;
	v7 =	vadd.f32 v12, v7;
	s31 =	sadd.s32 $0x5, s25;
	v41 =	vld [tilespmem:s17+$0x1C10];
	v13 =	vsub.f32 v60, v62;
	s13 =	sadd.s32 s29, s20  }
0x1a0: {  	v8 =	vadd.f32 v9, v8;
	p0 =	sgt.u32 s31, s9;
	v11 =	vsub.f32 v63, v25;
	vm4 =	vlt.u32 v35, v2;
	s20 =	sand.u32 $0x1F, s30;
	s30 =	spop (v2sf);
	v40 =	vld [tilespmem:s13+$0x6780]  }
0x1a1: {  	vm5 =	vlt.u32 v35, v3;
	(v2sf) =	vpush v4, $0xC;
	v13 =	vmul.f32 v13, v13;
	s20 =	simm.s32 @!p0 $0x40;
	v43 =	vld [tilespmem:s13+$0x6790];
	s17 =	sand.u32 $0xFFFFFFE0, s30  }
0x1a2: {  	v39 =	vsub.f32 v26, v27;
	v10 =	vsub.f32 v29, v31;
	v42 =	vmov s20;
	s20 =	sand.u32 $0x60, s30;
	v44 =	vld [tilespmem:s17+$0x1C00]  }
0x1a3: {  	s31 =	sadd.s32 $0x6, s25;
	v11 =	vmul.f32 v11, v11;
	(v2sf) =	vpush v4, $0xD;
	v46 =	vsub.f32 v32, v33;
	v48 =	vld [tilespmem:s17+$0x1C10];
	s13 =	sadd.s32 s29, s20  }
0x1a4: {  	p0 =	sgt.u32 s31, s9;
	v12 =	vsub.f32 v34, v36;
	v38 =	vnsel vm4, $0x0, v13;
	v13 =	vmul.f32 v39, v39;
	s20 =	sand.u32 $0x1F, s0;
	v47 =	vld [tilespmem:s13+$0x6800];
	s0 =	spop (v2sf)  }
0x1a5: {  	v11 =	vnsel vm5, $0x0, v11;
	vm6 =	vlt.u32 v42, v2;
	vm7 =	vlt.u32 v42, v3;
	s20 =	simm.s32 @!p0 $0x40;
	v50 =	vld [tilespmem:s13+$0x6810];
	s17 =	sand.u32 $0xFFFFFFE0, s0  }
0x1a6: {  	v10 =	vmul.f32 v10, v10;
	v5 =	vadd.f32 v38, v5;
	v49 =	vmov s20;
	s20 =	sand.u32 $0x60, s0;
	v51 =	vld [tilespmem:s17+$0x1C00]  }
0x1a7: {  	s31 =	sadd.s32 $0x7, s25;
	v6 =	vadd.f32 v11, v6;
	v12 =	vmul.f32 v12, v12;
	v45 =	vnsel vm6, $0x0, v13;
	s13 =	sadd.s32 s29, s20;
	v55 =	vld [tilespmem:s17+$0x1C10]  }
0x1a8: {  	p0 =	sgt.u32 s31, s9;
	v13 =	vmul.f32 v46, v46;
	v10 =	vnsel vm7, $0x0, v10;
	v7 =	vadd.f32 v45, v7;
	s20 =	sand.u32 $0x1F, s1;
	s1 =	spop (v2sf);
	v54 =	vld [tilespmem:s13+$0x6880]  }
0x1a9: {  	vm8 =	vlt.u32 v49, v2;
	v8 =	vadd.f32 v10, v8;
	v53 =	vsub.f32 v37, v40;
	s20 =	simm.s32 @!p0 $0x40;
	v57 =	vld [tilespmem:s13+$0x6890];
	s17 =	sand.u32 $0xFFFFFFE0, s1  }
0x1aa: {  	vm9 =	vlt.u32 v49, v3;
	v9 =	vsub.f32 v41, v43;
	v56 =	vmov s20;
	s20 =	sand.u32 $0x60, s1;
	v58 =	vld [tilespmem:s17+$0x1C00]  }
0x1ab: {  	v52 =	vnsel vm8, $0x0, v13;
	v12 =	vnsel vm9, $0x0, v12;
	(v2sf) =	vpush v4, $0xE;
	v62 =	vld [tilespmem:s17+$0x1C10];
	s13 =	sadd.s32 s29, s20  }
0x1ac: {  	s31 =	sadd.s32 $0x8, s25;
	v13 =	vmul.f32 v53, v53;
	v5 =	vadd.f32 v52, v5;
	v61 =	vsub.f32 v44, v47;
	s17 =	spop (v2sf);
	v60 =	vld [tilespmem:s13+$0x6900]  }
0x1ad: {  	v6 =	vadd.f32 v12, v6;
	v9 =	vmul.f32 v9, v9;
	v11 =	vsub.f32 v48, v50;
	s0 =	sand.u32 $0x1F, s0;
	s20 =	sand.u32 $0x1F, s30;
	s30 =	sand.u32 $0xFFFFFFE0, s17;
	v63 =	vld [tilespmem:s13+$0x6910]  }
0x1ae: {  	(v2sf) =	vpush v4, $0xF;
	p0 =	sgt.u32 s31, s9;
	v24 =	vmul.f32 v61, v61;
	s31 =	sadd.s32 $0x9, s25;
	vm10 =	vlt.u32 v56, v2;
	s13 =	sand.u32 $0x60, s17;
	v25 =	vld [tilespmem:s30+$0x1C00]  }
0x1af: {  	v11 =	vmul.f32 v11, v11;
	vm11 =	vlt.u32 v56, v3;
	v59 =	vnsel vm10, $0x0, v13;
	s20 =	simm.s32 @!p0 $0x40;
	p0 =	sgt.u32 s31, s9;
	v28 =	vld [tilespmem:s30+$0x1C10];
	s13 =	sadd.s32 s29, s13  }
0x1b0: {  	v9 =	vnsel vm11, $0x0, v9;
	v7 =	vadd.f32 v59, v7;
	v23 =	vmov s20;
	s20 =	spop (v2sf);
	s0 =	simm.s32 @!p0 $0x40;
	v26 =	vld [tilespmem:s13+$0x6980]  }
0x1b1: {  	v4 =	vadd.f32 v9, v8;
	vm12 =	vlt.u32 v23, v2;
	v29 =	vmov s0;
	v30 =	vld [tilespmem:s13+$0x6990];
	s0 =	sand.u32 $0xFFFFFFE0, s20  }
0x1b2: {  	v14 =	vsub.f32 v51, v54;
	vm13 =	vlt.u32 v23, v3;
	v27 =	vsub.f32 v55, v57;
	s31 =	sand.u32 $0x60, s20;
	v31 =	vld [tilespmem:s0+$0x1C00]  }
0x1b3: {  	s13 =	sadd.s32 $0xA, s25;
	v9 =	vnsel vm12, $0x0, v24;
	v11 =	vnsel vm13, $0x0, v11;
	vm14 =	vlt.u32 v29, v2;
	s31 =	sadd.s32 s29, s31;
	v32 =	vld [tilespmem:s0+$0x1C10]  }
0x1b4: {  	s1 =	sand.u32 $0x1F, s1;
	p0 =	sgt.u32 s13, s9;
	vm15 =	vlt.u32 v29, v3;
	s0 =	spop (v2sf);
	v14 =	vmul.f32 v14, v14;
	v5 =	vadd.f32 v9, v5;
	v34 =	vld [tilespmem:s31+$0x6A00]  }
0x1b5: {  	v8 =	vmul.f32 v27, v27;
	v6 =	vadd.f32 v11, v6;
	s1 =	simm.s32 @!p0 $0x40;
	v36 =	vld [tilespmem:s31+$0x6A10];
	s31 =	sand.u32 $0xFFFFFFE0, s0;
	v10 =	vsub.f32 v58, v60  }
0x1b6: {  	s30 =	sadd.s32 $0xB, s25;
	s20 =	sand.u32 $0x1F, s20;
	v33 =	vsub.f32 v62, v63;
	v35 =	vmov s1;
	v38 =	vld [tilespmem:s31+$0x1C00];
	v14 =	vnsel vm14, $0x0, v14  }
0x1b7: {  	p0 =	sgt.u32 s30, s9;
	s1 =	sand.u32 $0x1F, s17;
	v39 =	vld [tilespmem:s31+$0x1C10];
	s31 =	sadd.s32 $0xC, s25;
	v8 =	vnsel vm15, $0x0, v8;
	vm4 =	vlt.u32 v35, v2;
	vm5 =	vlt.u32 v35, v3  }
0x1b8: {  	s30 =	sand.u32 $0x60, s0;
	s1 =	simm.s32 @!p0 $0x40;
	p0 =	sgt.u32 s31, s9;
	v7 =	vadd.f32 v14, v7;
	v10 =	vmul.f32 v10, v10;
	v4 =	vadd.f32 v8, v4  }
0x1b9: {  	s17 =	sadd.s32 s29, s30;
	v37 =	vmul.f32 v33, v33;
	v12 =	vsub.f32 v25, v26;
	v42 =	vmov s1;
	s20 =	simm.s32 @!p0 $0x40  }
0x1ba: {  	s30 =	sadd.s32 $0xD, s25;
	v41 =	vld [tilespmem:s17+$0x6A80];
	v40 =	vsub.f32 v28, v30;
	vm6 =	vlt.u32 v42, v2;
	v44 =	vmov s20;
	s13 =	spop (v2sf)  }
0x1bb: {  	s0 =	sand.u32 $0x1F, s0;
	v43 =	vld [tilespmem:s17+$0x6A90];
	p0 =	sgt.u32 s30, s9;
	vm7 =	vlt.u32 v42, v3;
	v10 =	vnsel vm4, $0x0, v10;
	v8 =	vnsel vm5, $0x0, v37;
	s31 =	sand.u32 $0xFFFFFFE0, s13  }
0x1bc: {  	s0 =	simm.s32 @!p0 $0x40;
	v12 =	vmul.f32 v12, v12;
	v46 =	vsub.f32 v31, v34;
	v48 =	vsub.f32 v32, v36;
	s17 =	sand.u32 $0x60, s13;
	v45 =	vld [tilespmem:s31+$0x1C00]  }
0x1bd: {  	v50 =	vmov s0;
	vm8 =	vlt.u32 v44, v2;
	vm9 =	vlt.u32 v44, v3;
	s1 =	sadd.s32 s29, s17;
	v49 =	vld [tilespmem:s31+$0x1C10]  }
0x1be: {  	v5 =	vadd.f32 v10, v5;
	v6 =	vadd.f32 v8, v6;
	v10 =	vmul.f32 v40, v40;
	s31 =	spop (v2sf);
	v47 =	vld [tilespmem:s1+$0x6B00]  }
0x1bf: {  	vm10 =	vlt.u32 v50, v2;
	vm11 =	vlt.u32 v50, v3;
	v12 =	vnsel vm6, $0x0, v12;
	v51 =	vld [tilespmem:s1+$0x6B10];
	s20 =	sand.u32 $0xFFFFFFE0, s31  }
0x1c0: {  	v8 =	vmul.f32 v46, v46;
	v11 =	vsub.f32 v38, v41;
	v14 =	vsub.f32 v39, v43;
	s1 =	sand.u32 $0x60, s31;
	v52 =	vld [tilespmem:s20+$0x1C00]  }
0x1c1: {  	v10 =	vnsel vm7, $0x0, v10;
	v7 =	vadd.f32 v12, v7;
	v12 =	vmul.f32 v48, v48;
	s0 =	sadd.s32 s29, s1;
	v55 =	vld [tilespmem:s20+$0x1C10]  }
0x1c2: {  	s31 =	sand.u32 $0x1F, s31;
	v4 =	vadd.f32 v10, v4;
	v8 =	vnsel vm8, $0x0, v8;
	v54 =	vmul.f32 v11, v11;
	v53 =	vld [tilespmem:s0+$0x6B80]  }
0x1c3: {  	v56 =	vmul.f32 v14, v14;
	v61 =	vmov s31;
	v12 =	vnsel vm9, $0x0, v12;
	v57 =	vld [tilespmem:s0+$0x6B90]  }
0x1c4: {  	s30 =	sadd.s32 $0xE, s25;
	v5 =	vadd.f32 v8, v5;
	vm14 =	vlt.u32 v61, v2;
	vm15 =	vlt.u32 v61, v3  }
0x1c5: {  	p0 =	sgt.u32 s30, s9;
	s0 =	sand.u32 $0x1F, s13;
	v6 =	vadd.f32 v12, v6;
	v8 =	vnsel vm10, $0x0, v54;
	v9 =	vsub.f32 v45, v47  }
0x1c6: {  	v10 =	vnsel vm11, $0x0, v56;
	s0 =	simm.s32 @!p0 $0x40;
	v7 =	vadd.f32 v8, v7;
	v58 =	vsub.f32 v49, v51  }
0x1c7: {  	v59 =	vmov s0;
	v9 =	vmul.f32 v9, v9;
	v60 =	vsub.f32 v52, v53  }
0x1c8: {  	vm12 =	vlt.u32 v59, v2;
	v8 =	vmul.f32 v58, v58;
	v11 =	vsub.f32 v55, v57  }
0x1c9: {  	vm13 =	vlt.u32 v59, v3;
	v9 =	vnsel vm12, $0x0, v9;
	v12 =	vmul.f32 v60, v60  }
0x1ca: {  	v8 =	vnsel vm13, $0x0, v8;
	v62 =	vmul.f32 v11, v11;
	v5 =	vadd.f32 v9, v5  }
.Ltmp18:
0x1cb: {  	v4 =	vadd.f32 v10, v4;
	v6 =	vadd.f32 v8, v6;
	v63 =	vnsel vm14, $0x0, v12;
	(pc) =	sbr.rel .LBB2_18-.Ltmp18, $4  }
0x1cc: {  	v9 =	vnsel vm15, $0x0, v62;
	v7 =	vadd.f32 v63, v7;
	[tilespmem:$0xA480] =	vst v5  }
0x1cd: {  	v4 =	vadd.f32 v9, v4;
	[tilespmem:$0xA500] =	vst v6  }
0x1ce: {  	[tilespmem:$0xA580] =	vst v7  }
0x1cf: {  	[tilespmem:$0xA600] =	vst v4  }
.LBB2_20:
0x1d0: {  	_ =	sfence.sel $0x180000  }
0x1d1: {  	[bflag:$0x0] =	sbarrier.arrive $0xFFFF  }
0x1d2: {  	_ =	strace $0x90000047  }
0x1d3: {  	s0 =	stileid.u32;
	[bflag:$0x2] =	sbarrier.arrive $0xFFFF  }
0x1d4: {  	p0 =	sne.s32 s0, $0x0;
	s0 =	rddreg [dreg:$0x1]  }
0x1d5: {  	s0 =	sadd.s32 @!p0 $0x100000, s0  }
0x1d6: {  	[sflag:s0] =	ssyncadd.tile.s32 @!p0 $0x1;
	_ =	shalt  }
.Lfunc_end2:
_tile_overlayer_lowered:
.L_overlay_start_2:
0x1d7: {  	(tag) =	ssettag $0x2  }
0x1d8: {  	s0 =	rddreg [dreg:$0x0];
	s2 =	stileid.u32  }
0x1d9: {  	s1 =	rddreg [dreg:$0x1];
	p0 =	sne.s32 s2, $0x0  }
0x1da: {  	s3 =	rddreg [dreg:$0x2];
	[bflag:$0x3] =	sbarrier.arrive $0xFFFF;
	s2 =	simm.s32 @!p0 $0x1C03  }
0x1db: {  	[timem:s3], [sflag:s2] =	dma.local @!p0 [hbm:s0], s1  }
0x1dc: {  	s0 =	simm.s32 @!p0 $0x3  }
0x1dd: {  	_ =	swait.ge @!p0 [sflag:s0], s1  }
0x1de: {  	s1 =	ssub.s32 @!p0 $0x0, s1;
	[sflag:s0] =	ssyncset.done @!p0 $0x0  }
0x1df: {  	[sflag:s0] =	ssyncadd.s32 @!p0 s1  }
0x1e0: {  	[bflag:$0x3] =	sbarrier.arrive $0xFFFF  }
0x1e1: {  	_ =	shalt  }

</sc_bundles>
